<compile_context>
chip_gen: v7x
topology: tpu7x:2x2x1
jax: 0.10.2.dev20260603
libtpu: 0.0.44.dev20260713+nightly
codegen_flags: <defaults>
</compile_context>

<pallas_src>
import dataclasses
import functools

import jax
import jax.numpy as jnp
from jax import lax
from jax.experimental import pallas as pl
from jax.experimental.pallas import tpu as pltpu
from jax.experimental.pallas import tpu_sc as plsc

N = 10000
E = 320000
D = 128
P16 = 16
CLAMP = 10.0

NC = 2
NS = 16
NW = NC * NS
EPT = E // NW
CHUNK = 80
NCHUNK = EPT // CHUNK

EPC = E // NC
NPTA = 624


def _silu(x):
    return x * jax.nn.sigmoid(x)


def _preproj_body(h_ref, w1s_ref, w1d_ref, b1_ref, a_ref, b_ref):
    h = h_ref[...]
    a_ref[...] = (
        jnp.dot(h, w1s_ref[...], preferred_element_type=jnp.float32,
                precision=lax.Precision.DEFAULT)
        + b1_ref[...]
    )
    b_ref[...] = jnp.dot(h, w1d_ref[...], preferred_element_type=jnp.float32,
                         precision=lax.Precision.DEFAULT)


def _preproj(h, w1s, w1d, b1):
    blk = 1000
    grid = (N // blk,)
    return pl.pallas_call(
        _preproj_body,
        grid=grid,
        in_specs=[
            pl.BlockSpec((blk, D), lambda i: (i, 0)),
            pl.BlockSpec((D, D), lambda i: (0, 0)),
            pl.BlockSpec((D, D), lambda i: (0, 0)),
            pl.BlockSpec((1, D), lambda i: (0, 0)),
        ],
        out_specs=[
            pl.BlockSpec((blk, D), lambda i: (i, 0)),
            pl.BlockSpec((blk, D), lambda i: (i, 0)),
        ],
        out_shape=[
            jax.ShapeDtypeStruct((N, D), jnp.float32),
            jax.ShapeDtypeStruct((N, D), jnp.float32),
        ],
    )(h, w1s, w1d, b1)


def _sc_cp():
    cp = pltpu.CompilerParams()
    if "needs_layout_passes" in pltpu.CompilerParams.__dataclass_fields__:
        cp = dataclasses.replace(cp, needs_layout_passes=False)
    return cp


NBUF = 3
RING = (NCHUNK // NBUF) * NBUF


def _sc_gather(a, b, px, py, pz, src, dst):
    mesh = plsc.VectorSubcoreMesh(core_axis_name="c", subcore_axis_name="s")
    L = 16
    NG = CHUNK // L

    scratch = (
        [pltpu.VMEM((CHUNK,), jnp.int32) for _ in range(2 * NBUF)]
        + [pltpu.VMEM((CHUNK, D), jnp.float32) for _ in range(2 * NBUF)]
        + [pltpu.VMEM((CHUNK, P16), jnp.float32) for _ in range(NBUF)]
        + [pltpu.VMEM((N,), jnp.float32) for _ in range(3)]
        + [pltpu.SemaphoreType.DMA for _ in range(3 * NBUF)]
    )

    @functools.partial(
        pl.kernel,
        mesh=mesh,
        compiler_params=_sc_cp(),
        out_type=[
            jax.ShapeDtypeStruct((E, D), jnp.float32),
            jax.ShapeDtypeStruct((E, D), jnp.float32),
            jax.ShapeDtypeStruct((E, P16), jnp.float32),
        ],
        scratch_types=scratch,
    )
    def k(a_hbm, b_hbm, px_hbm, py_hbm, pz_hbm, src_hbm, dst_hbm,
          ag_hbm, bg_hbm, geo_hbm, *sc):
        sidx = sc[0:NBUF]
        didx = sc[NBUF:2 * NBUF]
        av = sc[2 * NBUF:3 * NBUF]
        bv = sc[3 * NBUF:4 * NBUF]
        geov = sc[4 * NBUF:5 * NBUF]
        px_v, py_v, pz_v = sc[5 * NBUF:5 * NBUF + 3]
        sem_i = sc[5 * NBUF + 3:5 * NBUF + 3 + NBUF]
        sem_g = sc[5 * NBUF + 3 + NBUF:5 * NBUF + 3 + 2 * NBUF]
        sem_o = sc[5 * NBUF + 3 + 2 * NBUF:5 * NBUF + 3 + 3 * NBUF]

        wid = lax.axis_index("s") * NC + lax.axis_index("c")
        base = wid * EPT
        zeros16 = jnp.zeros((L,), jnp.float32)

        pltpu.sync_copy(px_hbm, px_v)
        pltpu.sync_copy(py_hbm, py_v)
        pltpu.sync_copy(pz_hbm, pz_v)

        for bslot in range(NBUF):
            @pl.loop(0, CHUNK)
            def _(i, _b=bslot):
                geov[_b][i, :] = zeros16

        def idx_cp(bslot, c, which):
            off = base + c * CHUNK
            hbm = src_hbm if which == 0 else dst_hbm
            buf = sidx[bslot] if which == 0 else didx[bslot]
            return pltpu.make_async_copy(hbm.at[pl.ds(off, CHUNK)], buf,
                                         sem_i[bslot])

        def gat_cp(bslot, which):
            if which == 0:
                return pltpu.make_async_copy(a_hbm.at[sidx[bslot]], av[bslot],
                                             sem_g[bslot])
            return pltpu.make_async_copy(b_hbm.at[didx[bslot]], bv[bslot],
                                         sem_g[bslot])

        def out_cp(bslot, c, which):
            off = base + c * CHUNK
            src_v, dst_h = [(av[bslot], ag_hbm), (bv[bslot], bg_hbm),
                            (geov[bslot], geo_hbm)][which]
            return pltpu.make_async_copy(src_v, dst_h.at[pl.ds(off, CHUNK)],
                                         sem_o[bslot])

        def geo_compute(bslot):
            for g in range(NG):
                si = sidx[bslot][pl.ds(g * L, L)]
                di = didx[bslot][pl.ds(g * L, L)]
                dx = plsc.load_gather(px_v, [si]) - plsc.load_gather(px_v, [di])
                dy = plsc.load_gather(py_v, [si]) - plsc.load_gather(py_v, [di])
                dz = plsc.load_gather(pz_v, [si]) - plsc.load_gather(pz_v, [di])
                d2 = dx * dx + dy * dy + dz * dz
                rows = g * L + lax.iota(jnp.int32, L)
                plsc.store_scatter(geov[bslot],
                                   [rows, jnp.full((L,), 0, jnp.int32)], dx)
                plsc.store_scatter(geov[bslot],
                                   [rows, jnp.full((L,), 1, jnp.int32)], dy)
                plsc.store_scatter(geov[bslot],
                                   [rows, jnp.full((L,), 2, jnp.int32)], dz)
                plsc.store_scatter(geov[bslot],
                                   [rows, jnp.full((L,), 3, jnp.int32)], d2)

        for c in range(RING, NCHUNK):
            idx_cp(0, c, 0).start()
            idx_cp(0, c, 1).start()
            idx_cp(0, c, 0).wait()
            idx_cp(0, c, 1).wait()
            gat_cp(0, 0).start()
            gat_cp(0, 1).start()
            geo_compute(0)
            gat_cp(0, 0).wait()
            gat_cp(0, 1).wait()
            out_cp(0, c, 0).start()
            out_cp(0, c, 1).start()
            out_cp(0, c, 2).start()
            out_cp(0, c, 0).wait()
            out_cp(0, c, 1).wait()
            out_cp(0, c, 2).wait()

        for bslot in range(NBUF):
            idx_cp(bslot, bslot, 0).start()
            idx_cp(bslot, bslot, 1).start()

        @pl.loop(0, RING // NBUF)
        def _(s):
            for bslot in range(NBUF):
                c = s * NBUF + bslot

                @pl.when(s > 0)
                def _(_b=bslot, _c=c):
                    out_cp(_b, _c - NBUF, 0).wait()
                    out_cp(_b, _c - NBUF, 1).wait()
                    out_cp(_b, _c - NBUF, 2).wait()

                idx_cp(bslot, c, 0).wait()
                idx_cp(bslot, c, 1).wait()
                gat_cp(bslot, 0).start()
                gat_cp(bslot, 1).start()
                geo_compute(bslot)
                out_cp(bslot, c, 2).start()
                gat_cp(bslot, 0).wait()
                gat_cp(bslot, 1).wait()
                out_cp(bslot, c, 0).start()
                out_cp(bslot, c, 1).start()

                @pl.when(c + NBUF < RING)
                def _(_b=bslot, _c=c):
                    idx_cp(_b, _c + NBUF, 0).start()
                    idx_cp(_b, _c + NBUF, 1).start()

        for bslot in range(NBUF):
            out_cp(bslot, RING - NBUF + bslot, 0).wait()
            out_cp(bslot, RING - NBUF + bslot, 1).wait()
            out_cp(bslot, RING - NBUF + bslot, 2).wait()

    return k(a, b, px, py, pz, src, dst)


def _edge_body(ag_ref, bg_ref, geo_ref,
               w1dist_ref, w2_ref, b2_ref, cw1_ref, cb1_ref, cw2_ref,
               cb2_ref, msg_ref, dcw_ref):
    geo = geo_ref[...]
    d2 = geo[:, 3:4]
    pre = ag_ref[...] + bg_ref[...] + d2 * w1dist_ref[...]
    m = _silu(pre)
    msg = _silu(
        jnp.dot(m, w2_ref[...], preferred_element_type=jnp.float32,
                precision=lax.Precision.DEFAULT) + b2_ref[...])
    u = _silu(
        jnp.dot(msg, cw1_ref[...], preferred_element_type=jnp.float32,
                precision=lax.Precision.DEFAULT) + cb1_ref[...])
    cwv = jnp.dot(u, cw2_ref[...], preferred_element_type=jnp.float32,
                  precision=lax.Precision.DEFAULT) + cb2_ref[...]
    cw = jnp.clip(cwv[:, :1], -CLAMP, CLAMP)
    msg_ref[...] = msg
    lane = lax.broadcasted_iota(jnp.int32, geo.shape, 1)
    dcw_ref[...] = jnp.where(lane < 3, geo * cw, 0.0)


def _edge_mlp(ag, bg, geo, w1dist, w2, b2, cw1, cb1, cw2p, cb2p):
    blk = 2000
    grid = (E // blk,)
    wspec = lambda shape: pl.BlockSpec(shape, lambda i: (0, 0))
    return pl.pallas_call(
        _edge_body,
        grid=grid,
        in_specs=[
            pl.BlockSpec((blk, D), lambda i: (i, 0)),
            pl.BlockSpec((blk, D), lambda i: (i, 0)),
            pl.BlockSpec((blk, P16), lambda i: (i, 0)),
            wspec((1, D)),
            wspec((D, D)),
            wspec((1, D)),
            wspec((D, D)),
            wspec((1, D)),
            wspec((D, 8)),
            wspec((1, 8)),
        ],
        out_specs=[
            pl.BlockSpec((blk, D), lambda i: (i, 0)),
            pl.BlockSpec((blk, P16), lambda i: (i, 0)),
        ],
        out_shape=[
            jax.ShapeDtypeStruct((E, D), jnp.float32),
            jax.ShapeDtypeStruct((E, P16), jnp.float32),
        ],
    )(ag, bg, geo, w1dist, w2, b2, cw1, cb1, cw2p, cb2p)


def _sc_scatter(msg, dcw, dst, z128):
    mesh = plsc.VectorSubcoreMesh(core_axis_name="c", subcore_axis_name="s")
    L = 16
    NBUF = 2
    RING = (NCHUNK // NBUF) * NBUF

    scratch = (
        [pltpu.VMEM_SHARED((N, D), jnp.float32)]
        + [pltpu.VMEM((CHUNK,), jnp.int32) for _ in range(NBUF)]
        + [pltpu.VMEM((CHUNK, D), jnp.float32) for _ in range(NBUF)]
        + [pltpu.VMEM((CHUNK, P16), jnp.float32) for _ in range(NBUF)]
        + [pltpu.SemaphoreType.DMA for _ in range(2 * NBUF)]
    )

    @functools.partial(
        pl.kernel,
        mesh=mesh,
        compiler_params=_sc_cp(),
        out_type=[
            jax.ShapeDtypeStruct((NC, N, D), jnp.float32),
            jax.ShapeDtypeStruct((NC, N, D), jnp.float32),
        ],
        scratch_types=scratch,
    )
    def k(msg_hbm, dcw_hbm, dst_hbm, z128_hbm, outa_hbm, outb_hbm, *sc):
        acc = sc[0]
        didx = sc[1:1 + NBUF]
        mv = sc[1 + NBUF:1 + 2 * NBUF]
        dv = sc[1 + 2 * NBUF:1 + 3 * NBUF]
        sem_i = sc[1 + 3 * NBUF:1 + 4 * NBUF]
        sem_a = sc[1 + 4 * NBUF:1 + 5 * NBUF]

        cid = lax.axis_index("c")
        sid = lax.axis_index("s")
        base = cid * EPC + sid * EPT
        rows = pl.ds(sid * NPTA, NPTA)
        tail = pl.ds(NS * NPTA, N - NS * NPTA)
        zeros16 = jnp.zeros((L,), jnp.float32)

        def zero_acc():
            pltpu.sync_copy(z128_hbm.at[rows], acc.at[rows])

            @pl.when(sid == NS - 1)
            def _():
                pltpu.sync_copy(z128_hbm.at[tail], acc.at[tail])

        def drain(out_hbm):
            pltpu.sync_copy(acc.at[rows], out_hbm.at[cid].at[rows])

            @pl.when(sid == NS - 1)
            def _():
                pltpu.sync_copy(acc.at[tail], out_hbm.at[cid].at[tail])

        def idx_cp(bslot, c):
            off = base + c * CHUNK
            return pltpu.make_async_copy(dst_hbm.at[pl.ds(off, CHUNK)],
                                         didx[bslot], sem_i[bslot])

        def pay_cp(bslot, c, phase):
            off = base + c * CHUNK
            if phase == 0:
                return pltpu.make_async_copy(msg_hbm.at[pl.ds(off, CHUNK)],
                                             mv[bslot], sem_i[bslot])
            return pltpu.make_async_copy(dcw_hbm.at[pl.ds(off, CHUNK)],
                                         dv[bslot], sem_i[bslot])

        def add_start(bslot):
            pltpu.async_copy(mv[bslot], acc.at[didx[bslot]],
                             sem_a[bslot], add=True)

        def add_wait(bslot):
            pltpu.make_async_copy(mv[bslot], acc.at[didx[bslot]],
                                  sem_a[bslot]).wait()

        def expand(bslot):
            @pl.loop(0, CHUNK)
            def _(i):
                mv[bslot][i, pl.ds(0, L)] = dv[bslot][i, pl.ds(0, L)]

        def phase(ph):
            zero_acc()
            if ph == 1:
                for bslot in range(NBUF):
                    @pl.loop(0, CHUNK)
                    def _(i, _b=bslot):
                        for j in range(1, D // L):
                            mv[_b][i, pl.ds(j * L, L)] = zeros16
            plsc.subcore_barrier()

            for c in range(RING, NCHUNK):
                idx_cp(0, c).start()
                pay_cp(0, c, ph).start()
                idx_cp(0, c).wait()
                pay_cp(0, c, ph).wait()
                if ph == 1:
                    expand(0)
                add_start(0)
                add_wait(0)

            idx_cp(0, 0).start()
            pay_cp(0, 0, ph).start()

            @pl.loop(0, RING // 2)
            def _(s):
                c0 = 2 * s
                idx_cp(0, c0).wait()
                pay_cp(0, c0, ph).wait()
                if ph == 1:
                    expand(0)
                add_start(0)

                @pl.when(s > 0)
                def _():
                    add_wait(1)

                idx_cp(1, c0 + 1).start()
                pay_cp(1, c0 + 1, ph).start()

                idx_cp(1, c0 + 1).wait()
                pay_cp(1, c0 + 1, ph).wait()
                if ph == 1:
                    expand(1)
                add_start(1)
                add_wait(0)

                @pl.when(s < RING // 2 - 1)
                def _(_c=c0 + 2):
                    idx_cp(0, _c).start()
                    pay_cp(0, _c, ph).start()

            add_wait(1)
            plsc.subcore_barrier()

        phase(0)
        drain(outa_hbm)
        phase(1)
        drain(outb_hbm)

    return k(msg, dcw, dst, z128)


def _node_body(h_ref, p16_ref, pa0_ref, pa1_ref, pb0_ref, pb1_ref,
               nw1h_ref, nw1m_ref, nb1_ref, nw2_ref, nb2_ref,
               hn_ref, pn_ref):
    h = h_ref[...]
    magg = pa0_ref[...] + pa1_ref[...]
    t = _silu(
        jnp.dot(h, nw1h_ref[...], preferred_element_type=jnp.float32,
                precision=lax.Precision.DEFAULT)
        + jnp.dot(magg, nw1m_ref[...], preferred_element_type=jnp.float32,
                  precision=lax.Precision.DEFAULT)
        + nb1_ref[...])
    hn_ref[...] = h + jnp.dot(
        t, nw2_ref[...], preferred_element_type=jnp.float32,
        precision=lax.Precision.DEFAULT) + nb2_ref[...]
    pn_ref[...] = p16_ref[...] + pb0_ref[:, :P16] + pb1_ref[:, :P16]


def _node_mlp(h, pos16, pa0, pa1, pb0, pb1, nw1h, nw1m, nb1, nw2, nb2):
    blk = 1000
    grid = (N // blk,)
    wspec = lambda shape: pl.BlockSpec(shape, lambda i: (0, 0))
    return pl.pallas_call(
        _node_body,
        grid=grid,
        in_specs=[
            pl.BlockSpec((blk, D), lambda i: (i, 0)),
            pl.BlockSpec((blk, P16), lambda i: (i, 0)),
            pl.BlockSpec((blk, D), lambda i: (i, 0)),
            pl.BlockSpec((blk, D), lambda i: (i, 0)),
            pl.BlockSpec((blk, D), lambda i: (i, 0)),
            pl.BlockSpec((blk, D), lambda i: (i, 0)),
            wspec((D, D)),
            wspec((D, D)),
            wspec((1, D)),
            wspec((D, D)),
            wspec((1, D)),
        ],
        out_specs=[
            pl.BlockSpec((blk, D), lambda i: (i, 0)),
            pl.BlockSpec((blk, P16), lambda i: (i, 0)),
        ],
        out_shape=[
            jax.ShapeDtypeStruct((N, D), jnp.float32),
            jax.ShapeDtypeStruct((N, P16), jnp.float32),
        ],
    )(h, pos16, pa0, pa1, pb0, pb1, nw1h, nw1m, nb1, nw2, nb2)


def kernel(h, pos, edge_index, msg_W1, msg_b1, msg_W2, msg_b2,
           coord_W1, coord_b1, coord_W2, coord_b2,
           node_W1, node_b1, node_W2, node_b2):
    src = edge_index[0]
    dst = edge_index[1]

    w1s = msg_W1[:D]
    w1d = msg_W1[D:2 * D]
    w1dist = msg_W1[2 * D].reshape(1, D)
    b1 = msg_b1.reshape(1, D)
    b2 = msg_b2.reshape(1, D)
    cb1 = coord_b1.reshape(1, D)
    cw2p = jnp.pad(coord_W2, ((0, 0), (0, 7)))
    cb2p = jnp.pad(coord_b2.reshape(1, 1), ((0, 0), (0, 7)))
    nw1h = node_W1[:D]
    nw1m = node_W1[D:]
    nb1 = node_b1.reshape(1, D)
    nb2 = node_b2.reshape(1, D)

    pos16 = jnp.pad(pos, ((0, 0), (0, P16 - 3)))
    z128 = jnp.zeros((N, D), jnp.float32)

    a, b = _preproj(h, w1s, w1d, b1)
    px = jnp.asarray(pos[:, 0])
    py = jnp.asarray(pos[:, 1])
    pz = jnp.asarray(pos[:, 2])
    ag, bg, geo = _sc_gather(a, b, px, py, pz, src, dst)
    msg, dcw = _edge_mlp(ag, bg, geo, w1dist, msg_W2, b2,
                         coord_W1, cb1, cw2p, cb2p)
    parts_a, parts_b = _sc_scatter(msg, dcw, dst, z128)
    h_new, pos16_new = _node_mlp(h, pos16, parts_a[0], parts_a[1],
                                 parts_b[0], parts_b[1],
                                 nw1h, nw1m, nb1, node_W2, nb2)
    return (h_new, pos16_new[:, :3])

# --- scband reference (transcript-rebuilt; emitter-appended) ---
"""Pipeline reference for scband-egnnlayer-5420248728008 (READ-ONLY COPY).

The authoritative reference and input builder live on the scoring server;
editing this copy changes nothing except your own understanding.
"""

import jax, jax.numpy as jnp
import numpy as np

N = 10000
E = 320000
D = 128
CLAMP = 10.0


def setup_inputs(seed: int = 0) -> dict:
    key = jax.random.key(seed)
    ks = jax.random.split(key, 16)
    h = jax.random.normal(ks[0], (N, D), dtype=jnp.float32)
    pos = jax.random.normal(ks[1], (N, 3), dtype=jnp.float32)
    edge_index = jax.random.randint(ks[2], (2, E), 0, N, dtype=jnp.int64 if jax.config.read('jax_enable_x64') else jnp.int32).astype(jnp.int32)
    s = 0.05
    params = {
        'msg_W1': jax.random.normal(ks[3], (2 * D + 1, D), dtype=jnp.float32) * s,
        'msg_b1': jnp.zeros((D,), dtype=jnp.float32),
        'msg_W2': jax.random.normal(ks[4], (D, D), dtype=jnp.float32) * s,
        'msg_b2': jnp.zeros((D,), dtype=jnp.float32),
        'coord_W1': jax.random.normal(ks[5], (D, D), dtype=jnp.float32) * s,
        'coord_b1': jnp.zeros((D,), dtype=jnp.float32),
        'coord_W2': jax.random.normal(ks[6], (D, 1), dtype=jnp.float32) * s,
        'coord_b2': jnp.zeros((1,), dtype=jnp.float32),
        'node_W1': jax.random.normal(ks[7], (2 * D, D), dtype=jnp.float32) * s,
        'node_b1': jnp.zeros((D,), dtype=jnp.float32),
        'node_W2': jax.random.normal(ks[8], (D, D), dtype=jnp.float32) * s,
        'node_b2': jnp.zeros((D,), dtype=jnp.float32),
    }
    return {'h': h, 'pos': pos, 'edge_index': edge_index, **params}


def reference(h, pos, edge_index, msg_W1, msg_b1, msg_W2, msg_b2,
              coord_W1, coord_b1, coord_W2, coord_b2,
              node_W1, node_b1, node_W2, node_b2):
    src = edge_index[0]
    dst = edge_index[1]
    num_atoms = h.shape[0]
    diff = pos[src] - pos[dst]
    dist_sq = jnp.sum(diff ** 2, axis=-1, keepdims=True)
    msg_input = jnp.concatenate([h[src], h[dst], dist_sq], axis=-1)
    m = jax.nn.silu(msg_input @ msg_W1 + msg_b1)
    messages = jax.nn.silu(m @ msg_W2 + msg_b2)
    cw = jax.nn.silu(messages @ coord_W1 + coord_b1) @ coord_W2 + coord_b2
    cw = jnp.clip(cw, -CLAMP, CLAMP)
    coord_delta = jnp.zeros_like(pos).at[dst].add(diff * cw)
    pos_new = pos + coord_delta
    msg_agg = jnp.zeros((num_atoms, messages.shape[1]), dtype=h.dtype).at[dst].add(messages)
    node_in = jnp.concatenate([h, msg_agg], axis=-1)
    h_new = h + (jax.nn.silu(node_in @ node_W1 + node_b1) @ node_W2 + node_b2)
    return (h_new, pos_new)

if __name__ == "__main__":
    import jax
    _d = setup_inputs()
    print(jax.jit(kernel)(*tuple(_d.values())))

</pallas_src>

<mosaic_0001>
#map = affine_map<(d0, d1) -> (0, 0)>
#map1 = affine_map<(d0, d1) -> (0)>
module attributes {stable_mosaic.version = 14 : i64} {
  func.func @k(%arg0: i32, %arg1: i32, %arg2: memref<10000x128xf32, #tpu.memory_space<hbm>>, %arg3: memref<10000x128xf32, #tpu.memory_space<hbm>>, %arg4: memref<10000xf32, #tpu.memory_space<hbm>>, %arg5: memref<10000xf32, #tpu.memory_space<hbm>>, %arg6: memref<10000xf32, #tpu.memory_space<hbm>>, %arg7: memref<320000xi32, #tpu.memory_space<hbm>>, %arg8: memref<320000xi32, #tpu.memory_space<hbm>>, %arg9: memref<320000x128xf32, #tpu.memory_space<hbm>>, %arg10: memref<320000x128xf32, #tpu.memory_space<hbm>>, %arg11: memref<320000x16xf32, #tpu.memory_space<hbm>>, %arg12: memref<80xi32, #tpu.memory_space<vmem>>, %arg13: memref<80xi32, #tpu.memory_space<vmem>>, %arg14: memref<80xi32, #tpu.memory_space<vmem>>, %arg15: memref<80xi32, #tpu.memory_space<vmem>>, %arg16: memref<80xi32, #tpu.memory_space<vmem>>, %arg17: memref<80xi32, #tpu.memory_space<vmem>>, %arg18: memref<80x128xf32, #tpu.memory_space<vmem>>, %arg19: memref<80x128xf32, #tpu.memory_space<vmem>>, %arg20: memref<80x128xf32, #tpu.memory_space<vmem>>, %arg21: memref<80x128xf32, #tpu.memory_space<vmem>>, %arg22: memref<80x128xf32, #tpu.memory_space<vmem>>, %arg23: memref<80x128xf32, #tpu.memory_space<vmem>>, %arg24: memref<80x16xf32, #tpu.memory_space<vmem>>, %arg25: memref<80x16xf32, #tpu.memory_space<vmem>>, %arg26: memref<80x16xf32, #tpu.memory_space<vmem>>, %arg27: memref<10000xf32, #tpu.memory_space<vmem>>, %arg28: memref<10000xf32, #tpu.memory_space<vmem>>, %arg29: memref<10000xf32, #tpu.memory_space<vmem>>, %arg30: memref<!tpu.dma_semaphore, #tpu.memory_space<semaphore_mem>>, %arg31: memref<!tpu.dma_semaphore, #tpu.memory_space<semaphore_mem>>, %arg32: memref<!tpu.dma_semaphore, #tpu.memory_space<semaphore_mem>>, %arg33: memref<!tpu.dma_semaphore, #tpu.memory_space<semaphore_mem>>, %arg34: memref<!tpu.dma_semaphore, #tpu.memory_space<semaphore_mem>>, %arg35: memref<!tpu.dma_semaphore, #tpu.memory_space<semaphore_mem>>, %arg36: memref<!tpu.dma_semaphore, #tpu.memory_space<semaphore_mem>>, %arg37: memref<!tpu.dma_semaphore, #tpu.memory_space<semaphore_mem>>, %arg38: memref<!tpu.dma_semaphore, #tpu.memory_space<semaphore_mem>>) attributes {dimension_semantics = [#tpu.dimension_semantics<core_parallel>, #tpu.dimension_semantics<subcore_parallel>], iteration_bounds = array<i64: 2, 16>, scalar_prefetch = 0 : i64, scratch_operands = 27 : i64, tpu.core_type = #tpu.core_type<sc_vector_subcore>, window_params = [{transform_indices = #map}, {transform_indices = #map}, {transform_indices = #map1}, {transform_indices = #map1}, {transform_indices = #map1}, {transform_indices = #map1}, {transform_indices = #map1}, {transform_indices = #map}, {transform_indices = #map}, {transform_indices = #map}]} {
    %mul3A = arith.constant 2 : i32
    %mul3A_0 = arith.muli %arg1, %mul3A : i32
    %add3A = arith.addi %mul3A_0, %arg0 : i32
    %mul3A_1 = arith.constant 10000 : i32
    %mul3A_2 = arith.muli %add3A, %mul3A_1 : i32
    %broadcast_in_dim3A = arith.constant 0.000000e+00 : f32
    %broadcast_in_dim3A_3 = vector.broadcast %broadcast_in_dim3A : f32 to vector<16xf32>
    "tpu.region"() ({
      %run_scoped3A = tpu.sem_alloc : memref<!tpu.dma_semaphore, #tpu.memory_space<semaphore_mem>>
      tpu.enqueue_dma source(%arg4 : memref<10000xf32, #tpu.memory_space<hbm>>) target(%arg27 : memref<10000xf32, #tpu.memory_space<vmem>>) target_semaphore(%run_scoped3A : memref<!tpu.dma_semaphore, #tpu.memory_space<semaphore_mem>>)
      tpu.wait_dma2 semaphore(%run_scoped3A : memref<!tpu.dma_semaphore, #tpu.memory_space<semaphore_mem>>) src(%arg4 : memref<10000xf32, #tpu.memory_space<hbm>>) dst(%arg27 : memref<10000xf32, #tpu.memory_space<vmem>>)
      tpu.yield
    }) : () -> ()
    "tpu.region"() ({
      %run_scoped3A = tpu.sem_alloc : memref<!tpu.dma_semaphore, #tpu.memory_space<semaphore_mem>>
      tpu.enqueue_dma source(%arg5 : memref<10000xf32, #tpu.memory_space<hbm>>) target(%arg28 : memref<10000xf32, #tpu.memory_space<vmem>>) target_semaphore(%run_scoped3A : memref<!tpu.dma_semaphore, #tpu.memory_space<semaphore_mem>>)
      tpu.wait_dma2 semaphore(%run_scoped3A : memref<!tpu.dma_semaphore, #tpu.memory_space<semaphore_mem>>) src(%arg5 : memref<10000xf32, #tpu.memory_space<hbm>>) dst(%arg28 : memref<10000xf32, #tpu.memory_space<vmem>>)
      tpu.yield
    }) : () -> ()
    "tpu.region"() ({
      %run_scoped3A = tpu.sem_alloc : memref<!tpu.dma_semaphore, #tpu.memory_space<semaphore_mem>>
      tpu.enqueue_dma source(%arg6 : memref<10000xf32, #tpu.memory_space<hbm>>) target(%arg29 : memref<10000xf32, #tpu.memory_space<vmem>>) target_semaphore(%run_scoped3A : memref<!tpu.dma_semaphore, #tpu.memory_space<semaphore_mem>>)
      tpu.wait_dma2 semaphore(%run_scoped3A : memref<!tpu.dma_semaphore, #tpu.memory_space<semaphore_mem>>) src(%arg6 : memref<10000xf32, #tpu.memory_space<hbm>>) dst(%arg29 : memref<10000xf32, #tpu.memory_space<vmem>>)
      tpu.yield
    }) : () -> ()
    %scan3A = arith.constant 0 : i32
    %scan3A_4 = arith.constant 80 : i32
    %scan3A_5 = arith.addi %scan3A, %scan3A_4 : i32
    %scan3A_6 = arith.constant 1 : i32
    scf.for %scan3A_523 = %scan3A to %scan3A_5 step %scan3A_6  : i32 {
      %mul3A_524 = arith.constant 1 : i32
      %mul3A_525 = arith.muli %scan3A_523, %mul3A_524 : i32
      %add3A_526 = arith.constant 0 : i32
      %add3A_527 = arith.addi %add3A_526, %mul3A_525 : i32
      %swap3A = arith.index_cast %add3A_527 : i32 to index
      %swap3A_528 = arith.constant 0 : index
      %swap3A_529 = tpu.vector_load %arg24[%swap3A, %swap3A_528] {strides = array<i32>} : memref<80x16xf32, #tpu.memory_space<vmem>>, vector<16xf32>,
      tpu.vector_store %arg24[%swap3A, %swap3A_528], %broadcast_in_dim3A_3 {strides = array<i32>} : memref<80x16xf32, #tpu.memory_space<vmem>>, vector<16xf32>,
    }
    %scan3A_7 = arith.constant 80 : i32
    %scan3A_8 = arith.constant 0 : i32
    %scan3A_9 = arith.constant 80 : i32
    %scan3A_10 = arith.addi %scan3A_8, %scan3A_9 : i32
    %scan3A_11 = arith.constant 1 : i32
    scf.for %scan3A_523 = %scan3A_8 to %scan3A_10 step %scan3A_11  : i32 {
      %mul3A_524 = arith.constant 1 : i32
      %mul3A_525 = arith.muli %scan3A_523, %mul3A_524 : i32
      %add3A_526 = arith.constant 0 : i32
      %add3A_527 = arith.addi %add3A_526, %mul3A_525 : i32
      %swap3A = arith.index_cast %add3A_527 : i32 to index
      %swap3A_528 = arith.constant 0 : index
      %swap3A_529 = tpu.vector_load %arg25[%swap3A, %swap3A_528] {strides = array<i32>} : memref<80x16xf32, #tpu.memory_space<vmem>>, vector<16xf32>,
      tpu.vector_store %arg25[%swap3A, %swap3A_528], %broadcast_in_dim3A_3 {strides = array<i32>} : memref<80x16xf32, #tpu.memory_space<vmem>>, vector<16xf32>,
    }
    %scan3A_12 = arith.constant 80 : i32
    %scan3A_13 = arith.constant 0 : i32
    %scan3A_14 = arith.constant 80 : i32
    %scan3A_15 = arith.addi %scan3A_13, %scan3A_14 : i32
    %scan3A_16 = arith.constant 1 : i32
    scf.for %scan3A_523 = %scan3A_13 to %scan3A_15 step %scan3A_16  : i32 {
      %mul3A_524 = arith.constant 1 : i32
      %mul3A_525 = arith.muli %scan3A_523, %mul3A_524 : i32
      %add3A_526 = arith.constant 0 : i32
      %add3A_527 = arith.addi %add3A_526, %mul3A_525 : i32
      %swap3A = arith.index_cast %add3A_527 : i32 to index
      %swap3A_528 = arith.constant 0 : index
      %swap3A_529 = tpu.vector_load %arg26[%swap3A, %swap3A_528] {strides = array<i32>} : memref<80x16xf32, #tpu.memory_space<vmem>>, vector<16xf32>,
      tpu.vector_store %arg26[%swap3A, %swap3A_528], %broadcast_in_dim3A_3 {strides = array<i32>} : memref<80x16xf32, #tpu.memory_space<vmem>>, vector<16xf32>,
    }
    %scan3A_17 = arith.constant 80 : i32
    %add3A_18 = arith.constant 9840 : i32
    %add3A_19 = arith.addi %mul3A_2, %add3A_18 : i32
    %dma_start3A = tpu.memref_slice %arg7[%add3A_19] : memref<320000xi32, #tpu.memory_space<hbm>> -> memref<80xi32, #tpu.memory_space<hbm>>
    %dma_start3A_20 = tpu.memref_slice %arg7[%add3A_19] : memref<320000xi32, #tpu.memory_space<hbm>> -> memref<80xi32, #tpu.memory_space<hbm>>
    tpu.enqueue_dma source(%dma_start3A_20 : memref<80xi32, #tpu.memory_space<hbm>>) target(%arg12 : memref<80xi32, #tpu.memory_space<vmem>>) target_semaphore(%arg30 : memref<!tpu.dma_semaphore, #tpu.memory_space<semaphore_mem>>)
    %add3A_21 = arith.constant 9840 : i32
    %add3A_22 = arith.addi %mul3A_2, %add3A_21 : i32
    %dma_start3A_23 = tpu.memref_slice %arg8[%add3A_22] : memref<320000xi32, #tpu.memory_space<hbm>> -> memref<80xi32, #tpu.memory_space<hbm>>
    %dma_start3A_24 = tpu.memref_slice %arg8[%add3A_22] : memref<320000xi32, #tpu.memory_space<hbm>> -> memref<80xi32, #tpu.memory_space<hbm>>
    tpu.enqueue_dma source(%dma_start3A_24 : memref<80xi32, #tpu.memory_space<hbm>>) target(%arg15 : memref<80xi32, #tpu.memory_space<vmem>>) target_semaphore(%arg30 : memref<!tpu.dma_semaphore, #tpu.memory_space<semaphore_mem>>)
    %add3A_25 = arith.constant 9840 : i32
    %add3A_26 = arith.addi %mul3A_2, %add3A_25 : i32
    %dma_wait3A = tpu.memref_slice %arg7[%add3A_26] : memref<320000xi32, #tpu.memory_space<hbm>> -> memref<80xi32, #tpu.memory_space<hbm>>
    %dma_wait3A_27 = tpu.memref_slice %arg7[%add3A_26] : memref<320000xi32, #tpu.memory_space<hbm>> -> memref<80xi32, #tpu.memory_space<hbm>>
    tpu.wait_dma2 semaphore(%arg30 : memref<!tpu.dma_semaphore, #tpu.memory_space<semaphore_mem>>) src(%dma_wait3A_27 : memref<80xi32, #tpu.memory_space<hbm>>) dst(%arg12 : memref<80xi32, #tpu.memory_space<vmem>>)
    %add3A_28 = arith.constant 9840 : i32
    %add3A_29 = arith.addi %mul3A_2, %add3A_28 : i32
    %dma_wait3A_30 = tpu.memref_slice %arg8[%add3A_29] : memref<320000xi32, #tpu.memory_space<hbm>> -> memref<80xi32, #tpu.memory_space<hbm>>
    %dma_wait3A_31 = tpu.memref_slice %arg8[%add3A_29] : memref<320000xi32, #tpu.memory_space<hbm>> -> memref<80xi32, #tpu.memory_space<hbm>>
    tpu.wait_dma2 semaphore(%arg30 : memref<!tpu.dma_semaphore, #tpu.memory_space<semaphore_mem>>) src(%dma_wait3A_31 : memref<80xi32, #tpu.memory_space<hbm>>) dst(%arg15 : memref<80xi32, #tpu.memory_space<vmem>>)
    %dma_start3A_32 = arith.constant 0 : i32
    %dma_start3A_33 = arith.constant 0 : i32
    %dma_start3A_34 = tpu.memref_slice %arg2[%dma_start3A_32, %dma_start3A_33] : memref<10000x128xf32, #tpu.memory_space<hbm>> -> memref<10000x128xf32, #tpu.memory_space<hbm>>
    tpu.enqueue_indirect_dma source(%dma_start3A_34 : memref<10000x128xf32, #tpu.memory_space<hbm>>) target(%arg18 : memref<80x128xf32, #tpu.memory_space<vmem>>) offsets(%arg12 : memref<80xi32, #tpu.memory_space<vmem>>) semaphore(%arg33 : memref<!tpu.dma_semaphore, #tpu.memory_space<semaphore_mem>>)
    %dma_start3A_35 = arith.constant 0 : i32
    %dma_start3A_36 = arith.constant 0 : i32
    %dma_start3A_37 = tpu.memref_slice %arg3[%dma_start3A_35, %dma_start3A_36] : memref<10000x128xf32, #tpu.memory_space<hbm>> -> memref<10000x128xf32, #tpu.memory_space<hbm>>
    tpu.enqueue_indirect_dma source(%dma_start3A_37 : memref<10000x128xf32, #tpu.memory_space<hbm>>) target(%arg21 : memref<80x128xf32, #tpu.memory_space<vmem>>) offsets(%arg15 : memref<80xi32, #tpu.memory_space<vmem>>) semaphore(%arg33 : memref<!tpu.dma_semaphore, #tpu.memory_space<semaphore_mem>>)
    %get3A = arith.constant 0 : index
    %get3A_38 = tpu.vector_load %arg12[%get3A] {strides = array<i32>} : memref<80xi32, #tpu.memory_space<vmem>>, vector<16xi32>,
    %get3A_39 = arith.constant 0 : index
    %get3A_40 = tpu.vector_load %arg15[%get3A_39] {strides = array<i32>} : memref<80xi32, #tpu.memory_space<vmem>>, vector<16xi32>,
    %gather3A = tpu.vector_load_idx %arg27[%get3A_38] : memref<10000xf32, #tpu.memory_space<vmem>>[vector<16xi32>], vector<16xf32>,
    %gather3A_41 = tpu.vector_load_idx %arg27[%get3A_40] : memref<10000xf32, #tpu.memory_space<vmem>>[vector<16xi32>], vector<16xf32>,
    %sub3A = arith.subf %gather3A, %gather3A_41 : vector<16xf32>
    %gather3A_42 = tpu.vector_load_idx %arg28[%get3A_38] : memref<10000xf32, #tpu.memory_space<vmem>>[vector<16xi32>], vector<16xf32>,
    %gather3A_43 = tpu.vector_load_idx %arg28[%get3A_40] : memref<10000xf32, #tpu.memory_space<vmem>>[vector<16xi32>], vector<16xf32>,
    %sub3A_44 = arith.subf %gather3A_42, %gather3A_43 : vector<16xf32>
    %gather3A_45 = tpu.vector_load_idx %arg29[%get3A_38] : memref<10000xf32, #tpu.memory_space<vmem>>[vector<16xi32>], vector<16xf32>,
    %gather3A_46 = tpu.vector_load_idx %arg29[%get3A_40] : memref<10000xf32, #tpu.memory_space<vmem>>[vector<16xi32>], vector<16xf32>,
    %sub3A_47 = arith.subf %gather3A_45, %gather3A_46 : vector<16xf32>
    %mul3A_48 = arith.mulf %sub3A, %sub3A : vector<16xf32>
    %mul3A_49 = arith.mulf %sub3A_44, %sub3A_44 : vector<16xf32>
    %add3A_50 = arith.addf %mul3A_48, %mul3A_49 : vector<16xf32>
    %mul3A_51 = arith.mulf %sub3A_47, %sub3A_47 : vector<16xf32>
    %add3A_52 = arith.addf %add3A_50, %mul3A_51 : vector<16xf32>
    %iota3A = tpu.iota {dimensions = array<i32: 0>} : vector<16xi32>
    %add3A_53 = arith.constant 0 : i32
    %add3A_54 = vector.broadcast %add3A_53 : i32 to vector<16xi32>
    %add3A_55 = arith.addi %add3A_54, %iota3A : vector<16xi32>
    %broadcast_in_dim3A_56 = arith.constant 0 : i32
    %broadcast_in_dim3A_57 = vector.broadcast %broadcast_in_dim3A_56 : i32 to vector<16xi32>
    tpu.vector_store_idx %arg24[%add3A_55, %broadcast_in_dim3A_57], %sub3A : memref<80x16xf32, #tpu.memory_space<vmem>>[vector<16xi32>, vector<16xi32>], vector<16xf32>,
    %broadcast_in_dim3A_58 = arith.constant 1 : i32
    %broadcast_in_dim3A_59 = vector.broadcast %broadcast_in_dim3A_58 : i32 to vector<16xi32>
    tpu.vector_store_idx %arg24[%add3A_55, %broadcast_in_dim3A_59], %sub3A_44 : memref<80x16xf32, #tpu.memory_space<vmem>>[vector<16xi32>, vector<16xi32>], vector<16xf32>,
    %broadcast_in_dim3A_60 = arith.constant 2 : i32
    %broadcast_in_dim3A_61 = vector.broadcast %broadcast_in_dim3A_60 : i32 to vector<16xi32>
    tpu.vector_store_idx %arg24[%add3A_55, %broadcast_in_dim3A_61], %sub3A_47 : memref<80x16xf32, #tpu.memory_space<vmem>>[vector<16xi32>, vector<16xi32>], vector<16xf32>,
    %broadcast_in_dim3A_62 = arith.constant 3 : i32
    %broadcast_in_dim3A_63 = vector.broadcast %broadcast_in_dim3A_62 : i32 to vector<16xi32>
    tpu.vector_store_idx %arg24[%add3A_55, %broadcast_in_dim3A_63], %add3A_52 : memref<80x16xf32, #tpu.memory_space<vmem>>[vector<16xi32>, vector<16xi32>], vector<16xf32>,
    %get3A_64 = arith.constant 16 : index
    %get3A_65 = tpu.vector_load %arg12[%get3A_64] {strides = array<i32>} : memref<80xi32, #tpu.memory_space<vmem>>, vector<16xi32>,
    %get3A_66 = arith.constant 16 : index
    %get3A_67 = tpu.vector_load %arg15[%get3A_66] {strides = array<i32>} : memref<80xi32, #tpu.memory_space<vmem>>, vector<16xi32>,
    %gather3A_68 = tpu.vector_load_idx %arg27[%get3A_65] : memref<10000xf32, #tpu.memory_space<vmem>>[vector<16xi32>], vector<16xf32>,
    %gather3A_69 = tpu.vector_load_idx %arg27[%get3A_67] : memref<10000xf32, #tpu.memory_space<vmem>>[vector<16xi32>], vector<16xf32>,
    %sub3A_70 = arith.subf %gather3A_68, %gather3A_69 : vector<16xf32>
    %gather3A_71 = tpu.vector_load_idx %arg28[%get3A_65] : memref<10000xf32, #tpu.memory_space<vmem>>[vector<16xi32>], vector<16xf32>,
    %gather3A_72 = tpu.vector_load_idx %arg28[%get3A_67] : memref<10000xf32, #tpu.memory_space<vmem>>[vector<16xi32>], vector<16xf32>,
    %sub3A_73 = arith.subf %gather3A_71, %gather3A_72 : vector<16xf32>
    %gather3A_74 = tpu.vector_load_idx %arg29[%get3A_65] : memref<10000xf32, #tpu.memory_space<vmem>>[vector<16xi32>], vector<16xf32>,
    %gather3A_75 = tpu.vector_load_idx %arg29[%get3A_67] : memref<10000xf32, #tpu.memory_space<vmem>>[vector<16xi32>], vector<16xf32>,
    %sub3A_76 = arith.subf %gather3A_74, %gather3A_75 : vector<16xf32>
    %mul3A_77 = arith.mulf %sub3A_70, %sub3A_70 : vector<16xf32>
    %mul3A_78 = arith.mulf %sub3A_73, %sub3A_73 : vector<16xf32>
    %add3A_79 = arith.addf %mul3A_77, %mul3A_78 : vector<16xf32>
    %mul3A_80 = arith.mulf %sub3A_76, %sub3A_76 : vector<16xf32>
    %add3A_81 = arith.addf %add3A_79, %mul3A_80 : vector<16xf32>
    %iota3A_82 = tpu.iota {dimensions = array<i32: 0>} : vector<16xi32>
    %add3A_83 = arith.constant 16 : i32
    %add3A_84 = vector.broadcast %add3A_83 : i32 to vector<16xi32>
    %add3A_85 = arith.addi %add3A_84, %iota3A_82 : vector<16xi32>
    %broadcast_in_dim3A_86 = arith.constant 0 : i32
    %broadcast_in_dim3A_87 = vector.broadcast %broadcast_in_dim3A_86 : i32 to vector<16xi32>
    tpu.vector_store_idx %arg24[%add3A_85, %broadcast_in_dim3A_87], %sub3A_70 : memref<80x16xf32, #tpu.memory_space<vmem>>[vector<16xi32>, vector<16xi32>], vector<16xf32>,
    %broadcast_in_dim3A_88 = arith.constant 1 : i32
    %broadcast_in_dim3A_89 = vector.broadcast %broadcast_in_dim3A_88 : i32 to vector<16xi32>
    tpu.vector_store_idx %arg24[%add3A_85, %broadcast_in_dim3A_89], %sub3A_73 : memref<80x16xf32, #tpu.memory_space<vmem>>[vector<16xi32>, vector<16xi32>], vector<16xf32>,
    %broadcast_in_dim3A_90 = arith.constant 2 : i32
    %broadcast_in_dim3A_91 = vector.broadcast %broadcast_in_dim3A_90 : i32 to vector<16xi32>
    tpu.vector_store_idx %arg24[%add3A_85, %broadcast_in_dim3A_91], %sub3A_76 : memref<80x16xf32, #tpu.memory_space<vmem>>[vector<16xi32>, vector<16xi32>], vector<16xf32>,
    %broadcast_in_dim3A_92 = arith.constant 3 : i32
    %broadcast_in_dim3A_93 = vector.broadcast %broadcast_in_dim3A_92 : i32 to vector<16xi32>
    tpu.vector_store_idx %arg24[%add3A_85, %broadcast_in_dim3A_93], %add3A_81 : memref<80x16xf32, #tpu.memory_space<vmem>>[vector<16xi32>, vector<16xi32>], vector<16xf32>,
    %get3A_94 = arith.constant 32 : index
    %get3A_95 = tpu.vector_load %arg12[%get3A_94] {strides = array<i32>} : memref<80xi32, #tpu.memory_space<vmem>>, vector<16xi32>,
    %get3A_96 = arith.constant 32 : index
    %get3A_97 = tpu.vector_load %arg15[%get3A_96] {strides = array<i32>} : memref<80xi32, #tpu.memory_space<vmem>>, vector<16xi32>,
    %gather3A_98 = tpu.vector_load_idx %arg27[%get3A_95] : memref<10000xf32, #tpu.memory_space<vmem>>[vector<16xi32>], vector<16xf32>,
    %gather3A_99 = tpu.vector_load_idx %arg27[%get3A_97] : memref<10000xf32, #tpu.memory_space<vmem>>[vector<16xi32>], vector<16xf32>,
    %sub3A_100 = arith.subf %gather3A_98, %gather3A_99 : vector<16xf32>
    %gather3A_101 = tpu.vector_load_idx %arg28[%get3A_95] : memref<10000xf32, #tpu.memory_space<vmem>>[vector<16xi32>], vector<16xf32>,
    %gather3A_102 = tpu.vector_load_idx %arg28[%get3A_97] : memref<10000xf32, #tpu.memory_space<vmem>>[vector<16xi32>], vector<16xf32>,
    %sub3A_103 = arith.subf %gather3A_101, %gather3A_102 : vector<16xf32>
    %gather3A_104 = tpu.vector_load_idx %arg29[%get3A_95] : memref<10000xf32, #tpu.memory_space<vmem>>[vector<16xi32>], vector<16xf32>,
    %gather3A_105 = tpu.vector_load_idx %arg29[%get3A_97] : memref<10000xf32, #tpu.memory_space<vmem>>[vector<16xi32>], vector<16xf32>,
    %sub3A_106 = arith.subf %gather3A_104, %gather3A_105 : vector<16xf32>
    %mul3A_107 = arith.mulf %sub3A_100, %sub3A_100 : vector<16xf32>
    %mul3A_108 = arith.mulf %sub3A_103, %sub3A_103 : vector<16xf32>
    %add3A_109 = arith.addf %mul3A_107, %mul3A_108 : vector<16xf32>
    %mul3A_110 = arith.mulf %sub3A_106, %sub3A_106 : vector<16xf32>
    %add3A_111 = arith.addf %add3A_109, %mul3A_110 : vector<16xf32>
    %iota3A_112 = tpu.iota {dimensions = array<i32: 0>} : vector<16xi32>
    %add3A_113 = arith.constant 32 : i32
    %add3A_114 = vector.broadcast %add3A_113 : i32 to vector<16xi32>
    %add3A_115 = arith.addi %add3A_114, %iota3A_112 : vector<16xi32>
    %broadcast_in_dim3A_116 = arith.constant 0 : i32
    %broadcast_in_dim3A_117 = vector.broadcast %broadcast_in_dim3A_116 : i32 to vector<16xi32>
    tpu.vector_store_idx %arg24[%add3A_115, %broadcast_in_dim3A_117], %sub3A_100 : memref<80x16xf32, #tpu.memory_space<vmem>>[vector<16xi32>, vector<16xi32>], vector<16xf32>,
    %broadcast_in_dim3A_118 = arith.constant 1 : i32
    %broadcast_in_dim3A_119 = vector.broadcast %broadcast_in_dim3A_118 : i32 to vector<16xi32>
    tpu.vector_store_idx %arg24[%add3A_115, %broadcast_in_dim3A_119], %sub3A_103 : memref<80x16xf32, #tpu.memory_space<vmem>>[vector<16xi32>, vector<16xi32>], vector<16xf32>,
    %broadcast_in_dim3A_120 = arith.constant 2 : i32
    %broadcast_in_dim3A_121 = vector.broadcast %broadcast_in_dim3A_120 : i32 to vector<16xi32>
    tpu.vector_store_idx %arg24[%add3A_115, %broadcast_in_dim3A_121], %sub3A_106 : memref<80x16xf32, #tpu.memory_space<vmem>>[vector<16xi32>, vector<16xi32>], vector<16xf32>,
    %broadcast_in_dim3A_122 = arith.constant 3 : i32
    %broadcast_in_dim3A_123 = vector.broadcast %broadcast_in_dim3A_122 : i32 to vector<16xi32>
    tpu.vector_store_idx %arg24[%add3A_115, %broadcast_in_dim3A_123], %add3A_111 : memref<80x16xf32, #tpu.memory_space<vmem>>[vector<16xi32>, vector<16xi32>], vector<16xf32>,
    %get3A_124 = arith.constant 48 : index
    %get3A_125 = tpu.vector_load %arg12[%get3A_124] {strides = array<i32>} : memref<80xi32, #tpu.memory_space<vmem>>, vector<16xi32>,
    %get3A_126 = arith.constant 48 : index
    %get3A_127 = tpu.vector_load %arg15[%get3A_126] {strides = array<i32>} : memref<80xi32, #tpu.memory_space<vmem>>, vector<16xi32>,
    %gather3A_128 = tpu.vector_load_idx %arg27[%get3A_125] : memref<10000xf32, #tpu.memory_space<vmem>>[vector<16xi32>], vector<16xf32>,
    %gather3A_129 = tpu.vector_load_idx %arg27[%get3A_127] : memref<10000xf32, #tpu.memory_space<vmem>>[vector<16xi32>], vector<16xf32>,
    %sub3A_130 = arith.subf %gather3A_128, %gather3A_129 : vector<16xf32>
    %gather3A_131 = tpu.vector_load_idx %arg28[%get3A_125] : memref<10000xf32, #tpu.memory_space<vmem>>[vector<16xi32>], vector<16xf32>,
    %gather3A_132 = tpu.vector_load_idx %arg28[%get3A_127] : memref<10000xf32, #tpu.memory_space<vmem>>[vector<16xi32>], vector<16xf32>,
    %sub3A_133 = arith.subf %gather3A_131, %gather3A_132 : vector<16xf32>
    %gather3A_134 = tpu.vector_load_idx %arg29[%get3A_125] : memref<10000xf32, #tpu.memory_space<vmem>>[vector<16xi32>], vector<16xf32>,
    %gather3A_135 = tpu.vector_load_idx %arg29[%get3A_127] : memref<10000xf32, #tpu.memory_space<vmem>>[vector<16xi32>], vector<16xf32>,
    %sub3A_136 = arith.subf %gather3A_134, %gather3A_135 : vector<16xf32>
    %mul3A_137 = arith.mulf %sub3A_130, %sub3A_130 : vector<16xf32>
    %mul3A_138 = arith.mulf %sub3A_133, %sub3A_133 : vector<16xf32>
    %add3A_139 = arith.addf %mul3A_137, %mul3A_138 : vector<16xf32>
    %mul3A_140 = arith.mulf %sub3A_136, %sub3A_136 : vector<16xf32>
    %add3A_141 = arith.addf %add3A_139, %mul3A_140 : vector<16xf32>
    %iota3A_142 = tpu.iota {dimensions = array<i32: 0>} : vector<16xi32>
    %add3A_143 = arith.constant 48 : i32
    %add3A_144 = vector.broadcast %add3A_143 : i32 to vector<16xi32>
    %add3A_145 = arith.addi %add3A_144, %iota3A_142 : vector<16xi32>
    %broadcast_in_dim3A_146 = arith.constant 0 : i32
    %broadcast_in_dim3A_147 = vector.broadcast %broadcast_in_dim3A_146 : i32 to vector<16xi32>
    tpu.vector_store_idx %arg24[%add3A_145, %broadcast_in_dim3A_147], %sub3A_130 : memref<80x16xf32, #tpu.memory_space<vmem>>[vector<16xi32>, vector<16xi32>], vector<16xf32>,
    %broadcast_in_dim3A_148 = arith.constant 1 : i32
    %broadcast_in_dim3A_149 = vector.broadcast %broadcast_in_dim3A_148 : i32 to vector<16xi32>
    tpu.vector_store_idx %arg24[%add3A_145, %broadcast_in_dim3A_149], %sub3A_133 : memref<80x16xf32, #tpu.memory_space<vmem>>[vector<16xi32>, vector<16xi32>], vector<16xf32>,
    %broadcast_in_dim3A_150 = arith.constant 2 : i32
    %broadcast_in_dim3A_151 = vector.broadcast %broadcast_in_dim3A_150 : i32 to vector<16xi32>
    tpu.vector_store_idx %arg24[%add3A_145, %broadcast_in_dim3A_151], %sub3A_136 : memref<80x16xf32, #tpu.memory_space<vmem>>[vector<16xi32>, vector<16xi32>], vector<16xf32>,
    %broadcast_in_dim3A_152 = arith.constant 3 : i32
    %broadcast_in_dim3A_153 = vector.broadcast %broadcast_in_dim3A_152 : i32 to vector<16xi32>
    tpu.vector_store_idx %arg24[%add3A_145, %broadcast_in_dim3A_153], %add3A_141 : memref<80x16xf32, #tpu.memory_space<vmem>>[vector<16xi32>, vector<16xi32>], vector<16xf32>,
    %get3A_154 = arith.constant 64 : index
    %get3A_155 = tpu.vector_load %arg12[%get3A_154] {strides = array<i32>} : memref<80xi32, #tpu.memory_space<vmem>>, vector<16xi32>,
    %get3A_156 = arith.constant 64 : index
    %get3A_157 = tpu.vector_load %arg15[%get3A_156] {strides = array<i32>} : memref<80xi32, #tpu.memory_space<vmem>>, vector<16xi32>,
    %gather3A_158 = tpu.vector_load_idx %arg27[%get3A_155] : memref<10000xf32, #tpu.memory_space<vmem>>[vector<16xi32>], vector<16xf32>,
    %gather3A_159 = tpu.vector_load_idx %arg27[%get3A_157] : memref<10000xf32, #tpu.memory_space<vmem>>[vector<16xi32>], vector<16xf32>,
    %sub3A_160 = arith.subf %gather3A_158, %gather3A_159 : vector<16xf32>
    %gather3A_161 = tpu.vector_load_idx %arg28[%get3A_155] : memref<10000xf32, #tpu.memory_space<vmem>>[vector<16xi32>], vector<16xf32>,
    %gather3A_162 = tpu.vector_load_idx %arg28[%get3A_157] : memref<10000xf32, #tpu.memory_space<vmem>>[vector<16xi32>], vector<16xf32>,
    %sub3A_163 = arith.subf %gather3A_161, %gather3A_162 : vector<16xf32>
    %gather3A_164 = tpu.vector_load_idx %arg29[%get3A_155] : memref<10000xf32, #tpu.memory_space<vmem>>[vector<16xi32>], vector<16xf32>,
    %gather3A_165 = tpu.vector_load_idx %arg29[%get3A_157] : memref<10000xf32, #tpu.memory_space<vmem>>[vector<16xi32>], vector<16xf32>,
    %sub3A_166 = arith.subf %gather3A_164, %gather3A_165 : vector<16xf32>
    %mul3A_167 = arith.mulf %sub3A_160, %sub3A_160 : vector<16xf32>
    %mul3A_168 = arith.mulf %sub3A_163, %sub3A_163 : vector<16xf32>
    %add3A_169 = arith.addf %mul3A_167, %mul3A_168 : vector<16xf32>
    %mul3A_170 = arith.mulf %sub3A_166, %sub3A_166 : vector<16xf32>
    %add3A_171 = arith.addf %add3A_169, %mul3A_170 : vector<16xf32>
    %iota3A_172 = tpu.iota {dimensions = array<i32: 0>} : vector<16xi32>
    %add3A_173 = arith.constant 64 : i32
    %add3A_174 = vector.broadcast %add3A_173 : i32 to vector<16xi32>
    %add3A_175 = arith.addi %add3A_174, %iota3A_172 : vector<16xi32>
    %broadcast_in_dim3A_176 = arith.constant 0 : i32
    %broadcast_in_dim3A_177 = vector.broadcast %broadcast_in_dim3A_176 : i32 to vector<16xi32>
    tpu.vector_store_idx %arg24[%add3A_175, %broadcast_in_dim3A_177], %sub3A_160 : memref<80x16xf32, #tpu.memory_space<vmem>>[vector<16xi32>, vector<16xi32>], vector<16xf32>,
    %broadcast_in_dim3A_178 = arith.constant 1 : i32
    %broadcast_in_dim3A_179 = vector.broadcast %broadcast_in_dim3A_178 : i32 to vector<16xi32>
    tpu.vector_store_idx %arg24[%add3A_175, %broadcast_in_dim3A_179], %sub3A_163 : memref<80x16xf32, #tpu.memory_space<vmem>>[vector<16xi32>, vector<16xi32>], vector<16xf32>,
    %broadcast_in_dim3A_180 = arith.constant 2 : i32
    %broadcast_in_dim3A_181 = vector.broadcast %broadcast_in_dim3A_180 : i32 to vector<16xi32>
    tpu.vector_store_idx %arg24[%add3A_175, %broadcast_in_dim3A_181], %sub3A_166 : memref<80x16xf32, #tpu.memory_space<vmem>>[vector<16xi32>, vector<16xi32>], vector<16xf32>,
    %broadcast_in_dim3A_182 = arith.constant 3 : i32
    %broadcast_in_dim3A_183 = vector.broadcast %broadcast_in_dim3A_182 : i32 to vector<16xi32>
    tpu.vector_store_idx %arg24[%add3A_175, %broadcast_in_dim3A_183], %add3A_171 : memref<80x16xf32, #tpu.memory_space<vmem>>[vector<16xi32>, vector<16xi32>], vector<16xf32>,
    %dma_wait3A_184 = arith.constant 0 : i32
    %dma_wait3A_185 = arith.constant 0 : i32
    %dma_wait3A_186 = tpu.memref_slice %arg2[%dma_wait3A_184, %dma_wait3A_185] : memref<10000x128xf32, #tpu.memory_space<hbm>> -> memref<10000x128xf32, #tpu.memory_space<hbm>>
    tpu.wait_indirect_dma semaphore(%arg33 : memref<!tpu.dma_semaphore, #tpu.memory_space<semaphore_mem>>) src(%dma_wait3A_186 : memref<10000x128xf32, #tpu.memory_space<hbm>>) dst(%arg18 : memref<80x128xf32, #tpu.memory_space<vmem>>)
    %dma_wait3A_187 = arith.constant 0 : i32
    %dma_wait3A_188 = arith.constant 0 : i32
    %dma_wait3A_189 = tpu.memref_slice %arg3[%dma_wait3A_187, %dma_wait3A_188] : memref<10000x128xf32, #tpu.memory_space<hbm>> -> memref<10000x128xf32, #tpu.memory_space<hbm>>
    tpu.wait_indirect_dma semaphore(%arg33 : memref<!tpu.dma_semaphore, #tpu.memory_space<semaphore_mem>>) src(%dma_wait3A_189 : memref<10000x128xf32, #tpu.memory_space<hbm>>) dst(%arg21 : memref<80x128xf32, #tpu.memory_space<vmem>>)
    %add3A_190 = arith.constant 9840 : i32
    %add3A_191 = arith.addi %mul3A_2, %add3A_190 : i32
    %dma_start3A_192 = arith.constant 0 : i32
    %dma_start3A_193 = tpu.memref_slice %arg9[%add3A_191, %dma_start3A_192] : memref<320000x128xf32, #tpu.memory_space<hbm>> -> memref<80x128xf32, #tpu.memory_space<hbm>>
    %dma_start3A_194 = arith.constant 0 : i32
    %dma_start3A_195 = tpu.memref_slice %arg9[%add3A_191, %dma_start3A_194] : memref<320000x128xf32, #tpu.memory_space<hbm>> -> memref<80x128xf32, #tpu.memory_space<hbm>>
    tpu.enqueue_dma source(%arg18 : memref<80x128xf32, #tpu.memory_space<vmem>>) target(%dma_start3A_195 : memref<80x128xf32, #tpu.memory_space<hbm>>) target_semaphore(%arg36 : memref<!tpu.dma_semaphore, #tpu.memory_space<semaphore_mem>>)
    %add3A_196 = arith.constant 9840 : i32
    %add3A_197 = arith.addi %mul3A_2, %add3A_196 : i32
    %dma_start3A_198 = arith.constant 0 : i32
    %dma_start3A_199 = tpu.memref_slice %arg10[%add3A_197, %dma_start3A_198] : memref<320000x128xf32, #tpu.memory_space<hbm>> -> memref<80x128xf32, #tpu.memory_space<hbm>>
    %dma_start3A_200 = arith.constant 0 : i32
    %dma_start3A_201 = tpu.memref_slice %arg10[%add3A_197, %dma_start3A_200] : memref<320000x128xf32, #tpu.memory_space<hbm>> -> memref<80x128xf32, #tpu.memory_space<hbm>>
    tpu.enqueue_dma source(%arg21 : memref<80x128xf32, #tpu.memory_space<vmem>>) target(%dma_start3A_201 : memref<80x128xf32, #tpu.memory_space<hbm>>) target_semaphore(%arg36 : memref<!tpu.dma_semaphore, #tpu.memory_space<semaphore_mem>>)
    %add3A_202 = arith.constant 9840 : i32
    %add3A_203 = arith.addi %mul3A_2, %add3A_202 : i32
    %dma_start3A_204 = arith.constant 0 : i32
    %dma_start3A_205 = tpu.memref_slice %arg11[%add3A_203, %dma_start3A_204] : memref<320000x16xf32, #tpu.memory_space<hbm>> -> memref<80x16xf32, #tpu.memory_space<hbm>>
    %dma_start3A_206 = arith.constant 0 : i32
    %dma_start3A_207 = tpu.memref_slice %arg11[%add3A_203, %dma_start3A_206] : memref<320000x16xf32, #tpu.memory_space<hbm>> -> memref<80x16xf32, #tpu.memory_space<hbm>>
    tpu.enqueue_dma source(%arg24 : memref<80x16xf32, #tpu.memory_space<vmem>>) target(%dma_start3A_207 : memref<80x16xf32, #tpu.memory_space<hbm>>) target_semaphore(%arg36 : memref<!tpu.dma_semaphore, #tpu.memory_space<semaphore_mem>>)
    %add3A_208 = arith.constant 9840 : i32
    %add3A_209 = arith.addi %mul3A_2, %add3A_208 : i32
    %dma_wait3A_210 = arith.constant 0 : i32
    %dma_wait3A_211 = tpu.memref_slice %arg9[%add3A_209, %dma_wait3A_210] : memref<320000x128xf32, #tpu.memory_space<hbm>> -> memref<80x128xf32, #tpu.memory_space<hbm>>
    %dma_wait3A_212 = arith.constant 0 : i32
    %dma_wait3A_213 = tpu.memref_slice %arg9[%add3A_209, %dma_wait3A_212] : memref<320000x128xf32, #tpu.memory_space<hbm>> -> memref<80x128xf32, #tpu.memory_space<hbm>>
    tpu.wait_dma2 semaphore(%arg36 : memref<!tpu.dma_semaphore, #tpu.memory_space<semaphore_mem>>) src(%arg18 : memref<80x128xf32, #tpu.memory_space<vmem>>) dst(%dma_wait3A_213 : memref<80x128xf32, #tpu.memory_space<hbm>>)
    %add3A_214 = arith.constant 9840 : i32
    %add3A_215 = arith.addi %mul3A_2, %add3A_214 : i32
    %dma_wait3A_216 = arith.constant 0 : i32
    %dma_wait3A_217 = tpu.memref_slice %arg10[%add3A_215, %dma_wait3A_216] : memref<320000x128xf32, #tpu.memory_space<hbm>> -> memref<80x128xf32, #tpu.memory_space<hbm>>
    %dma_wait3A_218 = arith.constant 0 : i32
    %dma_wait3A_219 = tpu.memref_slice %arg10[%add3A_215, %dma_wait3A_218] : memref<320000x128xf32, #tpu.memory_space<hbm>> -> memref<80x128xf32, #tpu.memory_space<hbm>>
    tpu.wait_dma2 semaphore(%arg36 : memref<!tpu.dma_semaphore, #tpu.memory_space<semaphore_mem>>) src(%arg21 : memref<80x128xf32, #tpu.memory_space<vmem>>) dst(%dma_wait3A_219 : memref<80x128xf32, #tpu.memory_space<hbm>>)
    %add3A_220 = arith.constant 9840 : i32
    %add3A_221 = arith.addi %mul3A_2, %add3A_220 : i32
    %dma_wait3A_222 = arith.constant 0 : i32
    %dma_wait3A_223 = tpu.memref_slice %arg11[%add3A_221, %dma_wait3A_222] : memref<320000x16xf32, #tpu.memory_space<hbm>> -> memref<80x16xf32, #tpu.memory_space<hbm>>
    %dma_wait3A_224 = arith.constant 0 : i32
    %dma_wait3A_225 = tpu.memref_slice %arg11[%add3A_221, %dma_wait3A_224] : memref<320000x16xf32, #tpu.memory_space<hbm>> -> memref<80x16xf32, #tpu.memory_space<hbm>>
    tpu.wait_dma2 semaphore(%arg36 : memref<!tpu.dma_semaphore, #tpu.memory_space<semaphore_mem>>) src(%arg24 : memref<80x16xf32, #tpu.memory_space<vmem>>) dst(%dma_wait3A_225 : memref<80x16xf32, #tpu.memory_space<hbm>>)
    %add3A_226 = arith.constant 9920 : i32
    %add3A_227 = arith.addi %mul3A_2, %add3A_226 : i32
    %dma_start3A_228 = tpu.memref_slice %arg7[%add3A_227] : memref<320000xi32, #tpu.memory_space<hbm>> -> memref<80xi32, #tpu.memory_space<hbm>>
    %dma_start3A_229 = tpu.memref_slice %arg7[%add3A_227] : memref<320000xi32, #tpu.memory_space<hbm>> -> memref<80xi32, #tpu.memory_space<hbm>>
    tpu.enqueue_dma source(%dma_start3A_229 : memref<80xi32, #tpu.memory_space<hbm>>) target(%arg12 : memref<80xi32, #tpu.memory_space<vmem>>) target_semaphore(%arg30 : memref<!tpu.dma_semaphore, #tpu.memory_space<semaphore_mem>>)
    %add3A_230 = arith.constant 9920 : i32
    %add3A_231 = arith.addi %mul3A_2, %add3A_230 : i32
    %dma_start3A_232 = tpu.memref_slice %arg8[%add3A_231] : memref<320000xi32, #tpu.memory_space<hbm>> -> memref<80xi32, #tpu.memory_space<hbm>>
    %dma_start3A_233 = tpu.memref_slice %arg8[%add3A_231] : memref<320000xi32, #tpu.memory_space<hbm>> -> memref<80xi32, #tpu.memory_space<hbm>>
    tpu.enqueue_dma source(%dma_start3A_233 : memref<80xi32, #tpu.memory_space<hbm>>) target(%arg15 : memref<80xi32, #tpu.memory_space<vmem>>) target_semaphore(%arg30 : memref<!tpu.dma_semaphore, #tpu.memory_space<semaphore_mem>>)
    %add3A_234 = arith.constant 9920 : i32
    %add3A_235 = arith.addi %mul3A_2, %add3A_234 : i32
    %dma_wait3A_236 = tpu.memref_slice %arg7[%add3A_235] : memref<320000xi32, #tpu.memory_space<hbm>> -> memref<80xi32, #tpu.memory_space<hbm>>
    %dma_wait3A_237 = tpu.memref_slice %arg7[%add3A_235] : memref<320000xi32, #tpu.memory_space<hbm>> -> memref<80xi32, #tpu.memory_space<hbm>>
    tpu.wait_dma2 semaphore(%arg30 : memref<!tpu.dma_semaphore, #tpu.memory_space<semaphore_mem>>) src(%dma_wait3A_237 : memref<80xi32, #tpu.memory_space<hbm>>) dst(%arg12 : memref<80xi32, #tpu.memory_space<vmem>>)
    %add3A_238 = arith.constant 9920 : i32
    %add3A_239 = arith.addi %mul3A_2, %add3A_238 : i32
    %dma_wait3A_240 = tpu.memref_slice %arg8[%add3A_239] : memref<320000xi32, #tpu.memory_space<hbm>> -> memref<80xi32, #tpu.memory_space<hbm>>
    %dma_wait3A_241 = tpu.memref_slice %arg8[%add3A_239] : memref<320000xi32, #tpu.memory_space<hbm>> -> memref<80xi32, #tpu.memory_space<hbm>>
    tpu.wait_dma2 semaphore(%arg30 : memref<!tpu.dma_semaphore, #tpu.memory_space<semaphore_mem>>) src(%dma_wait3A_241 : memref<80xi32, #tpu.memory_space<hbm>>) dst(%arg15 : memref<80xi32, #tpu.memory_space<vmem>>)
    %dma_start3A_242 = arith.constant 0 : i32
    %dma_start3A_243 = arith.constant 0 : i32
    %dma_start3A_244 = tpu.memref_slice %arg2[%dma_start3A_242, %dma_start3A_243] : memref<10000x128xf32, #tpu.memory_space<hbm>> -> memref<10000x128xf32, #tpu.memory_space<hbm>>
    tpu.enqueue_indirect_dma source(%dma_start3A_244 : memref<10000x128xf32, #tpu.memory_space<hbm>>) target(%arg18 : memref<80x128xf32, #tpu.memory_space<vmem>>) offsets(%arg12 : memref<80xi32, #tpu.memory_space<vmem>>) semaphore(%arg33 : memref<!tpu.dma_semaphore, #tpu.memory_space<semaphore_mem>>)
    %dma_start3A_245 = arith.constant 0 : i32
    %dma_start3A_246 = arith.constant 0 : i32
    %dma_start3A_247 = tpu.memref_slice %arg3[%dma_start3A_245, %dma_start3A_246] : memref<10000x128xf32, #tpu.memory_space<hbm>> -> memref<10000x128xf32, #tpu.memory_space<hbm>>
    tpu.enqueue_indirect_dma source(%dma_start3A_247 : memref<10000x128xf32, #tpu.memory_space<hbm>>) target(%arg21 : memref<80x128xf32, #tpu.memory_space<vmem>>) offsets(%arg15 : memref<80xi32, #tpu.memory_space<vmem>>) semaphore(%arg33 : memref<!tpu.dma_semaphore, #tpu.memory_space<semaphore_mem>>)
    %get3A_248 = arith.constant 0 : index
    %get3A_249 = tpu.vector_load %arg12[%get3A_248] {strides = array<i32>} : memref<80xi32, #tpu.memory_space<vmem>>, vector<16xi32>,
    %get3A_250 = arith.constant 0 : index
    %get3A_251 = tpu.vector_load %arg15[%get3A_250] {strides = array<i32>} : memref<80xi32, #tpu.memory_space<vmem>>, vector<16xi32>,
    %gather3A_252 = tpu.vector_load_idx %arg27[%get3A_249] : memref<10000xf32, #tpu.memory_space<vmem>>[vector<16xi32>], vector<16xf32>,
    %gather3A_253 = tpu.vector_load_idx %arg27[%get3A_251] : memref<10000xf32, #tpu.memory_space<vmem>>[vector<16xi32>], vector<16xf32>,
    %sub3A_254 = arith.subf %gather3A_252, %gather3A_253 : vector<16xf32>
    %gather3A_255 = tpu.vector_load_idx %arg28[%get3A_249] : memref<10000xf32, #tpu.memory_space<vmem>>[vector<16xi32>], vector<16xf32>,
    %gather3A_256 = tpu.vector_load_idx %arg28[%get3A_251] : memref<10000xf32, #tpu.memory_space<vmem>>[vector<16xi32>], vector<16xf32>,
    %sub3A_257 = arith.subf %gather3A_255, %gather3A_256 : vector<16xf32>
    %gather3A_258 = tpu.vector_load_idx %arg29[%get3A_249] : memref<10000xf32, #tpu.memory_space<vmem>>[vector<16xi32>], vector<16xf32>,
    %gather3A_259 = tpu.vector_load_idx %arg29[%get3A_251] : memref<10000xf32, #tpu.memory_space<vmem>>[vector<16xi32>], vector<16xf32>,
    %sub3A_260 = arith.subf %gather3A_258, %gather3A_259 : vector<16xf32>
    %mul3A_261 = arith.mulf %sub3A_254, %sub3A_254 : vector<16xf32>
    %mul3A_262 = arith.mulf %sub3A_257, %sub3A_257 : vector<16xf32>
    %add3A_263 = arith.addf %mul3A_261, %mul3A_262 : vector<16xf32>
    %mul3A_264 = arith.mulf %sub3A_260, %sub3A_260 : vector<16xf32>
    %add3A_265 = arith.addf %add3A_263, %mul3A_264 : vector<16xf32>
    %iota3A_266 = tpu.iota {dimensions = array<i32: 0>} : vector<16xi32>
    %add3A_267 = arith.constant 0 : i32
    %add3A_268 = vector.broadcast %add3A_267 : i32 to vector<16xi32>
    %add3A_269 = arith.addi %add3A_268, %iota3A_266 : vector<16xi32>
    %broadcast_in_dim3A_270 = arith.constant 0 : i32
    %broadcast_in_dim3A_271 = vector.broadcast %broadcast_in_dim3A_270 : i32 to vector<16xi32>
    tpu.vector_store_idx %arg24[%add3A_269, %broadcast_in_dim3A_271], %sub3A_254 : memref<80x16xf32, #tpu.memory_space<vmem>>[vector<16xi32>, vector<16xi32>], vector<16xf32>,
    %broadcast_in_dim3A_272 = arith.constant 1 : i32
    %broadcast_in_dim3A_273 = vector.broadcast %broadcast_in_dim3A_272 : i32 to vector<16xi32>
    tpu.vector_store_idx %arg24[%add3A_269, %broadcast_in_dim3A_273], %sub3A_257 : memref<80x16xf32, #tpu.memory_space<vmem>>[vector<16xi32>, vector<16xi32>], vector<16xf32>,
    %broadcast_in_dim3A_274 = arith.constant 2 : i32
    %broadcast_in_dim3A_275 = vector.broadcast %broadcast_in_dim3A_274 : i32 to vector<16xi32>
    tpu.vector_store_idx %arg24[%add3A_269, %broadcast_in_dim3A_275], %sub3A_260 : memref<80x16xf32, #tpu.memory_space<vmem>>[vector<16xi32>, vector<16xi32>], vector<16xf32>,
    %broadcast_in_dim3A_276 = arith.constant 3 : i32
    %broadcast_in_dim3A_277 = vector.broadcast %broadcast_in_dim3A_276 : i32 to vector<16xi32>
    tpu.vector_store_idx %arg24[%add3A_269, %broadcast_in_dim3A_277], %add3A_265 : memref<80x16xf32, #tpu.memory_space<vmem>>[vector<16xi32>, vector<16xi32>], vector<16xf32>,
    %get3A_278 = arith.constant 16 : index
    %get3A_279 = tpu.vector_load %arg12[%get3A_278] {strides = array<i32>} : memref<80xi32, #tpu.memory_space<vmem>>, vector<16xi32>,
    %get3A_280 = arith.constant 16 : index
    %get3A_281 = tpu.vector_load %arg15[%get3A_280] {strides = array<i32>} : memref<80xi32, #tpu.memory_space<vmem>>, vector<16xi32>,
    %gather3A_282 = tpu.vector_load_idx %arg27[%get3A_279] : memref<10000xf32, #tpu.memory_space<vmem>>[vector<16xi32>], vector<16xf32>,
    %gather3A_283 = tpu.vector_load_idx %arg27[%get3A_281] : memref<10000xf32, #tpu.memory_space<vmem>>[vector<16xi32>], vector<16xf32>,
    %sub3A_284 = arith.subf %gather3A_282, %gather3A_283 : vector<16xf32>
    %gather3A_285 = tpu.vector_load_idx %arg28[%get3A_279] : memref<10000xf32, #tpu.memory_space<vmem>>[vector<16xi32>], vector<16xf32>,
    %gather3A_286 = tpu.vector_load_idx %arg28[%get3A_281] : memref<10000xf32, #tpu.memory_space<vmem>>[vector<16xi32>], vector<16xf32>,
    %sub3A_287 = arith.subf %gather3A_285, %gather3A_286 : vector<16xf32>
    %gather3A_288 = tpu.vector_load_idx %arg29[%get3A_279] : memref<10000xf32, #tpu.memory_space<vmem>>[vector<16xi32>], vector<16xf32>,
    %gather3A_289 = tpu.vector_load_idx %arg29[%get3A_281] : memref<10000xf32, #tpu.memory_space<vmem>>[vector<16xi32>], vector<16xf32>,
    %sub3A_290 = arith.subf %gather3A_288, %gather3A_289 : vector<16xf32>
    %mul3A_291 = arith.mulf %sub3A_284, %sub3A_284 : vector<16xf32>
    %mul3A_292 = arith.mulf %sub3A_287, %sub3A_287 : vector<16xf32>
    %add3A_293 = arith.addf %mul3A_291, %mul3A_292 : vector<16xf32>
    %mul3A_294 = arith.mulf %sub3A_290, %sub3A_290 : vector<16xf32>
    %add3A_295 = arith.addf %add3A_293, %mul3A_294 : vector<16xf32>
    %iota3A_296 = tpu.iota {dimensions = array<i32: 0>} : vector<16xi32>
    %add3A_297 = arith.constant 16 : i32
    %add3A_298 = vector.broadcast %add3A_297 : i32 to vector<16xi32>
    %add3A_299 = arith.addi %add3A_298, %iota3A_296 : vector<16xi32>
    %broadcast_in_dim3A_300 = arith.constant 0 : i32
    %broadcast_in_dim3A_301 = vector.broadcast %broadcast_in_dim3A_300 : i32 to vector<16xi32>
    tpu.vector_store_idx %arg24[%add3A_299, %broadcast_in_dim3A_301], %sub3A_284 : memref<80x16xf32, #tpu.memory_space<vmem>>[vector<16xi32>, vector<16xi32>], vector<16xf32>,
    %broadcast_in_dim3A_302 = arith.constant 1 : i32
    %broadcast_in_dim3A_303 = vector.broadcast %broadcast_in_dim3A_302 : i32 to vector<16xi32>
    tpu.vector_store_idx %arg24[%add3A_299, %broadcast_in_dim3A_303], %sub3A_287 : memref<80x16xf32, #tpu.memory_space<vmem>>[vector<16xi32>, vector<16xi32>], vector<16xf32>,
    %broadcast_in_dim3A_304 = arith.constant 2 : i32
    %broadcast_in_dim3A_305 = vector.broadcast %broadcast_in_dim3A_304 : i32 to vector<16xi32>
    tpu.vector_store_idx %arg24[%add3A_299, %broadcast_in_dim3A_305], %sub3A_290 : memref<80x16xf32, #tpu.memory_space<vmem>>[vector<16xi32>, vector<16xi32>], vector<16xf32>,
    %broadcast_in_dim3A_306 = arith.constant 3 : i32
    %broadcast_in_dim3A_307 = vector.broadcast %broadcast_in_dim3A_306 : i32 to vector<16xi32>
    tpu.vector_store_idx %arg24[%add3A_299, %broadcast_in_dim3A_307], %add3A_295 : memref<80x16xf32, #tpu.memory_space<vmem>>[vector<16xi32>, vector<16xi32>], vector<16xf32>,
    %get3A_308 = arith.constant 32 : index
    %get3A_309 = tpu.vector_load %arg12[%get3A_308] {strides = array<i32>} : memref<80xi32, #tpu.memory_space<vmem>>, vector<16xi32>,
    %get3A_310 = arith.constant 32 : index
    %get3A_311 = tpu.vector_load %arg15[%get3A_310] {strides = array<i32>} : memref<80xi32, #tpu.memory_space<vmem>>, vector<16xi32>,
    %gather3A_312 = tpu.vector_load_idx %arg27[%get3A_309] : memref<10000xf32, #tpu.memory_space<vmem>>[vector<16xi32>], vector<16xf32>,
    %gather3A_313 = tpu.vector_load_idx %arg27[%get3A_311] : memref<10000xf32, #tpu.memory_space<vmem>>[vector<16xi32>], vector<16xf32>,
    %sub3A_314 = arith.subf %gather3A_312, %gather3A_313 : vector<16xf32>
    %gather3A_315 = tpu.vector_load_idx %arg28[%get3A_309] : memref<10000xf32, #tpu.memory_space<vmem>>[vector<16xi32>], vector<16xf32>,
    %gather3A_316 = tpu.vector_load_idx %arg28[%get3A_311] : memref<10000xf32, #tpu.memory_space<vmem>>[vector<16xi32>], vector<16xf32>,
    %sub3A_317 = arith.subf %gather3A_315, %gather3A_316 : vector<16xf32>
    %gather3A_318 = tpu.vector_load_idx %arg29[%get3A_309] : memref<10000xf32, #tpu.memory_space<vmem>>[vector<16xi32>], vector<16xf32>,
    %gather3A_319 = tpu.vector_load_idx %arg29[%get3A_311] : memref<10000xf32, #tpu.memory_space<vmem>>[vector<16xi32>], vector<16xf32>,
    %sub3A_320 = arith.subf %gather3A_318, %gather3A_319 : vector<16xf32>
    %mul3A_321 = arith.mulf %sub3A_314, %sub3A_314 : vector<16xf32>
    %mul3A_322 = arith.mulf %sub3A_317, %sub3A_317 : vector<16xf32>
    %add3A_323 = arith.addf %mul3A_321, %mul3A_322 : vector<16xf32>
    %mul3A_324 = arith.mulf %sub3A_320, %sub3A_320 : vector<16xf32>
    %add3A_325 = arith.addf %add3A_323, %mul3A_324 : vector<16xf32>
    %iota3A_326 = tpu.iota {dimensions = array<i32: 0>} : vector<16xi32>
    %add3A_327 = arith.constant 32 : i32
    %add3A_328 = vector.broadcast %add3A_327 : i32 to vector<16xi32>
    %add3A_329 = arith.addi %add3A_328, %iota3A_326 : vector<16xi32>
    %broadcast_in_dim3A_330 = arith.constant 0 : i32
    %broadcast_in_dim3A_331 = vector.broadcast %broadcast_in_dim3A_330 : i32 to vector<16xi32>
    tpu.vector_store_idx %arg24[%add3A_329, %broadcast_in_dim3A_331], %sub3A_314 : memref<80x16xf32, #tpu.memory_space<vmem>>[vector<16xi32>, vector<16xi32>], vector<16xf32>,
    %broadcast_in_dim3A_332 = arith.constant 1 : i32
    %broadcast_in_dim3A_333 = vector.broadcast %broadcast_in_dim3A_332 : i32 to vector<16xi32>
    tpu.vector_store_idx %arg24[%add3A_329, %broadcast_in_dim3A_333], %sub3A_317 : memref<80x16xf32, #tpu.memory_space<vmem>>[vector<16xi32>, vector<16xi32>], vector<16xf32>,
    %broadcast_in_dim3A_334 = arith.constant 2 : i32
    %broadcast_in_dim3A_335 = vector.broadcast %broadcast_in_dim3A_334 : i32 to vector<16xi32>
    tpu.vector_store_idx %arg24[%add3A_329, %broadcast_in_dim3A_335], %sub3A_320 : memref<80x16xf32, #tpu.memory_space<vmem>>[vector<16xi32>, vector<16xi32>], vector<16xf32>,
    %broadcast_in_dim3A_336 = arith.constant 3 : i32
    %broadcast_in_dim3A_337 = vector.broadcast %broadcast_in_dim3A_336 : i32 to vector<16xi32>
    tpu.vector_store_idx %arg24[%add3A_329, %broadcast_in_dim3A_337], %add3A_325 : memref<80x16xf32, #tpu.memory_space<vmem>>[vector<16xi32>, vector<16xi32>], vector<16xf32>,
    %get3A_338 = arith.constant 48 : index
    %get3A_339 = tpu.vector_load %arg12[%get3A_338] {strides = array<i32>} : memref<80xi32, #tpu.memory_space<vmem>>, vector<16xi32>,
    %get3A_340 = arith.constant 48 : index
    %get3A_341 = tpu.vector_load %arg15[%get3A_340] {strides = array<i32>} : memref<80xi32, #tpu.memory_space<vmem>>, vector<16xi32>,
    %gather3A_342 = tpu.vector_load_idx %arg27[%get3A_339] : memref<10000xf32, #tpu.memory_space<vmem>>[vector<16xi32>], vector<16xf32>,
    %gather3A_343 = tpu.vector_load_idx %arg27[%get3A_341] : memref<10000xf32, #tpu.memory_space<vmem>>[vector<16xi32>], vector<16xf32>,
    %sub3A_344 = arith.subf %gather3A_342, %gather3A_343 : vector<16xf32>
    %gather3A_345 = tpu.vector_load_idx %arg28[%get3A_339] : memref<10000xf32, #tpu.memory_space<vmem>>[vector<16xi32>], vector<16xf32>,
    %gather3A_346 = tpu.vector_load_idx %arg28[%get3A_341] : memref<10000xf32, #tpu.memory_space<vmem>>[vector<16xi32>], vector<16xf32>,
    %sub3A_347 = arith.subf %gather3A_345, %gather3A_346 : vector<16xf32>
    %gather3A_348 = tpu.vector_load_idx %arg29[%get3A_339] : memref<10000xf32, #tpu.memory_space<vmem>>[vector<16xi32>], vector<16xf32>,
    %gather3A_349 = tpu.vector_load_idx %arg29[%get3A_341] : memref<10000xf32, #tpu.memory_space<vmem>>[vector<16xi32>], vector<16xf32>,
    %sub3A_350 = arith.subf %gather3A_348, %gather3A_349 : vector<16xf32>
    %mul3A_351 = arith.mulf %sub3A_344, %sub3A_344 : vector<16xf32>
    %mul3A_352 = arith.mulf %sub3A_347, %sub3A_347 : vector<16xf32>
    %add3A_353 = arith.addf %mul3A_351, %mul3A_352 : vector<16xf32>
    %mul3A_354 = arith.mulf %sub3A_350, %sub3A_350 : vector<16xf32>
    %add3A_355 = arith.addf %add3A_353, %mul3A_354 : vector<16xf32>
    %iota3A_356 = tpu.iota {dimensions = array<i32: 0>} : vector<16xi32>
    %add3A_357 = arith.constant 48 : i32
    %add3A_358 = vector.broadcast %add3A_357 : i32 to vector<16xi32>
    %add3A_359 = arith.addi %add3A_358, %iota3A_356 : vector<16xi32>
    %broadcast_in_dim3A_360 = arith.constant 0 : i32
    %broadcast_in_dim3A_361 = vector.broadcast %broadcast_in_dim3A_360 : i32 to vector<16xi32>
    tpu.vector_store_idx %arg24[%add3A_359, %broadcast_in_dim3A_361], %sub3A_344 : memref<80x16xf32, #tpu.memory_space<vmem>>[vector<16xi32>, vector<16xi32>], vector<16xf32>,
    %broadcast_in_dim3A_362 = arith.constant 1 : i32
    %broadcast_in_dim3A_363 = vector.broadcast %broadcast_in_dim3A_362 : i32 to vector<16xi32>
    tpu.vector_store_idx %arg24[%add3A_359, %broadcast_in_dim3A_363], %sub3A_347 : memref<80x16xf32, #tpu.memory_space<vmem>>[vector<16xi32>, vector<16xi32>], vector<16xf32>,
    %broadcast_in_dim3A_364 = arith.constant 2 : i32
    %broadcast_in_dim3A_365 = vector.broadcast %broadcast_in_dim3A_364 : i32 to vector<16xi32>
    tpu.vector_store_idx %arg24[%add3A_359, %broadcast_in_dim3A_365], %sub3A_350 : memref<80x16xf32, #tpu.memory_space<vmem>>[vector<16xi32>, vector<16xi32>], vector<16xf32>,
    %broadcast_in_dim3A_366 = arith.constant 3 : i32
    %broadcast_in_dim3A_367 = vector.broadcast %broadcast_in_dim3A_366 : i32 to vector<16xi32>
    tpu.vector_store_idx %arg24[%add3A_359, %broadcast_in_dim3A_367], %add3A_355 : memref<80x16xf32, #tpu.memory_space<vmem>>[vector<16xi32>, vector<16xi32>], vector<16xf32>,
    %get3A_368 = arith.constant 64 : index
    %get3A_369 = tpu.vector_load %arg12[%get3A_368] {strides = array<i32>} : memref<80xi32, #tpu.memory_space<vmem>>, vector<16xi32>,
    %get3A_370 = arith.constant 64 : index
    %get3A_371 = tpu.vector_load %arg15[%get3A_370] {strides = array<i32>} : memref<80xi32, #tpu.memory_space<vmem>>, vector<16xi32>,
    %gather3A_372 = tpu.vector_load_idx %arg27[%get3A_369] : memref<10000xf32, #tpu.memory_space<vmem>>[vector<16xi32>], vector<16xf32>,
    %gather3A_373 = tpu.vector_load_idx %arg27[%get3A_371] : memref<10000xf32, #tpu.memory_space<vmem>>[vector<16xi32>], vector<16xf32>,
    %sub3A_374 = arith.subf %gather3A_372, %gather3A_373 : vector<16xf32>
    %gather3A_375 = tpu.vector_load_idx %arg28[%get3A_369] : memref<10000xf32, #tpu.memory_space<vmem>>[vector<16xi32>], vector<16xf32>,
    %gather3A_376 = tpu.vector_load_idx %arg28[%get3A_371] : memref<10000xf32, #tpu.memory_space<vmem>>[vector<16xi32>], vector<16xf32>,
    %sub3A_377 = arith.subf %gather3A_375, %gather3A_376 : vector<16xf32>
    %gather3A_378 = tpu.vector_load_idx %arg29[%get3A_369] : memref<10000xf32, #tpu.memory_space<vmem>>[vector<16xi32>], vector<16xf32>,
    %gather3A_379 = tpu.vector_load_idx %arg29[%get3A_371] : memref<10000xf32, #tpu.memory_space<vmem>>[vector<16xi32>], vector<16xf32>,
    %sub3A_380 = arith.subf %gather3A_378, %gather3A_379 : vector<16xf32>
    %mul3A_381 = arith.mulf %sub3A_374, %sub3A_374 : vector<16xf32>
    %mul3A_382 = arith.mulf %sub3A_377, %sub3A_377 : vector<16xf32>
    %add3A_383 = arith.addf %mul3A_381, %mul3A_382 : vector<16xf32>
    %mul3A_384 = arith.mulf %sub3A_380, %sub3A_380 : vector<16xf32>
    %add3A_385 = arith.addf %add3A_383, %mul3A_384 : vector<16xf32>
    %iota3A_386 = tpu.iota {dimensions = array<i32: 0>} : vector<16xi32>
    %add3A_387 = arith.constant 64 : i32
    %add3A_388 = vector.broadcast %add3A_387 : i32 to vector<16xi32>
    %add3A_389 = arith.addi %add3A_388, %iota3A_386 : vector<16xi32>
    %broadcast_in_dim3A_390 = arith.constant 0 : i32
    %broadcast_in_dim3A_391 = vector.broadcast %broadcast_in_dim3A_390 : i32 to vector<16xi32>
    tpu.vector_store_idx %arg24[%add3A_389, %broadcast_in_dim3A_391], %sub3A_374 : memref<80x16xf32, #tpu.memory_space<vmem>>[vector<16xi32>, vector<16xi32>], vector<16xf32>,
    %broadcast_in_dim3A_392 = arith.constant 1 : i32
    %broadcast_in_dim3A_393 = vector.broadcast %broadcast_in_dim3A_392 : i32 to vector<16xi32>
    tpu.vector_store_idx %arg24[%add3A_389, %broadcast_in_dim3A_393], %sub3A_377 : memref<80x16xf32, #tpu.memory_space<vmem>>[vector<16xi32>, vector<16xi32>], vector<16xf32>,
    %broadcast_in_dim3A_394 = arith.constant 2 : i32
    %broadcast_in_dim3A_395 = vector.broadcast %broadcast_in_dim3A_394 : i32 to vector<16xi32>
    tpu.vector_store_idx %arg24[%add3A_389, %broadcast_in_dim3A_395], %sub3A_380 : memref<80x16xf32, #tpu.memory_space<vmem>>[vector<16xi32>, vector<16xi32>], vector<16xf32>,
    %broadcast_in_dim3A_396 = arith.constant 3 : i32
    %broadcast_in_dim3A_397 = vector.broadcast %broadcast_in_dim3A_396 : i32 to vector<16xi32>
    tpu.vector_store_idx %arg24[%add3A_389, %broadcast_in_dim3A_397], %add3A_385 : memref<80x16xf32, #tpu.memory_space<vmem>>[vector<16xi32>, vector<16xi32>], vector<16xf32>,
    %dma_wait3A_398 = arith.constant 0 : i32
    %dma_wait3A_399 = arith.constant 0 : i32
    %dma_wait3A_400 = tpu.memref_slice %arg2[%dma_wait3A_398, %dma_wait3A_399] : memref<10000x128xf32, #tpu.memory_space<hbm>> -> memref<10000x128xf32, #tpu.memory_space<hbm>>
    tpu.wait_indirect_dma semaphore(%arg33 : memref<!tpu.dma_semaphore, #tpu.memory_space<semaphore_mem>>) src(%dma_wait3A_400 : memref<10000x128xf32, #tpu.memory_space<hbm>>) dst(%arg18 : memref<80x128xf32, #tpu.memory_space<vmem>>)
    %dma_wait3A_401 = arith.constant 0 : i32
    %dma_wait3A_402 = arith.constant 0 : i32
    %dma_wait3A_403 = tpu.memref_slice %arg3[%dma_wait3A_401, %dma_wait3A_402] : memref<10000x128xf32, #tpu.memory_space<hbm>> -> memref<10000x128xf32, #tpu.memory_space<hbm>>
    tpu.wait_indirect_dma semaphore(%arg33 : memref<!tpu.dma_semaphore, #tpu.memory_space<semaphore_mem>>) src(%dma_wait3A_403 : memref<10000x128xf32, #tpu.memory_space<hbm>>) dst(%arg21 : memref<80x128xf32, #tpu.memory_space<vmem>>)
    %add3A_404 = arith.constant 9920 : i32
    %add3A_405 = arith.addi %mul3A_2, %add3A_404 : i32
    %dma_start3A_406 = arith.constant 0 : i32
    %dma_start3A_407 = tpu.memref_slice %arg9[%add3A_405, %dma_start3A_406] : memref<320000x128xf32, #tpu.memory_space<hbm>> -> memref<80x128xf32, #tpu.memory_space<hbm>>
    %dma_start3A_408 = arith.constant 0 : i32
    %dma_start3A_409 = tpu.memref_slice %arg9[%add3A_405, %dma_start3A_408] : memref<320000x128xf32, #tpu.memory_space<hbm>> -> memref<80x128xf32, #tpu.memory_space<hbm>>
    tpu.enqueue_dma source(%arg18 : memref<80x128xf32, #tpu.memory_space<vmem>>) target(%dma_start3A_409 : memref<80x128xf32, #tpu.memory_space<hbm>>) target_semaphore(%arg36 : memref<!tpu.dma_semaphore, #tpu.memory_space<semaphore_mem>>)
    %add3A_410 = arith.constant 9920 : i32
    %add3A_411 = arith.addi %mul3A_2, %add3A_410 : i32
    %dma_start3A_412 = arith.constant 0 : i32
    %dma_start3A_413 = tpu.memref_slice %arg10[%add3A_411, %dma_start3A_412] : memref<320000x128xf32, #tpu.memory_space<hbm>> -> memref<80x128xf32, #tpu.memory_space<hbm>>
    %dma_start3A_414 = arith.constant 0 : i32
    %dma_start3A_415 = tpu.memref_slice %arg10[%add3A_411, %dma_start3A_414] : memref<320000x128xf32, #tpu.memory_space<hbm>> -> memref<80x128xf32, #tpu.memory_space<hbm>>
    tpu.enqueue_dma source(%arg21 : memref<80x128xf32, #tpu.memory_space<vmem>>) target(%dma_start3A_415 : memref<80x128xf32, #tpu.memory_space<hbm>>) target_semaphore(%arg36 : memref<!tpu.dma_semaphore, #tpu.memory_space<semaphore_mem>>)
    %add3A_416 = arith.constant 9920 : i32
    %add3A_417 = arith.addi %mul3A_2, %add3A_416 : i32
    %dma_start3A_418 = arith.constant 0 : i32
    %dma_start3A_419 = tpu.memref_slice %arg11[%add3A_417, %dma_start3A_418] : memref<320000x16xf32, #tpu.memory_space<hbm>> -> memref<80x16xf32, #tpu.memory_space<hbm>>
    %dma_start3A_420 = arith.constant 0 : i32
    %dma_start3A_421 = tpu.memref_slice %arg11[%add3A_417, %dma_start3A_420] : memref<320000x16xf32, #tpu.memory_space<hbm>> -> memref<80x16xf32, #tpu.memory_space<hbm>>
    tpu.enqueue_dma source(%arg24 : memref<80x16xf32, #tpu.memory_space<vmem>>) target(%dma_start3A_421 : memref<80x16xf32, #tpu.memory_space<hbm>>) target_semaphore(%arg36 : memref<!tpu.dma_semaphore, #tpu.memory_space<semaphore_mem>>)
    %add3A_422 = arith.constant 9920 : i32
    %add3A_423 = arith.addi %mul3A_2, %add3A_422 : i32
    %dma_wait3A_424 = arith.constant 0 : i32
    %dma_wait3A_425 = tpu.memref_slice %arg9[%add3A_423, %dma_wait3A_424] : memref<320000x128xf32, #tpu.memory_space<hbm>> -> memref<80x128xf32, #tpu.memory_space<hbm>>
    %dma_wait3A_426 = arith.constant 0 : i32
    %dma_wait3A_427 = tpu.memref_slice %arg9[%add3A_423, %dma_wait3A_426] : memref<320000x128xf32, #tpu.memory_space<hbm>> -> memref<80x128xf32, #tpu.memory_space<hbm>>
    tpu.wait_dma2 semaphore(%arg36 : memref<!tpu.dma_semaphore, #tpu.memory_space<semaphore_mem>>) src(%arg18 : memref<80x128xf32, #tpu.memory_space<vmem>>) dst(%dma_wait3A_427 : memref<80x128xf32, #tpu.memory_space<hbm>>)
    %add3A_428 = arith.constant 9920 : i32
    %add3A_429 = arith.addi %mul3A_2, %add3A_428 : i32
    %dma_wait3A_430 = arith.constant 0 : i32
    %dma_wait3A_431 = tpu.memref_slice %arg10[%add3A_429, %dma_wait3A_430] : memref<320000x128xf32, #tpu.memory_space<hbm>> -> memref<80x128xf32, #tpu.memory_space<hbm>>
    %dma_wait3A_432 = arith.constant 0 : i32
    %dma_wait3A_433 = tpu.memref_slice %arg10[%add3A_429, %dma_wait3A_432] : memref<320000x128xf32, #tpu.memory_space<hbm>> -> memref<80x128xf32, #tpu.memory_space<hbm>>
    tpu.wait_dma2 semaphore(%arg36 : memref<!tpu.dma_semaphore, #tpu.memory_space<semaphore_mem>>) src(%arg21 : memref<80x128xf32, #tpu.memory_space<vmem>>) dst(%dma_wait3A_433 : memref<80x128xf32, #tpu.memory_space<hbm>>)
    %add3A_434 = arith.constant 9920 : i32
    %add3A_435 = arith.addi %mul3A_2, %add3A_434 : i32
    %dma_wait3A_436 = arith.constant 0 : i32
    %dma_wait3A_437 = tpu.memref_slice %arg11[%add3A_435, %dma_wait3A_436] : memref<320000x16xf32, #tpu.memory_space<hbm>> -> memref<80x16xf32, #tpu.memory_space<hbm>>
    %dma_wait3A_438 = arith.constant 0 : i32
    %dma_wait3A_439 = tpu.memref_slice %arg11[%add3A_435, %dma_wait3A_438] : memref<320000x16xf32, #tpu.memory_space<hbm>> -> memref<80x16xf32, #tpu.memory_space<hbm>>
    tpu.wait_dma2 semaphore(%arg36 : memref<!tpu.dma_semaphore, #tpu.memory_space<semaphore_mem>>) src(%arg24 : memref<80x16xf32, #tpu.memory_space<vmem>>) dst(%dma_wait3A_439 : memref<80x16xf32, #tpu.memory_space<hbm>>)
    %add3A_440 = arith.constant 0 : i32
    %add3A_441 = arith.addi %mul3A_2, %add3A_440 : i32
    %dma_start3A_442 = tpu.memref_slice %arg7[%add3A_441] : memref<320000xi32, #tpu.memory_space<hbm>> -> memref<80xi32, #tpu.memory_space<hbm>>
    %dma_start3A_443 = tpu.memref_slice %arg7[%add3A_441] : memref<320000xi32, #tpu.memory_space<hbm>> -> memref<80xi32, #tpu.memory_space<hbm>>
    tpu.enqueue_dma source(%dma_start3A_443 : memref<80xi32, #tpu.memory_space<hbm>>) target(%arg12 : memref<80xi32, #tpu.memory_space<vmem>>) target_semaphore(%arg30 : memref<!tpu.dma_semaphore, #tpu.memory_space<semaphore_mem>>)
    %add3A_444 = arith.constant 0 : i32
    %add3A_445 = arith.addi %mul3A_2, %add3A_444 : i32
    %dma_start3A_446 = tpu.memref_slice %arg8[%add3A_445] : memref<320000xi32, #tpu.memory_space<hbm>> -> memref<80xi32, #tpu.memory_space<hbm>>
    %dma_start3A_447 = tpu.memref_slice %arg8[%add3A_445] : memref<320000xi32, #tpu.memory_space<hbm>> -> memref<80xi32, #tpu.memory_space<hbm>>
    tpu.enqueue_dma source(%dma_start3A_447 : memref<80xi32, #tpu.memory_space<hbm>>) target(%arg15 : memref<80xi32, #tpu.memory_space<vmem>>) target_semaphore(%arg30 : memref<!tpu.dma_semaphore, #tpu.memory_space<semaphore_mem>>)
    %add3A_448 = arith.constant 80 : i32
    %add3A_449 = arith.addi %mul3A_2, %add3A_448 : i32
    %dma_start3A_450 = tpu.memref_slice %arg7[%add3A_449] : memref<320000xi32, #tpu.memory_space<hbm>> -> memref<80xi32, #tpu.memory_space<hbm>>
    %dma_start3A_451 = tpu.memref_slice %arg7[%add3A_449] : memref<320000xi32, #tpu.memory_space<hbm>> -> memref<80xi32, #tpu.memory_space<hbm>>
    tpu.enqueue_dma source(%dma_start3A_451 : memref<80xi32, #tpu.memory_space<hbm>>) target(%arg13 : memref<80xi32, #tpu.memory_space<vmem>>) target_semaphore(%arg31 : memref<!tpu.dma_semaphore, #tpu.memory_space<semaphore_mem>>)
    %add3A_452 = arith.constant 80 : i32
    %add3A_453 = arith.addi %mul3A_2, %add3A_452 : i32
    %dma_start3A_454 = tpu.memref_slice %arg8[%add3A_453] : memref<320000xi32, #tpu.memory_space<hbm>> -> memref<80xi32, #tpu.memory_space<hbm>>
    %dma_start3A_455 = tpu.memref_slice %arg8[%add3A_453] : memref<320000xi32, #tpu.memory_space<hbm>> -> memref<80xi32, #tpu.memory_space<hbm>>
    tpu.enqueue_dma source(%dma_start3A_455 : memref<80xi32, #tpu.memory_space<hbm>>) target(%arg16 : memref<80xi32, #tpu.memory_space<vmem>>) target_semaphore(%arg31 : memref<!tpu.dma_semaphore, #tpu.memory_space<semaphore_mem>>)
    %add3A_456 = arith.constant 160 : i32
    %add3A_457 = arith.addi %mul3A_2, %add3A_456 : i32
    %dma_start3A_458 = tpu.memref_slice %arg7[%add3A_457] : memref<320000xi32, #tpu.memory_space<hbm>> -> memref<80xi32, #tpu.memory_space<hbm>>
    %dma_start3A_459 = tpu.memref_slice %arg7[%add3A_457] : memref<320000xi32, #tpu.memory_space<hbm>> -> memref<80xi32, #tpu.memory_space<hbm>>
    tpu.enqueue_dma source(%dma_start3A_459 : memref<80xi32, #tpu.memory_space<hbm>>) target(%arg14 : memref<80xi32, #tpu.memory_space<vmem>>) target_semaphore(%arg32 : memref<!tpu.dma_semaphore, #tpu.memory_space<semaphore_mem>>)
    %add3A_460 = arith.constant 160 : i32
    %add3A_461 = arith.addi %mul3A_2, %add3A_460 : i32
    %dma_start3A_462 = tpu.memref_slice %arg8[%add3A_461] : memref<320000xi32, #tpu.memory_space<hbm>> -> memref<80xi32, #tpu.memory_space<hbm>>
    %dma_start3A_463 = tpu.memref_slice %arg8[%add3A_461] : memref<320000xi32, #tpu.memory_space<hbm>> -> memref<80xi32, #tpu.memory_space<hbm>>
    tpu.enqueue_dma source(%dma_start3A_463 : memref<80xi32, #tpu.memory_space<hbm>>) target(%arg17 : memref<80xi32, #tpu.memory_space<vmem>>) target_semaphore(%arg32 : memref<!tpu.dma_semaphore, #tpu.memory_space<semaphore_mem>>)
    %scan3A_464 = arith.constant 0 : i32
    %scan3A_465 = arith.constant 41 : i32
    %scan3A_466 = arith.addi %scan3A_464, %scan3A_465 : i32
    %scan3A_467 = arith.constant 1 : i32
    scf.for %scan3A_523 = %scan3A_464 to %scan3A_466 step %scan3A_467  : i32 {
      %mul3A_524 = arith.constant 1 : i32
      %mul3A_525 = arith.muli %scan3A_523, %mul3A_524 : i32
      %add3A_526 = arith.constant 0 : i32
      %add3A_527 = arith.addi %add3A_526, %mul3A_525 : i32
      %mul3A_528 = arith.constant 3 : i32
      %mul3A_529 = arith.muli %add3A_527, %mul3A_528 : i32
      %add3A_530 = arith.constant 0 : i32
      %add3A_531 = arith.addi %mul3A_529, %add3A_530 : i32
      %gt3A = arith.constant 0 : i32
      %gt3A_532 = arith.cmpi sgt, %add3A_527, %gt3A : i32
      %convert_element_type3A = arith.extui %gt3A_532 : i1 to i32
      %cond3A = arith.constant 0 : i32
      %cond3A_533 = arith.cmpi ne, %convert_element_type3A, %cond3A : i32
      scf.if %cond3A_533 {
        %sub3A_1151 = arith.constant 3 : i32
        %sub3A_1152 = arith.subi %add3A_531, %sub3A_1151 : i32
        %mul3A_1153 = arith.constant 80 : i32
        %mul3A_1154 = arith.muli %sub3A_1152, %mul3A_1153 : i32
        %add3A_1155 = arith.addi %mul3A_2, %mul3A_1154 : i32
        %dma_wait3A_1156 = arith.constant 0 : i32
        %dma_wait3A_1157 = tpu.memref_slice %arg9[%add3A_1155, %dma_wait3A_1156] : memref<320000x128xf32, #tpu.memory_space<hbm>> -> memref<80x128xf32, #tpu.memory_space<hbm>>
        %dma_wait3A_1158 = arith.constant 0 : i32
        %dma_wait3A_1159 = tpu.memref_slice %arg9[%add3A_1155, %dma_wait3A_1158] : memref<320000x128xf32, #tpu.memory_space<hbm>> -> memref<80x128xf32, #tpu.memory_space<hbm>>
        tpu.wait_dma2 semaphore(%arg36 : memref<!tpu.dma_semaphore, #tpu.memory_space<semaphore_mem>>) src(%arg18 : memref<80x128xf32, #tpu.memory_space<vmem>>) dst(%dma_wait3A_1159 : memref<80x128xf32, #tpu.memory_space<hbm>>)
        %sub3A_1160 = arith.constant 3 : i32
        %sub3A_1161 = arith.subi %add3A_531, %sub3A_1160 : i32
        %mul3A_1162 = arith.constant 80 : i32
        %mul3A_1163 = arith.muli %sub3A_1161, %mul3A_1162 : i32
        %add3A_1164 = arith.addi %mul3A_2, %mul3A_1163 : i32
        %dma_wait3A_1165 = arith.constant 0 : i32
        %dma_wait3A_1166 = tpu.memref_slice %arg10[%add3A_1164, %dma_wait3A_1165] : memref<320000x128xf32, #tpu.memory_space<hbm>> -> memref<80x128xf32, #tpu.memory_space<hbm>>
        %dma_wait3A_1167 = arith.constant 0 : i32
        %dma_wait3A_1168 = tpu.memref_slice %arg10[%add3A_1164, %dma_wait3A_1167] : memref<320000x128xf32, #tpu.memory_space<hbm>> -> memref<80x128xf32, #tpu.memory_space<hbm>>
        tpu.wait_dma2 semaphore(%arg36 : memref<!tpu.dma_semaphore, #tpu.memory_space<semaphore_mem>>) src(%arg21 : memref<80x128xf32, #tpu.memory_space<vmem>>) dst(%dma_wait3A_1168 : memref<80x128xf32, #tpu.memory_space<hbm>>)
        %sub3A_1169 = arith.constant 3 : i32
        %sub3A_1170 = arith.subi %add3A_531, %sub3A_1169 : i32
        %mul3A_1171 = arith.constant 80 : i32
        %mul3A_1172 = arith.muli %sub3A_1170, %mul3A_1171 : i32
        %add3A_1173 = arith.addi %mul3A_2, %mul3A_1172 : i32
        %dma_wait3A_1174 = arith.constant 0 : i32
        %dma_wait3A_1175 = tpu.memref_slice %arg11[%add3A_1173, %dma_wait3A_1174] : memref<320000x16xf32, #tpu.memory_space<hbm>> -> memref<80x16xf32, #tpu.memory_space<hbm>>
        %dma_wait3A_1176 = arith.constant 0 : i32
        %dma_wait3A_1177 = tpu.memref_slice %arg11[%add3A_1173, %dma_wait3A_1176] : memref<320000x16xf32, #tpu.memory_space<hbm>> -> memref<80x16xf32, #tpu.memory_space<hbm>>
        tpu.wait_dma2 semaphore(%arg36 : memref<!tpu.dma_semaphore, #tpu.memory_space<semaphore_mem>>) src(%arg24 : memref<80x16xf32, #tpu.memory_space<vmem>>) dst(%dma_wait3A_1177 : memref<80x16xf32, #tpu.memory_space<hbm>>)
      } else {
      }
      %mul3A_534 = arith.constant 80 : i32
      %mul3A_535 = arith.muli %add3A_531, %mul3A_534 : i32
      %add3A_536 = arith.addi %mul3A_2, %mul3A_535 : i32
      %dma_wait3A_537 = tpu.memref_slice %arg7[%add3A_536] : memref<320000xi32, #tpu.memory_space<hbm>> -> memref<80xi32, #tpu.memory_space<hbm>>
      %dma_wait3A_538 = tpu.memref_slice %arg7[%add3A_536] : memref<320000xi32, #tpu.memory_space<hbm>> -> memref<80xi32, #tpu.memory_space<hbm>>
      tpu.wait_dma2 semaphore(%arg30 : memref<!tpu.dma_semaphore, #tpu.memory_space<semaphore_mem>>) src(%dma_wait3A_538 : memref<80xi32, #tpu.memory_space<hbm>>) dst(%arg12 : memref<80xi32, #tpu.memory_space<vmem>>)
      %mul3A_539 = arith.constant 80 : i32
      %mul3A_540 = arith.muli %add3A_531, %mul3A_539 : i32
      %add3A_541 = arith.addi %mul3A_2, %mul3A_540 : i32
      %dma_wait3A_542 = tpu.memref_slice %arg8[%add3A_541] : memref<320000xi32, #tpu.memory_space<hbm>> -> memref<80xi32, #tpu.memory_space<hbm>>
      %dma_wait3A_543 = tpu.memref_slice %arg8[%add3A_541] : memref<320000xi32, #tpu.memory_space<hbm>> -> memref<80xi32, #tpu.memory_space<hbm>>
      tpu.wait_dma2 semaphore(%arg30 : memref<!tpu.dma_semaphore, #tpu.memory_space<semaphore_mem>>) src(%dma_wait3A_543 : memref<80xi32, #tpu.memory_space<hbm>>) dst(%arg15 : memref<80xi32, #tpu.memory_space<vmem>>)
      %dma_start3A_544 = arith.constant 0 : i32
      %dma_start3A_545 = arith.constant 0 : i32
      %dma_start3A_546 = tpu.memref_slice %arg2[%dma_start3A_544, %dma_start3A_545] : memref<10000x128xf32, #tpu.memory_space<hbm>> -> memref<10000x128xf32, #tpu.memory_space<hbm>>
      tpu.enqueue_indirect_dma source(%dma_start3A_546 : memref<10000x128xf32, #tpu.memory_space<hbm>>) target(%arg18 : memref<80x128xf32, #tpu.memory_space<vmem>>) offsets(%arg12 : memref<80xi32, #tpu.memory_space<vmem>>) semaphore(%arg33 : memref<!tpu.dma_semaphore, #tpu.memory_space<semaphore_mem>>)
      %dma_start3A_547 = arith.constant 0 : i32
      %dma_start3A_548 = arith.constant 0 : i32
      %dma_start3A_549 = tpu.memref_slice %arg3[%dma_start3A_547, %dma_start3A_548] : memref<10000x128xf32, #tpu.memory_space<hbm>> -> memref<10000x128xf32, #tpu.memory_space<hbm>>
      tpu.enqueue_indirect_dma source(%dma_start3A_549 : memref<10000x128xf32, #tpu.memory_space<hbm>>) target(%arg21 : memref<80x128xf32, #tpu.memory_space<vmem>>) offsets(%arg15 : memref<80xi32, #tpu.memory_space<vmem>>) semaphore(%arg33 : memref<!tpu.dma_semaphore, #tpu.memory_space<semaphore_mem>>)
      %get3A_550 = arith.constant 0 : index
      %get3A_551 = tpu.vector_load %arg12[%get3A_550] {strides = array<i32>} : memref<80xi32, #tpu.memory_space<vmem>>, vector<16xi32>,
      %get3A_552 = arith.constant 0 : index
      %get3A_553 = tpu.vector_load %arg15[%get3A_552] {strides = array<i32>} : memref<80xi32, #tpu.memory_space<vmem>>, vector<16xi32>,
      %gather3A_554 = tpu.vector_load_idx %arg27[%get3A_551] : memref<10000xf32, #tpu.memory_space<vmem>>[vector<16xi32>], vector<16xf32>,
      %gather3A_555 = tpu.vector_load_idx %arg27[%get3A_553] : memref<10000xf32, #tpu.memory_space<vmem>>[vector<16xi32>], vector<16xf32>,
      %sub3A_556 = arith.subf %gather3A_554, %gather3A_555 : vector<16xf32>
      %gather3A_557 = tpu.vector_load_idx %arg28[%get3A_551] : memref<10000xf32, #tpu.memory_space<vmem>>[vector<16xi32>], vector<16xf32>,
      %gather3A_558 = tpu.vector_load_idx %arg28[%get3A_553] : memref<10000xf32, #tpu.memory_space<vmem>>[vector<16xi32>], vector<16xf32>,
      %sub3A_559 = arith.subf %gather3A_557, %gather3A_558 : vector<16xf32>
      %gather3A_560 = tpu.vector_load_idx %arg29[%get3A_551] : memref<10000xf32, #tpu.memory_space<vmem>>[vector<16xi32>], vector<16xf32>,
      %gather3A_561 = tpu.vector_load_idx %arg29[%get3A_553] : memref<10000xf32, #tpu.memory_space<vmem>>[vector<16xi32>], vector<16xf32>,
      %sub3A_562 = arith.subf %gather3A_560, %gather3A_561 : vector<16xf32>
      %mul3A_563 = arith.mulf %sub3A_556, %sub3A_556 : vector<16xf32>
      %mul3A_564 = arith.mulf %sub3A_559, %sub3A_559 : vector<16xf32>
      %add3A_565 = arith.addf %mul3A_563, %mul3A_564 : vector<16xf32>
      %mul3A_566 = arith.mulf %sub3A_562, %sub3A_562 : vector<16xf32>
      %add3A_567 = arith.addf %add3A_565, %mul3A_566 : vector<16xf32>
      %iota3A_568 = tpu.iota {dimensions = array<i32: 0>} : vector<16xi32>
      %add3A_569 = arith.constant 0 : i32
      %add3A_570 = vector.broadcast %add3A_569 : i32 to vector<16xi32>
      %add3A_571 = arith.addi %add3A_570, %iota3A_568 : vector<16xi32>
      %broadcast_in_dim3A_572 = arith.constant 0 : i32
      %broadcast_in_dim3A_573 = vector.broadcast %broadcast_in_dim3A_572 : i32 to vector<16xi32>
      tpu.vector_store_idx %arg24[%add3A_571, %broadcast_in_dim3A_573], %sub3A_556 : memref<80x16xf32, #tpu.memory_space<vmem>>[vector<16xi32>, vector<16xi32>], vector<16xf32>,
      %broadcast_in_dim3A_574 = arith.constant 1 : i32
      %broadcast_in_dim3A_575 = vector.broadcast %broadcast_in_dim3A_574 : i32 to vector<16xi32>
      tpu.vector_store_idx %arg24[%add3A_571, %broadcast_in_dim3A_575], %sub3A_559 : memref<80x16xf32, #tpu.memory_space<vmem>>[vector<16xi32>, vector<16xi32>], vector<16xf32>,
      %broadcast_in_dim3A_576 = arith.constant 2 : i32
      %broadcast_in_dim3A_577 = vector.broadcast %broadcast_in_dim3A_576 : i32 to vector<16xi32>
      tpu.vector_store_idx %arg24[%add3A_571, %broadcast_in_dim3A_577], %sub3A_562 : memref<80x16xf32, #tpu.memory_space<vmem>>[vector<16xi32>, vector<16xi32>], vector<16xf32>,
      %broadcast_in_dim3A_578 = arith.constant 3 : i32
      %broadcast_in_dim3A_579 = vector.broadcast %broadcast_in_dim3A_578 : i32 to vector<16xi32>
      tpu.vector_store_idx %arg24[%add3A_571, %broadcast_in_dim3A_579], %add3A_567 : memref<80x16xf32, #tpu.memory_space<vmem>>[vector<16xi32>, vector<16xi32>], vector<16xf32>,
      %get3A_580 = arith.constant 16 : index
      %get3A_581 = tpu.vector_load %arg12[%get3A_580] {strides = array<i32>} : memref<80xi32, #tpu.memory_space<vmem>>, vector<16xi32>,
      %get3A_582 = arith.constant 16 : index
      %get3A_583 = tpu.vector_load %arg15[%get3A_582] {strides = array<i32>} : memref<80xi32, #tpu.memory_space<vmem>>, vector<16xi32>,
      %gather3A_584 = tpu.vector_load_idx %arg27[%get3A_581] : memref<10000xf32, #tpu.memory_space<vmem>>[vector<16xi32>], vector<16xf32>,
      %gather3A_585 = tpu.vector_load_idx %arg27[%get3A_583] : memref<10000xf32, #tpu.memory_space<vmem>>[vector<16xi32>], vector<16xf32>,
      %sub3A_586 = arith.subf %gather3A_584, %gather3A_585 : vector<16xf32>
      %gather3A_587 = tpu.vector_load_idx %arg28[%get3A_581] : memref<10000xf32, #tpu.memory_space<vmem>>[vector<16xi32>], vector<16xf32>,
      %gather3A_588 = tpu.vector_load_idx %arg28[%get3A_583] : memref<10000xf32, #tpu.memory_space<vmem>>[vector<16xi32>], vector<16xf32>,
      %sub3A_589 = arith.subf %gather3A_587, %gather3A_588 : vector<16xf32>
      %gather3A_590 = tpu.vector_load_idx %arg29[%get3A_581] : memref<10000xf32, #tpu.memory_space<vmem>>[vector<16xi32>], vector<16xf32>,
      %gather3A_591 = tpu.vector_load_idx %arg29[%get3A_583] : memref<10000xf32, #tpu.memory_space<vmem>>[vector<16xi32>], vector<16xf32>,
      %sub3A_592 = arith.subf %gather3A_590, %gather3A_591 : vector<16xf32>
      %mul3A_593 = arith.mulf %sub3A_586, %sub3A_586 : vector<16xf32>
      %mul3A_594 = arith.mulf %sub3A_589, %sub3A_589 : vector<16xf32>
      %add3A_595 = arith.addf %mul3A_593, %mul3A_594 : vector<16xf32>
      %mul3A_596 = arith.mulf %sub3A_592, %sub3A_592 : vector<16xf32>
      %add3A_597 = arith.addf %add3A_595, %mul3A_596 : vector<16xf32>
      %iota3A_598 = tpu.iota {dimensions = array<i32: 0>} : vector<16xi32>
      %add3A_599 = arith.constant 16 : i32
      %add3A_600 = vector.broadcast %add3A_599 : i32 to vector<16xi32>
      %add3A_601 = arith.addi %add3A_600, %iota3A_598 : vector<16xi32>
      %broadcast_in_dim3A_602 = arith.constant 0 : i32
      %broadcast_in_dim3A_603 = vector.broadcast %broadcast_in_dim3A_602 : i32 to vector<16xi32>
      tpu.vector_store_idx %arg24[%add3A_601, %broadcast_in_dim3A_603], %sub3A_586 : memref<80x16xf32, #tpu.memory_space<vmem>>[vector<16xi32>, vector<16xi32>], vector<16xf32>,
      %broadcast_in_dim3A_604 = arith.constant 1 : i32
      %broadcast_in_dim3A_605 = vector.broadcast %broadcast_in_dim3A_604 : i32 to vector<16xi32>
      tpu.vector_store_idx %arg24[%add3A_601, %broadcast_in_dim3A_605], %sub3A_589 : memref<80x16xf32, #tpu.memory_space<vmem>>[vector<16xi32>, vector<16xi32>], vector<16xf32>,
      %broadcast_in_dim3A_606 = arith.constant 2 : i32
      %broadcast_in_dim3A_607 = vector.broadcast %broadcast_in_dim3A_606 : i32 to vector<16xi32>
      tpu.vector_store_idx %arg24[%add3A_601, %broadcast_in_dim3A_607], %sub3A_592 : memref<80x16xf32, #tpu.memory_space<vmem>>[vector<16xi32>, vector<16xi32>], vector<16xf32>,
      %broadcast_in_dim3A_608 = arith.constant 3 : i32
      %broadcast_in_dim3A_609 = vector.broadcast %broadcast_in_dim3A_608 : i32 to vector<16xi32>
      tpu.vector_store_idx %arg24[%add3A_601, %broadcast_in_dim3A_609], %add3A_597 : memref<80x16xf32, #tpu.memory_space<vmem>>[vector<16xi32>, vector<16xi32>], vector<16xf32>,
      %get3A_610 = arith.constant 32 : index
      %get3A_611 = tpu.vector_load %arg12[%get3A_610] {strides = array<i32>} : memref<80xi32, #tpu.memory_space<vmem>>, vector<16xi32>,
      %get3A_612 = arith.constant 32 : index
      %get3A_613 = tpu.vector_load %arg15[%get3A_612] {strides = array<i32>} : memref<80xi32, #tpu.memory_space<vmem>>, vector<16xi32>,
      %gather3A_614 = tpu.vector_load_idx %arg27[%get3A_611] : memref<10000xf32, #tpu.memory_space<vmem>>[vector<16xi32>], vector<16xf32>,
      %gather3A_615 = tpu.vector_load_idx %arg27[%get3A_613] : memref<10000xf32, #tpu.memory_space<vmem>>[vector<16xi32>], vector<16xf32>,
      %sub3A_616 = arith.subf %gather3A_614, %gather3A_615 : vector<16xf32>
      %gather3A_617 = tpu.vector_load_idx %arg28[%get3A_611] : memref<10000xf32, #tpu.memory_space<vmem>>[vector<16xi32>], vector<16xf32>,
      %gather3A_618 = tpu.vector_load_idx %arg28[%get3A_613] : memref<10000xf32, #tpu.memory_space<vmem>>[vector<16xi32>], vector<16xf32>,
      %sub3A_619 = arith.subf %gather3A_617, %gather3A_618 : vector<16xf32>
      %gather3A_620 = tpu.vector_load_idx %arg29[%get3A_611] : memref<10000xf32, #tpu.memory_space<vmem>>[vector<16xi32>], vector<16xf32>,
      %gather3A_621 = tpu.vector_load_idx %arg29[%get3A_613] : memref<10000xf32, #tpu.memory_space<vmem>>[vector<16xi32>], vector<16xf32>,
      %sub3A_622 = arith.subf %gather3A_620, %gather3A_621 : vector<16xf32>
      %mul3A_623 = arith.mulf %sub3A_616, %sub3A_616 : vector<16xf32>
      %mul3A_624 = arith.mulf %sub3A_619, %sub3A_619 : vector<16xf32>
      %add3A_625 = arith.addf %mul3A_623, %mul3A_624 : vector<16xf32>
      %mul3A_626 = arith.mulf %sub3A_622, %sub3A_622 : vector<16xf32>
      %add3A_627 = arith.addf %add3A_625, %mul3A_626 : vector<16xf32>
      %iota3A_628 = tpu.iota {dimensions = array<i32: 0>} : vector<16xi32>
      %add3A_629 = arith.constant 32 : i32
      %add3A_630 = vector.broadcast %add3A_629 : i32 to vector<16xi32>
      %add3A_631 = arith.addi %add3A_630, %iota3A_628 : vector<16xi32>
      %broadcast_in_dim3A_632 = arith.constant 0 : i32
      %broadcast_in_dim3A_633 = vector.broadcast %broadcast_in_dim3A_632 : i32 to vector<16xi32>
      tpu.vector_store_idx %arg24[%add3A_631, %broadcast_in_dim3A_633], %sub3A_616 : memref<80x16xf32, #tpu.memory_space<vmem>>[vector<16xi32>, vector<16xi32>], vector<16xf32>,
      %broadcast_in_dim3A_634 = arith.constant 1 : i32
      %broadcast_in_dim3A_635 = vector.broadcast %broadcast_in_dim3A_634 : i32 to vector<16xi32>
      tpu.vector_store_idx %arg24[%add3A_631, %broadcast_in_dim3A_635], %sub3A_619 : memref<80x16xf32, #tpu.memory_space<vmem>>[vector<16xi32>, vector<16xi32>], vector<16xf32>,
      %broadcast_in_dim3A_636 = arith.constant 2 : i32
      %broadcast_in_dim3A_637 = vector.broadcast %broadcast_in_dim3A_636 : i32 to vector<16xi32>
      tpu.vector_store_idx %arg24[%add3A_631, %broadcast_in_dim3A_637], %sub3A_622 : memref<80x16xf32, #tpu.memory_space<vmem>>[vector<16xi32>, vector<16xi32>], vector<16xf32>,
      %broadcast_in_dim3A_638 = arith.constant 3 : i32
      %broadcast_in_dim3A_639 = vector.broadcast %broadcast_in_dim3A_638 : i32 to vector<16xi32>
      tpu.vector_store_idx %arg24[%add3A_631, %broadcast_in_dim3A_639], %add3A_627 : memref<80x16xf32, #tpu.memory_space<vmem>>[vector<16xi32>, vector<16xi32>], vector<16xf32>,
      %get3A_640 = arith.constant 48 : index
      %get3A_641 = tpu.vector_load %arg12[%get3A_640] {strides = array<i32>} : memref<80xi32, #tpu.memory_space<vmem>>, vector<16xi32>,
      %get3A_642 = arith.constant 48 : index
      %get3A_643 = tpu.vector_load %arg15[%get3A_642] {strides = array<i32>} : memref<80xi32, #tpu.memory_space<vmem>>, vector<16xi32>,
      %gather3A_644 = tpu.vector_load_idx %arg27[%get3A_641] : memref<10000xf32, #tpu.memory_space<vmem>>[vector<16xi32>], vector<16xf32>,
      %gather3A_645 = tpu.vector_load_idx %arg27[%get3A_643] : memref<10000xf32, #tpu.memory_space<vmem>>[vector<16xi32>], vector<16xf32>,
      %sub3A_646 = arith.subf %gather3A_644, %gather3A_645 : vector<16xf32>
      %gather3A_647 = tpu.vector_load_idx %arg28[%get3A_641] : memref<10000xf32, #tpu.memory_space<vmem>>[vector<16xi32>], vector<16xf32>,
      %gather3A_648 = tpu.vector_load_idx %arg28[%get3A_643] : memref<10000xf32, #tpu.memory_space<vmem>>[vector<16xi32>], vector<16xf32>,
      %sub3A_649 = arith.subf %gather3A_647, %gather3A_648 : vector<16xf32>
      %gather3A_650 = tpu.vector_load_idx %arg29[%get3A_641] : memref<10000xf32, #tpu.memory_space<vmem>>[vector<16xi32>], vector<16xf32>,
      %gather3A_651 = tpu.vector_load_idx %arg29[%get3A_643] : memref<10000xf32, #tpu.memory_space<vmem>>[vector<16xi32>], vector<16xf32>,
      %sub3A_652 = arith.subf %gather3A_650, %gather3A_651 : vector<16xf32>
      %mul3A_653 = arith.mulf %sub3A_646, %sub3A_646 : vector<16xf32>
      %mul3A_654 = arith.mulf %sub3A_649, %sub3A_649 : vector<16xf32>
      %add3A_655 = arith.addf %mul3A_653, %mul3A_654 : vector<16xf32>
      %mul3A_656 = arith.mulf %sub3A_652, %sub3A_652 : vector<16xf32>
      %add3A_657 = arith.addf %add3A_655, %mul3A_656 : vector<16xf32>
      %iota3A_658 = tpu.iota {dimensions = array<i32: 0>} : vector<16xi32>
      %add3A_659 = arith.constant 48 : i32
      %add3A_660 = vector.broadcast %add3A_659 : i32 to vector<16xi32>
      %add3A_661 = arith.addi %add3A_660, %iota3A_658 : vector<16xi32>
      %broadcast_in_dim3A_662 = arith.constant 0 : i32
      %broadcast_in_dim3A_663 = vector.broadcast %broadcast_in_dim3A_662 : i32 to vector<16xi32>
      tpu.vector_store_idx %arg24[%add3A_661, %broadcast_in_dim3A_663], %sub3A_646 : memref<80x16xf32, #tpu.memory_space<vmem>>[vector<16xi32>, vector<16xi32>], vector<16xf32>,
      %broadcast_in_dim3A_664 = arith.constant 1 : i32
      %broadcast_in_dim3A_665 = vector.broadcast %broadcast_in_dim3A_664 : i32 to vector<16xi32>
      tpu.vector_store_idx %arg24[%add3A_661, %broadcast_in_dim3A_665], %sub3A_649 : memref<80x16xf32, #tpu.memory_space<vmem>>[vector<16xi32>, vector<16xi32>], vector<16xf32>,
      %broadcast_in_dim3A_666 = arith.constant 2 : i32
      %broadcast_in_dim3A_667 = vector.broadcast %broadcast_in_dim3A_666 : i32 to vector<16xi32>
      tpu.vector_store_idx %arg24[%add3A_661, %broadcast_in_dim3A_667], %sub3A_652 : memref<80x16xf32, #tpu.memory_space<vmem>>[vector<16xi32>, vector<16xi32>], vector<16xf32>,
      %broadcast_in_dim3A_668 = arith.constant 3 : i32
      %broadcast_in_dim3A_669 = vector.broadcast %broadcast_in_dim3A_668 : i32 to vector<16xi32>
      tpu.vector_store_idx %arg24[%add3A_661, %broadcast_in_dim3A_669], %add3A_657 : memref<80x16xf32, #tpu.memory_space<vmem>>[vector<16xi32>, vector<16xi32>], vector<16xf32>,
      %get3A_670 = arith.constant 64 : index
      %get3A_671 = tpu.vector_load %arg12[%get3A_670] {strides = array<i32>} : memref<80xi32, #tpu.memory_space<vmem>>, vector<16xi32>,
      %get3A_672 = arith.constant 64 : index
      %get3A_673 = tpu.vector_load %arg15[%get3A_672] {strides = array<i32>} : memref<80xi32, #tpu.memory_space<vmem>>, vector<16xi32>,
      %gather3A_674 = tpu.vector_load_idx %arg27[%get3A_671] : memref<10000xf32, #tpu.memory_space<vmem>>[vector<16xi32>], vector<16xf32>,
      %gather3A_675 = tpu.vector_load_idx %arg27[%get3A_673] : memref<10000xf32, #tpu.memory_space<vmem>>[vector<16xi32>], vector<16xf32>,
      %sub3A_676 = arith.subf %gather3A_674, %gather3A_675 : vector<16xf32>
      %gather3A_677 = tpu.vector_load_idx %arg28[%get3A_671] : memref<10000xf32, #tpu.memory_space<vmem>>[vector<16xi32>], vector<16xf32>,
      %gather3A_678 = tpu.vector_load_idx %arg28[%get3A_673] : memref<10000xf32, #tpu.memory_space<vmem>>[vector<16xi32>], vector<16xf32>,
      %sub3A_679 = arith.subf %gather3A_677, %gather3A_678 : vector<16xf32>
      %gather3A_680 = tpu.vector_load_idx %arg29[%get3A_671] : memref<10000xf32, #tpu.memory_space<vmem>>[vector<16xi32>], vector<16xf32>,
      %gather3A_681 = tpu.vector_load_idx %arg29[%get3A_673] : memref<10000xf32, #tpu.memory_space<vmem>>[vector<16xi32>], vector<16xf32>,
      %sub3A_682 = arith.subf %gather3A_680, %gather3A_681 : vector<16xf32>
      %mul3A_683 = arith.mulf %sub3A_676, %sub3A_676 : vector<16xf32>
      %mul3A_684 = arith.mulf %sub3A_679, %sub3A_679 : vector<16xf32>
      %add3A_685 = arith.addf %mul3A_683, %mul3A_684 : vector<16xf32>
      %mul3A_686 = arith.mulf %sub3A_682, %sub3A_682 : vector<16xf32>
      %add3A_687 = arith.addf %add3A_685, %mul3A_686 : vector<16xf32>
      %iota3A_688 = tpu.iota {dimensions = array<i32: 0>} : vector<16xi32>
      %add3A_689 = arith.constant 64 : i32
      %add3A_690 = vector.broadcast %add3A_689 : i32 to vector<16xi32>
      %add3A_691 = arith.addi %add3A_690, %iota3A_688 : vector<16xi32>
      %broadcast_in_dim3A_692 = arith.constant 0 : i32
      %broadcast_in_dim3A_693 = vector.broadcast %broadcast_in_dim3A_692 : i32 to vector<16xi32>
      tpu.vector_store_idx %arg24[%add3A_691, %broadcast_in_dim3A_693], %sub3A_676 : memref<80x16xf32, #tpu.memory_space<vmem>>[vector<16xi32>, vector<16xi32>], vector<16xf32>,
      %broadcast_in_dim3A_694 = arith.constant 1 : i32
      %broadcast_in_dim3A_695 = vector.broadcast %broadcast_in_dim3A_694 : i32 to vector<16xi32>
      tpu.vector_store_idx %arg24[%add3A_691, %broadcast_in_dim3A_695], %sub3A_679 : memref<80x16xf32, #tpu.memory_space<vmem>>[vector<16xi32>, vector<16xi32>], vector<16xf32>,
      %broadcast_in_dim3A_696 = arith.constant 2 : i32
      %broadcast_in_dim3A_697 = vector.broadcast %broadcast_in_dim3A_696 : i32 to vector<16xi32>
      tpu.vector_store_idx %arg24[%add3A_691, %broadcast_in_dim3A_697], %sub3A_682 : memref<80x16xf32, #tpu.memory_space<vmem>>[vector<16xi32>, vector<16xi32>], vector<16xf32>,
      %broadcast_in_dim3A_698 = arith.constant 3 : i32
      %broadcast_in_dim3A_699 = vector.broadcast %broadcast_in_dim3A_698 : i32 to vector<16xi32>
      tpu.vector_store_idx %arg24[%add3A_691, %broadcast_in_dim3A_699], %add3A_687 : memref<80x16xf32, #tpu.memory_space<vmem>>[vector<16xi32>, vector<16xi32>], vector<16xf32>,
      %mul3A_700 = arith.constant 80 : i32
      %mul3A_701 = arith.muli %add3A_531, %mul3A_700 : i32
      %add3A_702 = arith.addi %mul3A_2, %mul3A_701 : i32
      %dma_start3A_703 = arith.constant 0 : i32
      %dma_start3A_704 = tpu.memref_slice %arg11[%add3A_702, %dma_start3A_703] : memref<320000x16xf32, #tpu.memory_space<hbm>> -> memref<80x16xf32, #tpu.memory_space<hbm>>
      %dma_start3A_705 = arith.constant 0 : i32
      %dma_start3A_706 = tpu.memref_slice %arg11[%add3A_702, %dma_start3A_705] : memref<320000x16xf32, #tpu.memory_space<hbm>> -> memref<80x16xf32, #tpu.memory_space<hbm>>
      tpu.enqueue_dma source(%arg24 : memref<80x16xf32, #tpu.memory_space<vmem>>) target(%dma_start3A_706 : memref<80x16xf32, #tpu.memory_space<hbm>>) target_semaphore(%arg36 : memref<!tpu.dma_semaphore, #tpu.memory_space<semaphore_mem>>)
      %dma_wait3A_707 = arith.constant 0 : i32
      %dma_wait3A_708 = arith.constant 0 : i32
      %dma_wait3A_709 = tpu.memref_slice %arg2[%dma_wait3A_707, %dma_wait3A_708] : memref<10000x128xf32, #tpu.memory_space<hbm>> -> memref<10000x128xf32, #tpu.memory_space<hbm>>
      tpu.wait_indirect_dma semaphore(%arg33 : memref<!tpu.dma_semaphore, #tpu.memory_space<semaphore_mem>>) src(%dma_wait3A_709 : memref<10000x128xf32, #tpu.memory_space<hbm>>) dst(%arg18 : memref<80x128xf32, #tpu.memory_space<vmem>>)
      %dma_wait3A_710 = arith.constant 0 : i32
      %dma_wait3A_711 = arith.constant 0 : i32
      %dma_wait3A_712 = tpu.memref_slice %arg3[%dma_wait3A_710, %dma_wait3A_711] : memref<10000x128xf32, #tpu.memory_space<hbm>> -> memref<10000x128xf32, #tpu.memory_space<hbm>>
      tpu.wait_indirect_dma semaphore(%arg33 : memref<!tpu.dma_semaphore, #tpu.memory_space<semaphore_mem>>) src(%dma_wait3A_712 : memref<10000x128xf32, #tpu.memory_space<hbm>>) dst(%arg21 : memref<80x128xf32, #tpu.memory_space<vmem>>)
      %mul3A_713 = arith.constant 80 : i32
      %mul3A_714 = arith.muli %add3A_531, %mul3A_713 : i32
      %add3A_715 = arith.addi %mul3A_2, %mul3A_714 : i32
      %dma_start3A_716 = arith.constant 0 : i32
      %dma_start3A_717 = tpu.memref_slice %arg9[%add3A_715, %dma_start3A_716] : memref<320000x128xf32, #tpu.memory_space<hbm>> -> memref<80x128xf32, #tpu.memory_space<hbm>>
      %dma_start3A_718 = arith.constant 0 : i32
      %dma_start3A_719 = tpu.memref_slice %arg9[%add3A_715, %dma_start3A_718] : memref<320000x128xf32, #tpu.memory_space<hbm>> -> memref<80x128xf32, #tpu.memory_space<hbm>>
      tpu.enqueue_dma source(%arg18 : memref<80x128xf32, #tpu.memory_space<vmem>>) target(%dma_start3A_719 : memref<80x128xf32, #tpu.memory_space<hbm>>) target_semaphore(%arg36 : memref<!tpu.dma_semaphore, #tpu.memory_space<semaphore_mem>>)
      %mul3A_720 = arith.constant 80 : i32
      %mul3A_721 = arith.muli %add3A_531, %mul3A_720 : i32
      %add3A_722 = arith.addi %mul3A_2, %mul3A_721 : i32
      %dma_start3A_723 = arith.constant 0 : i32
      %dma_start3A_724 = tpu.memref_slice %arg10[%add3A_722, %dma_start3A_723] : memref<320000x128xf32, #tpu.memory_space<hbm>> -> memref<80x128xf32, #tpu.memory_space<hbm>>
      %dma_start3A_725 = arith.constant 0 : i32
      %dma_start3A_726 = tpu.memref_slice %arg10[%add3A_722, %dma_start3A_725] : memref<320000x128xf32, #tpu.memory_space<hbm>> -> memref<80x128xf32, #tpu.memory_space<hbm>>
      tpu.enqueue_dma source(%arg21 : memref<80x128xf32, #tpu.memory_space<vmem>>) target(%dma_start3A_726 : memref<80x128xf32, #tpu.memory_space<hbm>>) target_semaphore(%arg36 : memref<!tpu.dma_semaphore, #tpu.memory_space<semaphore_mem>>)
      %add3A_727 = arith.constant 3 : i32
      %add3A_728 = arith.addi %add3A_531, %add3A_727 : i32
      %lt3A = arith.constant 123 : i32
      %lt3A_729 = arith.cmpi slt, %add3A_728, %lt3A : i32
      %convert_element_type3A_730 = arith.extui %lt3A_729 : i1 to i32
      %cond3A_731 = arith.constant 0 : i32
      %cond3A_732 = arith.cmpi ne, %convert_element_type3A_730, %cond3A_731 : i32
      scf.if %cond3A_732 {
        %add3A_1151 = arith.constant 3 : i32
        %add3A_1152 = arith.addi %add3A_531, %add3A_1151 : i32
        %mul3A_1153 = arith.constant 80 : i32
        %mul3A_1154 = arith.muli %add3A_1152, %mul3A_1153 : i32
        %add3A_1155 = arith.addi %mul3A_2, %mul3A_1154 : i32
        %dma_start3A_1156 = tpu.memref_slice %arg7[%add3A_1155] : memref<320000xi32, #tpu.memory_space<hbm>> -> memref<80xi32, #tpu.memory_space<hbm>>
        %dma_start3A_1157 = tpu.memref_slice %arg7[%add3A_1155] : memref<320000xi32, #tpu.memory_space<hbm>> -> memref<80xi32, #tpu.memory_space<hbm>>
        tpu.enqueue_dma source(%dma_start3A_1157 : memref<80xi32, #tpu.memory_space<hbm>>) target(%arg12 : memref<80xi32, #tpu.memory_space<vmem>>) target_semaphore(%arg30 : memref<!tpu.dma_semaphore, #tpu.memory_space<semaphore_mem>>)
        %add3A_1158 = arith.constant 3 : i32
        %add3A_1159 = arith.addi %add3A_531, %add3A_1158 : i32
        %mul3A_1160 = arith.constant 80 : i32
        %mul3A_1161 = arith.muli %add3A_1159, %mul3A_1160 : i32
        %add3A_1162 = arith.addi %mul3A_2, %mul3A_1161 : i32
        %dma_start3A_1163 = tpu.memref_slice %arg8[%add3A_1162] : memref<320000xi32, #tpu.memory_space<hbm>> -> memref<80xi32, #tpu.memory_space<hbm>>
        %dma_start3A_1164 = tpu.memref_slice %arg8[%add3A_1162] : memref<320000xi32, #tpu.memory_space<hbm>> -> memref<80xi32, #tpu.memory_space<hbm>>
        tpu.enqueue_dma source(%dma_start3A_1164 : memref<80xi32, #tpu.memory_space<hbm>>) target(%arg15 : memref<80xi32, #tpu.memory_space<vmem>>) target_semaphore(%arg30 : memref<!tpu.dma_semaphore, #tpu.memory_space<semaphore_mem>>)
      } else {
      }
      %mul3A_733 = arith.constant 3 : i32
      %mul3A_734 = arith.muli %add3A_527, %mul3A_733 : i32
      %add3A_735 = arith.constant 1 : i32
      %add3A_736 = arith.addi %mul3A_734, %add3A_735 : i32
      %gt3A_737 = arith.constant 0 : i32
      %gt3A_738 = arith.cmpi sgt, %add3A_527, %gt3A_737 : i32
      %convert_element_type3A_739 = arith.extui %gt3A_738 : i1 to i32
      %cond3A_740 = arith.constant 0 : i32
      %cond3A_741 = arith.cmpi ne, %convert_element_type3A_739, %cond3A_740 : i32
      scf.if %cond3A_741 {
        %sub3A_1151 = arith.constant 3 : i32
        %sub3A_1152 = arith.subi %add3A_736, %sub3A_1151 : i32
        %mul3A_1153 = arith.constant 80 : i32
        %mul3A_1154 = arith.muli %sub3A_1152, %mul3A_1153 : i32
        %add3A_1155 = arith.addi %mul3A_2, %mul3A_1154 : i32
        %dma_wait3A_1156 = arith.constant 0 : i32
        %dma_wait3A_1157 = tpu.memref_slice %arg9[%add3A_1155, %dma_wait3A_1156] : memref<320000x128xf32, #tpu.memory_space<hbm>> -> memref<80x128xf32, #tpu.memory_space<hbm>>
        %dma_wait3A_1158 = arith.constant 0 : i32
        %dma_wait3A_1159 = tpu.memref_slice %arg9[%add3A_1155, %dma_wait3A_1158] : memref<320000x128xf32, #tpu.memory_space<hbm>> -> memref<80x128xf32, #tpu.memory_space<hbm>>
        tpu.wait_dma2 semaphore(%arg37 : memref<!tpu.dma_semaphore, #tpu.memory_space<semaphore_mem>>) src(%arg19 : memref<80x128xf32, #tpu.memory_space<vmem>>) dst(%dma_wait3A_1159 : memref<80x128xf32, #tpu.memory_space<hbm>>)
        %sub3A_1160 = arith.constant 3 : i32
        %sub3A_1161 = arith.subi %add3A_736, %sub3A_1160 : i32
        %mul3A_1162 = arith.constant 80 : i32
        %mul3A_1163 = arith.muli %sub3A_1161, %mul3A_1162 : i32
        %add3A_1164 = arith.addi %mul3A_2, %mul3A_1163 : i32
        %dma_wait3A_1165 = arith.constant 0 : i32
        %dma_wait3A_1166 = tpu.memref_slice %arg10[%add3A_1164, %dma_wait3A_1165] : memref<320000x128xf32, #tpu.memory_space<hbm>> -> memref<80x128xf32, #tpu.memory_space<hbm>>
        %dma_wait3A_1167 = arith.constant 0 : i32
        %dma_wait3A_1168 = tpu.memref_slice %arg10[%add3A_1164, %dma_wait3A_1167] : memref<320000x128xf32, #tpu.memory_space<hbm>> -> memref<80x128xf32, #tpu.memory_space<hbm>>
        tpu.wait_dma2 semaphore(%arg37 : memref<!tpu.dma_semaphore, #tpu.memory_space<semaphore_mem>>) src(%arg22 : memref<80x128xf32, #tpu.memory_space<vmem>>) dst(%dma_wait3A_1168 : memref<80x128xf32, #tpu.memory_space<hbm>>)
        %sub3A_1169 = arith.constant 3 : i32
        %sub3A_1170 = arith.subi %add3A_736, %sub3A_1169 : i32
        %mul3A_1171 = arith.constant 80 : i32
        %mul3A_1172 = arith.muli %sub3A_1170, %mul3A_1171 : i32
        %add3A_1173 = arith.addi %mul3A_2, %mul3A_1172 : i32
        %dma_wait3A_1174 = arith.constant 0 : i32
        %dma_wait3A_1175 = tpu.memref_slice %arg11[%add3A_1173, %dma_wait3A_1174] : memref<320000x16xf32, #tpu.memory_space<hbm>> -> memref<80x16xf32, #tpu.memory_space<hbm>>
        %dma_wait3A_1176 = arith.constant 0 : i32
        %dma_wait3A_1177 = tpu.memref_slice %arg11[%add3A_1173, %dma_wait3A_1176] : memref<320000x16xf32, #tpu.memory_space<hbm>> -> memref<80x16xf32, #tpu.memory_space<hbm>>
        tpu.wait_dma2 semaphore(%arg37 : memref<!tpu.dma_semaphore, #tpu.memory_space<semaphore_mem>>) src(%arg25 : memref<80x16xf32, #tpu.memory_space<vmem>>) dst(%dma_wait3A_1177 : memref<80x16xf32, #tpu.memory_space<hbm>>)
      } else {
      }
      %mul3A_742 = arith.constant 80 : i32
      %mul3A_743 = arith.muli %add3A_736, %mul3A_742 : i32
      %add3A_744 = arith.addi %mul3A_2, %mul3A_743 : i32
      %dma_wait3A_745 = tpu.memref_slice %arg7[%add3A_744] : memref<320000xi32, #tpu.memory_space<hbm>> -> memref<80xi32, #tpu.memory_space<hbm>>
      %dma_wait3A_746 = tpu.memref_slice %arg7[%add3A_744] : memref<320000xi32, #tpu.memory_space<hbm>> -> memref<80xi32, #tpu.memory_space<hbm>>
      tpu.wait_dma2 semaphore(%arg31 : memref<!tpu.dma_semaphore, #tpu.memory_space<semaphore_mem>>) src(%dma_wait3A_746 : memref<80xi32, #tpu.memory_space<hbm>>) dst(%arg13 : memref<80xi32, #tpu.memory_space<vmem>>)
      %mul3A_747 = arith.constant 80 : i32
      %mul3A_748 = arith.muli %add3A_736, %mul3A_747 : i32
      %add3A_749 = arith.addi %mul3A_2, %mul3A_748 : i32
      %dma_wait3A_750 = tpu.memref_slice %arg8[%add3A_749] : memref<320000xi32, #tpu.memory_space<hbm>> -> memref<80xi32, #tpu.memory_space<hbm>>
      %dma_wait3A_751 = tpu.memref_slice %arg8[%add3A_749] : memref<320000xi32, #tpu.memory_space<hbm>> -> memref<80xi32, #tpu.memory_space<hbm>>
      tpu.wait_dma2 semaphore(%arg31 : memref<!tpu.dma_semaphore, #tpu.memory_space<semaphore_mem>>) src(%dma_wait3A_751 : memref<80xi32, #tpu.memory_space<hbm>>) dst(%arg16 : memref<80xi32, #tpu.memory_space<vmem>>)
      %dma_start3A_752 = arith.constant 0 : i32
      %dma_start3A_753 = arith.constant 0 : i32
      %dma_start3A_754 = tpu.memref_slice %arg2[%dma_start3A_752, %dma_start3A_753] : memref<10000x128xf32, #tpu.memory_space<hbm>> -> memref<10000x128xf32, #tpu.memory_space<hbm>>
      tpu.enqueue_indirect_dma source(%dma_start3A_754 : memref<10000x128xf32, #tpu.memory_space<hbm>>) target(%arg19 : memref<80x128xf32, #tpu.memory_space<vmem>>) offsets(%arg13 : memref<80xi32, #tpu.memory_space<vmem>>) semaphore(%arg34 : memref<!tpu.dma_semaphore, #tpu.memory_space<semaphore_mem>>)
      %dma_start3A_755 = arith.constant 0 : i32
      %dma_start3A_756 = arith.constant 0 : i32
      %dma_start3A_757 = tpu.memref_slice %arg3[%dma_start3A_755, %dma_start3A_756] : memref<10000x128xf32, #tpu.memory_space<hbm>> -> memref<10000x128xf32, #tpu.memory_space<hbm>>
      tpu.enqueue_indirect_dma source(%dma_start3A_757 : memref<10000x128xf32, #tpu.memory_space<hbm>>) target(%arg22 : memref<80x128xf32, #tpu.memory_space<vmem>>) offsets(%arg16 : memref<80xi32, #tpu.memory_space<vmem>>) semaphore(%arg34 : memref<!tpu.dma_semaphore, #tpu.memory_space<semaphore_mem>>)
      %get3A_758 = arith.constant 0 : index
      %get3A_759 = tpu.vector_load %arg13[%get3A_758] {strides = array<i32>} : memref<80xi32, #tpu.memory_space<vmem>>, vector<16xi32>,
      %get3A_760 = arith.constant 0 : index
      %get3A_761 = tpu.vector_load %arg16[%get3A_760] {strides = array<i32>} : memref<80xi32, #tpu.memory_space<vmem>>, vector<16xi32>,
      %gather3A_762 = tpu.vector_load_idx %arg27[%get3A_759] : memref<10000xf32, #tpu.memory_space<vmem>>[vector<16xi32>], vector<16xf32>,
      %gather3A_763 = tpu.vector_load_idx %arg27[%get3A_761] : memref<10000xf32, #tpu.memory_space<vmem>>[vector<16xi32>], vector<16xf32>,
      %sub3A_764 = arith.subf %gather3A_762, %gather3A_763 : vector<16xf32>
      %gather3A_765 = tpu.vector_load_idx %arg28[%get3A_759] : memref<10000xf32, #tpu.memory_space<vmem>>[vector<16xi32>], vector<16xf32>,
      %gather3A_766 = tpu.vector_load_idx %arg28[%get3A_761] : memref<10000xf32, #tpu.memory_space<vmem>>[vector<16xi32>], vector<16xf32>,
      %sub3A_767 = arith.subf %gather3A_765, %gather3A_766 : vector<16xf32>
      %gather3A_768 = tpu.vector_load_idx %arg29[%get3A_759] : memref<10000xf32, #tpu.memory_space<vmem>>[vector<16xi32>], vector<16xf32>,
      %gather3A_769 = tpu.vector_load_idx %arg29[%get3A_761] : memref<10000xf32, #tpu.memory_space<vmem>>[vector<16xi32>], vector<16xf32>,
      %sub3A_770 = arith.subf %gather3A_768, %gather3A_769 : vector<16xf32>
      %mul3A_771 = arith.mulf %sub3A_764, %sub3A_764 : vector<16xf32>
      %mul3A_772 = arith.mulf %sub3A_767, %sub3A_767 : vector<16xf32>
      %add3A_773 = arith.addf %mul3A_771, %mul3A_772 : vector<16xf32>
      %mul3A_774 = arith.mulf %sub3A_770, %sub3A_770 : vector<16xf32>
      %add3A_775 = arith.addf %add3A_773, %mul3A_774 : vector<16xf32>
      %iota3A_776 = tpu.iota {dimensions = array<i32: 0>} : vector<16xi32>
      %add3A_777 = arith.constant 0 : i32
      %add3A_778 = vector.broadcast %add3A_777 : i32 to vector<16xi32>
      %add3A_779 = arith.addi %add3A_778, %iota3A_776 : vector<16xi32>
      %broadcast_in_dim3A_780 = arith.constant 0 : i32
      %broadcast_in_dim3A_781 = vector.broadcast %broadcast_in_dim3A_780 : i32 to vector<16xi32>
      tpu.vector_store_idx %arg25[%add3A_779, %broadcast_in_dim3A_781], %sub3A_764 : memref<80x16xf32, #tpu.memory_space<vmem>>[vector<16xi32>, vector<16xi32>], vector<16xf32>,
      %broadcast_in_dim3A_782 = arith.constant 1 : i32
      %broadcast_in_dim3A_783 = vector.broadcast %broadcast_in_dim3A_782 : i32 to vector<16xi32>
      tpu.vector_store_idx %arg25[%add3A_779, %broadcast_in_dim3A_783], %sub3A_767 : memref<80x16xf32, #tpu.memory_space<vmem>>[vector<16xi32>, vector<16xi32>], vector<16xf32>,
      %broadcast_in_dim3A_784 = arith.constant 2 : i32
      %broadcast_in_dim3A_785 = vector.broadcast %broadcast_in_dim3A_784 : i32 to vector<16xi32>
      tpu.vector_store_idx %arg25[%add3A_779, %broadcast_in_dim3A_785], %sub3A_770 : memref<80x16xf32, #tpu.memory_space<vmem>>[vector<16xi32>, vector<16xi32>], vector<16xf32>,
      %broadcast_in_dim3A_786 = arith.constant 3 : i32
      %broadcast_in_dim3A_787 = vector.broadcast %broadcast_in_dim3A_786 : i32 to vector<16xi32>
      tpu.vector_store_idx %arg25[%add3A_779, %broadcast_in_dim3A_787], %add3A_775 : memref<80x16xf32, #tpu.memory_space<vmem>>[vector<16xi32>, vector<16xi32>], vector<16xf32>,
      %get3A_788 = arith.constant 16 : index
      %get3A_789 = tpu.vector_load %arg13[%get3A_788] {strides = array<i32>} : memref<80xi32, #tpu.memory_space<vmem>>, vector<16xi32>,
      %get3A_790 = arith.constant 16 : index
      %get3A_791 = tpu.vector_load %arg16[%get3A_790] {strides = array<i32>} : memref<80xi32, #tpu.memory_space<vmem>>, vector<16xi32>,
      %gather3A_792 = tpu.vector_load_idx %arg27[%get3A_789] : memref<10000xf32, #tpu.memory_space<vmem>>[vector<16xi32>], vector<16xf32>,
      %gather3A_793 = tpu.vector_load_idx %arg27[%get3A_791] : memref<10000xf32, #tpu.memory_space<vmem>>[vector<16xi32>], vector<16xf32>,
      %sub3A_794 = arith.subf %gather3A_792, %gather3A_793 : vector<16xf32>
      %gather3A_795 = tpu.vector_load_idx %arg28[%get3A_789] : memref<10000xf32, #tpu.memory_space<vmem>>[vector<16xi32>], vector<16xf32>,
      %gather3A_796 = tpu.vector_load_idx %arg28[%get3A_791] : memref<10000xf32, #tpu.memory_space<vmem>>[vector<16xi32>], vector<16xf32>,
      %sub3A_797 = arith.subf %gather3A_795, %gather3A_796 : vector<16xf32>
      %gather3A_798 = tpu.vector_load_idx %arg29[%get3A_789] : memref<10000xf32, #tpu.memory_space<vmem>>[vector<16xi32>], vector<16xf32>,
      %gather3A_799 = tpu.vector_load_idx %arg29[%get3A_791] : memref<10000xf32, #tpu.memory_space<vmem>>[vector<16xi32>], vector<16xf32>,
      %sub3A_800 = arith.subf %gather3A_798, %gather3A_799 : vector<16xf32>
      %mul3A_801 = arith.mulf %sub3A_794, %sub3A_794 : vector<16xf32>
      %mul3A_802 = arith.mulf %sub3A_797, %sub3A_797 : vector<16xf32>
      %add3A_803 = arith.addf %mul3A_801, %mul3A_802 : vector<16xf32>
      %mul3A_804 = arith.mulf %sub3A_800, %sub3A_800 : vector<16xf32>
      %add3A_805 = arith.addf %add3A_803, %mul3A_804 : vector<16xf32>
      %iota3A_806 = tpu.iota {dimensions = array<i32: 0>} : vector<16xi32>
      %add3A_807 = arith.constant 16 : i32
      %add3A_808 = vector.broadcast %add3A_807 : i32 to vector<16xi32>
      %add3A_809 = arith.addi %add3A_808, %iota3A_806 : vector<16xi32>
      %broadcast_in_dim3A_810 = arith.constant 0 : i32
      %broadcast_in_dim3A_811 = vector.broadcast %broadcast_in_dim3A_810 : i32 to vector<16xi32>
      tpu.vector_store_idx %arg25[%add3A_809, %broadcast_in_dim3A_811], %sub3A_794 : memref<80x16xf32, #tpu.memory_space<vmem>>[vector<16xi32>, vector<16xi32>], vector<16xf32>,
      %broadcast_in_dim3A_812 = arith.constant 1 : i32
      %broadcast_in_dim3A_813 = vector.broadcast %broadcast_in_dim3A_812 : i32 to vector<16xi32>
      tpu.vector_store_idx %arg25[%add3A_809, %broadcast_in_dim3A_813], %sub3A_797 : memref<80x16xf32, #tpu.memory_space<vmem>>[vector<16xi32>, vector<16xi32>], vector<16xf32>,
      %broadcast_in_dim3A_814 = arith.constant 2 : i32
      %broadcast_in_dim3A_815 = vector.broadcast %broadcast_in_dim3A_814 : i32 to vector<16xi32>
      tpu.vector_store_idx %arg25[%add3A_809, %broadcast_in_dim3A_815], %sub3A_800 : memref<80x16xf32, #tpu.memory_space<vmem>>[vector<16xi32>, vector<16xi32>], vector<16xf32>,
      %broadcast_in_dim3A_816 = arith.constant 3 : i32
      %broadcast_in_dim3A_817 = vector.broadcast %broadcast_in_dim3A_816 : i32 to vector<16xi32>
      tpu.vector_store_idx %arg25[%add3A_809, %broadcast_in_dim3A_817], %add3A_805 : memref<80x16xf32, #tpu.memory_space<vmem>>[vector<16xi32>, vector<16xi32>], vector<16xf32>,
      %get3A_818 = arith.constant 32 : index
      %get3A_819 = tpu.vector_load %arg13[%get3A_818] {strides = array<i32>} : memref<80xi32, #tpu.memory_space<vmem>>, vector<16xi32>,
      %get3A_820 = arith.constant 32 : index
      %get3A_821 = tpu.vector_load %arg16[%get3A_820] {strides = array<i32>} : memref<80xi32, #tpu.memory_space<vmem>>, vector<16xi32>,
      %gather3A_822 = tpu.vector_load_idx %arg27[%get3A_819] : memref<10000xf32, #tpu.memory_space<vmem>>[vector<16xi32>], vector<16xf32>,
      %gather3A_823 = tpu.vector_load_idx %arg27[%get3A_821] : memref<10000xf32, #tpu.memory_space<vmem>>[vector<16xi32>], vector<16xf32>,
      %sub3A_824 = arith.subf %gather3A_822, %gather3A_823 : vector<16xf32>
      %gather3A_825 = tpu.vector_load_idx %arg28[%get3A_819] : memref<10000xf32, #tpu.memory_space<vmem>>[vector<16xi32>], vector<16xf32>,
      %gather3A_826 = tpu.vector_load_idx %arg28[%get3A_821] : memref<10000xf32, #tpu.memory_space<vmem>>[vector<16xi32>], vector<16xf32>,
      %sub3A_827 = arith.subf %gather3A_825, %gather3A_826 : vector<16xf32>
      %gather3A_828 = tpu.vector_load_idx %arg29[%get3A_819] : memref<10000xf32, #tpu.memory_space<vmem>>[vector<16xi32>], vector<16xf32>,
      %gather3A_829 = tpu.vector_load_idx %arg29[%get3A_821] : memref<10000xf32, #tpu.memory_space<vmem>>[vector<16xi32>], vector<16xf32>,
      %sub3A_830 = arith.subf %gather3A_828, %gather3A_829 : vector<16xf32>
      %mul3A_831 = arith.mulf %sub3A_824, %sub3A_824 : vector<16xf32>
      %mul3A_832 = arith.mulf %sub3A_827, %sub3A_827 : vector<16xf32>
      %add3A_833 = arith.addf %mul3A_831, %mul3A_832 : vector<16xf32>
      %mul3A_834 = arith.mulf %sub3A_830, %sub3A_830 : vector<16xf32>
      %add3A_835 = arith.addf %add3A_833, %mul3A_834 : vector<16xf32>
      %iota3A_836 = tpu.iota {dimensions = array<i32: 0>} : vector<16xi32>
      %add3A_837 = arith.constant 32 : i32
      %add3A_838 = vector.broadcast %add3A_837 : i32 to vector<16xi32>
      %add3A_839 = arith.addi %add3A_838, %iota3A_836 : vector<16xi32>
      %broadcast_in_dim3A_840 = arith.constant 0 : i32
      %broadcast_in_dim3A_841 = vector.broadcast %broadcast_in_dim3A_840 : i32 to vector<16xi32>
      tpu.vector_store_idx %arg25[%add3A_839, %broadcast_in_dim3A_841], %sub3A_824 : memref<80x16xf32, #tpu.memory_space<vmem>>[vector<16xi32>, vector<16xi32>], vector<16xf32>,
      %broadcast_in_dim3A_842 = arith.constant 1 : i32
      %broadcast_in_dim3A_843 = vector.broadcast %broadcast_in_dim3A_842 : i32 to vector<16xi32>
      tpu.vector_store_idx %arg25[%add3A_839, %broadcast_in_dim3A_843], %sub3A_827 : memref<80x16xf32, #tpu.memory_space<vmem>>[vector<16xi32>, vector<16xi32>], vector<16xf32>,
      %broadcast_in_dim3A_844 = arith.constant 2 : i32
      %broadcast_in_dim3A_845 = vector.broadcast %broadcast_in_dim3A_844 : i32 to vector<16xi32>
      tpu.vector_store_idx %arg25[%add3A_839, %broadcast_in_dim3A_845], %sub3A_830 : memref<80x16xf32, #tpu.memory_space<vmem>>[vector<16xi32>, vector<16xi32>], vector<16xf32>,
      %broadcast_in_dim3A_846 = arith.constant 3 : i32
      %broadcast_in_dim3A_847 = vector.broadcast %broadcast_in_dim3A_846 : i32 to vector<16xi32>
      tpu.vector_store_idx %arg25[%add3A_839, %broadcast_in_dim3A_847], %add3A_835 : memref<80x16xf32, #tpu.memory_space<vmem>>[vector<16xi32>, vector<16xi32>], vector<16xf32>,
      %get3A_848 = arith.constant 48 : index
      %get3A_849 = tpu.vector_load %arg13[%get3A_848] {strides = array<i32>} : memref<80xi32, #tpu.memory_space<vmem>>, vector<16xi32>,
      %get3A_850 = arith.constant 48 : index
      %get3A_851 = tpu.vector_load %arg16[%get3A_850] {strides = array<i32>} : memref<80xi32, #tpu.memory_space<vmem>>, vector<16xi32>,
      %gather3A_852 = tpu.vector_load_idx %arg27[%get3A_849] : memref<10000xf32, #tpu.memory_space<vmem>>[vector<16xi32>], vector<16xf32>,
      %gather3A_853 = tpu.vector_load_idx %arg27[%get3A_851] : memref<10000xf32, #tpu.memory_space<vmem>>[vector<16xi32>], vector<16xf32>,
      %sub3A_854 = arith.subf %gather3A_852, %gather3A_853 : vector<16xf32>
      %gather3A_855 = tpu.vector_load_idx %arg28[%get3A_849] : memref<10000xf32, #tpu.memory_space<vmem>>[vector<16xi32>], vector<16xf32>,
      %gather3A_856 = tpu.vector_load_idx %arg28[%get3A_851] : memref<10000xf32, #tpu.memory_space<vmem>>[vector<16xi32>], vector<16xf32>,
      %sub3A_857 = arith.subf %gather3A_855, %gather3A_856 : vector<16xf32>
      %gather3A_858 = tpu.vector_load_idx %arg29[%get3A_849] : memref<10000xf32, #tpu.memory_space<vmem>>[vector<16xi32>], vector<16xf32>,
      %gather3A_859 = tpu.vector_load_idx %arg29[%get3A_851] : memref<10000xf32, #tpu.memory_space<vmem>>[vector<16xi32>], vector<16xf32>,
      %sub3A_860 = arith.subf %gather3A_858, %gather3A_859 : vector<16xf32>
      %mul3A_861 = arith.mulf %sub3A_854, %sub3A_854 : vector<16xf32>
      %mul3A_862 = arith.mulf %sub3A_857, %sub3A_857 : vector<16xf32>
      %add3A_863 = arith.addf %mul3A_861, %mul3A_862 : vector<16xf32>
      %mul3A_864 = arith.mulf %sub3A_860, %sub3A_860 : vector<16xf32>
      %add3A_865 = arith.addf %add3A_863, %mul3A_864 : vector<16xf32>
      %iota3A_866 = tpu.iota {dimensions = array<i32: 0>} : vector<16xi32>
      %add3A_867 = arith.constant 48 : i32
      %add3A_868 = vector.broadcast %add3A_867 : i32 to vector<16xi32>
      %add3A_869 = arith.addi %add3A_868, %iota3A_866 : vector<16xi32>
      %broadcast_in_dim3A_870 = arith.constant 0 : i32
      %broadcast_in_dim3A_871 = vector.broadcast %broadcast_in_dim3A_870 : i32 to vector<16xi32>
      tpu.vector_store_idx %arg25[%add3A_869, %broadcast_in_dim3A_871], %sub3A_854 : memref<80x16xf32, #tpu.memory_space<vmem>>[vector<16xi32>, vector<16xi32>], vector<16xf32>,
      %broadcast_in_dim3A_872 = arith.constant 1 : i32
      %broadcast_in_dim3A_873 = vector.broadcast %broadcast_in_dim3A_872 : i32 to vector<16xi32>
      tpu.vector_store_idx %arg25[%add3A_869, %broadcast_in_dim3A_873], %sub3A_857 : memref<80x16xf32, #tpu.memory_space<vmem>>[vector<16xi32>, vector<16xi32>], vector<16xf32>,
      %broadcast_in_dim3A_874 = arith.constant 2 : i32
      %broadcast_in_dim3A_875 = vector.broadcast %broadcast_in_dim3A_874 : i32 to vector<16xi32>
      tpu.vector_store_idx %arg25[%add3A_869, %broadcast_in_dim3A_875], %sub3A_860 : memref<80x16xf32, #tpu.memory_space<vmem>>[vector<16xi32>, vector<16xi32>], vector<16xf32>,
      %broadcast_in_dim3A_876 = arith.constant 3 : i32
      %broadcast_in_dim3A_877 = vector.broadcast %broadcast_in_dim3A_876 : i32 to vector<16xi32>
      tpu.vector_store_idx %arg25[%add3A_869, %broadcast_in_dim3A_877], %add3A_865 : memref<80x16xf32, #tpu.memory_space<vmem>>[vector<16xi32>, vector<16xi32>], vector<16xf32>,
      %get3A_878 = arith.constant 64 : index
      %get3A_879 = tpu.vector_load %arg13[%get3A_878] {strides = array<i32>} : memref<80xi32, #tpu.memory_space<vmem>>, vector<16xi32>,
      %get3A_880 = arith.constant 64 : index
      %get3A_881 = tpu.vector_load %arg16[%get3A_880] {strides = array<i32>} : memref<80xi32, #tpu.memory_space<vmem>>, vector<16xi32>,
      %gather3A_882 = tpu.vector_load_idx %arg27[%get3A_879] : memref<10000xf32, #tpu.memory_space<vmem>>[vector<16xi32>], vector<16xf32>,
      %gather3A_883 = tpu.vector_load_idx %arg27[%get3A_881] : memref<10000xf32, #tpu.memory_space<vmem>>[vector<16xi32>], vector<16xf32>,
      %sub3A_884 = arith.subf %gather3A_882, %gather3A_883 : vector<16xf32>
      %gather3A_885 = tpu.vector_load_idx %arg28[%get3A_879] : memref<10000xf32, #tpu.memory_space<vmem>>[vector<16xi32>], vector<16xf32>,
      %gather3A_886 = tpu.vector_load_idx %arg28[%get3A_881] : memref<10000xf32, #tpu.memory_space<vmem>>[vector<16xi32>], vector<16xf32>,
      %sub3A_887 = arith.subf %gather3A_885, %gather3A_886 : vector<16xf32>
      %gather3A_888 = tpu.vector_load_idx %arg29[%get3A_879] : memref<10000xf32, #tpu.memory_space<vmem>>[vector<16xi32>], vector<16xf32>,
      %gather3A_889 = tpu.vector_load_idx %arg29[%get3A_881] : memref<10000xf32, #tpu.memory_space<vmem>>[vector<16xi32>], vector<16xf32>,
      %sub3A_890 = arith.subf %gather3A_888, %gather3A_889 : vector<16xf32>
      %mul3A_891 = arith.mulf %sub3A_884, %sub3A_884 : vector<16xf32>
      %mul3A_892 = arith.mulf %sub3A_887, %sub3A_887 : vector<16xf32>
      %add3A_893 = arith.addf %mul3A_891, %mul3A_892 : vector<16xf32>
      %mul3A_894 = arith.mulf %sub3A_890, %sub3A_890 : vector<16xf32>
      %add3A_895 = arith.addf %add3A_893, %mul3A_894 : vector<16xf32>
      %iota3A_896 = tpu.iota {dimensions = array<i32: 0>} : vector<16xi32>
      %add3A_897 = arith.constant 64 : i32
      %add3A_898 = vector.broadcast %add3A_897 : i32 to vector<16xi32>
      %add3A_899 = arith.addi %add3A_898, %iota3A_896 : vector<16xi32>
      %broadcast_in_dim3A_900 = arith.constant 0 : i32
      %broadcast_in_dim3A_901 = vector.broadcast %broadcast_in_dim3A_900 : i32 to vector<16xi32>
      tpu.vector_store_idx %arg25[%add3A_899, %broadcast_in_dim3A_901], %sub3A_884 : memref<80x16xf32, #tpu.memory_space<vmem>>[vector<16xi32>, vector<16xi32>], vector<16xf32>,
      %broadcast_in_dim3A_902 = arith.constant 1 : i32
      %broadcast_in_dim3A_903 = vector.broadcast %broadcast_in_dim3A_902 : i32 to vector<16xi32>
      tpu.vector_store_idx %arg25[%add3A_899, %broadcast_in_dim3A_903], %sub3A_887 : memref<80x16xf32, #tpu.memory_space<vmem>>[vector<16xi32>, vector<16xi32>], vector<16xf32>,
      %broadcast_in_dim3A_904 = arith.constant 2 : i32
      %broadcast_in_dim3A_905 = vector.broadcast %broadcast_in_dim3A_904 : i32 to vector<16xi32>
      tpu.vector_store_idx %arg25[%add3A_899, %broadcast_in_dim3A_905], %sub3A_890 : memref<80x16xf32, #tpu.memory_space<vmem>>[vector<16xi32>, vector<16xi32>], vector<16xf32>,
      %broadcast_in_dim3A_906 = arith.constant 3 : i32
      %broadcast_in_dim3A_907 = vector.broadcast %broadcast_in_dim3A_906 : i32 to vector<16xi32>
      tpu.vector_store_idx %arg25[%add3A_899, %broadcast_in_dim3A_907], %add3A_895 : memref<80x16xf32, #tpu.memory_space<vmem>>[vector<16xi32>, vector<16xi32>], vector<16xf32>,
      %mul3A_908 = arith.constant 80 : i32
      %mul3A_909 = arith.muli %add3A_736, %mul3A_908 : i32
      %add3A_910 = arith.addi %mul3A_2, %mul3A_909 : i32
      %dma_start3A_911 = arith.constant 0 : i32
      %dma_start3A_912 = tpu.memref_slice %arg11[%add3A_910, %dma_start3A_911] : memref<320000x16xf32, #tpu.memory_space<hbm>> -> memref<80x16xf32, #tpu.memory_space<hbm>>
      %dma_start3A_913 = arith.constant 0 : i32
      %dma_start3A_914 = tpu.memref_slice %arg11[%add3A_910, %dma_start3A_913] : memref<320000x16xf32, #tpu.memory_space<hbm>> -> memref<80x16xf32, #tpu.memory_space<hbm>>
      tpu.enqueue_dma source(%arg25 : memref<80x16xf32, #tpu.memory_space<vmem>>) target(%dma_start3A_914 : memref<80x16xf32, #tpu.memory_space<hbm>>) target_semaphore(%arg37 : memref<!tpu.dma_semaphore, #tpu.memory_space<semaphore_mem>>)
      %dma_wait3A_915 = arith.constant 0 : i32
      %dma_wait3A_916 = arith.constant 0 : i32
      %dma_wait3A_917 = tpu.memref_slice %arg2[%dma_wait3A_915, %dma_wait3A_916] : memref<10000x128xf32, #tpu.memory_space<hbm>> -> memref<10000x128xf32, #tpu.memory_space<hbm>>
      tpu.wait_indirect_dma semaphore(%arg34 : memref<!tpu.dma_semaphore, #tpu.memory_space<semaphore_mem>>) src(%dma_wait3A_917 : memref<10000x128xf32, #tpu.memory_space<hbm>>) dst(%arg19 : memref<80x128xf32, #tpu.memory_space<vmem>>)
      %dma_wait3A_918 = arith.constant 0 : i32
      %dma_wait3A_919 = arith.constant 0 : i32
      %dma_wait3A_920 = tpu.memref_slice %arg3[%dma_wait3A_918, %dma_wait3A_919] : memref<10000x128xf32, #tpu.memory_space<hbm>> -> memref<10000x128xf32, #tpu.memory_space<hbm>>
      tpu.wait_indirect_dma semaphore(%arg34 : memref<!tpu.dma_semaphore, #tpu.memory_space<semaphore_mem>>) src(%dma_wait3A_920 : memref<10000x128xf32, #tpu.memory_space<hbm>>) dst(%arg22 : memref<80x128xf32, #tpu.memory_space<vmem>>)
      %mul3A_921 = arith.constant 80 : i32
      %mul3A_922 = arith.muli %add3A_736, %mul3A_921 : i32
      %add3A_923 = arith.addi %mul3A_2, %mul3A_922 : i32
      %dma_start3A_924 = arith.constant 0 : i32
      %dma_start3A_925 = tpu.memref_slice %arg9[%add3A_923, %dma_start3A_924] : memref<320000x128xf32, #tpu.memory_space<hbm>> -> memref<80x128xf32, #tpu.memory_space<hbm>>
      %dma_start3A_926 = arith.constant 0 : i32
      %dma_start3A_927 = tpu.memref_slice %arg9[%add3A_923, %dma_start3A_926] : memref<320000x128xf32, #tpu.memory_space<hbm>> -> memref<80x128xf32, #tpu.memory_space<hbm>>
      tpu.enqueue_dma source(%arg19 : memref<80x128xf32, #tpu.memory_space<vmem>>) target(%dma_start3A_927 : memref<80x128xf32, #tpu.memory_space<hbm>>) target_semaphore(%arg37 : memref<!tpu.dma_semaphore, #tpu.memory_space<semaphore_mem>>)
      %mul3A_928 = arith.constant 80 : i32
      %mul3A_929 = arith.muli %add3A_736, %mul3A_928 : i32
      %add3A_930 = arith.addi %mul3A_2, %mul3A_929 : i32
      %dma_start3A_931 = arith.constant 0 : i32
      %dma_start3A_932 = tpu.memref_slice %arg10[%add3A_930, %dma_start3A_931] : memref<320000x128xf32, #tpu.memory_space<hbm>> -> memref<80x128xf32, #tpu.memory_space<hbm>>
      %dma_start3A_933 = arith.constant 0 : i32
      %dma_start3A_934 = tpu.memref_slice %arg10[%add3A_930, %dma_start3A_933] : memref<320000x128xf32, #tpu.memory_space<hbm>> -> memref<80x128xf32, #tpu.memory_space<hbm>>
      tpu.enqueue_dma source(%arg22 : memref<80x128xf32, #tpu.memory_space<vmem>>) target(%dma_start3A_934 : memref<80x128xf32, #tpu.memory_space<hbm>>) target_semaphore(%arg37 : memref<!tpu.dma_semaphore, #tpu.memory_space<semaphore_mem>>)
      %add3A_935 = arith.constant 3 : i32
      %add3A_936 = arith.addi %add3A_736, %add3A_935 : i32
      %lt3A_937 = arith.constant 123 : i32
      %lt3A_938 = arith.cmpi slt, %add3A_936, %lt3A_937 : i32
      %convert_element_type3A_939 = arith.extui %lt3A_938 : i1 to i32
      %cond3A_940 = arith.constant 0 : i32
      %cond3A_941 = arith.cmpi ne, %convert_element_type3A_939, %cond3A_940 : i32
      scf.if %cond3A_941 {
        %add3A_1151 = arith.constant 3 : i32
        %add3A_1152 = arith.addi %add3A_736, %add3A_1151 : i32
        %mul3A_1153 = arith.constant 80 : i32
        %mul3A_1154 = arith.muli %add3A_1152, %mul3A_1153 : i32
        %add3A_1155 = arith.addi %mul3A_2, %mul3A_1154 : i32
        %dma_start3A_1156 = tpu.memref_slice %arg7[%add3A_1155] : memref<320000xi32, #tpu.memory_space<hbm>> -> memref<80xi32, #tpu.memory_space<hbm>>
        %dma_start3A_1157 = tpu.memref_slice %arg7[%add3A_1155] : memref<320000xi32, #tpu.memory_space<hbm>> -> memref<80xi32, #tpu.memory_space<hbm>>
        tpu.enqueue_dma source(%dma_start3A_1157 : memref<80xi32, #tpu.memory_space<hbm>>) target(%arg13 : memref<80xi32, #tpu.memory_space<vmem>>) target_semaphore(%arg31 : memref<!tpu.dma_semaphore, #tpu.memory_space<semaphore_mem>>)
        %add3A_1158 = arith.constant 3 : i32
        %add3A_1159 = arith.addi %add3A_736, %add3A_1158 : i32
        %mul3A_1160 = arith.constant 80 : i32
        %mul3A_1161 = arith.muli %add3A_1159, %mul3A_1160 : i32
        %add3A_1162 = arith.addi %mul3A_2, %mul3A_1161 : i32
        %dma_start3A_1163 = tpu.memref_slice %arg8[%add3A_1162] : memref<320000xi32, #tpu.memory_space<hbm>> -> memref<80xi32, #tpu.memory_space<hbm>>
        %dma_start3A_1164 = tpu.memref_slice %arg8[%add3A_1162] : memref<320000xi32, #tpu.memory_space<hbm>> -> memref<80xi32, #tpu.memory_space<hbm>>
        tpu.enqueue_dma source(%dma_start3A_1164 : memref<80xi32, #tpu.memory_space<hbm>>) target(%arg16 : memref<80xi32, #tpu.memory_space<vmem>>) target_semaphore(%arg31 : memref<!tpu.dma_semaphore, #tpu.memory_space<semaphore_mem>>)
      } else {
      }
      %mul3A_942 = arith.constant 3 : i32
      %mul3A_943 = arith.muli %add3A_527, %mul3A_942 : i32
      %add3A_944 = arith.constant 2 : i32
      %add3A_945 = arith.addi %mul3A_943, %add3A_944 : i32
      %gt3A_946 = arith.constant 0 : i32
      %gt3A_947 = arith.cmpi sgt, %add3A_527, %gt3A_946 : i32
      %convert_element_type3A_948 = arith.extui %gt3A_947 : i1 to i32
      %cond3A_949 = arith.constant 0 : i32
      %cond3A_950 = arith.cmpi ne, %convert_element_type3A_948, %cond3A_949 : i32
      scf.if %cond3A_950 {
        %sub3A_1151 = arith.constant 3 : i32
        %sub3A_1152 = arith.subi %add3A_945, %sub3A_1151 : i32
        %mul3A_1153 = arith.constant 80 : i32
        %mul3A_1154 = arith.muli %sub3A_1152, %mul3A_1153 : i32
        %add3A_1155 = arith.addi %mul3A_2, %mul3A_1154 : i32
        %dma_wait3A_1156 = arith.constant 0 : i32
        %dma_wait3A_1157 = tpu.memref_slice %arg9[%add3A_1155, %dma_wait3A_1156] : memref<320000x128xf32, #tpu.memory_space<hbm>> -> memref<80x128xf32, #tpu.memory_space<hbm>>
        %dma_wait3A_1158 = arith.constant 0 : i32
        %dma_wait3A_1159 = tpu.memref_slice %arg9[%add3A_1155, %dma_wait3A_1158] : memref<320000x128xf32, #tpu.memory_space<hbm>> -> memref<80x128xf32, #tpu.memory_space<hbm>>
        tpu.wait_dma2 semaphore(%arg38 : memref<!tpu.dma_semaphore, #tpu.memory_space<semaphore_mem>>) src(%arg20 : memref<80x128xf32, #tpu.memory_space<vmem>>) dst(%dma_wait3A_1159 : memref<80x128xf32, #tpu.memory_space<hbm>>)
        %sub3A_1160 = arith.constant 3 : i32
        %sub3A_1161 = arith.subi %add3A_945, %sub3A_1160 : i32
        %mul3A_1162 = arith.constant 80 : i32
        %mul3A_1163 = arith.muli %sub3A_1161, %mul3A_1162 : i32
        %add3A_1164 = arith.addi %mul3A_2, %mul3A_1163 : i32
        %dma_wait3A_1165 = arith.constant 0 : i32
        %dma_wait3A_1166 = tpu.memref_slice %arg10[%add3A_1164, %dma_wait3A_1165] : memref<320000x128xf32, #tpu.memory_space<hbm>> -> memref<80x128xf32, #tpu.memory_space<hbm>>
        %dma_wait3A_1167 = arith.constant 0 : i32
        %dma_wait3A_1168 = tpu.memref_slice %arg10[%add3A_1164, %dma_wait3A_1167] : memref<320000x128xf32, #tpu.memory_space<hbm>> -> memref<80x128xf32, #tpu.memory_space<hbm>>
        tpu.wait_dma2 semaphore(%arg38 : memref<!tpu.dma_semaphore, #tpu.memory_space<semaphore_mem>>) src(%arg23 : memref<80x128xf32, #tpu.memory_space<vmem>>) dst(%dma_wait3A_1168 : memref<80x128xf32, #tpu.memory_space<hbm>>)
        %sub3A_1169 = arith.constant 3 : i32
        %sub3A_1170 = arith.subi %add3A_945, %sub3A_1169 : i32
        %mul3A_1171 = arith.constant 80 : i32
        %mul3A_1172 = arith.muli %sub3A_1170, %mul3A_1171 : i32
        %add3A_1173 = arith.addi %mul3A_2, %mul3A_1172 : i32
        %dma_wait3A_1174 = arith.constant 0 : i32
        %dma_wait3A_1175 = tpu.memref_slice %arg11[%add3A_1173, %dma_wait3A_1174] : memref<320000x16xf32, #tpu.memory_space<hbm>> -> memref<80x16xf32, #tpu.memory_space<hbm>>
        %dma_wait3A_1176 = arith.constant 0 : i32
        %dma_wait3A_1177 = tpu.memref_slice %arg11[%add3A_1173, %dma_wait3A_1176] : memref<320000x16xf32, #tpu.memory_space<hbm>> -> memref<80x16xf32, #tpu.memory_space<hbm>>
        tpu.wait_dma2 semaphore(%arg38 : memref<!tpu.dma_semaphore, #tpu.memory_space<semaphore_mem>>) src(%arg26 : memref<80x16xf32, #tpu.memory_space<vmem>>) dst(%dma_wait3A_1177 : memref<80x16xf32, #tpu.memory_space<hbm>>)
      } else {
      }
      %mul3A_951 = arith.constant 80 : i32
      %mul3A_952 = arith.muli %add3A_945, %mul3A_951 : i32
      %add3A_953 = arith.addi %mul3A_2, %mul3A_952 : i32
      %dma_wait3A_954 = tpu.memref_slice %arg7[%add3A_953] : memref<320000xi32, #tpu.memory_space<hbm>> -> memref<80xi32, #tpu.memory_space<hbm>>
      %dma_wait3A_955 = tpu.memref_slice %arg7[%add3A_953] : memref<320000xi32, #tpu.memory_space<hbm>> -> memref<80xi32, #tpu.memory_space<hbm>>
      tpu.wait_dma2 semaphore(%arg32 : memref<!tpu.dma_semaphore, #tpu.memory_space<semaphore_mem>>) src(%dma_wait3A_955 : memref<80xi32, #tpu.memory_space<hbm>>) dst(%arg14 : memref<80xi32, #tpu.memory_space<vmem>>)
      %mul3A_956 = arith.constant 80 : i32
      %mul3A_957 = arith.muli %add3A_945, %mul3A_956 : i32
      %add3A_958 = arith.addi %mul3A_2, %mul3A_957 : i32
      %dma_wait3A_959 = tpu.memref_slice %arg8[%add3A_958] : memref<320000xi32, #tpu.memory_space<hbm>> -> memref<80xi32, #tpu.memory_space<hbm>>
      %dma_wait3A_960 = tpu.memref_slice %arg8[%add3A_958] : memref<320000xi32, #tpu.memory_space<hbm>> -> memref<80xi32, #tpu.memory_space<hbm>>
      tpu.wait_dma2 semaphore(%arg32 : memref<!tpu.dma_semaphore, #tpu.memory_space<semaphore_mem>>) src(%dma_wait3A_960 : memref<80xi32, #tpu.memory_space<hbm>>) dst(%arg17 : memref<80xi32, #tpu.memory_space<vmem>>)
      %dma_start3A_961 = arith.constant 0 : i32
      %dma_start3A_962 = arith.constant 0 : i32
      %dma_start3A_963 = tpu.memref_slice %arg2[%dma_start3A_961, %dma_start3A_962] : memref<10000x128xf32, #tpu.memory_space<hbm>> -> memref<10000x128xf32, #tpu.memory_space<hbm>>
      tpu.enqueue_indirect_dma source(%dma_start3A_963 : memref<10000x128xf32, #tpu.memory_space<hbm>>) target(%arg20 : memref<80x128xf32, #tpu.memory_space<vmem>>) offsets(%arg14 : memref<80xi32, #tpu.memory_space<vmem>>) semaphore(%arg35 : memref<!tpu.dma_semaphore, #tpu.memory_space<semaphore_mem>>)
      %dma_start3A_964 = arith.constant 0 : i32
      %dma_start3A_965 = arith.constant 0 : i32
      %dma_start3A_966 = tpu.memref_slice %arg3[%dma_start3A_964, %dma_start3A_965] : memref<10000x128xf32, #tpu.memory_space<hbm>> -> memref<10000x128xf32, #tpu.memory_space<hbm>>
      tpu.enqueue_indirect_dma source(%dma_start3A_966 : memref<10000x128xf32, #tpu.memory_space<hbm>>) target(%arg23 : memref<80x128xf32, #tpu.memory_space<vmem>>) offsets(%arg17 : memref<80xi32, #tpu.memory_space<vmem>>) semaphore(%arg35 : memref<!tpu.dma_semaphore, #tpu.memory_space<semaphore_mem>>)
      %get3A_967 = arith.constant 0 : index
      %get3A_968 = tpu.vector_load %arg14[%get3A_967] {strides = array<i32>} : memref<80xi32, #tpu.memory_space<vmem>>, vector<16xi32>,
      %get3A_969 = arith.constant 0 : index
      %get3A_970 = tpu.vector_load %arg17[%get3A_969] {strides = array<i32>} : memref<80xi32, #tpu.memory_space<vmem>>, vector<16xi32>,
      %gather3A_971 = tpu.vector_load_idx %arg27[%get3A_968] : memref<10000xf32, #tpu.memory_space<vmem>>[vector<16xi32>], vector<16xf32>,
      %gather3A_972 = tpu.vector_load_idx %arg27[%get3A_970] : memref<10000xf32, #tpu.memory_space<vmem>>[vector<16xi32>], vector<16xf32>,
      %sub3A_973 = arith.subf %gather3A_971, %gather3A_972 : vector<16xf32>
      %gather3A_974 = tpu.vector_load_idx %arg28[%get3A_968] : memref<10000xf32, #tpu.memory_space<vmem>>[vector<16xi32>], vector<16xf32>,
      %gather3A_975 = tpu.vector_load_idx %arg28[%get3A_970] : memref<10000xf32, #tpu.memory_space<vmem>>[vector<16xi32>], vector<16xf32>,
      %sub3A_976 = arith.subf %gather3A_974, %gather3A_975 : vector<16xf32>
      %gather3A_977 = tpu.vector_load_idx %arg29[%get3A_968] : memref<10000xf32, #tpu.memory_space<vmem>>[vector<16xi32>], vector<16xf32>,
      %gather3A_978 = tpu.vector_load_idx %arg29[%get3A_970] : memref<10000xf32, #tpu.memory_space<vmem>>[vector<16xi32>], vector<16xf32>,
      %sub3A_979 = arith.subf %gather3A_977, %gather3A_978 : vector<16xf32>
      %mul3A_980 = arith.mulf %sub3A_973, %sub3A_973 : vector<16xf32>
      %mul3A_981 = arith.mulf %sub3A_976, %sub3A_976 : vector<16xf32>
      %add3A_982 = arith.addf %mul3A_980, %mul3A_981 : vector<16xf32>
      %mul3A_983 = arith.mulf %sub3A_979, %sub3A_979 : vector<16xf32>
      %add3A_984 = arith.addf %add3A_982, %mul3A_983 : vector<16xf32>
      %iota3A_985 = tpu.iota {dimensions = array<i32: 0>} : vector<16xi32>
      %add3A_986 = arith.constant 0 : i32
      %add3A_987 = vector.broadcast %add3A_986 : i32 to vector<16xi32>
      %add3A_988 = arith.addi %add3A_987, %iota3A_985 : vector<16xi32>
      %broadcast_in_dim3A_989 = arith.constant 0 : i32
      %broadcast_in_dim3A_990 = vector.broadcast %broadcast_in_dim3A_989 : i32 to vector<16xi32>
      tpu.vector_store_idx %arg26[%add3A_988, %broadcast_in_dim3A_990], %sub3A_973 : memref<80x16xf32, #tpu.memory_space<vmem>>[vector<16xi32>, vector<16xi32>], vector<16xf32>,
      %broadcast_in_dim3A_991 = arith.constant 1 : i32
      %broadcast_in_dim3A_992 = vector.broadcast %broadcast_in_dim3A_991 : i32 to vector<16xi32>
      tpu.vector_store_idx %arg26[%add3A_988, %broadcast_in_dim3A_992], %sub3A_976 : memref<80x16xf32, #tpu.memory_space<vmem>>[vector<16xi32>, vector<16xi32>], vector<16xf32>,
      %broadcast_in_dim3A_993 = arith.constant 2 : i32
      %broadcast_in_dim3A_994 = vector.broadcast %broadcast_in_dim3A_993 : i32 to vector<16xi32>
      tpu.vector_store_idx %arg26[%add3A_988, %broadcast_in_dim3A_994], %sub3A_979 : memref<80x16xf32, #tpu.memory_space<vmem>>[vector<16xi32>, vector<16xi32>], vector<16xf32>,
      %broadcast_in_dim3A_995 = arith.constant 3 : i32
      %broadcast_in_dim3A_996 = vector.broadcast %broadcast_in_dim3A_995 : i32 to vector<16xi32>
      tpu.vector_store_idx %arg26[%add3A_988, %broadcast_in_dim3A_996], %add3A_984 : memref<80x16xf32, #tpu.memory_space<vmem>>[vector<16xi32>, vector<16xi32>], vector<16xf32>,
      %get3A_997 = arith.constant 16 : index
      %get3A_998 = tpu.vector_load %arg14[%get3A_997] {strides = array<i32>} : memref<80xi32, #tpu.memory_space<vmem>>, vector<16xi32>,
      %get3A_999 = arith.constant 16 : index
      %get3A_1000 = tpu.vector_load %arg17[%get3A_999] {strides = array<i32>} : memref<80xi32, #tpu.memory_space<vmem>>, vector<16xi32>,
      %gather3A_1001 = tpu.vector_load_idx %arg27[%get3A_998] : memref<10000xf32, #tpu.memory_space<vmem>>[vector<16xi32>], vector<16xf32>,
      %gather3A_1002 = tpu.vector_load_idx %arg27[%get3A_1000] : memref<10000xf32, #tpu.memory_space<vmem>>[vector<16xi32>], vector<16xf32>,
      %sub3A_1003 = arith.subf %gather3A_1001, %gather3A_1002 : vector<16xf32>
      %gather3A_1004 = tpu.vector_load_idx %arg28[%get3A_998] : memref<10000xf32, #tpu.memory_space<vmem>>[vector<16xi32>], vector<16xf32>,
      %gather3A_1005 = tpu.vector_load_idx %arg28[%get3A_1000] : memref<10000xf32, #tpu.memory_space<vmem>>[vector<16xi32>], vector<16xf32>,
      %sub3A_1006 = arith.subf %gather3A_1004, %gather3A_1005 : vector<16xf32>
      %gather3A_1007 = tpu.vector_load_idx %arg29[%get3A_998] : memref<10000xf32, #tpu.memory_space<vmem>>[vector<16xi32>], vector<16xf32>,
      %gather3A_1008 = tpu.vector_load_idx %arg29[%get3A_1000] : memref<10000xf32, #tpu.memory_space<vmem>>[vector<16xi32>], vector<16xf32>,
      %sub3A_1009 = arith.subf %gather3A_1007, %gather3A_1008 : vector<16xf32>
      %mul3A_1010 = arith.mulf %sub3A_1003, %sub3A_1003 : vector<16xf32>
      %mul3A_1011 = arith.mulf %sub3A_1006, %sub3A_1006 : vector<16xf32>
      %add3A_1012 = arith.addf %mul3A_1010, %mul3A_1011 : vector<16xf32>
      %mul3A_1013 = arith.mulf %sub3A_1009, %sub3A_1009 : vector<16xf32>
      %add3A_1014 = arith.addf %add3A_1012, %mul3A_1013 : vector<16xf32>
      %iota3A_1015 = tpu.iota {dimensions = array<i32: 0>} : vector<16xi32>
      %add3A_1016 = arith.constant 16 : i32
      %add3A_1017 = vector.broadcast %add3A_1016 : i32 to vector<16xi32>
      %add3A_1018 = arith.addi %add3A_1017, %iota3A_1015 : vector<16xi32>
      %broadcast_in_dim3A_1019 = arith.constant 0 : i32
      %broadcast_in_dim3A_1020 = vector.broadcast %broadcast_in_dim3A_1019 : i32 to vector<16xi32>
      tpu.vector_store_idx %arg26[%add3A_1018, %broadcast_in_dim3A_1020], %sub3A_1003 : memref<80x16xf32, #tpu.memory_space<vmem>>[vector<16xi32>, vector<16xi32>], vector<16xf32>,
      %broadcast_in_dim3A_1021 = arith.constant 1 : i32
      %broadcast_in_dim3A_1022 = vector.broadcast %broadcast_in_dim3A_1021 : i32 to vector<16xi32>
      tpu.vector_store_idx %arg26[%add3A_1018, %broadcast_in_dim3A_1022], %sub3A_1006 : memref<80x16xf32, #tpu.memory_space<vmem>>[vector<16xi32>, vector<16xi32>], vector<16xf32>,
      %broadcast_in_dim3A_1023 = arith.constant 2 : i32
      %broadcast_in_dim3A_1024 = vector.broadcast %broadcast_in_dim3A_1023 : i32 to vector<16xi32>
      tpu.vector_store_idx %arg26[%add3A_1018, %broadcast_in_dim3A_1024], %sub3A_1009 : memref<80x16xf32, #tpu.memory_space<vmem>>[vector<16xi32>, vector<16xi32>], vector<16xf32>,
      %broadcast_in_dim3A_1025 = arith.constant 3 : i32
      %broadcast_in_dim3A_1026 = vector.broadcast %broadcast_in_dim3A_1025 : i32 to vector<16xi32>
      tpu.vector_store_idx %arg26[%add3A_1018, %broadcast_in_dim3A_1026], %add3A_1014 : memref<80x16xf32, #tpu.memory_space<vmem>>[vector<16xi32>, vector<16xi32>], vector<16xf32>,
      %get3A_1027 = arith.constant 32 : index
      %get3A_1028 = tpu.vector_load %arg14[%get3A_1027] {strides = array<i32>} : memref<80xi32, #tpu.memory_space<vmem>>, vector<16xi32>,
      %get3A_1029 = arith.constant 32 : index
      %get3A_1030 = tpu.vector_load %arg17[%get3A_1029] {strides = array<i32>} : memref<80xi32, #tpu.memory_space<vmem>>, vector<16xi32>,
      %gather3A_1031 = tpu.vector_load_idx %arg27[%get3A_1028] : memref<10000xf32, #tpu.memory_space<vmem>>[vector<16xi32>], vector<16xf32>,
      %gather3A_1032 = tpu.vector_load_idx %arg27[%get3A_1030] : memref<10000xf32, #tpu.memory_space<vmem>>[vector<16xi32>], vector<16xf32>,
      %sub3A_1033 = arith.subf %gather3A_1031, %gather3A_1032 : vector<16xf32>
      %gather3A_1034 = tpu.vector_load_idx %arg28[%get3A_1028] : memref<10000xf32, #tpu.memory_space<vmem>>[vector<16xi32>], vector<16xf32>,
      %gather3A_1035 = tpu.vector_load_idx %arg28[%get3A_1030] : memref<10000xf32, #tpu.memory_space<vmem>>[vector<16xi32>], vector<16xf32>,
      %sub3A_1036 = arith.subf %gather3A_1034, %gather3A_1035 : vector<16xf32>
      %gather3A_1037 = tpu.vector_load_idx %arg29[%get3A_1028] : memref<10000xf32, #tpu.memory_space<vmem>>[vector<16xi32>], vector<16xf32>,
      %gather3A_1038 = tpu.vector_load_idx %arg29[%get3A_1030] : memref<10000xf32, #tpu.memory_space<vmem>>[vector<16xi32>], vector<16xf32>,
      %sub3A_1039 = arith.subf %gather3A_1037, %gather3A_1038 : vector<16xf32>
      %mul3A_1040 = arith.mulf %sub3A_1033, %sub3A_1033 : vector<16xf32>
      %mul3A_1041 = arith.mulf %sub3A_1036, %sub3A_1036 : vector<16xf32>
      %add3A_1042 = arith.addf %mul3A_1040, %mul3A_1041 : vector<16xf32>
      %mul3A_1043 = arith.mulf %sub3A_1039, %sub3A_1039 : vector<16xf32>
      %add3A_1044 = arith.addf %add3A_1042, %mul3A_1043 : vector<16xf32>
      %iota3A_1045 = tpu.iota {dimensions = array<i32: 0>} : vector<16xi32>
      %add3A_1046 = arith.constant 32 : i32
      %add3A_1047 = vector.broadcast %add3A_1046 : i32 to vector<16xi32>
      %add3A_1048 = arith.addi %add3A_1047, %iota3A_1045 : vector<16xi32>
      %broadcast_in_dim3A_1049 = arith.constant 0 : i32
      %broadcast_in_dim3A_1050 = vector.broadcast %broadcast_in_dim3A_1049 : i32 to vector<16xi32>
      tpu.vector_store_idx %arg26[%add3A_1048, %broadcast_in_dim3A_1050], %sub3A_1033 : memref<80x16xf32, #tpu.memory_space<vmem>>[vector<16xi32>, vector<16xi32>], vector<16xf32>,
      %broadcast_in_dim3A_1051 = arith.constant 1 : i32
      %broadcast_in_dim3A_1052 = vector.broadcast %broadcast_in_dim3A_1051 : i32 to vector<16xi32>
      tpu.vector_store_idx %arg26[%add3A_1048, %broadcast_in_dim3A_1052], %sub3A_1036 : memref<80x16xf32, #tpu.memory_space<vmem>>[vector<16xi32>, vector<16xi32>], vector<16xf32>,
      %broadcast_in_dim3A_1053 = arith.constant 2 : i32
      %broadcast_in_dim3A_1054 = vector.broadcast %broadcast_in_dim3A_1053 : i32 to vector<16xi32>
      tpu.vector_store_idx %arg26[%add3A_1048, %broadcast_in_dim3A_1054], %sub3A_1039 : memref<80x16xf32, #tpu.memory_space<vmem>>[vector<16xi32>, vector<16xi32>], vector<16xf32>,
      %broadcast_in_dim3A_1055 = arith.constant 3 : i32
      %broadcast_in_dim3A_1056 = vector.broadcast %broadcast_in_dim3A_1055 : i32 to vector<16xi32>
      tpu.vector_store_idx %arg26[%add3A_1048, %broadcast_in_dim3A_1056], %add3A_1044 : memref<80x16xf32, #tpu.memory_space<vmem>>[vector<16xi32>, vector<16xi32>], vector<16xf32>,
      %get3A_1057 = arith.constant 48 : index
      %get3A_1058 = tpu.vector_load %arg14[%get3A_1057] {strides = array<i32>} : memref<80xi32, #tpu.memory_space<vmem>>, vector<16xi32>,
      %get3A_1059 = arith.constant 48 : index
      %get3A_1060 = tpu.vector_load %arg17[%get3A_1059] {strides = array<i32>} : memref<80xi32, #tpu.memory_space<vmem>>, vector<16xi32>,
      %gather3A_1061 = tpu.vector_load_idx %arg27[%get3A_1058] : memref<10000xf32, #tpu.memory_space<vmem>>[vector<16xi32>], vector<16xf32>,
      %gather3A_1062 = tpu.vector_load_idx %arg27[%get3A_1060] : memref<10000xf32, #tpu.memory_space<vmem>>[vector<16xi32>], vector<16xf32>,
      %sub3A_1063 = arith.subf %gather3A_1061, %gather3A_1062 : vector<16xf32>
      %gather3A_1064 = tpu.vector_load_idx %arg28[%get3A_1058] : memref<10000xf32, #tpu.memory_space<vmem>>[vector<16xi32>], vector<16xf32>,
      %gather3A_1065 = tpu.vector_load_idx %arg28[%get3A_1060] : memref<10000xf32, #tpu.memory_space<vmem>>[vector<16xi32>], vector<16xf32>,
      %sub3A_1066 = arith.subf %gather3A_1064, %gather3A_1065 : vector<16xf32>
      %gather3A_1067 = tpu.vector_load_idx %arg29[%get3A_1058] : memref<10000xf32, #tpu.memory_space<vmem>>[vector<16xi32>], vector<16xf32>,
      %gather3A_1068 = tpu.vector_load_idx %arg29[%get3A_1060] : memref<10000xf32, #tpu.memory_space<vmem>>[vector<16xi32>], vector<16xf32>,
      %sub3A_1069 = arith.subf %gather3A_1067, %gather3A_1068 : vector<16xf32>
      %mul3A_1070 = arith.mulf %sub3A_1063, %sub3A_1063 : vector<16xf32>
      %mul3A_1071 = arith.mulf %sub3A_1066, %sub3A_1066 : vector<16xf32>
      %add3A_1072 = arith.addf %mul3A_1070, %mul3A_1071 : vector<16xf32>
      %mul3A_1073 = arith.mulf %sub3A_1069, %sub3A_1069 : vector<16xf32>
      %add3A_1074 = arith.addf %add3A_1072, %mul3A_1073 : vector<16xf32>
      %iota3A_1075 = tpu.iota {dimensions = array<i32: 0>} : vector<16xi32>
      %add3A_1076 = arith.constant 48 : i32
      %add3A_1077 = vector.broadcast %add3A_1076 : i32 to vector<16xi32>
      %add3A_1078 = arith.addi %add3A_1077, %iota3A_1075 : vector<16xi32>
      %broadcast_in_dim3A_1079 = arith.constant 0 : i32
      %broadcast_in_dim3A_1080 = vector.broadcast %broadcast_in_dim3A_1079 : i32 to vector<16xi32>
      tpu.vector_store_idx %arg26[%add3A_1078, %broadcast_in_dim3A_1080], %sub3A_1063 : memref<80x16xf32, #tpu.memory_space<vmem>>[vector<16xi32>, vector<16xi32>], vector<16xf32>,
      %broadcast_in_dim3A_1081 = arith.constant 1 : i32
      %broadcast_in_dim3A_1082 = vector.broadcast %broadcast_in_dim3A_1081 : i32 to vector<16xi32>
      tpu.vector_store_idx %arg26[%add3A_1078, %broadcast_in_dim3A_1082], %sub3A_1066 : memref<80x16xf32, #tpu.memory_space<vmem>>[vector<16xi32>, vector<16xi32>], vector<16xf32>,
      %broadcast_in_dim3A_1083 = arith.constant 2 : i32
      %broadcast_in_dim3A_1084 = vector.broadcast %broadcast_in_dim3A_1083 : i32 to vector<16xi32>
      tpu.vector_store_idx %arg26[%add3A_1078, %broadcast_in_dim3A_1084], %sub3A_1069 : memref<80x16xf32, #tpu.memory_space<vmem>>[vector<16xi32>, vector<16xi32>], vector<16xf32>,
      %broadcast_in_dim3A_1085 = arith.constant 3 : i32
      %broadcast_in_dim3A_1086 = vector.broadcast %broadcast_in_dim3A_1085 : i32 to vector<16xi32>
      tpu.vector_store_idx %arg26[%add3A_1078, %broadcast_in_dim3A_1086], %add3A_1074 : memref<80x16xf32, #tpu.memory_space<vmem>>[vector<16xi32>, vector<16xi32>], vector<16xf32>,
      %get3A_1087 = arith.constant 64 : index
      %get3A_1088 = tpu.vector_load %arg14[%get3A_1087] {strides = array<i32>} : memref<80xi32, #tpu.memory_space<vmem>>, vector<16xi32>,
      %get3A_1089 = arith.constant 64 : index
      %get3A_1090 = tpu.vector_load %arg17[%get3A_1089] {strides = array<i32>} : memref<80xi32, #tpu.memory_space<vmem>>, vector<16xi32>,
      %gather3A_1091 = tpu.vector_load_idx %arg27[%get3A_1088] : memref<10000xf32, #tpu.memory_space<vmem>>[vector<16xi32>], vector<16xf32>,
      %gather3A_1092 = tpu.vector_load_idx %arg27[%get3A_1090] : memref<10000xf32, #tpu.memory_space<vmem>>[vector<16xi32>], vector<16xf32>,
      %sub3A_1093 = arith.subf %gather3A_1091, %gather3A_1092 : vector<16xf32>
      %gather3A_1094 = tpu.vector_load_idx %arg28[%get3A_1088] : memref<10000xf32, #tpu.memory_space<vmem>>[vector<16xi32>], vector<16xf32>,
      %gather3A_1095 = tpu.vector_load_idx %arg28[%get3A_1090] : memref<10000xf32, #tpu.memory_space<vmem>>[vector<16xi32>], vector<16xf32>,
      %sub3A_1096 = arith.subf %gather3A_1094, %gather3A_1095 : vector<16xf32>
      %gather3A_1097 = tpu.vector_load_idx %arg29[%get3A_1088] : memref<10000xf32, #tpu.memory_space<vmem>>[vector<16xi32>], vector<16xf32>,
      %gather3A_1098 = tpu.vector_load_idx %arg29[%get3A_1090] : memref<10000xf32, #tpu.memory_space<vmem>>[vector<16xi32>], vector<16xf32>,
      %sub3A_1099 = arith.subf %gather3A_1097, %gather3A_1098 : vector<16xf32>
      %mul3A_1100 = arith.mulf %sub3A_1093, %sub3A_1093 : vector<16xf32>
      %mul3A_1101 = arith.mulf %sub3A_1096, %sub3A_1096 : vector<16xf32>
      %add3A_1102 = arith.addf %mul3A_1100, %mul3A_1101 : vector<16xf32>
      %mul3A_1103 = arith.mulf %sub3A_1099, %sub3A_1099 : vector<16xf32>
      %add3A_1104 = arith.addf %add3A_1102, %mul3A_1103 : vector<16xf32>
      %iota3A_1105 = tpu.iota {dimensions = array<i32: 0>} : vector<16xi32>
      %add3A_1106 = arith.constant 64 : i32
      %add3A_1107 = vector.broadcast %add3A_1106 : i32 to vector<16xi32>
      %add3A_1108 = arith.addi %add3A_1107, %iota3A_1105 : vector<16xi32>
      %broadcast_in_dim3A_1109 = arith.constant 0 : i32
      %broadcast_in_dim3A_1110 = vector.broadcast %broadcast_in_dim3A_1109 : i32 to vector<16xi32>
      tpu.vector_store_idx %arg26[%add3A_1108, %broadcast_in_dim3A_1110], %sub3A_1093 : memref<80x16xf32, #tpu.memory_space<vmem>>[vector<16xi32>, vector<16xi32>], vector<16xf32>,
      %broadcast_in_dim3A_1111 = arith.constant 1 : i32
      %broadcast_in_dim3A_1112 = vector.broadcast %broadcast_in_dim3A_1111 : i32 to vector<16xi32>
      tpu.vector_store_idx %arg26[%add3A_1108, %broadcast_in_dim3A_1112], %sub3A_1096 : memref<80x16xf32, #tpu.memory_space<vmem>>[vector<16xi32>, vector<16xi32>], vector<16xf32>,
      %broadcast_in_dim3A_1113 = arith.constant 2 : i32
      %broadcast_in_dim3A_1114 = vector.broadcast %broadcast_in_dim3A_1113 : i32 to vector<16xi32>
      tpu.vector_store_idx %arg26[%add3A_1108, %broadcast_in_dim3A_1114], %sub3A_1099 : memref<80x16xf32, #tpu.memory_space<vmem>>[vector<16xi32>, vector<16xi32>], vector<16xf32>,
      %broadcast_in_dim3A_1115 = arith.constant 3 : i32
      %broadcast_in_dim3A_1116 = vector.broadcast %broadcast_in_dim3A_1115 : i32 to vector<16xi32>
      tpu.vector_store_idx %arg26[%add3A_1108, %broadcast_in_dim3A_1116], %add3A_1104 : memref<80x16xf32, #tpu.memory_space<vmem>>[vector<16xi32>, vector<16xi32>], vector<16xf32>,
      %mul3A_1117 = arith.constant 80 : i32
      %mul3A_1118 = arith.muli %add3A_945, %mul3A_1117 : i32
      %add3A_1119 = arith.addi %mul3A_2, %mul3A_1118 : i32
      %dma_start3A_1120 = arith.constant 0 : i32
      %dma_start3A_1121 = tpu.memref_slice %arg11[%add3A_1119, %dma_start3A_1120] : memref<320000x16xf32, #tpu.memory_space<hbm>> -> memref<80x16xf32, #tpu.memory_space<hbm>>
      %dma_start3A_1122 = arith.constant 0 : i32
      %dma_start3A_1123 = tpu.memref_slice %arg11[%add3A_1119, %dma_start3A_1122] : memref<320000x16xf32, #tpu.memory_space<hbm>> -> memref<80x16xf32, #tpu.memory_space<hbm>>
      tpu.enqueue_dma source(%arg26 : memref<80x16xf32, #tpu.memory_space<vmem>>) target(%dma_start3A_1123 : memref<80x16xf32, #tpu.memory_space<hbm>>) target_semaphore(%arg38 : memref<!tpu.dma_semaphore, #tpu.memory_space<semaphore_mem>>)
      %dma_wait3A_1124 = arith.constant 0 : i32
      %dma_wait3A_1125 = arith.constant 0 : i32
      %dma_wait3A_1126 = tpu.memref_slice %arg2[%dma_wait3A_1124, %dma_wait3A_1125] : memref<10000x128xf32, #tpu.memory_space<hbm>> -> memref<10000x128xf32, #tpu.memory_space<hbm>>
      tpu.wait_indirect_dma semaphore(%arg35 : memref<!tpu.dma_semaphore, #tpu.memory_space<semaphore_mem>>) src(%dma_wait3A_1126 : memref<10000x128xf32, #tpu.memory_space<hbm>>) dst(%arg20 : memref<80x128xf32, #tpu.memory_space<vmem>>)
      %dma_wait3A_1127 = arith.constant 0 : i32
      %dma_wait3A_1128 = arith.constant 0 : i32
      %dma_wait3A_1129 = tpu.memref_slice %arg3[%dma_wait3A_1127, %dma_wait3A_1128] : memref<10000x128xf32, #tpu.memory_space<hbm>> -> memref<10000x128xf32, #tpu.memory_space<hbm>>
      tpu.wait_indirect_dma semaphore(%arg35 : memref<!tpu.dma_semaphore, #tpu.memory_space<semaphore_mem>>) src(%dma_wait3A_1129 : memref<10000x128xf32, #tpu.memory_space<hbm>>) dst(%arg23 : memref<80x128xf32, #tpu.memory_space<vmem>>)
      %mul3A_1130 = arith.constant 80 : i32
      %mul3A_1131 = arith.muli %add3A_945, %mul3A_1130 : i32
      %add3A_1132 = arith.addi %mul3A_2, %mul3A_1131 : i32
      %dma_start3A_1133 = arith.constant 0 : i32
      %dma_start3A_1134 = tpu.memref_slice %arg9[%add3A_1132, %dma_start3A_1133] : memref<320000x128xf32, #tpu.memory_space<hbm>> -> memref<80x128xf32, #tpu.memory_space<hbm>>
      %dma_start3A_1135 = arith.constant 0 : i32
      %dma_start3A_1136 = tpu.memref_slice %arg9[%add3A_1132, %dma_start3A_1135] : memref<320000x128xf32, #tpu.memory_space<hbm>> -> memref<80x128xf32, #tpu.memory_space<hbm>>
      tpu.enqueue_dma source(%arg20 : memref<80x128xf32, #tpu.memory_space<vmem>>) target(%dma_start3A_1136 : memref<80x128xf32, #tpu.memory_space<hbm>>) target_semaphore(%arg38 : memref<!tpu.dma_semaphore, #tpu.memory_space<semaphore_mem>>)
      %mul3A_1137 = arith.constant 80 : i32
      %mul3A_1138 = arith.muli %add3A_945, %mul3A_1137 : i32
      %add3A_1139 = arith.addi %mul3A_2, %mul3A_1138 : i32
      %dma_start3A_1140 = arith.constant 0 : i32
      %dma_start3A_1141 = tpu.memref_slice %arg10[%add3A_1139, %dma_start3A_1140] : memref<320000x128xf32, #tpu.memory_space<hbm>> -> memref<80x128xf32, #tpu.memory_space<hbm>>
      %dma_start3A_1142 = arith.constant 0 : i32
      %dma_start3A_1143 = tpu.memref_slice %arg10[%add3A_1139, %dma_start3A_1142] : memref<320000x128xf32, #tpu.memory_space<hbm>> -> memref<80x128xf32, #tpu.memory_space<hbm>>
      tpu.enqueue_dma source(%arg23 : memref<80x128xf32, #tpu.memory_space<vmem>>) target(%dma_start3A_1143 : memref<80x128xf32, #tpu.memory_space<hbm>>) target_semaphore(%arg38 : memref<!tpu.dma_semaphore, #tpu.memory_space<semaphore_mem>>)
      %add3A_1144 = arith.constant 3 : i32
      %add3A_1145 = arith.addi %add3A_945, %add3A_1144 : i32
      %lt3A_1146 = arith.constant 123 : i32
      %lt3A_1147 = arith.cmpi slt, %add3A_1145, %lt3A_1146 : i32
      %convert_element_type3A_1148 = arith.extui %lt3A_1147 : i1 to i32
      %cond3A_1149 = arith.constant 0 : i32
      %cond3A_1150 = arith.cmpi ne, %convert_element_type3A_1148, %cond3A_1149 : i32
      scf.if %cond3A_1150 {
        %add3A_1151 = arith.constant 3 : i32
        %add3A_1152 = arith.addi %add3A_945, %add3A_1151 : i32
        %mul3A_1153 = arith.constant 80 : i32
        %mul3A_1154 = arith.muli %add3A_1152, %mul3A_1153 : i32
        %add3A_1155 = arith.addi %mul3A_2, %mul3A_1154 : i32
        %dma_start3A_1156 = tpu.memref_slice %arg7[%add3A_1155] : memref<320000xi32, #tpu.memory_space<hbm>> -> memref<80xi32, #tpu.memory_space<hbm>>
        %dma_start3A_1157 = tpu.memref_slice %arg7[%add3A_1155] : memref<320000xi32, #tpu.memory_space<hbm>> -> memref<80xi32, #tpu.memory_space<hbm>>
        tpu.enqueue_dma source(%dma_start3A_1157 : memref<80xi32, #tpu.memory_space<hbm>>) target(%arg14 : memref<80xi32, #tpu.memory_space<vmem>>) target_semaphore(%arg32 : memref<!tpu.dma_semaphore, #tpu.memory_space<semaphore_mem>>)
        %add3A_1158 = arith.constant 3 : i32
        %add3A_1159 = arith.addi %add3A_945, %add3A_1158 : i32
        %mul3A_1160 = arith.constant 80 : i32
        %mul3A_1161 = arith.muli %add3A_1159, %mul3A_1160 : i32
        %add3A_1162 = arith.addi %mul3A_2, %mul3A_1161 : i32
        %dma_start3A_1163 = tpu.memref_slice %arg8[%add3A_1162] : memref<320000xi32, #tpu.memory_space<hbm>> -> memref<80xi32, #tpu.memory_space<hbm>>
        %dma_start3A_1164 = tpu.memref_slice %arg8[%add3A_1162] : memref<320000xi32, #tpu.memory_space<hbm>> -> memref<80xi32, #tpu.memory_space<hbm>>
        tpu.enqueue_dma source(%dma_start3A_1164 : memref<80xi32, #tpu.memory_space<hbm>>) target(%arg17 : memref<80xi32, #tpu.memory_space<vmem>>) target_semaphore(%arg32 : memref<!tpu.dma_semaphore, #tpu.memory_space<semaphore_mem>>)
      } else {
      }
    }
    %scan3A_468 = arith.constant 41 : i32
    %add3A_469 = arith.constant 9600 : i32
    %add3A_470 = arith.addi %mul3A_2, %add3A_469 : i32
    %dma_wait3A_471 = arith.constant 0 : i32
    %dma_wait3A_472 = tpu.memref_slice %arg9[%add3A_470, %dma_wait3A_471] : memref<320000x128xf32, #tpu.memory_space<hbm>> -> memref<80x128xf32, #tpu.memory_space<hbm>>
    %dma_wait3A_473 = arith.constant 0 : i32
    %dma_wait3A_474 = tpu.memref_slice %arg9[%add3A_470, %dma_wait3A_473] : memref<320000x128xf32, #tpu.memory_space<hbm>> -> memref<80x128xf32, #tpu.memory_space<hbm>>
    tpu.wait_dma2 semaphore(%arg36 : memref<!tpu.dma_semaphore, #tpu.memory_space<semaphore_mem>>) src(%arg18 : memref<80x128xf32, #tpu.memory_space<vmem>>) dst(%dma_wait3A_474 : memref<80x128xf32, #tpu.memory_space<hbm>>)
    %add3A_475 = arith.constant 9600 : i32
    %add3A_476 = arith.addi %mul3A_2, %add3A_475 : i32
    %dma_wait3A_477 = arith.constant 0 : i32
    %dma_wait3A_478 = tpu.memref_slice %arg10[%add3A_476, %dma_wait3A_477] : memref<320000x128xf32, #tpu.memory_space<hbm>> -> memref<80x128xf32, #tpu.memory_space<hbm>>
    %dma_wait3A_479 = arith.constant 0 : i32
    %dma_wait3A_480 = tpu.memref_slice %arg10[%add3A_476, %dma_wait3A_479] : memref<320000x128xf32, #tpu.memory_space<hbm>> -> memref<80x128xf32, #tpu.memory_space<hbm>>
    tpu.wait_dma2 semaphore(%arg36 : memref<!tpu.dma_semaphore, #tpu.memory_space<semaphore_mem>>) src(%arg21 : memref<80x128xf32, #tpu.memory_space<vmem>>) dst(%dma_wait3A_480 : memref<80x128xf32, #tpu.memory_space<hbm>>)
    %add3A_481 = arith.constant 9600 : i32
    %add3A_482 = arith.addi %mul3A_2, %add3A_481 : i32
    %dma_wait3A_483 = arith.constant 0 : i32
    %dma_wait3A_484 = tpu.memref_slice %arg11[%add3A_482, %dma_wait3A_483] : memref<320000x16xf32, #tpu.memory_space<hbm>> -> memref<80x16xf32, #tpu.memory_space<hbm>>
    %dma_wait3A_485 = arith.constant 0 : i32
    %dma_wait3A_486 = tpu.memref_slice %arg11[%add3A_482, %dma_wait3A_485] : memref<320000x16xf32, #tpu.memory_space<hbm>> -> memref<80x16xf32, #tpu.memory_space<hbm>>
    tpu.wait_dma2 semaphore(%arg36 : memref<!tpu.dma_semaphore, #tpu.memory_space<semaphore_mem>>) src(%arg24 : memref<80x16xf32, #tpu.memory_space<vmem>>) dst(%dma_wait3A_486 : memref<80x16xf32, #tpu.memory_space<hbm>>)
    %add3A_487 = arith.constant 9680 : i32
    %add3A_488 = arith.addi %mul3A_2, %add3A_487 : i32
    %dma_wait3A_489 = arith.constant 0 : i32
    %dma_wait3A_490 = tpu.memref_slice %arg9[%add3A_488, %dma_wait3A_489] : memref<320000x128xf32, #tpu.memory_space<hbm>> -> memref<80x128xf32, #tpu.memory_space<hbm>>
    %dma_wait3A_491 = arith.constant 0 : i32
    %dma_wait3A_492 = tpu.memref_slice %arg9[%add3A_488, %dma_wait3A_491] : memref<320000x128xf32, #tpu.memory_space<hbm>> -> memref<80x128xf32, #tpu.memory_space<hbm>>
    tpu.wait_dma2 semaphore(%arg37 : memref<!tpu.dma_semaphore, #tpu.memory_space<semaphore_mem>>) src(%arg19 : memref<80x128xf32, #tpu.memory_space<vmem>>) dst(%dma_wait3A_492 : memref<80x128xf32, #tpu.memory_space<hbm>>)
    %add3A_493 = arith.constant 9680 : i32
    %add3A_494 = arith.addi %mul3A_2, %add3A_493 : i32
    %dma_wait3A_495 = arith.constant 0 : i32
    %dma_wait3A_496 = tpu.memref_slice %arg10[%add3A_494, %dma_wait3A_495] : memref<320000x128xf32, #tpu.memory_space<hbm>> -> memref<80x128xf32, #tpu.memory_space<hbm>>
    %dma_wait3A_497 = arith.constant 0 : i32
    %dma_wait3A_498 = tpu.memref_slice %arg10[%add3A_494, %dma_wait3A_497] : memref<320000x128xf32, #tpu.memory_space<hbm>> -> memref<80x128xf32, #tpu.memory_space<hbm>>
    tpu.wait_dma2 semaphore(%arg37 : memref<!tpu.dma_semaphore, #tpu.memory_space<semaphore_mem>>) src(%arg22 : memref<80x128xf32, #tpu.memory_space<vmem>>) dst(%dma_wait3A_498 : memref<80x128xf32, #tpu.memory_space<hbm>>)
    %add3A_499 = arith.constant 9680 : i32
    %add3A_500 = arith.addi %mul3A_2, %add3A_499 : i32
    %dma_wait3A_501 = arith.constant 0 : i32
    %dma_wait3A_502 = tpu.memref_slice %arg11[%add3A_500, %dma_wait3A_501] : memref<320000x16xf32, #tpu.memory_space<hbm>> -> memref<80x16xf32, #tpu.memory_space<hbm>>
    %dma_wait3A_503 = arith.constant 0 : i32
    %dma_wait3A_504 = tpu.memref_slice %arg11[%add3A_500, %dma_wait3A_503] : memref<320000x16xf32, #tpu.memory_space<hbm>> -> memref<80x16xf32, #tpu.memory_space<hbm>>
    tpu.wait_dma2 semaphore(%arg37 : memref<!tpu.dma_semaphore, #tpu.memory_space<semaphore_mem>>) src(%arg25 : memref<80x16xf32, #tpu.memory_space<vmem>>) dst(%dma_wait3A_504 : memref<80x16xf32, #tpu.memory_space<hbm>>)
    %add3A_505 = arith.constant 9760 : i32
    %add3A_506 = arith.addi %mul3A_2, %add3A_505 : i32
    %dma_wait3A_507 = arith.constant 0 : i32
    %dma_wait3A_508 = tpu.memref_slice %arg9[%add3A_506, %dma_wait3A_507] : memref<320000x128xf32, #tpu.memory_space<hbm>> -> memref<80x128xf32, #tpu.memory_space<hbm>>
    %dma_wait3A_509 = arith.constant 0 : i32
    %dma_wait3A_510 = tpu.memref_slice %arg9[%add3A_506, %dma_wait3A_509] : memref<320000x128xf32, #tpu.memory_space<hbm>> -> memref<80x128xf32, #tpu.memory_space<hbm>>
    tpu.wait_dma2 semaphore(%arg38 : memref<!tpu.dma_semaphore, #tpu.memory_space<semaphore_mem>>) src(%arg20 : memref<80x128xf32, #tpu.memory_space<vmem>>) dst(%dma_wait3A_510 : memref<80x128xf32, #tpu.memory_space<hbm>>)
    %add3A_511 = arith.constant 9760 : i32
    %add3A_512 = arith.addi %mul3A_2, %add3A_511 : i32
    %dma_wait3A_513 = arith.constant 0 : i32
    %dma_wait3A_514 = tpu.memref_slice %arg10[%add3A_512, %dma_wait3A_513] : memref<320000x128xf32, #tpu.memory_space<hbm>> -> memref<80x128xf32, #tpu.memory_space<hbm>>
    %dma_wait3A_515 = arith.constant 0 : i32
    %dma_wait3A_516 = tpu.memref_slice %arg10[%add3A_512, %dma_wait3A_515] : memref<320000x128xf32, #tpu.memory_space<hbm>> -> memref<80x128xf32, #tpu.memory_space<hbm>>
    tpu.wait_dma2 semaphore(%arg38 : memref<!tpu.dma_semaphore, #tpu.memory_space<semaphore_mem>>) src(%arg23 : memref<80x128xf32, #tpu.memory_space<vmem>>) dst(%dma_wait3A_516 : memref<80x128xf32, #tpu.memory_space<hbm>>)
    %add3A_517 = arith.constant 9760 : i32
    %add3A_518 = arith.addi %mul3A_2, %add3A_517 : i32
    %dma_wait3A_519 = arith.constant 0 : i32
    %dma_wait3A_520 = tpu.memref_slice %arg11[%add3A_518, %dma_wait3A_519] : memref<320000x16xf32, #tpu.memory_space<hbm>> -> memref<80x16xf32, #tpu.memory_space<hbm>>
    %dma_wait3A_521 = arith.constant 0 : i32
    %dma_wait3A_522 = tpu.memref_slice %arg11[%add3A_518, %dma_wait3A_521] : memref<320000x16xf32, #tpu.memory_space<hbm>> -> memref<80x16xf32, #tpu.memory_space<hbm>>
    tpu.wait_dma2 semaphore(%arg38 : memref<!tpu.dma_semaphore, #tpu.memory_space<semaphore_mem>>) src(%arg26 : memref<80x16xf32, #tpu.memory_space<vmem>>) dst(%dma_wait3A_522 : memref<80x16xf32, #tpu.memory_space<hbm>>)
    return
  }
}

#map = affine_map<(d0, d1) -> (0, 0)>
#map1 = affine_map<(d0, d1) -> (0)>
#map2 = affine_map<(d0, d1) -> (0, 0, 0)>
module attributes {stable_mosaic.version = 14 : i64} {
  func.func @k(%arg0: i32, %arg1: i32, %arg2: memref<320000x128xf32, #tpu.memory_space<hbm>>, %arg3: memref<320000x16xf32, #tpu.memory_space<hbm>>, %arg4: memref<320000xi32, #tpu.memory_space<hbm>>, %arg5: memref<10000x128xf32, #tpu.memory_space<hbm>>, %arg6: memref<2x10000x128xf32, #tpu.memory_space<hbm>>, %arg7: memref<2x10000x128xf32, #tpu.memory_space<hbm>>, %arg8: memref<10000x128xf32, #tpu.memory_space<vmem_shared>>, %arg9: memref<80xi32, #tpu.memory_space<vmem>>, %arg10: memref<80xi32, #tpu.memory_space<vmem>>, %arg11: memref<80x128xf32, #tpu.memory_space<vmem>>, %arg12: memref<80x128xf32, #tpu.memory_space<vmem>>, %arg13: memref<80x16xf32, #tpu.memory_space<vmem>>, %arg14: memref<80x16xf32, #tpu.memory_space<vmem>>, %arg15: memref<!tpu.dma_semaphore, #tpu.memory_space<semaphore_mem>>, %arg16: memref<!tpu.dma_semaphore, #tpu.memory_space<semaphore_mem>>, %arg17: memref<!tpu.dma_semaphore, #tpu.memory_space<semaphore_mem>>, %arg18: memref<!tpu.dma_semaphore, #tpu.memory_space<semaphore_mem>>) attributes {dimension_semantics = [#tpu.dimension_semantics<core_parallel>, #tpu.dimension_semantics<subcore_parallel>], iteration_bounds = array<i64: 2, 16>, scalar_prefetch = 0 : i64, scratch_operands = 11 : i64, tpu.core_type = #tpu.core_type<sc_vector_subcore>, window_params = [{transform_indices = #map}, {transform_indices = #map}, {transform_indices = #map1}, {transform_indices = #map}, {transform_indices = #map2}, {transform_indices = #map2}]} {
    %mul3A = arith.constant 160000 : i32
    %mul3A_0 = arith.muli %arg0, %mul3A : i32
    %mul3A_1 = arith.constant 10000 : i32
    %mul3A_2 = arith.muli %arg1, %mul3A_1 : i32
    %add3A = arith.addi %mul3A_0, %mul3A_2 : i32
    %mul3A_3 = arith.constant 624 : i32
    %mul3A_4 = arith.muli %arg1, %mul3A_3 : i32
    %broadcast_in_dim3A = arith.constant 0.000000e+00 : f32
    %broadcast_in_dim3A_5 = vector.broadcast %broadcast_in_dim3A : f32 to vector<16xf32>
    "tpu.region"() ({
      %run_scoped3A = tpu.sem_alloc : memref<!tpu.dma_semaphore, #tpu.memory_space<semaphore_mem>>
      %dma_start3A_126 = arith.constant 0 : i32
      %dma_start3A_127 = tpu.memref_slice %arg8[%mul3A_4, %dma_start3A_126] : memref<10000x128xf32, #tpu.memory_space<vmem_shared>> -> memref<624x128xf32, #tpu.memory_space<vmem_shared>>
      %dma_start3A_128 = arith.constant 0 : i32
      %dma_start3A_129 = tpu.memref_slice %arg5[%mul3A_4, %dma_start3A_128] : memref<10000x128xf32, #tpu.memory_space<hbm>> -> memref<624x128xf32, #tpu.memory_space<hbm>>
      tpu.enqueue_dma source(%dma_start3A_129 : memref<624x128xf32, #tpu.memory_space<hbm>>) target(%dma_start3A_127 : memref<624x128xf32, #tpu.memory_space<vmem_shared>>) target_semaphore(%run_scoped3A : memref<!tpu.dma_semaphore, #tpu.memory_space<semaphore_mem>>)
      %dma_wait3A_130 = arith.constant 0 : i32
      %dma_wait3A_131 = tpu.memref_slice %arg8[%mul3A_4, %dma_wait3A_130] : memref<10000x128xf32, #tpu.memory_space<vmem_shared>> -> memref<624x128xf32, #tpu.memory_space<vmem_shared>>
      %dma_wait3A_132 = arith.constant 0 : i32
      %dma_wait3A_133 = tpu.memref_slice %arg5[%mul3A_4, %dma_wait3A_132] : memref<10000x128xf32, #tpu.memory_space<hbm>> -> memref<624x128xf32, #tpu.memory_space<hbm>>
      tpu.wait_dma2 semaphore(%run_scoped3A : memref<!tpu.dma_semaphore, #tpu.memory_space<semaphore_mem>>) src(%dma_wait3A_133 : memref<624x128xf32, #tpu.memory_space<hbm>>) dst(%dma_wait3A_131 : memref<624x128xf32, #tpu.memory_space<vmem_shared>>)
      tpu.yield
    }) : () -> ()
    %eq3A = arith.constant 15 : i32
    %eq3A_6 = arith.cmpi eq, %arg1, %eq3A : i32
    %convert_element_type3A = arith.extui %eq3A_6 : i1 to i32
    %cond3A = arith.constant 0 : i32
    %cond3A_7 = arith.cmpi ne, %convert_element_type3A, %cond3A : i32
    scf.if %cond3A_7 {
      "tpu.region"() ({
        %run_scoped3A = tpu.sem_alloc : memref<!tpu.dma_semaphore, #tpu.memory_space<semaphore_mem>>
        %dma_start3A_126 = arith.constant 9984 : i32
        %dma_start3A_127 = arith.constant 0 : i32
        %dma_start3A_128 = tpu.memref_slice %arg8[%dma_start3A_126, %dma_start3A_127] : memref<10000x128xf32, #tpu.memory_space<vmem_shared>> -> memref<16x128xf32, #tpu.memory_space<vmem_shared>>
        %dma_start3A_129 = arith.constant 9984 : i32
        %dma_start3A_130 = arith.constant 0 : i32
        %dma_start3A_131 = tpu.memref_slice %arg5[%dma_start3A_129, %dma_start3A_130] : memref<10000x128xf32, #tpu.memory_space<hbm>> -> memref<16x128xf32, #tpu.memory_space<hbm>>
        tpu.enqueue_dma source(%dma_start3A_131 : memref<16x128xf32, #tpu.memory_space<hbm>>) target(%dma_start3A_128 : memref<16x128xf32, #tpu.memory_space<vmem_shared>>) target_semaphore(%run_scoped3A : memref<!tpu.dma_semaphore, #tpu.memory_space<semaphore_mem>>)
        %dma_wait3A_132 = arith.constant 9984 : i32
        %dma_wait3A_133 = arith.constant 0 : i32
        %dma_wait3A_134 = tpu.memref_slice %arg8[%dma_wait3A_132, %dma_wait3A_133] : memref<10000x128xf32, #tpu.memory_space<vmem_shared>> -> memref<16x128xf32, #tpu.memory_space<vmem_shared>>
        %dma_wait3A_135 = arith.constant 9984 : i32
        %dma_wait3A_136 = arith.constant 0 : i32
        %dma_wait3A_137 = tpu.memref_slice %arg5[%dma_wait3A_135, %dma_wait3A_136] : memref<10000x128xf32, #tpu.memory_space<hbm>> -> memref<16x128xf32, #tpu.memory_space<hbm>>
        tpu.wait_dma2 semaphore(%run_scoped3A : memref<!tpu.dma_semaphore, #tpu.memory_space<semaphore_mem>>) src(%dma_wait3A_137 : memref<16x128xf32, #tpu.memory_space<hbm>>) dst(%dma_wait3A_134 : memref<16x128xf32, #tpu.memory_space<vmem_shared>>)
        tpu.yield
      }) : () -> ()
    } else {
    }
    %barrier3A = arith.constant 0 : index
    tpu.barrier barrier_id(%barrier3A)
    %add3A_8 = arith.constant 9920 : i32
    %add3A_9 = arith.addi %add3A, %add3A_8 : i32
    %dma_start3A = tpu.memref_slice %arg4[%add3A_9] : memref<320000xi32, #tpu.memory_space<hbm>> -> memref<80xi32, #tpu.memory_space<hbm>>
    %dma_start3A_10 = tpu.memref_slice %arg4[%add3A_9] : memref<320000xi32, #tpu.memory_space<hbm>> -> memref<80xi32, #tpu.memory_space<hbm>>
    tpu.enqueue_dma source(%dma_start3A_10 : memref<80xi32, #tpu.memory_space<hbm>>) target(%arg9 : memref<80xi32, #tpu.memory_space<vmem>>) target_semaphore(%arg15 : memref<!tpu.dma_semaphore, #tpu.memory_space<semaphore_mem>>)
    %add3A_11 = arith.constant 9920 : i32
    %add3A_12 = arith.addi %add3A, %add3A_11 : i32
    %dma_start3A_13 = arith.constant 0 : i32
    %dma_start3A_14 = tpu.memref_slice %arg2[%add3A_12, %dma_start3A_13] : memref<320000x128xf32, #tpu.memory_space<hbm>> -> memref<80x128xf32, #tpu.memory_space<hbm>>
    %dma_start3A_15 = arith.constant 0 : i32
    %dma_start3A_16 = tpu.memref_slice %arg2[%add3A_12, %dma_start3A_15] : memref<320000x128xf32, #tpu.memory_space<hbm>> -> memref<80x128xf32, #tpu.memory_space<hbm>>
    tpu.enqueue_dma source(%dma_start3A_16 : memref<80x128xf32, #tpu.memory_space<hbm>>) target(%arg11 : memref<80x128xf32, #tpu.memory_space<vmem>>) target_semaphore(%arg15 : memref<!tpu.dma_semaphore, #tpu.memory_space<semaphore_mem>>)
    %add3A_17 = arith.constant 9920 : i32
    %add3A_18 = arith.addi %add3A, %add3A_17 : i32
    %dma_wait3A = tpu.memref_slice %arg4[%add3A_18] : memref<320000xi32, #tpu.memory_space<hbm>> -> memref<80xi32, #tpu.memory_space<hbm>>
    %dma_wait3A_19 = tpu.memref_slice %arg4[%add3A_18] : memref<320000xi32, #tpu.memory_space<hbm>> -> memref<80xi32, #tpu.memory_space<hbm>>
    tpu.wait_dma2 semaphore(%arg15 : memref<!tpu.dma_semaphore, #tpu.memory_space<semaphore_mem>>) src(%dma_wait3A_19 : memref<80xi32, #tpu.memory_space<hbm>>) dst(%arg9 : memref<80xi32, #tpu.memory_space<vmem>>)
    %add3A_20 = arith.constant 9920 : i32
    %add3A_21 = arith.addi %add3A, %add3A_20 : i32
    %dma_wait3A_22 = arith.constant 0 : i32
    %dma_wait3A_23 = tpu.memref_slice %arg2[%add3A_21, %dma_wait3A_22] : memref<320000x128xf32, #tpu.memory_space<hbm>> -> memref<80x128xf32, #tpu.memory_space<hbm>>
    %dma_wait3A_24 = arith.constant 0 : i32
    %dma_wait3A_25 = tpu.memref_slice %arg2[%add3A_21, %dma_wait3A_24] : memref<320000x128xf32, #tpu.memory_space<hbm>> -> memref<80x128xf32, #tpu.memory_space<hbm>>
    tpu.wait_dma2 semaphore(%arg15 : memref<!tpu.dma_semaphore, #tpu.memory_space<semaphore_mem>>) src(%dma_wait3A_25 : memref<80x128xf32, #tpu.memory_space<hbm>>) dst(%arg11 : memref<80x128xf32, #tpu.memory_space<vmem>>)
    %dma_start3A_26 = arith.constant 0 : i32
    %dma_start3A_27 = arith.constant 0 : i32
    %dma_start3A_28 = tpu.memref_slice %arg8[%dma_start3A_26, %dma_start3A_27] : memref<10000x128xf32, #tpu.memory_space<vmem_shared>> -> memref<10000x128xf32, #tpu.memory_space<vmem_shared>>
    tpu.enqueue_indirect_dma source(%arg11 : memref<80x128xf32, #tpu.memory_space<vmem>>) target(%dma_start3A_28 : memref<10000x128xf32, #tpu.memory_space<vmem_shared>>) offsets(%arg9 : memref<80xi32, #tpu.memory_space<vmem>>) semaphore(%arg17 : memref<!tpu.dma_semaphore, #tpu.memory_space<semaphore_mem>>) {add = true}
    %dma_wait3A_29 = arith.constant 0 : i32
    %dma_wait3A_30 = arith.constant 0 : i32
    %dma_wait3A_31 = tpu.memref_slice %arg8[%dma_wait3A_29, %dma_wait3A_30] : memref<10000x128xf32, #tpu.memory_space<vmem_shared>> -> memref<10000x128xf32, #tpu.memory_space<vmem_shared>>
    tpu.wait_indirect_dma semaphore(%arg17 : memref<!tpu.dma_semaphore, #tpu.memory_space<semaphore_mem>>) src(%arg11 : memref<80x128xf32, #tpu.memory_space<vmem>>) dst(%dma_wait3A_31 : memref<10000x128xf32, #tpu.memory_space<vmem_shared>>)
    %add3A_32 = arith.constant 0 : i32
    %add3A_33 = arith.addi %add3A, %add3A_32 : i32
    %dma_start3A_34 = tpu.memref_slice %arg4[%add3A_33] : memref<320000xi32, #tpu.memory_space<hbm>> -> memref<80xi32, #tpu.memory_space<hbm>>
    %dma_start3A_35 = tpu.memref_slice %arg4[%add3A_33] : memref<320000xi32, #tpu.memory_space<hbm>> -> memref<80xi32, #tpu.memory_space<hbm>>
    tpu.enqueue_dma source(%dma_start3A_35 : memref<80xi32, #tpu.memory_space<hbm>>) target(%arg9 : memref<80xi32, #tpu.memory_space<vmem>>) target_semaphore(%arg15 : memref<!tpu.dma_semaphore, #tpu.memory_space<semaphore_mem>>)
    %add3A_36 = arith.constant 0 : i32
    %add3A_37 = arith.addi %add3A, %add3A_36 : i32
    %dma_start3A_38 = arith.constant 0 : i32
    %dma_start3A_39 = tpu.memref_slice %arg2[%add3A_37, %dma_start3A_38] : memref<320000x128xf32, #tpu.memory_space<hbm>> -> memref<80x128xf32, #tpu.memory_space<hbm>>
    %dma_start3A_40 = arith.constant 0 : i32
    %dma_start3A_41 = tpu.memref_slice %arg2[%add3A_37, %dma_start3A_40] : memref<320000x128xf32, #tpu.memory_space<hbm>> -> memref<80x128xf32, #tpu.memory_space<hbm>>
    tpu.enqueue_dma source(%dma_start3A_41 : memref<80x128xf32, #tpu.memory_space<hbm>>) target(%arg11 : memref<80x128xf32, #tpu.memory_space<vmem>>) target_semaphore(%arg15 : memref<!tpu.dma_semaphore, #tpu.memory_space<semaphore_mem>>)
    %scan3A = arith.constant 0 : i32
    %scan3A_42 = arith.constant 62 : i32
    %scan3A_43 = arith.addi %scan3A, %scan3A_42 : i32
    %scan3A_44 = arith.constant 1 : i32
    scf.for %scan3A_126 = %scan3A to %scan3A_43 step %scan3A_44  : i32 {
      %mul3A_127 = arith.constant 1 : i32
      %mul3A_128 = arith.muli %scan3A_126, %mul3A_127 : i32
      %add3A_129 = arith.constant 0 : i32
      %add3A_130 = arith.addi %add3A_129, %mul3A_128 : i32
      %mul3A_131 = arith.constant 2 : i32
      %mul3A_132 = arith.muli %mul3A_131, %add3A_130 : i32
      %mul3A_133 = arith.constant 80 : i32
      %mul3A_134 = arith.muli %mul3A_132, %mul3A_133 : i32
      %add3A_135 = arith.addi %add3A, %mul3A_134 : i32
      %dma_wait3A_136 = tpu.memref_slice %arg4[%add3A_135] : memref<320000xi32, #tpu.memory_space<hbm>> -> memref<80xi32, #tpu.memory_space<hbm>>
      %dma_wait3A_137 = tpu.memref_slice %arg4[%add3A_135] : memref<320000xi32, #tpu.memory_space<hbm>> -> memref<80xi32, #tpu.memory_space<hbm>>
      tpu.wait_dma2 semaphore(%arg15 : memref<!tpu.dma_semaphore, #tpu.memory_space<semaphore_mem>>) src(%dma_wait3A_137 : memref<80xi32, #tpu.memory_space<hbm>>) dst(%arg9 : memref<80xi32, #tpu.memory_space<vmem>>)
      %mul3A_138 = arith.constant 80 : i32
      %mul3A_139 = arith.muli %mul3A_132, %mul3A_138 : i32
      %add3A_140 = arith.addi %add3A, %mul3A_139 : i32
      %dma_wait3A_141 = arith.constant 0 : i32
      %dma_wait3A_142 = tpu.memref_slice %arg2[%add3A_140, %dma_wait3A_141] : memref<320000x128xf32, #tpu.memory_space<hbm>> -> memref<80x128xf32, #tpu.memory_space<hbm>>
      %dma_wait3A_143 = arith.constant 0 : i32
      %dma_wait3A_144 = tpu.memref_slice %arg2[%add3A_140, %dma_wait3A_143] : memref<320000x128xf32, #tpu.memory_space<hbm>> -> memref<80x128xf32, #tpu.memory_space<hbm>>
      tpu.wait_dma2 semaphore(%arg15 : memref<!tpu.dma_semaphore, #tpu.memory_space<semaphore_mem>>) src(%dma_wait3A_144 : memref<80x128xf32, #tpu.memory_space<hbm>>) dst(%arg11 : memref<80x128xf32, #tpu.memory_space<vmem>>)
      %dma_start3A_145 = arith.constant 0 : i32
      %dma_start3A_146 = arith.constant 0 : i32
      %dma_start3A_147 = tpu.memref_slice %arg8[%dma_start3A_145, %dma_start3A_146] : memref<10000x128xf32, #tpu.memory_space<vmem_shared>> -> memref<10000x128xf32, #tpu.memory_space<vmem_shared>>
      tpu.enqueue_indirect_dma source(%arg11 : memref<80x128xf32, #tpu.memory_space<vmem>>) target(%dma_start3A_147 : memref<10000x128xf32, #tpu.memory_space<vmem_shared>>) offsets(%arg9 : memref<80xi32, #tpu.memory_space<vmem>>) semaphore(%arg17 : memref<!tpu.dma_semaphore, #tpu.memory_space<semaphore_mem>>) {add = true}
      %gt3A = arith.constant 0 : i32
      %gt3A_148 = arith.cmpi sgt, %add3A_130, %gt3A : i32
      %convert_element_type3A_149 = arith.extui %gt3A_148 : i1 to i32
      %cond3A_150 = arith.constant 0 : i32
      %cond3A_151 = arith.cmpi ne, %convert_element_type3A_149, %cond3A_150 : i32
      scf.if %cond3A_151 {
        %dma_wait3A_196 = arith.constant 0 : i32
        %dma_wait3A_197 = arith.constant 0 : i32
        %dma_wait3A_198 = tpu.memref_slice %arg8[%dma_wait3A_196, %dma_wait3A_197] : memref<10000x128xf32, #tpu.memory_space<vmem_shared>> -> memref<10000x128xf32, #tpu.memory_space<vmem_shared>>
        tpu.wait_indirect_dma semaphore(%arg18 : memref<!tpu.dma_semaphore, #tpu.memory_space<semaphore_mem>>) src(%arg12 : memref<80x128xf32, #tpu.memory_space<vmem>>) dst(%dma_wait3A_198 : memref<10000x128xf32, #tpu.memory_space<vmem_shared>>)
      } else {
      }
      %add3A_152 = arith.constant 1 : i32
      %add3A_153 = arith.addi %mul3A_132, %add3A_152 : i32
      %mul3A_154 = arith.constant 80 : i32
      %mul3A_155 = arith.muli %add3A_153, %mul3A_154 : i32
      %add3A_156 = arith.addi %add3A, %mul3A_155 : i32
      %dma_start3A_157 = tpu.memref_slice %arg4[%add3A_156] : memref<320000xi32, #tpu.memory_space<hbm>> -> memref<80xi32, #tpu.memory_space<hbm>>
      %dma_start3A_158 = tpu.memref_slice %arg4[%add3A_156] : memref<320000xi32, #tpu.memory_space<hbm>> -> memref<80xi32, #tpu.memory_space<hbm>>
      tpu.enqueue_dma source(%dma_start3A_158 : memref<80xi32, #tpu.memory_space<hbm>>) target(%arg10 : memref<80xi32, #tpu.memory_space<vmem>>) target_semaphore(%arg16 : memref<!tpu.dma_semaphore, #tpu.memory_space<semaphore_mem>>)
      %add3A_159 = arith.constant 1 : i32
      %add3A_160 = arith.addi %mul3A_132, %add3A_159 : i32
      %mul3A_161 = arith.constant 80 : i32
      %mul3A_162 = arith.muli %add3A_160, %mul3A_161 : i32
      %add3A_163 = arith.addi %add3A, %mul3A_162 : i32
      %dma_start3A_164 = arith.constant 0 : i32
      %dma_start3A_165 = tpu.memref_slice %arg2[%add3A_163, %dma_start3A_164] : memref<320000x128xf32, #tpu.memory_space<hbm>> -> memref<80x128xf32, #tpu.memory_space<hbm>>
      %dma_start3A_166 = arith.constant 0 : i32
      %dma_start3A_167 = tpu.memref_slice %arg2[%add3A_163, %dma_start3A_166] : memref<320000x128xf32, #tpu.memory_space<hbm>> -> memref<80x128xf32, #tpu.memory_space<hbm>>
      tpu.enqueue_dma source(%dma_start3A_167 : memref<80x128xf32, #tpu.memory_space<hbm>>) target(%arg12 : memref<80x128xf32, #tpu.memory_space<vmem>>) target_semaphore(%arg16 : memref<!tpu.dma_semaphore, #tpu.memory_space<semaphore_mem>>)
      %add3A_168 = arith.constant 1 : i32
      %add3A_169 = arith.addi %mul3A_132, %add3A_168 : i32
      %mul3A_170 = arith.constant 80 : i32
      %mul3A_171 = arith.muli %add3A_169, %mul3A_170 : i32
      %add3A_172 = arith.addi %add3A, %mul3A_171 : i32
      %dma_wait3A_173 = tpu.memref_slice %arg4[%add3A_172] : memref<320000xi32, #tpu.memory_space<hbm>> -> memref<80xi32, #tpu.memory_space<hbm>>
      %dma_wait3A_174 = tpu.memref_slice %arg4[%add3A_172] : memref<320000xi32, #tpu.memory_space<hbm>> -> memref<80xi32, #tpu.memory_space<hbm>>
      tpu.wait_dma2 semaphore(%arg16 : memref<!tpu.dma_semaphore, #tpu.memory_space<semaphore_mem>>) src(%dma_wait3A_174 : memref<80xi32, #tpu.memory_space<hbm>>) dst(%arg10 : memref<80xi32, #tpu.memory_space<vmem>>)
      %add3A_175 = arith.constant 1 : i32
      %add3A_176 = arith.addi %mul3A_132, %add3A_175 : i32
      %mul3A_177 = arith.constant 80 : i32
      %mul3A_178 = arith.muli %add3A_176, %mul3A_177 : i32
      %add3A_179 = arith.addi %add3A, %mul3A_178 : i32
      %dma_wait3A_180 = arith.constant 0 : i32
      %dma_wait3A_181 = tpu.memref_slice %arg2[%add3A_179, %dma_wait3A_180] : memref<320000x128xf32, #tpu.memory_space<hbm>> -> memref<80x128xf32, #tpu.memory_space<hbm>>
      %dma_wait3A_182 = arith.constant 0 : i32
      %dma_wait3A_183 = tpu.memref_slice %arg2[%add3A_179, %dma_wait3A_182] : memref<320000x128xf32, #tpu.memory_space<hbm>> -> memref<80x128xf32, #tpu.memory_space<hbm>>
      tpu.wait_dma2 semaphore(%arg16 : memref<!tpu.dma_semaphore, #tpu.memory_space<semaphore_mem>>) src(%dma_wait3A_183 : memref<80x128xf32, #tpu.memory_space<hbm>>) dst(%arg12 : memref<80x128xf32, #tpu.memory_space<vmem>>)
      %dma_start3A_184 = arith.constant 0 : i32
      %dma_start3A_185 = arith.constant 0 : i32
      %dma_start3A_186 = tpu.memref_slice %arg8[%dma_start3A_184, %dma_start3A_185] : memref<10000x128xf32, #tpu.memory_space<vmem_shared>> -> memref<10000x128xf32, #tpu.memory_space<vmem_shared>>
      tpu.enqueue_indirect_dma source(%arg12 : memref<80x128xf32, #tpu.memory_space<vmem>>) target(%dma_start3A_186 : memref<10000x128xf32, #tpu.memory_space<vmem_shared>>) offsets(%arg10 : memref<80xi32, #tpu.memory_space<vmem>>) semaphore(%arg18 : memref<!tpu.dma_semaphore, #tpu.memory_space<semaphore_mem>>) {add = true}
      %dma_wait3A_187 = arith.constant 0 : i32
      %dma_wait3A_188 = arith.constant 0 : i32
      %dma_wait3A_189 = tpu.memref_slice %arg8[%dma_wait3A_187, %dma_wait3A_188] : memref<10000x128xf32, #tpu.memory_space<vmem_shared>> -> memref<10000x128xf32, #tpu.memory_space<vmem_shared>>
      tpu.wait_indirect_dma semaphore(%arg17 : memref<!tpu.dma_semaphore, #tpu.memory_space<semaphore_mem>>) src(%arg11 : memref<80x128xf32, #tpu.memory_space<vmem>>) dst(%dma_wait3A_189 : memref<10000x128xf32, #tpu.memory_space<vmem_shared>>)
      %lt3A = arith.constant 61 : i32
      %lt3A_190 = arith.cmpi slt, %add3A_130, %lt3A : i32
      %add3A_191 = arith.constant 2 : i32
      %add3A_192 = arith.addi %mul3A_132, %add3A_191 : i32
      %convert_element_type3A_193 = arith.extui %lt3A_190 : i1 to i32
      %cond3A_194 = arith.constant 0 : i32
      %cond3A_195 = arith.cmpi ne, %convert_element_type3A_193, %cond3A_194 : i32
      scf.if %cond3A_195 {
        %mul3A_196 = arith.constant 80 : i32
        %mul3A_197 = arith.muli %add3A_192, %mul3A_196 : i32
        %add3A_198 = arith.addi %add3A, %mul3A_197 : i32
        %dma_start3A_199 = tpu.memref_slice %arg4[%add3A_198] : memref<320000xi32, #tpu.memory_space<hbm>> -> memref<80xi32, #tpu.memory_space<hbm>>
        %dma_start3A_200 = tpu.memref_slice %arg4[%add3A_198] : memref<320000xi32, #tpu.memory_space<hbm>> -> memref<80xi32, #tpu.memory_space<hbm>>
        tpu.enqueue_dma source(%dma_start3A_200 : memref<80xi32, #tpu.memory_space<hbm>>) target(%arg9 : memref<80xi32, #tpu.memory_space<vmem>>) target_semaphore(%arg15 : memref<!tpu.dma_semaphore, #tpu.memory_space<semaphore_mem>>)
        %mul3A_201 = arith.constant 80 : i32
        %mul3A_202 = arith.muli %add3A_192, %mul3A_201 : i32
        %add3A_203 = arith.addi %add3A, %mul3A_202 : i32
        %dma_start3A_204 = arith.constant 0 : i32
        %dma_start3A_205 = tpu.memref_slice %arg2[%add3A_203, %dma_start3A_204] : memref<320000x128xf32, #tpu.memory_space<hbm>> -> memref<80x128xf32, #tpu.memory_space<hbm>>
        %dma_start3A_206 = arith.constant 0 : i32
        %dma_start3A_207 = tpu.memref_slice %arg2[%add3A_203, %dma_start3A_206] : memref<320000x128xf32, #tpu.memory_space<hbm>> -> memref<80x128xf32, #tpu.memory_space<hbm>>
        tpu.enqueue_dma source(%dma_start3A_207 : memref<80x128xf32, #tpu.memory_space<hbm>>) target(%arg11 : memref<80x128xf32, #tpu.memory_space<vmem>>) target_semaphore(%arg15 : memref<!tpu.dma_semaphore, #tpu.memory_space<semaphore_mem>>)
      } else {
      }
    }
    %scan3A_45 = arith.constant 62 : i32
    %dma_wait3A_46 = arith.constant 0 : i32
    %dma_wait3A_47 = arith.constant 0 : i32
    %dma_wait3A_48 = tpu.memref_slice %arg8[%dma_wait3A_46, %dma_wait3A_47] : memref<10000x128xf32, #tpu.memory_space<vmem_shared>> -> memref<10000x128xf32, #tpu.memory_space<vmem_shared>>
    tpu.wait_indirect_dma semaphore(%arg18 : memref<!tpu.dma_semaphore, #tpu.memory_space<semaphore_mem>>) src(%arg12 : memref<80x128xf32, #tpu.memory_space<vmem>>) dst(%dma_wait3A_48 : memref<10000x128xf32, #tpu.memory_space<vmem_shared>>)
    %barrier3A_49 = arith.constant 0 : index
    tpu.barrier barrier_id(%barrier3A_49)
    "tpu.region"() ({
      %run_scoped3A = tpu.sem_alloc : memref<!tpu.dma_semaphore, #tpu.memory_space<semaphore_mem>>
      %dma_start3A_126 = arith.constant 0 : i32
      %dma_start3A_127 = arith.constant 0 : i32
      %dma_start3A_128 = tpu.memref_slice %arg6[%arg0, %dma_start3A_126, %dma_start3A_127] : memref<2x10000x128xf32, #tpu.memory_space<hbm>> -> memref<1x10000x128xf32, #tpu.memory_space<hbm>>
      %dma_start3A_129 = tpu.memref_squeeze %dma_start3A_128 : memref<1x10000x128xf32, #tpu.memory_space<hbm>> -> memref<10000x128xf32, #tpu.memory_space<hbm>>
      %dma_start3A_130 = arith.constant 0 : i32
      %dma_start3A_131 = tpu.memref_slice %dma_start3A_129[%mul3A_4, %dma_start3A_130] : memref<10000x128xf32, #tpu.memory_space<hbm>> -> memref<624x128xf32, #tpu.memory_space<hbm>>
      %dma_start3A_132 = arith.constant 0 : i32
      %dma_start3A_133 = tpu.memref_slice %arg8[%mul3A_4, %dma_start3A_132] : memref<10000x128xf32, #tpu.memory_space<vmem_shared>> -> memref<624x128xf32, #tpu.memory_space<vmem_shared>>
      tpu.enqueue_dma source(%dma_start3A_133 : memref<624x128xf32, #tpu.memory_space<vmem_shared>>) target(%dma_start3A_131 : memref<624x128xf32, #tpu.memory_space<hbm>>) target_semaphore(%run_scoped3A : memref<!tpu.dma_semaphore, #tpu.memory_space<semaphore_mem>>)
      %dma_wait3A_134 = arith.constant 0 : i32
      %dma_wait3A_135 = arith.constant 0 : i32
      %dma_wait3A_136 = tpu.memref_slice %arg6[%arg0, %dma_wait3A_134, %dma_wait3A_135] : memref<2x10000x128xf32, #tpu.memory_space<hbm>> -> memref<1x10000x128xf32, #tpu.memory_space<hbm>>
      %dma_wait3A_137 = tpu.memref_squeeze %dma_wait3A_136 : memref<1x10000x128xf32, #tpu.memory_space<hbm>> -> memref<10000x128xf32, #tpu.memory_space<hbm>>
      %dma_wait3A_138 = arith.constant 0 : i32
      %dma_wait3A_139 = tpu.memref_slice %dma_wait3A_137[%mul3A_4, %dma_wait3A_138] : memref<10000x128xf32, #tpu.memory_space<hbm>> -> memref<624x128xf32, #tpu.memory_space<hbm>>
      %dma_wait3A_140 = arith.constant 0 : i32
      %dma_wait3A_141 = tpu.memref_slice %arg8[%mul3A_4, %dma_wait3A_140] : memref<10000x128xf32, #tpu.memory_space<vmem_shared>> -> memref<624x128xf32, #tpu.memory_space<vmem_shared>>
      tpu.wait_dma2 semaphore(%run_scoped3A : memref<!tpu.dma_semaphore, #tpu.memory_space<semaphore_mem>>) src(%dma_wait3A_141 : memref<624x128xf32, #tpu.memory_space<vmem_shared>>) dst(%dma_wait3A_139 : memref<624x128xf32, #tpu.memory_space<hbm>>)
      tpu.yield
    }) : () -> ()
    %eq3A_50 = arith.constant 15 : i32
    %eq3A_51 = arith.cmpi eq, %arg1, %eq3A_50 : i32
    %convert_element_type3A_52 = arith.extui %eq3A_51 : i1 to i32
    %cond3A_53 = arith.constant 0 : i32
    %cond3A_54 = arith.cmpi ne, %convert_element_type3A_52, %cond3A_53 : i32
    scf.if %cond3A_54 {
      "tpu.region"() ({
        %run_scoped3A = tpu.sem_alloc : memref<!tpu.dma_semaphore, #tpu.memory_space<semaphore_mem>>
        %dma_start3A_126 = arith.constant 0 : i32
        %dma_start3A_127 = arith.constant 0 : i32
        %dma_start3A_128 = tpu.memref_slice %arg6[%arg0, %dma_start3A_126, %dma_start3A_127] : memref<2x10000x128xf32, #tpu.memory_space<hbm>> -> memref<1x10000x128xf32, #tpu.memory_space<hbm>>
        %dma_start3A_129 = tpu.memref_squeeze %dma_start3A_128 : memref<1x10000x128xf32, #tpu.memory_space<hbm>> -> memref<10000x128xf32, #tpu.memory_space<hbm>>
        %dma_start3A_130 = arith.constant 9984 : i32
        %dma_start3A_131 = arith.constant 0 : i32
        %dma_start3A_132 = tpu.memref_slice %dma_start3A_129[%dma_start3A_130, %dma_start3A_131] : memref<10000x128xf32, #tpu.memory_space<hbm>> -> memref<16x128xf32, #tpu.memory_space<hbm>>
        %dma_start3A_133 = arith.constant 9984 : i32
        %dma_start3A_134 = arith.constant 0 : i32
        %dma_start3A_135 = tpu.memref_slice %arg8[%dma_start3A_133, %dma_start3A_134] : memref<10000x128xf32, #tpu.memory_space<vmem_shared>> -> memref<16x128xf32, #tpu.memory_space<vmem_shared>>
        tpu.enqueue_dma source(%dma_start3A_135 : memref<16x128xf32, #tpu.memory_space<vmem_shared>>) target(%dma_start3A_132 : memref<16x128xf32, #tpu.memory_space<hbm>>) target_semaphore(%run_scoped3A : memref<!tpu.dma_semaphore, #tpu.memory_space<semaphore_mem>>)
        %dma_wait3A_136 = arith.constant 0 : i32
        %dma_wait3A_137 = arith.constant 0 : i32
        %dma_wait3A_138 = tpu.memref_slice %arg6[%arg0, %dma_wait3A_136, %dma_wait3A_137] : memref<2x10000x128xf32, #tpu.memory_space<hbm>> -> memref<1x10000x128xf32, #tpu.memory_space<hbm>>
        %dma_wait3A_139 = tpu.memref_squeeze %dma_wait3A_138 : memref<1x10000x128xf32, #tpu.memory_space<hbm>> -> memref<10000x128xf32, #tpu.memory_space<hbm>>
        %dma_wait3A_140 = arith.constant 9984 : i32
        %dma_wait3A_141 = arith.constant 0 : i32
        %dma_wait3A_142 = tpu.memref_slice %dma_wait3A_139[%dma_wait3A_140, %dma_wait3A_141] : memref<10000x128xf32, #tpu.memory_space<hbm>> -> memref<16x128xf32, #tpu.memory_space<hbm>>
        %dma_wait3A_143 = arith.constant 9984 : i32
        %dma_wait3A_144 = arith.constant 0 : i32
        %dma_wait3A_145 = tpu.memref_slice %arg8[%dma_wait3A_143, %dma_wait3A_144] : memref<10000x128xf32, #tpu.memory_space<vmem_shared>> -> memref<16x128xf32, #tpu.memory_space<vmem_shared>>
        tpu.wait_dma2 semaphore(%run_scoped3A : memref<!tpu.dma_semaphore, #tpu.memory_space<semaphore_mem>>) src(%dma_wait3A_145 : memref<16x128xf32, #tpu.memory_space<vmem_shared>>) dst(%dma_wait3A_142 : memref<16x128xf32, #tpu.memory_space<hbm>>)
        tpu.yield
      }) : () -> ()
    } else {
    }
    "tpu.region"() ({
      %run_scoped3A = tpu.sem_alloc : memref<!tpu.dma_semaphore, #tpu.memory_space<semaphore_mem>>
      %dma_start3A_126 = arith.constant 0 : i32
      %dma_start3A_127 = tpu.memref_slice %arg8[%mul3A_4, %dma_start3A_126] : memref<10000x128xf32, #tpu.memory_space<vmem_shared>> -> memref<624x128xf32, #tpu.memory_space<vmem_shared>>
      %dma_start3A_128 = arith.constant 0 : i32
      %dma_start3A_129 = tpu.memref_slice %arg5[%mul3A_4, %dma_start3A_128] : memref<10000x128xf32, #tpu.memory_space<hbm>> -> memref<624x128xf32, #tpu.memory_space<hbm>>
      tpu.enqueue_dma source(%dma_start3A_129 : memref<624x128xf32, #tpu.memory_space<hbm>>) target(%dma_start3A_127 : memref<624x128xf32, #tpu.memory_space<vmem_shared>>) target_semaphore(%run_scoped3A : memref<!tpu.dma_semaphore, #tpu.memory_space<semaphore_mem>>)
      %dma_wait3A_130 = arith.constant 0 : i32
      %dma_wait3A_131 = tpu.memref_slice %arg8[%mul3A_4, %dma_wait3A_130] : memref<10000x128xf32, #tpu.memory_space<vmem_shared>> -> memref<624x128xf32, #tpu.memory_space<vmem_shared>>
      %dma_wait3A_132 = arith.constant 0 : i32
      %dma_wait3A_133 = tpu.memref_slice %arg5[%mul3A_4, %dma_wait3A_132] : memref<10000x128xf32, #tpu.memory_space<hbm>> -> memref<624x128xf32, #tpu.memory_space<hbm>>
      tpu.wait_dma2 semaphore(%run_scoped3A : memref<!tpu.dma_semaphore, #tpu.memory_space<semaphore_mem>>) src(%dma_wait3A_133 : memref<624x128xf32, #tpu.memory_space<hbm>>) dst(%dma_wait3A_131 : memref<624x128xf32, #tpu.memory_space<vmem_shared>>)
      tpu.yield
    }) : () -> ()
    %eq3A_55 = arith.constant 15 : i32
    %eq3A_56 = arith.cmpi eq, %arg1, %eq3A_55 : i32
    %convert_element_type3A_57 = arith.extui %eq3A_56 : i1 to i32
    %cond3A_58 = arith.constant 0 : i32
    %cond3A_59 = arith.cmpi ne, %convert_element_type3A_57, %cond3A_58 : i32
    scf.if %cond3A_59 {
      "tpu.region"() ({
        %run_scoped3A = tpu.sem_alloc : memref<!tpu.dma_semaphore, #tpu.memory_space<semaphore_mem>>
        %dma_start3A_126 = arith.constant 9984 : i32
        %dma_start3A_127 = arith.constant 0 : i32
        %dma_start3A_128 = tpu.memref_slice %arg8[%dma_start3A_126, %dma_start3A_127] : memref<10000x128xf32, #tpu.memory_space<vmem_shared>> -> memref<16x128xf32, #tpu.memory_space<vmem_shared>>
        %dma_start3A_129 = arith.constant 9984 : i32
        %dma_start3A_130 = arith.constant 0 : i32
        %dma_start3A_131 = tpu.memref_slice %arg5[%dma_start3A_129, %dma_start3A_130] : memref<10000x128xf32, #tpu.memory_space<hbm>> -> memref<16x128xf32, #tpu.memory_space<hbm>>
        tpu.enqueue_dma source(%dma_start3A_131 : memref<16x128xf32, #tpu.memory_space<hbm>>) target(%dma_start3A_128 : memref<16x128xf32, #tpu.memory_space<vmem_shared>>) target_semaphore(%run_scoped3A : memref<!tpu.dma_semaphore, #tpu.memory_space<semaphore_mem>>)
        %dma_wait3A_132 = arith.constant 9984 : i32
        %dma_wait3A_133 = arith.constant 0 : i32
        %dma_wait3A_134 = tpu.memref_slice %arg8[%dma_wait3A_132, %dma_wait3A_133] : memref<10000x128xf32, #tpu.memory_space<vmem_shared>> -> memref<16x128xf32, #tpu.memory_space<vmem_shared>>
        %dma_wait3A_135 = arith.constant 9984 : i32
        %dma_wait3A_136 = arith.constant 0 : i32
        %dma_wait3A_137 = tpu.memref_slice %arg5[%dma_wait3A_135, %dma_wait3A_136] : memref<10000x128xf32, #tpu.memory_space<hbm>> -> memref<16x128xf32, #tpu.memory_space<hbm>>
        tpu.wait_dma2 semaphore(%run_scoped3A : memref<!tpu.dma_semaphore, #tpu.memory_space<semaphore_mem>>) src(%dma_wait3A_137 : memref<16x128xf32, #tpu.memory_space<hbm>>) dst(%dma_wait3A_134 : memref<16x128xf32, #tpu.memory_space<vmem_shared>>)
        tpu.yield
      }) : () -> ()
    } else {
    }
    %scan3A_60 = arith.constant 0 : i32
    %scan3A_61 = arith.constant 80 : i32
    %scan3A_62 = arith.addi %scan3A_60, %scan3A_61 : i32
    %scan3A_63 = arith.constant 1 : i32
    scf.for %scan3A_126 = %scan3A_60 to %scan3A_62 step %scan3A_63  : i32 {
      %mul3A_127 = arith.constant 1 : i32
      %mul3A_128 = arith.muli %scan3A_126, %mul3A_127 : i32
      %add3A_129 = arith.constant 0 : i32
      %add3A_130 = arith.addi %add3A_129, %mul3A_128 : i32
      %swap3A = arith.index_cast %add3A_130 : i32 to index
      %swap3A_131 = arith.constant 16 : index
      %swap3A_132 = tpu.vector_load %arg11[%swap3A, %swap3A_131] {strides = array<i32>} : memref<80x128xf32, #tpu.memory_space<vmem>>, vector<16xf32>,
      tpu.vector_store %arg11[%swap3A, %swap3A_131], %broadcast_in_dim3A_5 {strides = array<i32>} : memref<80x128xf32, #tpu.memory_space<vmem>>, vector<16xf32>,
      %swap3A_133 = arith.index_cast %add3A_130 : i32 to index
      %swap3A_134 = arith.constant 32 : index
      %swap3A_135 = tpu.vector_load %arg11[%swap3A_133, %swap3A_134] {strides = array<i32>} : memref<80x128xf32, #tpu.memory_space<vmem>>, vector<16xf32>,
      tpu.vector_store %arg11[%swap3A_133, %swap3A_134], %broadcast_in_dim3A_5 {strides = array<i32>} : memref<80x128xf32, #tpu.memory_space<vmem>>, vector<16xf32>,
      %swap3A_136 = arith.index_cast %add3A_130 : i32 to index
      %swap3A_137 = arith.constant 48 : index
      %swap3A_138 = tpu.vector_load %arg11[%swap3A_136, %swap3A_137] {strides = array<i32>} : memref<80x128xf32, #tpu.memory_space<vmem>>, vector<16xf32>,
      tpu.vector_store %arg11[%swap3A_136, %swap3A_137], %broadcast_in_dim3A_5 {strides = array<i32>} : memref<80x128xf32, #tpu.memory_space<vmem>>, vector<16xf32>,
      %swap3A_139 = arith.index_cast %add3A_130 : i32 to index
      %swap3A_140 = arith.constant 64 : index
      %swap3A_141 = tpu.vector_load %arg11[%swap3A_139, %swap3A_140] {strides = array<i32>} : memref<80x128xf32, #tpu.memory_space<vmem>>, vector<16xf32>,
      tpu.vector_store %arg11[%swap3A_139, %swap3A_140], %broadcast_in_dim3A_5 {strides = array<i32>} : memref<80x128xf32, #tpu.memory_space<vmem>>, vector<16xf32>,
      %swap3A_142 = arith.index_cast %add3A_130 : i32 to index
      %swap3A_143 = arith.constant 80 : index
      %swap3A_144 = tpu.vector_load %arg11[%swap3A_142, %swap3A_143] {strides = array<i32>} : memref<80x128xf32, #tpu.memory_space<vmem>>, vector<16xf32>,
      tpu.vector_store %arg11[%swap3A_142, %swap3A_143], %broadcast_in_dim3A_5 {strides = array<i32>} : memref<80x128xf32, #tpu.memory_space<vmem>>, vector<16xf32>,
      %swap3A_145 = arith.index_cast %add3A_130 : i32 to index
      %swap3A_146 = arith.constant 96 : index
      %swap3A_147 = tpu.vector_load %arg11[%swap3A_145, %swap3A_146] {strides = array<i32>} : memref<80x128xf32, #tpu.memory_space<vmem>>, vector<16xf32>,
      tpu.vector_store %arg11[%swap3A_145, %swap3A_146], %broadcast_in_dim3A_5 {strides = array<i32>} : memref<80x128xf32, #tpu.memory_space<vmem>>, vector<16xf32>,
      %swap3A_148 = arith.index_cast %add3A_130 : i32 to index
      %swap3A_149 = arith.constant 112 : index
      %swap3A_150 = tpu.vector_load %arg11[%swap3A_148, %swap3A_149] {strides = array<i32>} : memref<80x128xf32, #tpu.memory_space<vmem>>, vector<16xf32>,
      tpu.vector_store %arg11[%swap3A_148, %swap3A_149], %broadcast_in_dim3A_5 {strides = array<i32>} : memref<80x128xf32, #tpu.memory_space<vmem>>, vector<16xf32>,
    }
    %scan3A_64 = arith.constant 80 : i32
    %scan3A_65 = arith.constant 0 : i32
    %scan3A_66 = arith.constant 80 : i32
    %scan3A_67 = arith.addi %scan3A_65, %scan3A_66 : i32
    %scan3A_68 = arith.constant 1 : i32
    scf.for %scan3A_126 = %scan3A_65 to %scan3A_67 step %scan3A_68  : i32 {
      %mul3A_127 = arith.constant 1 : i32
      %mul3A_128 = arith.muli %scan3A_126, %mul3A_127 : i32
      %add3A_129 = arith.constant 0 : i32
      %add3A_130 = arith.addi %add3A_129, %mul3A_128 : i32
      %swap3A = arith.index_cast %add3A_130 : i32 to index
      %swap3A_131 = arith.constant 16 : index
      %swap3A_132 = tpu.vector_load %arg12[%swap3A, %swap3A_131] {strides = array<i32>} : memref<80x128xf32, #tpu.memory_space<vmem>>, vector<16xf32>,
      tpu.vector_store %arg12[%swap3A, %swap3A_131], %broadcast_in_dim3A_5 {strides = array<i32>} : memref<80x128xf32, #tpu.memory_space<vmem>>, vector<16xf32>,
      %swap3A_133 = arith.index_cast %add3A_130 : i32 to index
      %swap3A_134 = arith.constant 32 : index
      %swap3A_135 = tpu.vector_load %arg12[%swap3A_133, %swap3A_134] {strides = array<i32>} : memref<80x128xf32, #tpu.memory_space<vmem>>, vector<16xf32>,
      tpu.vector_store %arg12[%swap3A_133, %swap3A_134], %broadcast_in_dim3A_5 {strides = array<i32>} : memref<80x128xf32, #tpu.memory_space<vmem>>, vector<16xf32>,
      %swap3A_136 = arith.index_cast %add3A_130 : i32 to index
      %swap3A_137 = arith.constant 48 : index
      %swap3A_138 = tpu.vector_load %arg12[%swap3A_136, %swap3A_137] {strides = array<i32>} : memref<80x128xf32, #tpu.memory_space<vmem>>, vector<16xf32>,
      tpu.vector_store %arg12[%swap3A_136, %swap3A_137], %broadcast_in_dim3A_5 {strides = array<i32>} : memref<80x128xf32, #tpu.memory_space<vmem>>, vector<16xf32>,
      %swap3A_139 = arith.index_cast %add3A_130 : i32 to index
      %swap3A_140 = arith.constant 64 : index
      %swap3A_141 = tpu.vector_load %arg12[%swap3A_139, %swap3A_140] {strides = array<i32>} : memref<80x128xf32, #tpu.memory_space<vmem>>, vector<16xf32>,
      tpu.vector_store %arg12[%swap3A_139, %swap3A_140], %broadcast_in_dim3A_5 {strides = array<i32>} : memref<80x128xf32, #tpu.memory_space<vmem>>, vector<16xf32>,
      %swap3A_142 = arith.index_cast %add3A_130 : i32 to index
      %swap3A_143 = arith.constant 80 : index
      %swap3A_144 = tpu.vector_load %arg12[%swap3A_142, %swap3A_143] {strides = array<i32>} : memref<80x128xf32, #tpu.memory_space<vmem>>, vector<16xf32>,
      tpu.vector_store %arg12[%swap3A_142, %swap3A_143], %broadcast_in_dim3A_5 {strides = array<i32>} : memref<80x128xf32, #tpu.memory_space<vmem>>, vector<16xf32>,
      %swap3A_145 = arith.index_cast %add3A_130 : i32 to index
      %swap3A_146 = arith.constant 96 : index
      %swap3A_147 = tpu.vector_load %arg12[%swap3A_145, %swap3A_146] {strides = array<i32>} : memref<80x128xf32, #tpu.memory_space<vmem>>, vector<16xf32>,
      tpu.vector_store %arg12[%swap3A_145, %swap3A_146], %broadcast_in_dim3A_5 {strides = array<i32>} : memref<80x128xf32, #tpu.memory_space<vmem>>, vector<16xf32>,
      %swap3A_148 = arith.index_cast %add3A_130 : i32 to index
      %swap3A_149 = arith.constant 112 : index
      %swap3A_150 = tpu.vector_load %arg12[%swap3A_148, %swap3A_149] {strides = array<i32>} : memref<80x128xf32, #tpu.memory_space<vmem>>, vector<16xf32>,
      tpu.vector_store %arg12[%swap3A_148, %swap3A_149], %broadcast_in_dim3A_5 {strides = array<i32>} : memref<80x128xf32, #tpu.memory_space<vmem>>, vector<16xf32>,
    }
    %scan3A_69 = arith.constant 80 : i32
    %barrier3A_70 = arith.constant 0 : index
    tpu.barrier barrier_id(%barrier3A_70)
    %add3A_71 = arith.constant 9920 : i32
    %add3A_72 = arith.addi %add3A, %add3A_71 : i32
    %dma_start3A_73 = tpu.memref_slice %arg4[%add3A_72] : memref<320000xi32, #tpu.memory_space<hbm>> -> memref<80xi32, #tpu.memory_space<hbm>>
    %dma_start3A_74 = tpu.memref_slice %arg4[%add3A_72] : memref<320000xi32, #tpu.memory_space<hbm>> -> memref<80xi32, #tpu.memory_space<hbm>>
    tpu.enqueue_dma source(%dma_start3A_74 : memref<80xi32, #tpu.memory_space<hbm>>) target(%arg9 : memref<80xi32, #tpu.memory_space<vmem>>) target_semaphore(%arg15 : memref<!tpu.dma_semaphore, #tpu.memory_space<semaphore_mem>>)
    %add3A_75 = arith.constant 9920 : i32
    %add3A_76 = arith.addi %add3A, %add3A_75 : i32
    %dma_start3A_77 = arith.constant 0 : i32
    %dma_start3A_78 = tpu.memref_slice %arg3[%add3A_76, %dma_start3A_77] : memref<320000x16xf32, #tpu.memory_space<hbm>> -> memref<80x16xf32, #tpu.memory_space<hbm>>
    %dma_start3A_79 = arith.constant 0 : i32
    %dma_start3A_80 = tpu.memref_slice %arg3[%add3A_76, %dma_start3A_79] : memref<320000x16xf32, #tpu.memory_space<hbm>> -> memref<80x16xf32, #tpu.memory_space<hbm>>
    tpu.enqueue_dma source(%dma_start3A_80 : memref<80x16xf32, #tpu.memory_space<hbm>>) target(%arg13 : memref<80x16xf32, #tpu.memory_space<vmem>>) target_semaphore(%arg15 : memref<!tpu.dma_semaphore, #tpu.memory_space<semaphore_mem>>)
    %add3A_81 = arith.constant 9920 : i32
    %add3A_82 = arith.addi %add3A, %add3A_81 : i32
    %dma_wait3A_83 = tpu.memref_slice %arg4[%add3A_82] : memref<320000xi32, #tpu.memory_space<hbm>> -> memref<80xi32, #tpu.memory_space<hbm>>
    %dma_wait3A_84 = tpu.memref_slice %arg4[%add3A_82] : memref<320000xi32, #tpu.memory_space<hbm>> -> memref<80xi32, #tpu.memory_space<hbm>>
    tpu.wait_dma2 semaphore(%arg15 : memref<!tpu.dma_semaphore, #tpu.memory_space<semaphore_mem>>) src(%dma_wait3A_84 : memref<80xi32, #tpu.memory_space<hbm>>) dst(%arg9 : memref<80xi32, #tpu.memory_space<vmem>>)
    %add3A_85 = arith.constant 9920 : i32
    %add3A_86 = arith.addi %add3A, %add3A_85 : i32
    %dma_wait3A_87 = arith.constant 0 : i32
    %dma_wait3A_88 = tpu.memref_slice %arg3[%add3A_86, %dma_wait3A_87] : memref<320000x16xf32, #tpu.memory_space<hbm>> -> memref<80x16xf32, #tpu.memory_space<hbm>>
    %dma_wait3A_89 = arith.constant 0 : i32
    %dma_wait3A_90 = tpu.memref_slice %arg3[%add3A_86, %dma_wait3A_89] : memref<320000x16xf32, #tpu.memory_space<hbm>> -> memref<80x16xf32, #tpu.memory_space<hbm>>
    tpu.wait_dma2 semaphore(%arg15 : memref<!tpu.dma_semaphore, #tpu.memory_space<semaphore_mem>>) src(%dma_wait3A_90 : memref<80x16xf32, #tpu.memory_space<hbm>>) dst(%arg13 : memref<80x16xf32, #tpu.memory_space<vmem>>)
    %scan3A_91 = arith.constant 0 : i32
    %scan3A_92 = arith.constant 80 : i32
    %scan3A_93 = arith.addi %scan3A_91, %scan3A_92 : i32
    %scan3A_94 = arith.constant 1 : i32
    scf.for %scan3A_126 = %scan3A_91 to %scan3A_93 step %scan3A_94  : i32 {
      %mul3A_127 = arith.constant 1 : i32
      %mul3A_128 = arith.muli %scan3A_126, %mul3A_127 : i32
      %add3A_129 = arith.constant 0 : i32
      %add3A_130 = arith.addi %add3A_129, %mul3A_128 : i32
      %get3A = arith.index_cast %add3A_130 : i32 to index
      %get3A_131 = arith.constant 0 : index
      %get3A_132 = tpu.vector_load %arg13[%get3A, %get3A_131] {strides = array<i32>} : memref<80x16xf32, #tpu.memory_space<vmem>>, vector<16xf32>,
      %swap3A = arith.index_cast %add3A_130 : i32 to index
      %swap3A_133 = arith.constant 0 : index
      %swap3A_134 = tpu.vector_load %arg11[%swap3A, %swap3A_133] {strides = array<i32>} : memref<80x128xf32, #tpu.memory_space<vmem>>, vector<16xf32>,
      tpu.vector_store %arg11[%swap3A, %swap3A_133], %get3A_132 {strides = array<i32>} : memref<80x128xf32, #tpu.memory_space<vmem>>, vector<16xf32>,
    }
    %scan3A_95 = arith.constant 80 : i32
    %dma_start3A_96 = arith.constant 0 : i32
    %dma_start3A_97 = arith.constant 0 : i32
    %dma_start3A_98 = tpu.memref_slice %arg8[%dma_start3A_96, %dma_start3A_97] : memref<10000x128xf32, #tpu.memory_space<vmem_shared>> -> memref<10000x128xf32, #tpu.memory_space<vmem_shared>>
    tpu.enqueue_indirect_dma source(%arg11 : memref<80x128xf32, #tpu.memory_space<vmem>>) target(%dma_start3A_98 : memref<10000x128xf32, #tpu.memory_space<vmem_shared>>) offsets(%arg9 : memref<80xi32, #tpu.memory_space<vmem>>) semaphore(%arg17 : memref<!tpu.dma_semaphore, #tpu.memory_space<semaphore_mem>>) {add = true}
    %dma_wait3A_99 = arith.constant 0 : i32
    %dma_wait3A_100 = arith.constant 0 : i32
    %dma_wait3A_101 = tpu.memref_slice %arg8[%dma_wait3A_99, %dma_wait3A_100] : memref<10000x128xf32, #tpu.memory_space<vmem_shared>> -> memref<10000x128xf32, #tpu.memory_space<vmem_shared>>
    tpu.wait_indirect_dma semaphore(%arg17 : memref<!tpu.dma_semaphore, #tpu.memory_space<semaphore_mem>>) src(%arg11 : memref<80x128xf32, #tpu.memory_space<vmem>>) dst(%dma_wait3A_101 : memref<10000x128xf32, #tpu.memory_space<vmem_shared>>)
    %add3A_102 = arith.constant 0 : i32
    %add3A_103 = arith.addi %add3A, %add3A_102 : i32
    %dma_start3A_104 = tpu.memref_slice %arg4[%add3A_103] : memref<320000xi32, #tpu.memory_space<hbm>> -> memref<80xi32, #tpu.memory_space<hbm>>
    %dma_start3A_105 = tpu.memref_slice %arg4[%add3A_103] : memref<320000xi32, #tpu.memory_space<hbm>> -> memref<80xi32, #tpu.memory_space<hbm>>
    tpu.enqueue_dma source(%dma_start3A_105 : memref<80xi32, #tpu.memory_space<hbm>>) target(%arg9 : memref<80xi32, #tpu.memory_space<vmem>>) target_semaphore(%arg15 : memref<!tpu.dma_semaphore, #tpu.memory_space<semaphore_mem>>)
    %add3A_106 = arith.constant 0 : i32
    %add3A_107 = arith.addi %add3A, %add3A_106 : i32
    %dma_start3A_108 = arith.constant 0 : i32
    %dma_start3A_109 = tpu.memref_slice %arg3[%add3A_107, %dma_start3A_108] : memref<320000x16xf32, #tpu.memory_space<hbm>> -> memref<80x16xf32, #tpu.memory_space<hbm>>
    %dma_start3A_110 = arith.constant 0 : i32
    %dma_start3A_111 = tpu.memref_slice %arg3[%add3A_107, %dma_start3A_110] : memref<320000x16xf32, #tpu.memory_space<hbm>> -> memref<80x16xf32, #tpu.memory_space<hbm>>
    tpu.enqueue_dma source(%dma_start3A_111 : memref<80x16xf32, #tpu.memory_space<hbm>>) target(%arg13 : memref<80x16xf32, #tpu.memory_space<vmem>>) target_semaphore(%arg15 : memref<!tpu.dma_semaphore, #tpu.memory_space<semaphore_mem>>)
    %scan3A_112 = arith.constant 0 : i32
    %scan3A_113 = arith.constant 62 : i32
    %scan3A_114 = arith.addi %scan3A_112, %scan3A_113 : i32
    %scan3A_115 = arith.constant 1 : i32
    scf.for %scan3A_126 = %scan3A_112 to %scan3A_114 step %scan3A_115  : i32 {
      %mul3A_127 = arith.constant 1 : i32
      %mul3A_128 = arith.muli %scan3A_126, %mul3A_127 : i32
      %add3A_129 = arith.constant 0 : i32
      %add3A_130 = arith.addi %add3A_129, %mul3A_128 : i32
      %mul3A_131 = arith.constant 2 : i32
      %mul3A_132 = arith.muli %mul3A_131, %add3A_130 : i32
      %mul3A_133 = arith.constant 80 : i32
      %mul3A_134 = arith.muli %mul3A_132, %mul3A_133 : i32
      %add3A_135 = arith.addi %add3A, %mul3A_134 : i32
      %dma_wait3A_136 = tpu.memref_slice %arg4[%add3A_135] : memref<320000xi32, #tpu.memory_space<hbm>> -> memref<80xi32, #tpu.memory_space<hbm>>
      %dma_wait3A_137 = tpu.memref_slice %arg4[%add3A_135] : memref<320000xi32, #tpu.memory_space<hbm>> -> memref<80xi32, #tpu.memory_space<hbm>>
      tpu.wait_dma2 semaphore(%arg15 : memref<!tpu.dma_semaphore, #tpu.memory_space<semaphore_mem>>) src(%dma_wait3A_137 : memref<80xi32, #tpu.memory_space<hbm>>) dst(%arg9 : memref<80xi32, #tpu.memory_space<vmem>>)
      %mul3A_138 = arith.constant 80 : i32
      %mul3A_139 = arith.muli %mul3A_132, %mul3A_138 : i32
      %add3A_140 = arith.addi %add3A, %mul3A_139 : i32
      %dma_wait3A_141 = arith.constant 0 : i32
      %dma_wait3A_142 = tpu.memref_slice %arg3[%add3A_140, %dma_wait3A_141] : memref<320000x16xf32, #tpu.memory_space<hbm>> -> memref<80x16xf32, #tpu.memory_space<hbm>>
      %dma_wait3A_143 = arith.constant 0 : i32
      %dma_wait3A_144 = tpu.memref_slice %arg3[%add3A_140, %dma_wait3A_143] : memref<320000x16xf32, #tpu.memory_space<hbm>> -> memref<80x16xf32, #tpu.memory_space<hbm>>
      tpu.wait_dma2 semaphore(%arg15 : memref<!tpu.dma_semaphore, #tpu.memory_space<semaphore_mem>>) src(%dma_wait3A_144 : memref<80x16xf32, #tpu.memory_space<hbm>>) dst(%arg13 : memref<80x16xf32, #tpu.memory_space<vmem>>)
      %scan3A_145 = arith.constant 0 : i32
      %scan3A_146 = arith.constant 80 : i32
      %scan3A_147 = arith.addi %scan3A_145, %scan3A_146 : i32
      %scan3A_148 = arith.constant 1 : i32
      scf.for %scan3A_206 = %scan3A_145 to %scan3A_147 step %scan3A_148  : i32 {
        %mul3A_207 = arith.constant 1 : i32
        %mul3A_208 = arith.muli %scan3A_206, %mul3A_207 : i32
        %add3A_209 = arith.constant 0 : i32
        %add3A_210 = arith.addi %add3A_209, %mul3A_208 : i32
        %get3A = arith.index_cast %add3A_210 : i32 to index
        %get3A_211 = arith.constant 0 : index
        %get3A_212 = tpu.vector_load %arg13[%get3A, %get3A_211] {strides = array<i32>} : memref<80x16xf32, #tpu.memory_space<vmem>>, vector<16xf32>,
        %swap3A = arith.index_cast %add3A_210 : i32 to index
        %swap3A_213 = arith.constant 0 : index
        %swap3A_214 = tpu.vector_load %arg11[%swap3A, %swap3A_213] {strides = array<i32>} : memref<80x128xf32, #tpu.memory_space<vmem>>, vector<16xf32>,
        tpu.vector_store %arg11[%swap3A, %swap3A_213], %get3A_212 {strides = array<i32>} : memref<80x128xf32, #tpu.memory_space<vmem>>, vector<16xf32>,
      }
      %scan3A_149 = arith.constant 80 : i32
      %dma_start3A_150 = arith.constant 0 : i32
      %dma_start3A_151 = arith.constant 0 : i32
      %dma_start3A_152 = tpu.memref_slice %arg8[%dma_start3A_150, %dma_start3A_151] : memref<10000x128xf32, #tpu.memory_space<vmem_shared>> -> memref<10000x128xf32, #tpu.memory_space<vmem_shared>>
      tpu.enqueue_indirect_dma source(%arg11 : memref<80x128xf32, #tpu.memory_space<vmem>>) target(%dma_start3A_152 : memref<10000x128xf32, #tpu.memory_space<vmem_shared>>) offsets(%arg9 : memref<80xi32, #tpu.memory_space<vmem>>) semaphore(%arg17 : memref<!tpu.dma_semaphore, #tpu.memory_space<semaphore_mem>>) {add = true}
      %gt3A = arith.constant 0 : i32
      %gt3A_153 = arith.cmpi sgt, %add3A_130, %gt3A : i32
      %convert_element_type3A_154 = arith.extui %gt3A_153 : i1 to i32
      %cond3A_155 = arith.constant 0 : i32
      %cond3A_156 = arith.cmpi ne, %convert_element_type3A_154, %cond3A_155 : i32
      scf.if %cond3A_156 {
        %dma_wait3A_206 = arith.constant 0 : i32
        %dma_wait3A_207 = arith.constant 0 : i32
        %dma_wait3A_208 = tpu.memref_slice %arg8[%dma_wait3A_206, %dma_wait3A_207] : memref<10000x128xf32, #tpu.memory_space<vmem_shared>> -> memref<10000x128xf32, #tpu.memory_space<vmem_shared>>
        tpu.wait_indirect_dma semaphore(%arg18 : memref<!tpu.dma_semaphore, #tpu.memory_space<semaphore_mem>>) src(%arg12 : memref<80x128xf32, #tpu.memory_space<vmem>>) dst(%dma_wait3A_208 : memref<10000x128xf32, #tpu.memory_space<vmem_shared>>)
      } else {
      }
      %add3A_157 = arith.constant 1 : i32
      %add3A_158 = arith.addi %mul3A_132, %add3A_157 : i32
      %mul3A_159 = arith.constant 80 : i32
      %mul3A_160 = arith.muli %add3A_158, %mul3A_159 : i32
      %add3A_161 = arith.addi %add3A, %mul3A_160 : i32
      %dma_start3A_162 = tpu.memref_slice %arg4[%add3A_161] : memref<320000xi32, #tpu.memory_space<hbm>> -> memref<80xi32, #tpu.memory_space<hbm>>
      %dma_start3A_163 = tpu.memref_slice %arg4[%add3A_161] : memref<320000xi32, #tpu.memory_space<hbm>> -> memref<80xi32, #tpu.memory_space<hbm>>
      tpu.enqueue_dma source(%dma_start3A_163 : memref<80xi32, #tpu.memory_space<hbm>>) target(%arg10 : memref<80xi32, #tpu.memory_space<vmem>>) target_semaphore(%arg16 : memref<!tpu.dma_semaphore, #tpu.memory_space<semaphore_mem>>)
      %add3A_164 = arith.constant 1 : i32
      %add3A_165 = arith.addi %mul3A_132, %add3A_164 : i32
      %mul3A_166 = arith.constant 80 : i32
      %mul3A_167 = arith.muli %add3A_165, %mul3A_166 : i32
      %add3A_168 = arith.addi %add3A, %mul3A_167 : i32
      %dma_start3A_169 = arith.constant 0 : i32
      %dma_start3A_170 = tpu.memref_slice %arg3[%add3A_168, %dma_start3A_169] : memref<320000x16xf32, #tpu.memory_space<hbm>> -> memref<80x16xf32, #tpu.memory_space<hbm>>
      %dma_start3A_171 = arith.constant 0 : i32
      %dma_start3A_172 = tpu.memref_slice %arg3[%add3A_168, %dma_start3A_171] : memref<320000x16xf32, #tpu.memory_space<hbm>> -> memref<80x16xf32, #tpu.memory_space<hbm>>
      tpu.enqueue_dma source(%dma_start3A_172 : memref<80x16xf32, #tpu.memory_space<hbm>>) target(%arg14 : memref<80x16xf32, #tpu.memory_space<vmem>>) target_semaphore(%arg16 : memref<!tpu.dma_semaphore, #tpu.memory_space<semaphore_mem>>)
      %add3A_173 = arith.constant 1 : i32
      %add3A_174 = arith.addi %mul3A_132, %add3A_173 : i32
      %mul3A_175 = arith.constant 80 : i32
      %mul3A_176 = arith.muli %add3A_174, %mul3A_175 : i32
      %add3A_177 = arith.addi %add3A, %mul3A_176 : i32
      %dma_wait3A_178 = tpu.memref_slice %arg4[%add3A_177] : memref<320000xi32, #tpu.memory_space<hbm>> -> memref<80xi32, #tpu.memory_space<hbm>>
      %dma_wait3A_179 = tpu.memref_slice %arg4[%add3A_177] : memref<320000xi32, #tpu.memory_space<hbm>> -> memref<80xi32, #tpu.memory_space<hbm>>
      tpu.wait_dma2 semaphore(%arg16 : memref<!tpu.dma_semaphore, #tpu.memory_space<semaphore_mem>>) src(%dma_wait3A_179 : memref<80xi32, #tpu.memory_space<hbm>>) dst(%arg10 : memref<80xi32, #tpu.memory_space<vmem>>)
      %add3A_180 = arith.constant 1 : i32
      %add3A_181 = arith.addi %mul3A_132, %add3A_180 : i32
      %mul3A_182 = arith.constant 80 : i32
      %mul3A_183 = arith.muli %add3A_181, %mul3A_182 : i32
      %add3A_184 = arith.addi %add3A, %mul3A_183 : i32
      %dma_wait3A_185 = arith.constant 0 : i32
      %dma_wait3A_186 = tpu.memref_slice %arg3[%add3A_184, %dma_wait3A_185] : memref<320000x16xf32, #tpu.memory_space<hbm>> -> memref<80x16xf32, #tpu.memory_space<hbm>>
      %dma_wait3A_187 = arith.constant 0 : i32
      %dma_wait3A_188 = tpu.memref_slice %arg3[%add3A_184, %dma_wait3A_187] : memref<320000x16xf32, #tpu.memory_space<hbm>> -> memref<80x16xf32, #tpu.memory_space<hbm>>
      tpu.wait_dma2 semaphore(%arg16 : memref<!tpu.dma_semaphore, #tpu.memory_space<semaphore_mem>>) src(%dma_wait3A_188 : memref<80x16xf32, #tpu.memory_space<hbm>>) dst(%arg14 : memref<80x16xf32, #tpu.memory_space<vmem>>)
      %scan3A_189 = arith.constant 0 : i32
      %scan3A_190 = arith.constant 80 : i32
      %scan3A_191 = arith.addi %scan3A_189, %scan3A_190 : i32
      %scan3A_192 = arith.constant 1 : i32
      scf.for %scan3A_206 = %scan3A_189 to %scan3A_191 step %scan3A_192  : i32 {
        %mul3A_207 = arith.constant 1 : i32
        %mul3A_208 = arith.muli %scan3A_206, %mul3A_207 : i32
        %add3A_209 = arith.constant 0 : i32
        %add3A_210 = arith.addi %add3A_209, %mul3A_208 : i32
        %get3A = arith.index_cast %add3A_210 : i32 to index
        %get3A_211 = arith.constant 0 : index
        %get3A_212 = tpu.vector_load %arg14[%get3A, %get3A_211] {strides = array<i32>} : memref<80x16xf32, #tpu.memory_space<vmem>>, vector<16xf32>,
        %swap3A = arith.index_cast %add3A_210 : i32 to index
        %swap3A_213 = arith.constant 0 : index
        %swap3A_214 = tpu.vector_load %arg12[%swap3A, %swap3A_213] {strides = array<i32>} : memref<80x128xf32, #tpu.memory_space<vmem>>, vector<16xf32>,
        tpu.vector_store %arg12[%swap3A, %swap3A_213], %get3A_212 {strides = array<i32>} : memref<80x128xf32, #tpu.memory_space<vmem>>, vector<16xf32>,
      }
      %scan3A_193 = arith.constant 80 : i32
      %dma_start3A_194 = arith.constant 0 : i32
      %dma_start3A_195 = arith.constant 0 : i32
      %dma_start3A_196 = tpu.memref_slice %arg8[%dma_start3A_194, %dma_start3A_195] : memref<10000x128xf32, #tpu.memory_space<vmem_shared>> -> memref<10000x128xf32, #tpu.memory_space<vmem_shared>>
      tpu.enqueue_indirect_dma source(%arg12 : memref<80x128xf32, #tpu.memory_space<vmem>>) target(%dma_start3A_196 : memref<10000x128xf32, #tpu.memory_space<vmem_shared>>) offsets(%arg10 : memref<80xi32, #tpu.memory_space<vmem>>) semaphore(%arg18 : memref<!tpu.dma_semaphore, #tpu.memory_space<semaphore_mem>>) {add = true}
      %dma_wait3A_197 = arith.constant 0 : i32
      %dma_wait3A_198 = arith.constant 0 : i32
      %dma_wait3A_199 = tpu.memref_slice %arg8[%dma_wait3A_197, %dma_wait3A_198] : memref<10000x128xf32, #tpu.memory_space<vmem_shared>> -> memref<10000x128xf32, #tpu.memory_space<vmem_shared>>
      tpu.wait_indirect_dma semaphore(%arg17 : memref<!tpu.dma_semaphore, #tpu.memory_space<semaphore_mem>>) src(%arg11 : memref<80x128xf32, #tpu.memory_space<vmem>>) dst(%dma_wait3A_199 : memref<10000x128xf32, #tpu.memory_space<vmem_shared>>)
      %lt3A = arith.constant 61 : i32
      %lt3A_200 = arith.cmpi slt, %add3A_130, %lt3A : i32
      %add3A_201 = arith.constant 2 : i32
      %add3A_202 = arith.addi %mul3A_132, %add3A_201 : i32
      %convert_element_type3A_203 = arith.extui %lt3A_200 : i1 to i32
      %cond3A_204 = arith.constant 0 : i32
      %cond3A_205 = arith.cmpi ne, %convert_element_type3A_203, %cond3A_204 : i32
      scf.if %cond3A_205 {
        %mul3A_206 = arith.constant 80 : i32
        %mul3A_207 = arith.muli %add3A_202, %mul3A_206 : i32
        %add3A_208 = arith.addi %add3A, %mul3A_207 : i32
        %dma_start3A_209 = tpu.memref_slice %arg4[%add3A_208] : memref<320000xi32, #tpu.memory_space<hbm>> -> memref<80xi32, #tpu.memory_space<hbm>>
        %dma_start3A_210 = tpu.memref_slice %arg4[%add3A_208] : memref<320000xi32, #tpu.memory_space<hbm>> -> memref<80xi32, #tpu.memory_space<hbm>>
        tpu.enqueue_dma source(%dma_start3A_210 : memref<80xi32, #tpu.memory_space<hbm>>) target(%arg9 : memref<80xi32, #tpu.memory_space<vmem>>) target_semaphore(%arg15 : memref<!tpu.dma_semaphore, #tpu.memory_space<semaphore_mem>>)
        %mul3A_211 = arith.constant 80 : i32
        %mul3A_212 = arith.muli %add3A_202, %mul3A_211 : i32
        %add3A_213 = arith.addi %add3A, %mul3A_212 : i32
        %dma_start3A_214 = arith.constant 0 : i32
        %dma_start3A_215 = tpu.memref_slice %arg3[%add3A_213, %dma_start3A_214] : memref<320000x16xf32, #tpu.memory_space<hbm>> -> memref<80x16xf32, #tpu.memory_space<hbm>>
        %dma_start3A_216 = arith.constant 0 : i32
        %dma_start3A_217 = tpu.memref_slice %arg3[%add3A_213, %dma_start3A_216] : memref<320000x16xf32, #tpu.memory_space<hbm>> -> memref<80x16xf32, #tpu.memory_space<hbm>>
        tpu.enqueue_dma source(%dma_start3A_217 : memref<80x16xf32, #tpu.memory_space<hbm>>) target(%arg13 : memref<80x16xf32, #tpu.memory_space<vmem>>) target_semaphore(%arg15 : memref<!tpu.dma_semaphore, #tpu.memory_space<semaphore_mem>>)
      } else {
      }
    }
    %scan3A_116 = arith.constant 62 : i32
    %dma_wait3A_117 = arith.constant 0 : i32
    %dma_wait3A_118 = arith.constant 0 : i32
    %dma_wait3A_119 = tpu.memref_slice %arg8[%dma_wait3A_117, %dma_wait3A_118] : memref<10000x128xf32, #tpu.memory_space<vmem_shared>> -> memref<10000x128xf32, #tpu.memory_space<vmem_shared>>
    tpu.wait_indirect_dma semaphore(%arg18 : memref<!tpu.dma_semaphore, #tpu.memory_space<semaphore_mem>>) src(%arg12 : memref<80x128xf32, #tpu.memory_space<vmem>>) dst(%dma_wait3A_119 : memref<10000x128xf32, #tpu.memory_space<vmem_shared>>)
    %barrier3A_120 = arith.constant 0 : index
    tpu.barrier barrier_id(%barrier3A_120)
    "tpu.region"() ({
      %run_scoped3A = tpu.sem_alloc : memref<!tpu.dma_semaphore, #tpu.memory_space<semaphore_mem>>
      %dma_start3A_126 = arith.constant 0 : i32
      %dma_start3A_127 = arith.constant 0 : i32
      %dma_start3A_128 = tpu.memref_slice %arg7[%arg0, %dma_start3A_126, %dma_start3A_127] : memref<2x10000x128xf32, #tpu.memory_space<hbm>> -> memref<1x10000x128xf32, #tpu.memory_space<hbm>>
      %dma_start3A_129 = tpu.memref_squeeze %dma_start3A_128 : memref<1x10000x128xf32, #tpu.memory_space<hbm>> -> memref<10000x128xf32, #tpu.memory_space<hbm>>
      %dma_start3A_130 = arith.constant 0 : i32
      %dma_start3A_131 = tpu.memref_slice %dma_start3A_129[%mul3A_4, %dma_start3A_130] : memref<10000x128xf32, #tpu.memory_space<hbm>> -> memref<624x128xf32, #tpu.memory_space<hbm>>
      %dma_start3A_132 = arith.constant 0 : i32
      %dma_start3A_133 = tpu.memref_slice %arg8[%mul3A_4, %dma_start3A_132] : memref<10000x128xf32, #tpu.memory_space<vmem_shared>> -> memref<624x128xf32, #tpu.memory_space<vmem_shared>>
      tpu.enqueue_dma source(%dma_start3A_133 : memref<624x128xf32, #tpu.memory_space<vmem_shared>>) target(%dma_start3A_131 : memref<624x128xf32, #tpu.memory_space<hbm>>) target_semaphore(%run_scoped3A : memref<!tpu.dma_semaphore, #tpu.memory_space<semaphore_mem>>)
      %dma_wait3A_134 = arith.constant 0 : i32
      %dma_wait3A_135 = arith.constant 0 : i32
      %dma_wait3A_136 = tpu.memref_slice %arg7[%arg0, %dma_wait3A_134, %dma_wait3A_135] : memref<2x10000x128xf32, #tpu.memory_space<hbm>> -> memref<1x10000x128xf32, #tpu.memory_space<hbm>>
      %dma_wait3A_137 = tpu.memref_squeeze %dma_wait3A_136 : memref<1x10000x128xf32, #tpu.memory_space<hbm>> -> memref<10000x128xf32, #tpu.memory_space<hbm>>
      %dma_wait3A_138 = arith.constant 0 : i32
      %dma_wait3A_139 = tpu.memref_slice %dma_wait3A_137[%mul3A_4, %dma_wait3A_138] : memref<10000x128xf32, #tpu.memory_space<hbm>> -> memref<624x128xf32, #tpu.memory_space<hbm>>
      %dma_wait3A_140 = arith.constant 0 : i32
      %dma_wait3A_141 = tpu.memref_slice %arg8[%mul3A_4, %dma_wait3A_140] : memref<10000x128xf32, #tpu.memory_space<vmem_shared>> -> memref<624x128xf32, #tpu.memory_space<vmem_shared>>
      tpu.wait_dma2 semaphore(%run_scoped3A : memref<!tpu.dma_semaphore, #tpu.memory_space<semaphore_mem>>) src(%dma_wait3A_141 : memref<624x128xf32, #tpu.memory_space<vmem_shared>>) dst(%dma_wait3A_139 : memref<624x128xf32, #tpu.memory_space<hbm>>)
      tpu.yield
    }) : () -> ()
    %eq3A_121 = arith.constant 15 : i32
    %eq3A_122 = arith.cmpi eq, %arg1, %eq3A_121 : i32
    %convert_element_type3A_123 = arith.extui %eq3A_122 : i1 to i32
    %cond3A_124 = arith.constant 0 : i32
    %cond3A_125 = arith.cmpi ne, %convert_element_type3A_123, %cond3A_124 : i32
    scf.if %cond3A_125 {
      "tpu.region"() ({
        %run_scoped3A = tpu.sem_alloc : memref<!tpu.dma_semaphore, #tpu.memory_space<semaphore_mem>>
        %dma_start3A_126 = arith.constant 0 : i32
        %dma_start3A_127 = arith.constant 0 : i32
        %dma_start3A_128 = tpu.memref_slice %arg7[%arg0, %dma_start3A_126, %dma_start3A_127] : memref<2x10000x128xf32, #tpu.memory_space<hbm>> -> memref<1x10000x128xf32, #tpu.memory_space<hbm>>
        %dma_start3A_129 = tpu.memref_squeeze %dma_start3A_128 : memref<1x10000x128xf32, #tpu.memory_space<hbm>> -> memref<10000x128xf32, #tpu.memory_space<hbm>>
        %dma_start3A_130 = arith.constant 9984 : i32
        %dma_start3A_131 = arith.constant 0 : i32
        %dma_start3A_132 = tpu.memref_slice %dma_start3A_129[%dma_start3A_130, %dma_start3A_131] : memref<10000x128xf32, #tpu.memory_space<hbm>> -> memref<16x128xf32, #tpu.memory_space<hbm>>
        %dma_start3A_133 = arith.constant 9984 : i32
        %dma_start3A_134 = arith.constant 0 : i32
        %dma_start3A_135 = tpu.memref_slice %arg8[%dma_start3A_133, %dma_start3A_134] : memref<10000x128xf32, #tpu.memory_space<vmem_shared>> -> memref<16x128xf32, #tpu.memory_space<vmem_shared>>
        tpu.enqueue_dma source(%dma_start3A_135 : memref<16x128xf32, #tpu.memory_space<vmem_shared>>) target(%dma_start3A_132 : memref<16x128xf32, #tpu.memory_space<hbm>>) target_semaphore(%run_scoped3A : memref<!tpu.dma_semaphore, #tpu.memory_space<semaphore_mem>>)
        %dma_wait3A_136 = arith.constant 0 : i32
        %dma_wait3A_137 = arith.constant 0 : i32
        %dma_wait3A_138 = tpu.memref_slice %arg7[%arg0, %dma_wait3A_136, %dma_wait3A_137] : memref<2x10000x128xf32, #tpu.memory_space<hbm>> -> memref<1x10000x128xf32, #tpu.memory_space<hbm>>
        %dma_wait3A_139 = tpu.memref_squeeze %dma_wait3A_138 : memref<1x10000x128xf32, #tpu.memory_space<hbm>> -> memref<10000x128xf32, #tpu.memory_space<hbm>>
        %dma_wait3A_140 = arith.constant 9984 : i32
        %dma_wait3A_141 = arith.constant 0 : i32
        %dma_wait3A_142 = tpu.memref_slice %dma_wait3A_139[%dma_wait3A_140, %dma_wait3A_141] : memref<10000x128xf32, #tpu.memory_space<hbm>> -> memref<16x128xf32, #tpu.memory_space<hbm>>
        %dma_wait3A_143 = arith.constant 9984 : i32
        %dma_wait3A_144 = arith.constant 0 : i32
        %dma_wait3A_145 = tpu.memref_slice %arg8[%dma_wait3A_143, %dma_wait3A_144] : memref<10000x128xf32, #tpu.memory_space<vmem_shared>> -> memref<16x128xf32, #tpu.memory_space<vmem_shared>>
        tpu.wait_dma2 semaphore(%run_scoped3A : memref<!tpu.dma_semaphore, #tpu.memory_space<semaphore_mem>>) src(%dma_wait3A_145 : memref<16x128xf32, #tpu.memory_space<vmem_shared>>) dst(%dma_wait3A_142 : memref<16x128xf32, #tpu.memory_space<hbm>>)
        tpu.yield
      }) : () -> ()
    } else {
    }
    return
  }
}

module attributes {stable_mosaic.version = 14 : i64} {
  func.func @_preproj_body(%arg0: i32, %arg1: memref<1000x128xf32, #tpu.memory_space<vmem>>, %arg2: memref<128x128xf32, #tpu.memory_space<vmem>>, %arg3: memref<128x128xf32, #tpu.memory_space<vmem>>, %arg4: memref<1x128xf32, #tpu.memory_space<vmem>>, %arg5: memref<1000x128xf32, #tpu.memory_space<vmem>>, %arg6: memref<1000x128xf32, #tpu.memory_space<vmem>>) attributes {dimension_semantics = [#tpu.dimension_semantics<arbitrary>], iteration_bounds = array<i64: 10>, scalar_prefetch = 0 : i64, scratch_operands = 0 : i64, tpu.core_type = #tpu.core_type<tc>, window_params = [{transform_indices = @transform_0, window_bounds = array<i64: 1000, 128>}, {pipeline_mode = #tpu.pipeline_mode<synchronous>, transform_indices = @transform_1, window_bounds = array<i64: 128, 128>}, {pipeline_mode = #tpu.pipeline_mode<synchronous>, transform_indices = @transform_2, window_bounds = array<i64: 128, 128>}, {pipeline_mode = #tpu.pipeline_mode<synchronous>, transform_indices = @transform_3, window_bounds = array<i64: 1, 128>}, {transform_indices = @transform_4, window_bounds = array<i64: 1000, 128>}, {transform_indices = @transform_5, window_bounds = array<i64: 1000, 128>}]} {
    %get3A = arith.constant 0 : index
    %get3A_0 = arith.constant 0 : index
    %get3A_1 = vector.load %arg1[%get3A, %get3A_0] : memref<1000x128xf32, #tpu.memory_space<vmem>>, vector<1000x128xf32>
    %get3A_2 = arith.constant 0 : index
    %get3A_3 = arith.constant 0 : index
    %get3A_4 = vector.load %arg2[%get3A_2, %get3A_3] : memref<128x128xf32, #tpu.memory_space<vmem>>, vector<128x128xf32>
    %dot_general3A = arith.constant dense<0.000000e+00> : vector<1000x128xf32>
    %dot_general3A_5 = tpu.matmul %get3A_1, %get3A_4, %dot_general3A {dimension_numbers = #tpu.dot_dimension_numbers<[1], [0], [0], [1], [0, 0, 1, 1], [], []>, transpose_lhs_hint = false} : vector<1000x128xf32>, vector<128x128xf32>, vector<1000x128xf32> -> vector<1000x128xf32>
    %get3A_6 = arith.constant 0 : index
    %get3A_7 = arith.constant 0 : index
    %get3A_8 = vector.load %arg4[%get3A_6, %get3A_7] : memref<1x128xf32, #tpu.memory_space<vmem>>, vector<1x128xf32>
    %add3A = vector.broadcast %get3A_8 : vector<1x128xf32> to vector<1000x128xf32>
    %add3A_9 = arith.addf %dot_general3A_5, %add3A : vector<1000x128xf32>
    %swap3A = arith.constant 0 : index
    %swap3A_10 = arith.constant 0 : index
    %swap3A_11 = vector.load %arg5[%swap3A, %swap3A_10] : memref<1000x128xf32, #tpu.memory_space<vmem>>, vector<1000x128xf32>
    tpu.vector_store %arg5[%swap3A, %swap3A_10], %add3A_9 {strides = array<i32>} : memref<1000x128xf32, #tpu.memory_space<vmem>>, vector<1000x128xf32>,
    %get3A_12 = arith.constant 0 : index
    %get3A_13 = arith.constant 0 : index
    %get3A_14 = vector.load %arg3[%get3A_12, %get3A_13] : memref<128x128xf32, #tpu.memory_space<vmem>>, vector<128x128xf32>
    %dot_general3A_15 = arith.constant dense<0.000000e+00> : vector<1000x128xf32>
    %dot_general3A_16 = tpu.matmul %get3A_1, %get3A_14, %dot_general3A_15 {dimension_numbers = #tpu.dot_dimension_numbers<[1], [0], [0], [1], [0, 0, 1, 1], [], []>, transpose_lhs_hint = false} : vector<1000x128xf32>, vector<128x128xf32>, vector<1000x128xf32> -> vector<1000x128xf32>
    %swap3A_17 = arith.constant 0 : index
    %swap3A_18 = arith.constant 0 : index
    %swap3A_19 = vector.load %arg6[%swap3A_17, %swap3A_18] : memref<1000x128xf32, #tpu.memory_space<vmem>>, vector<1000x128xf32>
    tpu.vector_store %arg6[%swap3A_17, %swap3A_18], %dot_general3A_16 {strides = array<i32>} : memref<1000x128xf32, #tpu.memory_space<vmem>>, vector<1000x128xf32>,
    return
  }
  func.func @transform_0(%arg0: i32) -> (i32, i32) {
    %c0_i32 = arith.constant 0 : i32
    %c0_i32_0 = arith.constant 0 : i32
    return %arg0, %c0_i32 : i32, i32
  }
  func.func @transform_1(%arg0: i32) -> (i32, i32) {
    %c0_i32 = arith.constant 0 : i32
    %c0_i32_0 = arith.constant 0 : i32
    %c0_i32_1 = arith.constant 0 : i32
    return %c0_i32, %c0_i32_0 : i32, i32
  }
  func.func @transform_2(%arg0: i32) -> (i32, i32) {
    %c0_i32 = arith.constant 0 : i32
    %c0_i32_0 = arith.constant 0 : i32
    %c0_i32_1 = arith.constant 0 : i32
    return %c0_i32, %c0_i32_0 : i32, i32
  }
  func.func @transform_3(%arg0: i32) -> (i32, i32) {
    %c0_i32 = arith.constant 0 : i32
    %c0_i32_0 = arith.constant 0 : i32
    %c0_i32_1 = arith.constant 0 : i32
    return %c0_i32, %c0_i32_0 : i32, i32
  }
  func.func @transform_4(%arg0: i32) -> (i32, i32) {
    %c0_i32 = arith.constant 0 : i32
    %c0_i32_0 = arith.constant 0 : i32
    return %arg0, %c0_i32 : i32, i32
  }
  func.func @transform_5(%arg0: i32) -> (i32, i32) {
    %c0_i32 = arith.constant 0 : i32
    %c0_i32_0 = arith.constant 0 : i32
    return %arg0, %c0_i32 : i32, i32
  }
}

module attributes {stable_mosaic.version = 14 : i64} {
  func.func @_edge_body(%arg0: i32, %arg1: memref<2000x128xf32, #tpu.memory_space<vmem>>, %arg2: memref<2000x128xf32, #tpu.memory_space<vmem>>, %arg3: memref<2000x16xf32, #tpu.memory_space<vmem>>, %arg4: memref<1x128xf32, #tpu.memory_space<vmem>>, %arg5: memref<128x128xf32, #tpu.memory_space<vmem>>, %arg6: memref<1x128xf32, #tpu.memory_space<vmem>>, %arg7: memref<128x128xf32, #tpu.memory_space<vmem>>, %arg8: memref<1x128xf32, #tpu.memory_space<vmem>>, %arg9: memref<128x8xf32, #tpu.memory_space<vmem>>, %arg10: memref<1x8xf32, #tpu.memory_space<vmem>>, %arg11: memref<2000x128xf32, #tpu.memory_space<vmem>>, %arg12: memref<2000x16xf32, #tpu.memory_space<vmem>>) attributes {dimension_semantics = [#tpu.dimension_semantics<arbitrary>], iteration_bounds = array<i64: 160>, scalar_prefetch = 0 : i64, scratch_operands = 0 : i64, tpu.core_type = #tpu.core_type<tc>, window_params = [{transform_indices = @transform_0, window_bounds = array<i64: 2000, 128>}, {transform_indices = @transform_1, window_bounds = array<i64: 2000, 128>}, {transform_indices = @transform_2, window_bounds = array<i64: 2000, 16>}, {pipeline_mode = #tpu.pipeline_mode<synchronous>, transform_indices = @transform_3, window_bounds = array<i64: 1, 128>}, {pipeline_mode = #tpu.pipeline_mode<synchronous>, transform_indices = @transform_4, window_bounds = array<i64: 128, 128>}, {pipeline_mode = #tpu.pipeline_mode<synchronous>, transform_indices = @transform_5, window_bounds = array<i64: 1, 128>}, {pipeline_mode = #tpu.pipeline_mode<synchronous>, transform_indices = @transform_6, window_bounds = array<i64: 128, 128>}, {pipeline_mode = #tpu.pipeline_mode<synchronous>, transform_indices = @transform_7, window_bounds = array<i64: 1, 128>}, {pipeline_mode = #tpu.pipeline_mode<synchronous>, transform_indices = @transform_8, window_bounds = array<i64: 128, 8>}, {pipeline_mode = #tpu.pipeline_mode<synchronous>, transform_indices = @transform_9, window_bounds = array<i64: 1, 8>}, {transform_indices = @transform_10, window_bounds = array<i64: 2000, 128>}, {transform_indices = @transform_11, window_bounds = array<i64: 2000, 16>}]} {
    %get3A = arith.constant 0 : index
    %get3A_0 = arith.constant 0 : index
    %get3A_1 = vector.load %arg3[%get3A, %get3A_0] : memref<2000x16xf32, #tpu.memory_space<vmem>>, vector<2000x16xf32>
    %slice3A = vector.extract_strided_slice %get3A_1 {offsets = [0, 3], sizes = [2000, 1], strides = [1, 1]} : vector<2000x16xf32> to vector<2000x1xf32>
    %get3A_2 = arith.constant 0 : index
    %get3A_3 = arith.constant 0 : index
    %get3A_4 = vector.load %arg1[%get3A_2, %get3A_3] : memref<2000x128xf32, #tpu.memory_space<vmem>>, vector<2000x128xf32>
    %get3A_5 = arith.constant 0 : index
    %get3A_6 = arith.constant 0 : index
    %get3A_7 = vector.load %arg2[%get3A_5, %get3A_6] : memref<2000x128xf32, #tpu.memory_space<vmem>>, vector<2000x128xf32>
    %add3A = arith.addf %get3A_4, %get3A_7 : vector<2000x128xf32>
    %get3A_8 = arith.constant 0 : index
    %get3A_9 = arith.constant 0 : index
    %get3A_10 = vector.load %arg4[%get3A_8, %get3A_9] : memref<1x128xf32, #tpu.memory_space<vmem>>, vector<1x128xf32>
    %mul3A = vector.broadcast %slice3A : vector<2000x1xf32> to vector<2000x128xf32>
    %mul3A_11 = vector.broadcast %get3A_10 : vector<1x128xf32> to vector<2000x128xf32>
    %mul3A_12 = arith.mulf %mul3A, %mul3A_11 : vector<2000x128xf32>
    %add3A_13 = arith.addf %add3A, %mul3A_12 : vector<2000x128xf32>
    %logistic3A = arith.negf %add3A_13 : vector<2000x128xf32>
    %logistic3A_14 = math.exp %logistic3A : vector<2000x128xf32>
    %logistic3A_15 = arith.constant 1.000000e+00 : f32
    %logistic3A_16 = vector.broadcast %logistic3A_15 : f32 to vector<2000x128xf32>
    %logistic3A_17 = arith.addf %logistic3A_16, %logistic3A_14 : vector<2000x128xf32>
    %logistic3A_18 = arith.divf %logistic3A_16, %logistic3A_17 : vector<2000x128xf32>
    %mul3A_19 = arith.mulf %add3A_13, %logistic3A_18 : vector<2000x128xf32>
    %get3A_20 = arith.constant 0 : index
    %get3A_21 = arith.constant 0 : index
    %get3A_22 = vector.load %arg5[%get3A_20, %get3A_21] : memref<128x128xf32, #tpu.memory_space<vmem>>, vector<128x128xf32>
    %dot_general3A = arith.constant dense<0.000000e+00> : vector<2000x128xf32>
    %dot_general3A_23 = tpu.matmul %mul3A_19, %get3A_22, %dot_general3A {dimension_numbers = #tpu.dot_dimension_numbers<[1], [0], [0], [1], [0, 0, 1, 1], [], []>, transpose_lhs_hint = false} : vector<2000x128xf32>, vector<128x128xf32>, vector<2000x128xf32> -> vector<2000x128xf32>
    %get3A_24 = arith.constant 0 : index
    %get3A_25 = arith.constant 0 : index
    %get3A_26 = vector.load %arg6[%get3A_24, %get3A_25] : memref<1x128xf32, #tpu.memory_space<vmem>>, vector<1x128xf32>
    %add3A_27 = vector.broadcast %get3A_26 : vector<1x128xf32> to vector<2000x128xf32>
    %add3A_28 = arith.addf %dot_general3A_23, %add3A_27 : vector<2000x128xf32>
    %logistic3A_29 = arith.negf %add3A_28 : vector<2000x128xf32>
    %logistic3A_30 = math.exp %logistic3A_29 : vector<2000x128xf32>
    %logistic3A_31 = arith.constant 1.000000e+00 : f32
    %logistic3A_32 = vector.broadcast %logistic3A_31 : f32 to vector<2000x128xf32>
    %logistic3A_33 = arith.addf %logistic3A_32, %logistic3A_30 : vector<2000x128xf32>
    %logistic3A_34 = arith.divf %logistic3A_32, %logistic3A_33 : vector<2000x128xf32>
    %mul3A_35 = arith.mulf %add3A_28, %logistic3A_34 : vector<2000x128xf32>
    %get3A_36 = arith.constant 0 : index
    %get3A_37 = arith.constant 0 : index
    %get3A_38 = vector.load %arg7[%get3A_36, %get3A_37] : memref<128x128xf32, #tpu.memory_space<vmem>>, vector<128x128xf32>
    %dot_general3A_39 = arith.constant dense<0.000000e+00> : vector<2000x128xf32>
    %dot_general3A_40 = tpu.matmul %mul3A_35, %get3A_38, %dot_general3A_39 {dimension_numbers = #tpu.dot_dimension_numbers<[1], [0], [0], [1], [0, 0, 1, 1], [], []>, transpose_lhs_hint = false} : vector<2000x128xf32>, vector<128x128xf32>, vector<2000x128xf32> -> vector<2000x128xf32>
    %get3A_41 = arith.constant 0 : index
    %get3A_42 = arith.constant 0 : index
    %get3A_43 = vector.load %arg8[%get3A_41, %get3A_42] : memref<1x128xf32, #tpu.memory_space<vmem>>, vector<1x128xf32>
    %add3A_44 = vector.broadcast %get3A_43 : vector<1x128xf32> to vector<2000x128xf32>
    %add3A_45 = arith.addf %dot_general3A_40, %add3A_44 : vector<2000x128xf32>
    %logistic3A_46 = arith.negf %add3A_45 : vector<2000x128xf32>
    %logistic3A_47 = math.exp %logistic3A_46 : vector<2000x128xf32>
    %logistic3A_48 = arith.constant 1.000000e+00 : f32
    %logistic3A_49 = vector.broadcast %logistic3A_48 : f32 to vector<2000x128xf32>
    %logistic3A_50 = arith.addf %logistic3A_49, %logistic3A_47 : vector<2000x128xf32>
    %logistic3A_51 = arith.divf %logistic3A_49, %logistic3A_50 : vector<2000x128xf32>
    %mul3A_52 = arith.mulf %add3A_45, %logistic3A_51 : vector<2000x128xf32>
    %get3A_53 = arith.constant 0 : index
    %get3A_54 = arith.constant 0 : index
    %get3A_55 = vector.load %arg9[%get3A_53, %get3A_54] : memref<128x8xf32, #tpu.memory_space<vmem>>, vector<128x8xf32>
    %dot_general3A_56 = arith.constant dense<0.000000e+00> : vector<2000x8xf32>
    %dot_general3A_57 = tpu.matmul %mul3A_52, %get3A_55, %dot_general3A_56 {dimension_numbers = #tpu.dot_dimension_numbers<[1], [0], [0], [1], [0, 0, 1, 1], [], []>, transpose_lhs_hint = false} : vector<2000x128xf32>, vector<128x8xf32>, vector<2000x8xf32> -> vector<2000x8xf32>
    %get3A_58 = arith.constant 0 : index
    %get3A_59 = arith.constant 0 : index
    %get3A_60 = vector.load %arg10[%get3A_58, %get3A_59] : memref<1x8xf32, #tpu.memory_space<vmem>>, vector<1x8xf32>
    %add3A_61 = vector.broadcast %get3A_60 : vector<1x8xf32> to vector<2000x8xf32>
    %add3A_62 = arith.addf %dot_general3A_57, %add3A_61 : vector<2000x8xf32>
    %slice3A_63 = vector.extract_strided_slice %add3A_62 {offsets = [0, 0], sizes = [2000, 1], strides = [1, 1]} : vector<2000x8xf32> to vector<2000x1xf32>
    %jit3A = arith.constant -1.000000e+01 : f32
    %jit3A_64 = arith.constant 1.000000e+01 : f32
    %max3A = vector.broadcast %jit3A : f32 to vector<2000x1xf32>
    %max3A_65 = arith.maximumf %max3A, %slice3A_63 : vector<2000x1xf32>
    %min3A = vector.broadcast %jit3A_64 : f32 to vector<2000x1xf32>
    %min3A_66 = arith.minimumf %min3A, %max3A_65 : vector<2000x1xf32>
    %swap3A = arith.constant 0 : index
    %swap3A_67 = arith.constant 0 : index
    %swap3A_68 = vector.load %arg11[%swap3A, %swap3A_67] : memref<2000x128xf32, #tpu.memory_space<vmem>>, vector<2000x128xf32>
    tpu.vector_store %arg11[%swap3A, %swap3A_67], %mul3A_35 {strides = array<i32>} : memref<2000x128xf32, #tpu.memory_space<vmem>>, vector<2000x128xf32>,
    %iota3A = tpu.iota {dimensions = array<i32: 1>} : vector<2000x16xi32>
    %lt3A = arith.constant 3 : i32
    %lt3A_69 = vector.broadcast %lt3A : i32 to vector<2000x16xi32>
    %lt3A_70 = arith.cmpi slt, %iota3A, %lt3A_69 : vector<2000x16xi32>
    %mul3A_71 = vector.broadcast %min3A_66 : vector<2000x1xf32> to vector<2000x16xf32>
    %mul3A_72 = arith.mulf %get3A_1, %mul3A_71 : vector<2000x16xf32>
    %jit3A_73 = arith.constant 0.000000e+00 : f32
    %broadcast_in_dim3A = vector.broadcast %jit3A_73 : f32 to vector<2000x16xf32>
    %select_n3A = arith.select %lt3A_70, %mul3A_72, %broadcast_in_dim3A : vector<2000x16xi1>, vector<2000x16xf32>
    %swap3A_74 = arith.constant 0 : index
    %swap3A_75 = arith.constant 0 : index
    %swap3A_76 = vector.load %arg12[%swap3A_74, %swap3A_75] : memref<2000x16xf32, #tpu.memory_space<vmem>>, vector<2000x16xf32>
    tpu.vector_store %arg12[%swap3A_74, %swap3A_75], %select_n3A {strides = array<i32>} : memref<2000x16xf32, #tpu.memory_space<vmem>>, vector<2000x16xf32>,
    return
  }
  func.func @transform_0(%arg0: i32) -> (i32, i32) {
    %c0_i32 = arith.constant 0 : i32
    %c0_i32_0 = arith.constant 0 : i32
    return %arg0, %c0_i32 : i32, i32
  }
  func.func @transform_1(%arg0: i32) -> (i32, i32) {
    %c0_i32 = arith.constant 0 : i32
    %c0_i32_0 = arith.constant 0 : i32
    return %arg0, %c0_i32 : i32, i32
  }
  func.func @transform_2(%arg0: i32) -> (i32, i32) {
    %c0_i32 = arith.constant 0 : i32
    %c0_i32_0 = arith.constant 0 : i32
    return %arg0, %c0_i32 : i32, i32
  }
  func.func @transform_3(%arg0: i32) -> (i32, i32) {
    %c0_i32 = arith.constant 0 : i32
    %c0_i32_0 = arith.constant 0 : i32
    %c0_i32_1 = arith.constant 0 : i32
    return %c0_i32, %c0_i32_0 : i32, i32
  }
  func.func @transform_4(%arg0: i32) -> (i32, i32) {
    %c0_i32 = arith.constant 0 : i32
    %c0_i32_0 = arith.constant 0 : i32
    %c0_i32_1 = arith.constant 0 : i32
    return %c0_i32, %c0_i32_0 : i32, i32
  }
  func.func @transform_5(%arg0: i32) -> (i32, i32) {
    %c0_i32 = arith.constant 0 : i32
    %c0_i32_0 = arith.constant 0 : i32
    %c0_i32_1 = arith.constant 0 : i32
    return %c0_i32, %c0_i32_0 : i32, i32
  }
  func.func @transform_6(%arg0: i32) -> (i32, i32) {
    %c0_i32 = arith.constant 0 : i32
    %c0_i32_0 = arith.constant 0 : i32
    %c0_i32_1 = arith.constant 0 : i32
    return %c0_i32, %c0_i32_0 : i32, i32
  }
  func.func @transform_7(%arg0: i32) -> (i32, i32) {
    %c0_i32 = arith.constant 0 : i32
    %c0_i32_0 = arith.constant 0 : i32
    %c0_i32_1 = arith.constant 0 : i32
    return %c0_i32, %c0_i32_0 : i32, i32
  }
  func.func @transform_8(%arg0: i32) -> (i32, i32) {
    %c0_i32 = arith.constant 0 : i32
    %c0_i32_0 = arith.constant 0 : i32
    %c0_i32_1 = arith.constant 0 : i32
    return %c0_i32, %c0_i32_0 : i32, i32
  }
  func.func @transform_9(%arg0: i32) -> (i32, i32) {
    %c0_i32 = arith.constant 0 : i32
    %c0_i32_0 = arith.constant 0 : i32
    %c0_i32_1 = arith.constant 0 : i32
    return %c0_i32, %c0_i32_0 : i32, i32
  }
  func.func @transform_10(%arg0: i32) -> (i32, i32) {
    %c0_i32 = arith.constant 0 : i32
    %c0_i32_0 = arith.constant 0 : i32
    return %arg0, %c0_i32 : i32, i32
  }
  func.func @transform_11(%arg0: i32) -> (i32, i32) {
    %c0_i32 = arith.constant 0 : i32
    %c0_i32_0 = arith.constant 0 : i32
    return %arg0, %c0_i32 : i32, i32
  }
}

module attributes {stable_mosaic.version = 14 : i64} {
  func.func @_node_body(%arg0: i32, %arg1: memref<1000x128xf32, #tpu.memory_space<vmem>>, %arg2: memref<1000x16xf32, #tpu.memory_space<vmem>>, %arg3: memref<1000x128xf32, #tpu.memory_space<vmem>>, %arg4: memref<1000x128xf32, #tpu.memory_space<vmem>>, %arg5: memref<1000x128xf32, #tpu.memory_space<vmem>>, %arg6: memref<1000x128xf32, #tpu.memory_space<vmem>>, %arg7: memref<128x128xf32, #tpu.memory_space<vmem>>, %arg8: memref<128x128xf32, #tpu.memory_space<vmem>>, %arg9: memref<1x128xf32, #tpu.memory_space<vmem>>, %arg10: memref<128x128xf32, #tpu.memory_space<vmem>>, %arg11: memref<1x128xf32, #tpu.memory_space<vmem>>, %arg12: memref<1000x128xf32, #tpu.memory_space<vmem>>, %arg13: memref<1000x16xf32, #tpu.memory_space<vmem>>) attributes {dimension_semantics = [#tpu.dimension_semantics<arbitrary>], iteration_bounds = array<i64: 10>, scalar_prefetch = 0 : i64, scratch_operands = 0 : i64, tpu.core_type = #tpu.core_type<tc>, window_params = [{transform_indices = @transform_0, window_bounds = array<i64: 1000, 128>}, {transform_indices = @transform_1, window_bounds = array<i64: 1000, 16>}, {transform_indices = @transform_2, window_bounds = array<i64: 1000, 128>}, {transform_indices = @transform_3, window_bounds = array<i64: 1000, 128>}, {transform_indices = @transform_4, window_bounds = array<i64: 1000, 128>}, {transform_indices = @transform_5, window_bounds = array<i64: 1000, 128>}, {pipeline_mode = #tpu.pipeline_mode<synchronous>, transform_indices = @transform_6, window_bounds = array<i64: 128, 128>}, {pipeline_mode = #tpu.pipeline_mode<synchronous>, transform_indices = @transform_7, window_bounds = array<i64: 128, 128>}, {pipeline_mode = #tpu.pipeline_mode<synchronous>, transform_indices = @transform_8, window_bounds = array<i64: 1, 128>}, {pipeline_mode = #tpu.pipeline_mode<synchronous>, transform_indices = @transform_9, window_bounds = array<i64: 128, 128>}, {pipeline_mode = #tpu.pipeline_mode<synchronous>, transform_indices = @transform_10, window_bounds = array<i64: 1, 128>}, {transform_indices = @transform_11, window_bounds = array<i64: 1000, 128>}, {transform_indices = @transform_12, window_bounds = array<i64: 1000, 16>}]} {
    %get3A = arith.constant 0 : index
    %get3A_0 = arith.constant 0 : index
    %get3A_1 = vector.load %arg1[%get3A, %get3A_0] : memref<1000x128xf32, #tpu.memory_space<vmem>>, vector<1000x128xf32>
    %get3A_2 = arith.constant 0 : index
    %get3A_3 = arith.constant 0 : index
    %get3A_4 = vector.load %arg3[%get3A_2, %get3A_3] : memref<1000x128xf32, #tpu.memory_space<vmem>>, vector<1000x128xf32>
    %get3A_5 = arith.constant 0 : index
    %get3A_6 = arith.constant 0 : index
    %get3A_7 = vector.load %arg4[%get3A_5, %get3A_6] : memref<1000x128xf32, #tpu.memory_space<vmem>>, vector<1000x128xf32>
    %add3A = arith.addf %get3A_4, %get3A_7 : vector<1000x128xf32>
    %get3A_8 = arith.constant 0 : index
    %get3A_9 = arith.constant 0 : index
    %get3A_10 = vector.load %arg7[%get3A_8, %get3A_9] : memref<128x128xf32, #tpu.memory_space<vmem>>, vector<128x128xf32>
    %dot_general3A = arith.constant dense<0.000000e+00> : vector<1000x128xf32>
    %dot_general3A_11 = tpu.matmul %get3A_1, %get3A_10, %dot_general3A {dimension_numbers = #tpu.dot_dimension_numbers<[1], [0], [0], [1], [0, 0, 1, 1], [], []>, transpose_lhs_hint = false} : vector<1000x128xf32>, vector<128x128xf32>, vector<1000x128xf32> -> vector<1000x128xf32>
    %get3A_12 = arith.constant 0 : index
    %get3A_13 = arith.constant 0 : index
    %get3A_14 = vector.load %arg8[%get3A_12, %get3A_13] : memref<128x128xf32, #tpu.memory_space<vmem>>, vector<128x128xf32>
    %dot_general3A_15 = arith.constant dense<0.000000e+00> : vector<1000x128xf32>
    %dot_general3A_16 = tpu.matmul %add3A, %get3A_14, %dot_general3A_15 {dimension_numbers = #tpu.dot_dimension_numbers<[1], [0], [0], [1], [0, 0, 1, 1], [], []>, transpose_lhs_hint = false} : vector<1000x128xf32>, vector<128x128xf32>, vector<1000x128xf32> -> vector<1000x128xf32>
    %add3A_17 = arith.addf %dot_general3A_11, %dot_general3A_16 : vector<1000x128xf32>
    %get3A_18 = arith.constant 0 : index
    %get3A_19 = arith.constant 0 : index
    %get3A_20 = vector.load %arg9[%get3A_18, %get3A_19] : memref<1x128xf32, #tpu.memory_space<vmem>>, vector<1x128xf32>
    %add3A_21 = vector.broadcast %get3A_20 : vector<1x128xf32> to vector<1000x128xf32>
    %add3A_22 = arith.addf %add3A_17, %add3A_21 : vector<1000x128xf32>
    %logistic3A = arith.negf %add3A_22 : vector<1000x128xf32>
    %logistic3A_23 = math.exp %logistic3A : vector<1000x128xf32>
    %logistic3A_24 = arith.constant 1.000000e+00 : f32
    %logistic3A_25 = vector.broadcast %logistic3A_24 : f32 to vector<1000x128xf32>
    %logistic3A_26 = arith.addf %logistic3A_25, %logistic3A_23 : vector<1000x128xf32>
    %logistic3A_27 = arith.divf %logistic3A_25, %logistic3A_26 : vector<1000x128xf32>
    %mul3A = arith.mulf %add3A_22, %logistic3A_27 : vector<1000x128xf32>
    %get3A_28 = arith.constant 0 : index
    %get3A_29 = arith.constant 0 : index
    %get3A_30 = vector.load %arg10[%get3A_28, %get3A_29] : memref<128x128xf32, #tpu.memory_space<vmem>>, vector<128x128xf32>
    %dot_general3A_31 = arith.constant dense<0.000000e+00> : vector<1000x128xf32>
    %dot_general3A_32 = tpu.matmul %mul3A, %get3A_30, %dot_general3A_31 {dimension_numbers = #tpu.dot_dimension_numbers<[1], [0], [0], [1], [0, 0, 1, 1], [], []>, transpose_lhs_hint = false} : vector<1000x128xf32>, vector<128x128xf32>, vector<1000x128xf32> -> vector<1000x128xf32>
    %add3A_33 = arith.addf %get3A_1, %dot_general3A_32 : vector<1000x128xf32>
    %get3A_34 = arith.constant 0 : index
    %get3A_35 = arith.constant 0 : index
    %get3A_36 = vector.load %arg11[%get3A_34, %get3A_35] : memref<1x128xf32, #tpu.memory_space<vmem>>, vector<1x128xf32>
    %add3A_37 = vector.broadcast %get3A_36 : vector<1x128xf32> to vector<1000x128xf32>
    %add3A_38 = arith.addf %add3A_33, %add3A_37 : vector<1000x128xf32>
    %swap3A = arith.constant 0 : index
    %swap3A_39 = arith.constant 0 : index
    %swap3A_40 = vector.load %arg12[%swap3A, %swap3A_39] : memref<1000x128xf32, #tpu.memory_space<vmem>>, vector<1000x128xf32>
    tpu.vector_store %arg12[%swap3A, %swap3A_39], %add3A_38 {strides = array<i32>} : memref<1000x128xf32, #tpu.memory_space<vmem>>, vector<1000x128xf32>,
    %get3A_41 = arith.constant 0 : index
    %get3A_42 = arith.constant 0 : index
    %get3A_43 = vector.load %arg2[%get3A_41, %get3A_42] : memref<1000x16xf32, #tpu.memory_space<vmem>>, vector<1000x16xf32>
    %get3A_44 = arith.constant 0 : index
    %get3A_45 = arith.constant 0 : index
    %get3A_46 = vector.load %arg5[%get3A_44, %get3A_45] : memref<1000x128xf32, #tpu.memory_space<vmem>>, vector<1000x16xf32>
    %add3A_47 = arith.addf %get3A_43, %get3A_46 : vector<1000x16xf32>
    %get3A_48 = arith.constant 0 : index
    %get3A_49 = arith.constant 0 : index
    %get3A_50 = vector.load %arg6[%get3A_48, %get3A_49] : memref<1000x128xf32, #tpu.memory_space<vmem>>, vector<1000x16xf32>
    %add3A_51 = arith.addf %add3A_47, %get3A_50 : vector<1000x16xf32>
    %swap3A_52 = arith.constant 0 : index
    %swap3A_53 = arith.constant 0 : index
    %swap3A_54 = vector.load %arg13[%swap3A_52, %swap3A_53] : memref<1000x16xf32, #tpu.memory_space<vmem>>, vector<1000x16xf32>
    tpu.vector_store %arg13[%swap3A_52, %swap3A_53], %add3A_51 {strides = array<i32>} : memref<1000x16xf32, #tpu.memory_space<vmem>>, vector<1000x16xf32>,
    return
  }
  func.func @transform_0(%arg0: i32) -> (i32, i32) {
    %c0_i32 = arith.constant 0 : i32
    %c0_i32_0 = arith.constant 0 : i32
    return %arg0, %c0_i32 : i32, i32
  }
  func.func @transform_1(%arg0: i32) -> (i32, i32) {
    %c0_i32 = arith.constant 0 : i32
    %c0_i32_0 = arith.constant 0 : i32
    return %arg0, %c0_i32 : i32, i32
  }
  func.func @transform_2(%arg0: i32) -> (i32, i32) {
    %c0_i32 = arith.constant 0 : i32
    %c0_i32_0 = arith.constant 0 : i32
    return %arg0, %c0_i32 : i32, i32
  }
  func.func @transform_3(%arg0: i32) -> (i32, i32) {
    %c0_i32 = arith.constant 0 : i32
    %c0_i32_0 = arith.constant 0 : i32
    return %arg0, %c0_i32 : i32, i32
  }
  func.func @transform_4(%arg0: i32) -> (i32, i32) {
    %c0_i32 = arith.constant 0 : i32
    %c0_i32_0 = arith.constant 0 : i32
    return %arg0, %c0_i32 : i32, i32
  }
  func.func @transform_5(%arg0: i32) -> (i32, i32) {
    %c0_i32 = arith.constant 0 : i32
    %c0_i32_0 = arith.constant 0 : i32
    return %arg0, %c0_i32 : i32, i32
  }
  func.func @transform_6(%arg0: i32) -> (i32, i32) {
    %c0_i32 = arith.constant 0 : i32
    %c0_i32_0 = arith.constant 0 : i32
    %c0_i32_1 = arith.constant 0 : i32
    return %c0_i32, %c0_i32_0 : i32, i32
  }
  func.func @transform_7(%arg0: i32) -> (i32, i32) {
    %c0_i32 = arith.constant 0 : i32
    %c0_i32_0 = arith.constant 0 : i32
    %c0_i32_1 = arith.constant 0 : i32
    return %c0_i32, %c0_i32_0 : i32, i32
  }
  func.func @transform_8(%arg0: i32) -> (i32, i32) {
    %c0_i32 = arith.constant 0 : i32
    %c0_i32_0 = arith.constant 0 : i32
    %c0_i32_1 = arith.constant 0 : i32
    return %c0_i32, %c0_i32_0 : i32, i32
  }
  func.func @transform_9(%arg0: i32) -> (i32, i32) {
    %c0_i32 = arith.constant 0 : i32
    %c0_i32_0 = arith.constant 0 : i32
    %c0_i32_1 = arith.constant 0 : i32
    return %c0_i32, %c0_i32_0 : i32, i32
  }
  func.func @transform_10(%arg0: i32) -> (i32, i32) {
    %c0_i32 = arith.constant 0 : i32
    %c0_i32_0 = arith.constant 0 : i32
    %c0_i32_1 = arith.constant 0 : i32
    return %c0_i32, %c0_i32_0 : i32, i32
  }
  func.func @transform_11(%arg0: i32) -> (i32, i32) {
    %c0_i32 = arith.constant 0 : i32
    %c0_i32_0 = arith.constant 0 : i32
    return %arg0, %c0_i32 : i32, i32
  }
  func.func @transform_12(%arg0: i32) -> (i32, i32) {
    %c0_i32 = arith.constant 0 : i32
    %c0_i32_0 = arith.constant 0 : i32
    return %arg0, %c0_i32 : i32, i32
  }
}

</mosaic_0001>

<sc_bundles>
// kernel: kernel.10.cloned.1.call-start
scs
__scs_entry_jumppad:
0x0: {  	(pc) =	sbr.rel $0x88, $3  }
0x1: {  	(tag) =	ssettag $0x0;
	lr =	simm.s32 $0x1  }
0x2: {  	[smem:$0x3F92] =	sst lr;
	_ =	strace $0xD0000000  }
0x3: {  	_ = 	snop  }
0x4: {  	_ = 	snop  }
0x5: {  	_ = 	snop  }
0x6: {  	_ = 	snop  }
0x7: {  	_ = 	snop  }
__scs_overlays_trampoline_lowered:
0x8: {  	[smem:$0x3FA1] =	sst s0  }
0x9: {  	[smem:$0x3FA2] =	sst s1  }
0xa: {  	[smem:$0x3FA3] =	sst s2  }
0xb: {  	[smem:$0x3FA4] =	sst s3  }
0xc: {  	[smem:$0x3FA5] =	sst s4  }
0xd: {  	[smem:$0x3FA6] =	sst s5  }
0xe: {  	[smem:$0x3FA7] =	sst s6  }
0xf: {  	[smem:$0x3FA8] =	sst s7  }
0x10: {  	[smem:$0x3FA9] =	sst s8  }
0x11: {  	[smem:$0x3FAA] =	sst s9;
	s0 =	simm.s32 @!p0 $0x0  }
0x12: {  	s1 =	sld [smem:$0x3F90];
	s0 =	simm.s32 @p0 $0x1  }
0x13: {  	[smem:$0x3FAB] =	sst s0;
	s0 =	simm.s32 @!p1 $0x0  }
0x14: {  	s2 =	sld [smem:$0x3F8F];
	s0 =	simm.s32 @p1 $0x1  }
0x15: {  	[smem:$0x3FAC] =	sst s0;
	s0 =	simm.s32 @!p2 $0x0  }
0x16: {  	s3 =	sld [smem:$0x3FDB];
	s0 =	simm.s32 @p2 $0x1  }
0x17: {  	s4 =	simm.s32 $0x1BF5;
	[smem:$0x3FAE] =	sst s0  }
0x18: {  	s0 =	sld [smem:$0x3F91];
	_ =	swait.ge [sflag:s4], $0x0  }
0x19: {  	s7 =	sld [smem:$0x3F92]  }
0x1a: {  	s8 =	sadd.s32 $0xFFFFE003, lr  }
0x1b: {  	s9 =	sadd.s32 $0xFFFFFEF7, lr;
	s5 =	simm.s32 $0xFFFFFFFF;
	p2 =	slt.u32 s8, $0xFFFFF086  }
0x1c: {  	p1 =	slt.u32 s9, $0xF7A;
	s5 =	simm.s32 @!p2 $0x0  }
0x1d: {  	s5 =	simm.s32 @p1 $0x1;
	p0 =	seq.s32 s7, s2  }
0x1e: {  	s7 =	smul.u32 @!p0 $0xF7A, s2;
	p2 =	seq.s32 @!p0 s5, $0x0  }
0x1f: {  	s9 =	smul.u32 $0xF7A, s1;
	s8 =	simm.s32 @!p0 $0x1BF5;
	p2 =	por !p2, p0  }
0x20: {  	[sflag:s8] =	ssyncset.s32 @!p0 $0xFFFFF086;
	s6 =	sadd.s32 @!p0 s3, s7;
	s7 =	simm.s32 @!p0 $0x108  }
0x21: {  	s3 =	sadd.s32 s3, s9;
	s6 =	sadd.s32 @!p0 $0x88, s6;
	s7 =	simm.s32 @p2 $0x1082  }
0x22: {  	[simem:s7], [sflag:s8] =	dma.local @!p0 [hbm:s6], $0xF7A  }
0x23: {  	s9 =	sor.u32 $0xD0000000, s2;
	s6 =	simm.s32 $0x108;
	_ =	swait.ge @!p0 [sflag:s8], $0x0  }
0x24: {  	s3 =	sadd.s32 $0x88, s3;
	s6 =	simm.s32 @!p1 $0x1082;
	[sflag:s4] =	ssyncset.s32 $0xFFFFF086  }
0x25: {  	[simem:s6], [sflag:s4] =	dma.local [hbm:s3], $0xF7A  }
0x26: {  	[smem:$0x3F92] =	sst s1;
	(tag) =	ssettag s2;
	_ =	strace s9  }
0x27: {  	s1 =	sld [smem:$0x3FA2]  }
0x28: {  	s2 =	sld [smem:$0x3FA3]  }
0x29: {  	s4 =	sld [smem:$0x3FA5]  }
0x2a: {  	p0 =	seq.s32 s5, $0x0;
	s5 =	sld [smem:$0x3FA6]  }
0x2b: {  	s6 =	sld [smem:$0x3FA7]  }
0x2c: {  	s7 =	sld [smem:$0x3FA8]  }
0x2d: {  	s3 =	simm.s32 $0x108;
	s8 =	sld [smem:$0x3FA9]  }
0x2e: {  	s3 =	simm.s32 @!p0 $0x1082;
	s9 =	sld [smem:$0x3FAA]  }
0x2f: {  	lr =	sadd.s32 s0, s3;
	s0 =	sld [smem:$0x3FA1]  }
0x30: {  	s3 =	sld [smem:$0x3FA4]  }
0x31: {  	[smem:$0x3FAD] =	sst s10  }
0x32: {  	s10 =	sld [smem:$0x3FAB];
	_ =	sdelay $0x3  }
0x33: {  	p0 =	seq.s32 s10, $0x1;
	s10 =	sld [smem:$0x3FAD];
	_ =	sdelay $0x3  }
0x34: {  	[smem:$0x3FAD] =	sst s10  }
0x35: {  	s10 =	sld [smem:$0x3FAC];
	_ =	sdelay $0x3  }
0x36: {  	p1 =	seq.s32 s10, $0x1;
	s10 =	sld [smem:$0x3FAD];
	_ =	sdelay $0x3  }
0x37: {  	[smem:$0x3FAD] =	sst s10  }
0x38: {  	s10 =	sld [smem:$0x3FAE]  }
0x39: {  	_ = 	snop;
	(pc) =	sbr.ind lr, $3  }
0x3a: {  	_ = 	snop  }
0x3b: {  	_ = 	snop  }
0x3c: {  	p2 =	seq.s32 s10, $0x1;
	s10 =	sld [smem:$0x3FAD]  }
0x3d: {  	_ =	shalt  }
0x3e: {  	_ =	shalt  }
0x3f: {  	_ =	shalt  }
0x40: {  	_ =	shalt  }
0x41: {  	_ =	shalt  }
0x42: {  	_ =	shalt  }
0x43: {  	_ =	shalt  }
0x44: {  	_ =	shalt  }
0x45: {  	_ =	shalt  }
0x46: {  	_ =	shalt  }
0x47: {  	_ =	shalt  }
0x48: {  	_ =	shalt  }
0x49: {  	_ =	shalt  }
0x4a: {  	_ =	shalt  }
0x4b: {  	_ =	shalt  }
0x4c: {  	_ =	shalt  }
0x4d: {  	_ =	shalt  }
0x4e: {  	_ =	shalt  }
0x4f: {  	_ =	shalt  }
0x50: {  	_ =	shalt  }
0x51: {  	_ =	shalt  }
0x52: {  	_ =	shalt  }
0x53: {  	_ =	shalt  }
0x54: {  	_ =	shalt  }
0x55: {  	_ =	shalt  }
0x56: {  	_ =	shalt  }
0x57: {  	_ =	shalt  }
0x58: {  	_ =	shalt  }
0x59: {  	_ =	shalt  }
0x5a: {  	_ =	shalt  }
0x5b: {  	_ =	shalt  }
0x5c: {  	_ =	shalt  }
0x5d: {  	_ =	shalt  }
0x5e: {  	_ =	shalt  }
0x5f: {  	_ =	shalt  }
0x60: {  	_ =	shalt  }
0x61: {  	_ =	shalt  }
0x62: {  	_ =	shalt  }
0x63: {  	_ =	shalt  }
0x64: {  	_ =	shalt  }
0x65: {  	_ =	shalt  }
0x66: {  	_ =	shalt  }
0x67: {  	_ =	shalt  }
0x68: {  	_ =	shalt  }
0x69: {  	_ =	shalt  }
0x6a: {  	_ =	shalt  }
0x6b: {  	_ =	shalt  }
0x6c: {  	_ =	shalt  }
0x6d: {  	_ =	shalt  }
0x6e: {  	_ =	shalt  }
0x6f: {  	_ =	shalt  }
0x70: {  	_ =	shalt  }
0x71: {  	_ =	shalt  }
0x72: {  	_ =	shalt  }
0x73: {  	_ =	shalt  }
0x74: {  	_ =	shalt  }
0x75: {  	_ =	shalt  }
0x76: {  	_ =	shalt  }
0x77: {  	_ =	shalt  }
0x78: {  	_ =	shalt  }
0x79: {  	_ =	shalt  }
0x7a: {  	_ =	shalt  }
0x7b: {  	_ =	shalt  }
0x7c: {  	_ =	shalt  }
0x7d: {  	_ =	shalt  }
0x7e: {  	_ =	shalt  }
0x7f: {  	_ =	shalt  }
0x80: {  	_ =	shalt  }
0x81: {  	_ =	shalt  }
0x82: {  	_ =	shalt  }
0x83: {  	_ =	shalt  }
0x84: {  	_ =	shalt  }
0x85: {  	_ =	shalt  }
0x86: {  	_ =	shalt  }
0x87: {  	_ =	shalt  }
.Lfunc_end0:
.L_simem_size_0:
called_computation.1_lowered:
.L_overlay_start_0:
0x88: {  	s2 =	sld [smem:$0x3FD9]  }
0x89: {  	s3 =	sld [smem:$0x3FFE];
	_ =	sdelay $0x1  }
0x8a: {  	s1 =	srdreg.scid  }
0x8b: {  	s0 =	sand.u32 $0x1, s1  }
0x8c: {  	s14 =	sshll.u32 s0, $0xA;
	s2 =	sadd.s32 s3, s2  }
0x8d: {  	s2 =	sadd.s32 s2, s14  }
0x8e: {  	[smem:$0x3FB9] =	sst s2  }
0x8f: {  	_ = 	snop  }
0x90: {  	s2 =	sld [smem:$0x3FD0];
	_ =	sdelay $0x2  }
0x91: {  	s15 =	simm.s32 $0xA;
	s4 =	simm.s32 $0x10  }
0x92: {  	[smem:s4], [sflag:s15] =	dma.local [hbm:s2], $0x1  }
0x93: {  	_ =	swait.eq [sflag:s15], $0x1  }
0x94: {  	[sflag:s15] =	ssyncset.done $0x0  }
0x95: {  	[sflag:s15] =	ssyncadd.s32 $0xFFFFFFFF  }
0x96: {  	s16 =	sld [smem:$0x10];
	(tm) =	ssettm $0x1  }
0x97: {  	s17 =	sld [smem:$0x3FFB];
	_ =	sdelay $0x3  }
0x98: {  	_ =	strace s17  }
0x99: {  	s3 =	sld [smem:$0x3FFC];
	_ =	sdelay $0x3  }
0x9a: {  	_ =	strace s3  }
0x9b: {  	s3 =	sld [smem:$0x3FFD];
	_ =	sdelay $0x3  }
0x9c: {  	_ =	strace s3  }
0x9d: {  	_ =	strace $0x8FFFFFFF  }
0x9e: {  	s18 =	sld [smem:$0x3FDB];
	_ =	sdelay $0x1  }
0x9f: {  	s19 =	simm.s32 $_scs_section_size  }
0xa0: {  	s5 =	simm.s32 $_size__tile_overlayer_lowered;
	s6 =	simm.s32 $_tile_overlayer_lowered  }
0xa1: {  	s22 =	simm.s32 $0x1BFF;
	s21 =	sshll.u32 s6, $0x1;
	s3 =	sadd.s32 s19, s18  }
0xa2: {  	s7 =	simm.s32 $0x0;
	s20 =	sshll.u32 s5, $0x1;
	s5 =	sadd.s32 s21, s3  }
0xa3: {  	[timem:s7], [sflag:s22] =	dma.local [hbm:s5], s20  }
0xa4: {  	_ =	swait.ge [sflag:s22], s20  }
0xa5: {  	s4 =	ssub.s32 $0x0, s20;
	[sflag:s22] =	ssyncset.done $0x0  }
0xa6: {  	[sflag:s22] =	ssyncadd.s32 s4;
	_ =	sdelay $0x1  }
0xa7: {  	s23 =	simm.s32 $0x1B8B  }
0xa8: {  	_ =	swait.ge [sflag:s23], $0x1  }
0xa9: {  	[sflag:s23] =	ssyncset.done $0x0  }
0xaa: {  	s25 =	simm.s32 $0x1B8E;
	s24 =	sld [smem:$0x3FFE];
	[sflag:s23] =	ssyncadd.s32 $0xFFFFFFFF  }
0xab: {  	s26 =	simm.s32 $execute0_lowered;
	[smem:$0x3FD2] =	sst s25  }
0xac: {  	s5 =	sshll.u32 s26, $0x1;
	_ =	strace $0x80000049;
	[dreg:$0x1] =	wrdreg $0xFFFFFFFF  }
0xad: {  	s28 =	simm.s32 $_size_execute0_lowered;
	s3 =	sadd.s32 s3, s5;
	[dreg:$0x0] =	wrdreg $0x0  }
0xae: {  	s5 =	sshll.u32 s28, $0x1;
	[dreg:$0x2] =	wrdreg s3  }
0xaf: {  	[dreg:$0x3] =	wrdreg s5  }
0xb0: {  	[dreg:$0x4] =	wrdreg $0xC0  }
0xb1: {  	_ =	task [dreg:s7], $0x5FFFF  }
0xb2: {  	[dreg:$0x1] =	wrdreg $0xFFFFFFFF  }
0xb3: {  	[dreg:$0x0] =	wrdreg $0x60  }
0xb4: {  	[dreg:$0x2] =	wrdreg s24  }
0xb5: {  	[dreg:$0x3] =	wrdreg s16  }
0xb6: {  	[dreg:$0x4] =	wrdreg $0x0  }
0xb7: {  	[dreg:$0x5] =	wrdreg $0x9  }
0xb8: {  	_ =	task.clear_ibuf [dreg:s7], $0x6FFFF;
	_ =	strace $0x90000049  }
0xb9: {  	s29 =	simm.s32 $0x9;
	_ =	strace $0x8000004B  }
0xba: {  	_ =	swait.ge [sflag:s29], $0x1  }
0xbb: {  	[sflag:s29] =	ssyncadd.s32 $0xFFFFFFFF  }
0xbc: {  	_ =	strace $0x9000004B  }
0xbd: {  	_ =	sfence  }
0xbe: {  	s30 =	sld [smem:$0x0];
	_ =	sdelay $0x2  }
0xbf: {  	s31 =	sshll.u32 s1, $0xD;
	s1 =	sshrl.u32 s1, $0x2  }
0xc0: {  	s3 =	sand.u32 $0x4000, s31;
	s1 =	sadd.s32 s1, s30  }
0xc1: {  	s0 =	sor.u32 s3, s0;
	s1 =	sshll.u32 s1, $0x11  }
0xc2: {  	s0 =	sor.u32 s1, s0  }
0xc3: {  	s0 =	sadd.s32 $0x8F2B, s0  }
0xc4: {  	[sflag:s0] =	ssyncadd.remote.s32 $0x1  }
0xc5: {  	_ =	sfence.sel $0xFFFF  }
0xc6: {  	[dreg:$0x0] =	wrdreg $0xFFFFFFFF;
	(pc) =	sbr.abs _section_cstart, $3  }
0xc7: {  	[dreg:$0x1] =	wrdreg $0xFFFFFFFF  }
0xc8: {  	_ =	task.clear_ibuf [dreg:s7], $0x2FFFF;
	_ =	strace $0x9FFFFFFF  }
0xc9: {  	(tm) =	ssettm $0x7FFFFFFF  }
tec
execute0_lowered:
.L_overlay_start_1:
0x0: {  	(tag) =	ssettag $0x1  }
0x1: {  	s0 =	rddreg [dreg:$0x0]  }
0x2: {  	s3 =	rddreg [dreg:$0x1]  }
0x3: {  	s1 =	rddreg [dreg:$0x2];
	s2 =	simm.s32 $0x0;
	s19 =	stileid.u32  }
0x4: {  	s4 =	srdreg.scid;
	s31 =	simm.s32 $0x5;
	s8 =	smul.u32 $0x4E000, s19  }
0x5: {  	[smem:$0x7FF] =	sst s2;
	s10 =	sadd.s32 $0xEE4400, s0;
	s11 =	smul.u32 $0x2710, s19  }
0x6: {  	s6 =	sand.u32 $0x1, s4;
	s4 =	sadd.s32 $0x13C6400, s0;
	s13 =	smul.u32 $0x2700, s19  }
0x7: {  	s5 =	sadd.s32 $0xC800, s0;
	s22 =	sshll.u32 s19, $0x6;
	s18 =	smul.u32 $0x27100, s19  }
0x8: {  	p0 =	sne.s32 s19, $0xF;
	s7 =	smul.u32 $0x27100, s6;
	s9 =	ssub.s32 $0x2, s6  }
0x9: {  	_ =	strace $0x8000004A;
	s6 =	smul.u32 $0x271000, s6;
	s12 =	sshrl.u32 s9, $0x1  }
0xa: {  	s8 =	sshrl.u32 s8, $0x2;
	[dreg:$0x4] =	wrdreg s13;
	s0 =	sadd.s32 s7, s0  }
0xb: {  	s12 =	ssub.s32 s9, s12;
	s11 =	sadd.s32 s11, s7;
	s7 =	sadd.s32 s8, s1  }
0xc: {  	s8 =	sadd.s32 s3, s13;
	s9 =	sor.u32 $0x1C05, s22;
	s3 =	sadd.s32 $0x27000, s3  }
0xd: {  	s6 =	sadd.s32 s6, s10;
	s23 =	sadd.s32 $0x26C0, s11;
	[dreg:$0x5] =	wrdreg s3  }
0xe: {  	s26 =	sshrl.u32 s11, $0x3;
	s30 =	sshll.u32 s11, $0x4;
	s15 =	sadd.s32 $0xA0, s11  }
0xf: {  	s6 =	sadd.s32 s18, s6;
	s18 =	sadd.s32 $0x16600, s0;
	s0 =	sadd.s32 $0x64800, s0  }
0x10: {  	s22 =	smax.u32 s12, $0x1;
	s12 =	simm.s32 $0x1;
	[dreg:$0xc] =	wrdreg s18  }
0x11: {  	s24 =	sshrl.u32 s23, $0x3;
	s25 =	sshll.u32 s23, $0x4;
	[dreg:$0xf] =	wrdreg s0  }
0x12: {  	s13 =	sadd.s32 s5, s26;
	s17 =	sshll.u32 s15, $0x4;
	[dreg:$0x10] =	wrdreg s22  }
0x13: {  	s20 =	sadd.s32 s4, s30;
	s26 =	sshrl.u32 s15, $0x3;
	[dreg:$0x8] =	wrdreg s13  }
0x14: {  	s6 =	sadd.s32 $0x1400, s6;
	s18 =	simm.s32 $0x13900;
	[dreg:$0xe] =	wrdreg s20  }
0x15: {  	s3 =	sadd.s32 s5, s24;
	s14 =	sadd.s32 s10, s25;
	[dreg:$0x13] =	wrdreg s6  }
0x16: {  	s17 =	sadd.s32 s10, s17;
	s24 =	sadd.s32 $0x140, s11;
	[dreg:$0x6] =	wrdreg s3  }
0x17: {  	s20 =	simm.s32 $0x16180;
	[dreg:$0x7] =	wrdreg s14;
	s14 =	sadd.s32 $0x50, s11  }
0x18: {  	[dreg:$0xa] =	wrdreg s17;
	s3 =	sadd.s32 s4, s25;
	s25 =	sadd.s32 $0xF0, s11  }
0x19: {  	s0 =	sshrl.u32 s24, $0x3;
	s17 =	simm.s32 $0x3;
	s24 =	simm.s32 $0x18980  }
0x1a: {  	s16 =	sshll.u32 s14, $0x4;
	[dreg:$0xd] =	wrdreg s3;
	s21 =	sshrl.u32 s14, $0x3  }
0x1b: {  	s3 =	sshrl.u32 s25, $0x3;
	s28 =	sadd.s32 s0, s5;
	s0 =	simm.s32 $0x13880  }
0x1c: {  	s25 =	simm.s32 $0x1B180;
	s16 =	sadd.s32 s10, s16;
	s10 =	sadd.s32 s10, s30  }
.Ltmp0:
0x1d: {  	s23 =	sadd.s32 s5, s21;
	[dreg:$0x9] =	wrdreg s16;
	(pc) =	sbr.rel .LBB2_1-.Ltmp0, $4  }
0x1e: {  	s29 =	sadd.s32 s3, s5;
	s30 =	sadd.s32 $0x138000, s1;
	[dreg:$0xb] =	wrdreg s10  }
0x1f: {  	s3 =	simm.s32 $0x13980;
	s21 =	simm.s32 $0x2;
	[dreg:$0x11] =	wrdreg s23  }
0x20: {  	s10 =	sadd.s32 s5, s26;
	[dreg:$0x14] =	wrdreg s30;
	s16 =	simm.s32 $0x50  }
0x21: {  	v0 =	vimm.f32 $0.0e+00;
	s23 =	simm.s32 $0x4;
	s26 =	simm.s32 $0x0;
	[dreg:$0x12] =	wrdreg s10  }
.LBB2_17:
0x22: {  	_ =	swait.ge [sflag:s23], $0x2800  }
0x23: {  	[sflag:s23] =	ssyncset.done $0x0  }
0x24: {  	[sflag:s23] =	ssyncadd.s32 $0xFFFFD800  }
0x25: {  	[bflag:$0x0] =	sbarrier.arrive $0xFFFF  }
0x26: {  	s10 =	rddreg [dreg:$0x4]  }
0x27: {  	s11 =	rddreg [dreg:$0xf]  }
0x28: {  	s10 =	sadd.s32 s10, s11  }
0x29: {  	[hbm:s10], [sflag:s9] =	dma.local [spmem:s30], $0x2700  }
0x2a: {  	_ =	swait.ge [sflag:s31], $0x2700  }
0x2b: {  	[sflag:s31] =	ssyncset.done $0x0  }
0x2c: {  	s10 =	sadd.s32 @!p0 $0x27000, s11;
	[sflag:s31] =	ssyncadd.s32 $0xFFFFD900  }
0x2d: {  	[hbm:s10], [sflag:s9] =	dma.local @!p0 [spmem:s6], $0x100  }
0x2e: {  	s6 =	simm.s32 @!p0 $0x5  }
0x2f: {  	_ =	swait.ge @!p0 [sflag:s6], $0x100  }
0x30: {  	s26 =	sadd.s32 $0x1, s26;
	s30 =	rddreg [dreg:$0x10]  }
0x31: {  	p1 =	sne.s32 s26, s30  }
.Ltmp1:
0x32: {  	_ = 	snop;
	(pc) =	sbr.rel @!p1 .LBB2_18-.Ltmp1, $3  }
0x33: {  	_ =	sdelay $0x1  }
0x34: {  	[sflag:s6] =	ssyncset.done @!p0 $0x0  }
0x35: {  	[sflag:s6] =	ssyncadd.s32 @!p0 $0xFFFFFF00  }
.LBB2_1:
0x36: {  	s30 =	sshrl.u32 s7, $0x3  }
0x37: {  	[spmem:s30], [sflag:s9] =	dma.local [hbm:s8], $0x2700  }
0x38: {  	_ =	swait.ge [sflag:s31], $0x2700  }
0x39: {  	[sflag:s31] =	ssyncset.done $0x0;
	s6 =	rddreg [dreg:$0x14]  }
0x3a: {  	s10 =	rddreg [dreg:$0x5];
	[sflag:s31] =	ssyncadd.s32 $0xFFFFD900;
	s6 =	sshrl.u32 @!p0 s6, $0x3  }
0x3b: {  	[spmem:s6], [sflag:s9] =	dma.local @!p0 [hbm:s10], $0x100  }
0x3c: {  	s10 =	simm.s32 @!p0 $0x5  }
0x3d: {  	_ =	swait.ge @!p0 [sflag:s10], $0x100  }
0x3e: {  	[sflag:s10] =	ssyncset.done @!p0 $0x0  }
0x3f: {  	[sflag:s10] =	ssyncadd.s32 @!p0 $0xFFFFFF00  }
0x40: {  	[bflag:$0x0] =	sbarrier.arrive $0xFFFF  }
0x41: {  	s11 =	rddreg [dreg:$0x6]  }
0x42: {  	[tilespmem:s0], [sflag:$0x1] =	stream.linear.gather [hbm4b:s11+s2], $0x50, $0x38;
	[tilespmem:$0x1D980] =	vst v63  }
0x43: {  	s13 =	rddreg [dreg:$0x7]  }
0x44: {  	[tilespmem:s3], [sflag:$0x1] =	stream.linear.gather [hbm4b:s13+s2], $0x2800, $0x38;
	[tilespmem:$0x1D980] =	vst v63  }
0x45: {  	_ =	swait.ge [sflag:s12], $0x50  }
0x46: {  	[sflag:s12] =	ssyncset.done $0x0  }
0x47: {  	[sflag:s12] =	ssyncadd.s32 $0xFFFFFFB0  }
0x48: {  	_ =	swait.ge [sflag:s12], $0x2800  }
0x49: {  	[sflag:s12] =	ssyncset.done $0x0  }
0x4a: {  	[sflag:s12] =	ssyncadd.s32 $0xFFFFD800  }
0x4b: {  	[spmem:s1] =	stream.indirect.scatter.add.f32 [tilespmem:s3], [sflag:$0x3], $0x80, s0, s16, $0xb8;
	[tilespmem:$0x1D980] =	vst v63  }
0x4c: {  	_ =	swait.ge [sflag:s17], $0x2800  }
0x4d: {  	[sflag:s17] =	ssyncset.done $0x0  }
0x4e: {  	s19 =	rddreg [dreg:$0x8];
	[sflag:s17] =	ssyncadd.s32 $0xFFFFD800  }
0x4f: {  	[tilespmem:s0], [sflag:$0x1] =	stream.linear.gather [hbm4b:s19+s2], $0x50, $0x38;
	[tilespmem:$0x1D980] =	vst v63  }
0x50: {  	s22 =	rddreg [dreg:$0xb]  }
0x51: {  	[tilespmem:s3], [sflag:$0x1] =	stream.linear.gather [hbm4b:s22+s2], $0x2800, $0x38;
	[tilespmem:$0x1D980] =	vst v63  }
0x52: {  	_ =	swait.ge [sflag:s12], $0x50  }
0x53: {  	[sflag:s12] =	ssyncset.done $0x0  }
0x54: {  	[sflag:s12] =	ssyncadd.s32 $0xFFFFFFB0  }
0x55: {  	_ =	swait.ge [sflag:s12], $0x2800  }
0x56: {  	[sflag:s12] =	ssyncset.done $0x0  }
0x57: {  	[sflag:s12] =	ssyncadd.s32 $0xFFFFD800  }
0x58: {  	[spmem:s1] =	stream.indirect.scatter.add.f32 [tilespmem:s3], [sflag:$0x3], $0x80, s0, s16, $0xb8;
	[tilespmem:$0x1D980] =	vst v63  }
0x59: {  	s11 =	rddreg [dreg:$0x11]  }
0x5a: {  	[tilespmem:s18], [sflag:$0x2] =	stream.linear.gather [hbm4b:s11+s2], $0x50, $0x38;
	[tilespmem:$0x1D980] =	vst v63  }
0x5b: {  	s13 =	rddreg [dreg:$0x9]  }
0x5c: {  	[tilespmem:s20], [sflag:$0x2] =	stream.linear.gather [hbm4b:s13+s2], $0x2800, $0x38;
	[tilespmem:$0x1D980] =	vst v63  }
0x5d: {  	_ =	swait.ge [sflag:s21], $0x50  }
0x5e: {  	[sflag:s21] =	ssyncset.done $0x0  }
0x5f: {  	[sflag:s21] =	ssyncadd.s32 $0xFFFFFFB0  }
0x60: {  	_ =	swait.ge [sflag:s21], $0x2800  }
0x61: {  	[sflag:s21] =	ssyncset.done $0x0  }
0x62: {  	[sflag:s21] =	ssyncadd.s32 $0xFFFFD800  }
0x63: {  	[spmem:s1] =	stream.indirect.scatter.add.f32 [tilespmem:s20], [sflag:$0x4], $0x80, s18, s16, $0xb8;
	[tilespmem:$0x1D980] =	vst v63  }
0x64: {  	_ =	swait.ge [sflag:s17], $0x2800  }
0x65: {  	[sflag:s17] =	ssyncset.done $0x0;
	s19 =	rddreg [dreg:$0x12]  }
0x66: {  	s22 =	rddreg [dreg:$0xa];
	[sflag:s17] =	ssyncadd.s32 $0xFFFFD800  }
0x67: {  	[tilespmem:s0], [sflag:$0x1] =	stream.linear.gather [hbm4b:s19+s2], $0x50, $0x38;
	[tilespmem:$0x1D980] =	vst v63  }
0x68: {  	s11 =	simm.s32 $0x0;
	s10 =	rddreg [dreg:$0x13]  }
0x69: {  	[tilespmem:s3], [sflag:$0x1] =	stream.linear.gather [hbm4b:s22+s2], $0x2800, $0x38;
	[tilespmem:$0x1D980] =	vst v63  }
.LBB2_2:
0x6a: {  	_ =	swait.ge [sflag:s12], $0x50  }
0x6b: {  	[sflag:s12] =	ssyncset.done $0x0  }
0x6c: {  	[sflag:s12] =	ssyncadd.s32 $0xFFFFFFB0  }
0x6d: {  	_ =	swait.ge [sflag:s12], $0x2800  }
0x6e: {  	[sflag:s12] =	ssyncset.done $0x0  }
0x6f: {  	[sflag:s12] =	ssyncadd.s32 $0xFFFFD800  }
0x70: {  	[spmem:s1] =	stream.indirect.scatter.add.f32 [tilespmem:s3], [sflag:$0x3], $0x80, s0, s16, $0xb8;
	[tilespmem:$0x1D980] =	vst v63  }
0x71: {  	_ =	swait.ge [sflag:s23], $0x2800  }
0x72: {  	[sflag:s23] =	ssyncset.done $0x0  }
0x73: {  	s13 =	sadd.s32 s11, s29;
	[sflag:s23] =	ssyncadd.s32 $0xFFFFD800  }
0x74: {  	[tilespmem:s18], [sflag:$0x2] =	stream.linear.gather [hbm4b:s13+s2], $0x50, $0x38;
	[tilespmem:$0x1D980] =	vst v63  }
0x75: {  	s22 =	sadd.s32 $0xFFFFFB00, s10  }
0x76: {  	[tilespmem:s20], [sflag:$0x2] =	stream.linear.gather [hbm4b:s22+s2], $0x2800, $0x38;
	[tilespmem:$0x1D980] =	vst v63  }
0x77: {  	_ =	swait.ge [sflag:s21], $0x50  }
0x78: {  	[sflag:s21] =	ssyncset.done $0x0  }
0x79: {  	[sflag:s21] =	ssyncadd.s32 $0xFFFFFFB0  }
0x7a: {  	_ =	swait.ge [sflag:s21], $0x2800  }
0x7b: {  	p1 =	seq.s32 s11, $0x4B0;
	[sflag:s21] =	ssyncset.done $0x0  }
.Ltmp2:
0x7c: {  	[sflag:s21] =	ssyncadd.s32 $0xFFFFD800;
	(pc) =	sbr.rel @p1 .LBB2_4-.Ltmp2, $4  }
0x7d: {  	[spmem:s1] =	stream.indirect.scatter.add.f32 [tilespmem:s20], [sflag:$0x4], $0x80, s18, s16, $0xb8;
	[tilespmem:$0x1D980] =	vst v63  }
0x7e: {  	_ =	swait.ge [sflag:s17], $0x2800  }
0x7f: {  	[sflag:s17] =	ssyncset.done $0x0  }
0x80: {  	[sflag:s17] =	ssyncadd.s32 $0xFFFFD800  }
.Ltmp3:
0x81: {  	s13 =	sadd.s32 s11, s28;
	(pc) =	sbr.rel .LBB2_2-.Ltmp3, $4  }
0x82: {  	[tilespmem:s0], [sflag:$0x1] =	stream.linear.gather [hbm4b:s13+s2], $0x50, $0x38;
	[tilespmem:$0x1D980] =	vst v63  }
0x83: {  	_ = 	snop  }
0x84: {  	[tilespmem:s3], [sflag:$0x1] =	stream.linear.gather [hbm4b:s10+s2], $0x2800, $0x38;
	[tilespmem:$0x1D980] =	vst v63  }
0x85: {  	s11 =	sadd.s32 $0x14, s11;
	s10 =	sadd.s32 $0xA00, s10  }
.LBB2_4:
0x86: {  	_ =	swait.ge [sflag:s23], $0x2800  }
0x87: {  	[sflag:s23] =	ssyncset.done $0x0  }
0x88: {  	[sflag:s23] =	ssyncadd.s32 $0xFFFFD800  }
0x89: {  	[bflag:$0x0] =	sbarrier.arrive $0xFFFF  }
0x8a: {  	s10 =	rddreg [dreg:$0x4]  }
0x8b: {  	s11 =	rddreg [dreg:$0xc]  }
0x8c: {  	s10 =	sadd.s32 s10, s11  }
0x8d: {  	[hbm:s10], [sflag:s9] =	dma.local [spmem:s30], $0x2700  }
0x8e: {  	_ =	swait.ge [sflag:s31], $0x2700  }
0x8f: {  	[sflag:s31] =	ssyncset.done $0x0  }
0x90: {  	s10 =	sshrl.u32 @p0 s7, $0x3;
	[sflag:s31] =	ssyncadd.s32 $0xFFFFD900  }
0x91: {  	[spmem:s10], [sflag:s9] =	dma.local @p0 [hbm:s8], $0x2700  }
0x92: {  	s10 =	simm.s32 @p0 $0x5  }
0x93: {  	_ =	swait.ge @p0 [sflag:s10], $0x2700  }
0x94: {  	[sflag:s10] =	ssyncset.done @p0 $0x0  }
0x95: {  	[sflag:s10] =	ssyncadd.s32 @p0 $0xFFFFD900;
	s10 =	sadd.s32 @!p0 $0x27000, s11  }
0x96: {  	[hbm:s10], [sflag:s9] =	dma.local @!p0 [spmem:s6], $0x100  }
0x97: {  	s10 =	simm.s32 @!p0 $0x5  }
0x98: {  	_ =	swait.ge @!p0 [sflag:s10], $0x100  }
0x99: {  	[sflag:s10] =	ssyncset.done @!p0 $0x0  }
0x9a: {  	s11 =	sshrl.u32 @!p0 s7, $0x3;
	[sflag:s10] =	ssyncadd.s32 @!p0 $0xFFFFFF00  }
0x9b: {  	[spmem:s11], [sflag:s9] =	dma.local @!p0 [hbm:s8], $0x2700  }
0x9c: {  	_ =	swait.ge @!p0 [sflag:s10], $0x2700  }
0x9d: {  	[sflag:s10] =	ssyncset.done @!p0 $0x0  }
0x9e: {  	s11 =	rddreg [dreg:$0x5];
	[sflag:s10] =	ssyncadd.s32 @!p0 $0xFFFFD900  }
0x9f: {  	[spmem:s6], [sflag:s9] =	dma.local @!p0 [hbm:s11], $0x100  }
0xa0: {  	_ =	swait.ge @!p0 [sflag:s10], $0x100  }
0xa1: {  	[sflag:s10] =	ssyncset.done @!p0 $0x0  }
0xa2: {  	s11 =	simm.s32 $0x200;
	[sflag:s10] =	ssyncadd.s32 @!p0 $0xFFFFFF00;
	s10 =	simm.s32 $0x0  }
.LBB2_5:
0xa3: {  	p1 =	sne.s32 s11, $0x9E00;
	[tilespmem:s10+$0x139F0] =	vst v0  }
0xa4: {  	[tilespmem:s10+$0x13990] =	vst v0  }
.Ltmp4:
0xa5: {  	[tilespmem:s10+$0x139A0] =	vst v0;
	(pc) =	sbr.rel @p1 .LBB2_5-.Ltmp4, $4  }
0xa6: {  	[tilespmem:s10+$0x139B0] =	vst v0  }
0xa7: {  	[tilespmem:s10+$0x139C0] =	vst v0  }
0xa8: {  	[tilespmem:s10+$0x139D0] =	vst v0  }
0xa9: {  	[tilespmem:s10+$0x139E0] =	vst v0;
	s10 =	sshra.s32 s11, $0x2;
	s11 =	sadd.s32 $0x200, s11  }
0xaa: {  	[tilespmem:s10+$0x139F0] =	vst v0  }
0xab: {  	[tilespmem:s10+$0x13990] =	vst v0  }
0xac: {  	[tilespmem:s10+$0x139A0] =	vst v0  }
0xad: {  	[tilespmem:s10+$0x139B0] =	vst v0  }
0xae: {  	[tilespmem:s10+$0x139C0] =	vst v0  }
0xaf: {  	[tilespmem:s10+$0x139D0] =	vst v0  }
0xb0: {  	[tilespmem:s10+$0x139E0] =	vst v0;
	s10 =	simm.s32 $0x0;
	s11 =	simm.s32 $0x200  }
.LBB2_7:
0xb1: {  	p1 =	sne.s32 s11, $0x9E00;
	[tilespmem:s10+$0x161F0] =	vst v0  }
0xb2: {  	[tilespmem:s10+$0x16190] =	vst v0  }
.Ltmp5:
0xb3: {  	[tilespmem:s10+$0x161A0] =	vst v0;
	(pc) =	sbr.rel @p1 .LBB2_7-.Ltmp5, $4  }
0xb4: {  	[tilespmem:s10+$0x161B0] =	vst v0  }
0xb5: {  	[tilespmem:s10+$0x161C0] =	vst v0  }
0xb6: {  	[tilespmem:s10+$0x161D0] =	vst v0  }
0xb7: {  	[tilespmem:s10+$0x161E0] =	vst v0;
	s10 =	sshra.s32 s11, $0x2;
	s11 =	sadd.s32 $0x200, s11  }
0xb8: {  	[tilespmem:s10+$0x161F0] =	vst v0  }
0xb9: {  	[tilespmem:s10+$0x16190] =	vst v0  }
0xba: {  	[tilespmem:s10+$0x161A0] =	vst v0  }
0xbb: {  	[tilespmem:s10+$0x161B0] =	vst v0  }
0xbc: {  	[tilespmem:s10+$0x161C0] =	vst v0  }
0xbd: {  	[tilespmem:s10+$0x161D0] =	vst v0  }
0xbe: {  	[tilespmem:s10+$0x161E0] =	vst v0  }
0xbf: {  	[bflag:$0x0] =	sbarrier.arrive $0xFFFF  }
0xc0: {  	s19 =	simm.s32 $0x0;
	s11 =	rddreg [dreg:$0x6]  }
0xc1: {  	[tilespmem:s0], [sflag:$0x1] =	stream.linear.gather [hbm4b:s11+s19], $0x50, $0x38;
	[tilespmem:$0x1D980] =	vst v63  }
0xc2: {  	s22 =	rddreg [dreg:$0xd]  }
0xc3: {  	[tilespmem:s24], [sflag:$0x1] =	stream.linear.gather [hbm4b:s22+s19], $0x2800, $0x38;
	[tilespmem:$0x1D980] =	vst v63  }
0xc4: {  	_ =	swait.ge [sflag:s12], $0x50  }
0xc5: {  	[sflag:s12] =	ssyncset.done $0x0  }
0xc6: {  	[sflag:s12] =	ssyncadd.s32 $0xFFFFFFB0  }
0xc7: {  	_ =	swait.ge [sflag:s12], $0x2800  }
0xc8: {  	[sflag:s12] =	ssyncset.done $0x0  }
0xc9: {  	s10 =	simm.s32 $0x0;
	[sflag:s12] =	ssyncadd.s32 $0xFFFFD800  }
0xca: {  	s11 =	simm.s32 $0x200;
	v1 =	vld [tilespmem:s10+$0x18980]  }
.LBB2_9:
0xcb: {  	p1 =	sne.s32 s11, $0x9E00  }
.Ltmp6:
0xcc: {  	_ = 	snop;
	(pc) =	sbr.rel @p1 .LBB2_9-.Ltmp6, $3  }
0xcd: {  	_ =	sdelay $0x1  }
0xce: {  	[tilespmem:s10+$0x13980] =	vst v1;
	s10 =	sshra.s32 s11, $0x2;
	s11 =	sadd.s32 $0x200, s11  }
0xcf: {  	v1 =	vld [tilespmem:s10+$0x18980]  }
0xd0: {  	_ =	sdelay $0x3  }
0xd1: {  	[tilespmem:s10+$0x13980] =	vst v1  }
0xd2: {  	[spmem:s1] =	stream.indirect.scatter.add.f32 [tilespmem:s3], [sflag:$0x3], $0x80, s0, s16, $0xb8;
	[tilespmem:$0x1D980] =	vst v63  }
0xd3: {  	_ =	swait.ge [sflag:s17], $0x2800  }
0xd4: {  	[sflag:s17] =	ssyncset.done $0x0  }
0xd5: {  	s10 =	simm.s32 $0x0;
	s11 =	rddreg [dreg:$0x8];
	[sflag:s17] =	ssyncadd.s32 $0xFFFFD800  }
0xd6: {  	[tilespmem:s0], [sflag:$0x1] =	stream.linear.gather [hbm4b:s11+s10], $0x50, $0x38;
	[tilespmem:$0x1D980] =	vst v63  }
0xd7: {  	s22 =	rddreg [dreg:$0xe]  }
0xd8: {  	[tilespmem:s24], [sflag:$0x1] =	stream.linear.gather [hbm4b:s22+s10], $0x2800, $0x38;
	[tilespmem:$0x1D980] =	vst v63  }
.LBB2_11:
0xd9: {  	_ =	swait.ge [sflag:s12], $0x50  }
0xda: {  	[sflag:s12] =	ssyncset.done $0x0  }
0xdb: {  	[sflag:s12] =	ssyncadd.s32 $0xFFFFFFB0  }
0xdc: {  	_ =	swait.ge [sflag:s12], $0x2800  }
0xdd: {  	[sflag:s12] =	ssyncset.done $0x0  }
0xde: {  	s11 =	simm.s32 $0x0;
	[sflag:s12] =	ssyncadd.s32 $0xFFFFD800  }
0xdf: {  	s13 =	simm.s32 $0x200;
	v1 =	vld [tilespmem:s11+$0x18980]  }
.LBB2_12:
0xe0: {  	p1 =	sne.s32 s13, $0x9E00  }
.Ltmp7:
0xe1: {  	_ = 	snop;
	(pc) =	sbr.rel @p1 .LBB2_12-.Ltmp7, $3  }
0xe2: {  	_ =	sdelay $0x1  }
0xe3: {  	[tilespmem:s11+$0x13980] =	vst v1;
	s11 =	sshra.s32 s13, $0x2;
	s13 =	sadd.s32 $0x200, s13  }
0xe4: {  	v1 =	vld [tilespmem:s11+$0x18980]  }
0xe5: {  	_ =	sdelay $0x2  }
0xe6: {  	p1 =	seq.s32 s10, $0x0  }
0xe7: {  	s13 =	simm.s32 @!p1 $0x4;
	[tilespmem:s11+$0x13980] =	vst v1;
	s11 =	smul.u32 $0xA0, s10  }
0xe8: {  	[spmem:s1] =	stream.indirect.scatter.add.f32 [tilespmem:s3], [sflag:$0x3], $0x80, s0, s16, $0xb8;
	[tilespmem:$0x1D980] =	vst v63  }
0xe9: {  	_ =	swait.ge @!p1 [sflag:s13], $0x2800;
	s19 =	sadd.s32 s11, s14  }
0xea: {  	[sflag:s13] =	ssyncset.done @!p1 $0x0;
	s22 =	sshrl.u32 s19, $0x3;
	s19 =	sshll.u32 s19, $0x4  }
0xeb: {  	[sflag:s13] =	ssyncadd.s32 @!p1 $0xFFFFD800;
	s13 =	sadd.s32 s5, s22;
	s22 =	simm.s32 $0x0  }
0xec: {  	[tilespmem:s18], [sflag:$0x2] =	stream.linear.gather [hbm4b:s13+s22], $0x50, $0x38;
	[tilespmem:$0x1D980] =	vst v63  }
0xed: {  	s13 =	sadd.s32 s4, s19  }
0xee: {  	[tilespmem:s25], [sflag:$0x2] =	stream.linear.gather [hbm4b:s13+s22], $0x2800, $0x38;
	[tilespmem:$0x1D980] =	vst v63  }
0xef: {  	_ =	swait.ge [sflag:s21], $0x50  }
0xf0: {  	[sflag:s21] =	ssyncset.done $0x0  }
0xf1: {  	[sflag:s21] =	ssyncadd.s32 $0xFFFFFFB0  }
0xf2: {  	_ =	swait.ge [sflag:s21], $0x2800  }
0xf3: {  	[sflag:s21] =	ssyncset.done $0x0  }
0xf4: {  	s13 =	simm.s32 $0x0;
	[sflag:s21] =	ssyncadd.s32 $0xFFFFD800  }
0xf5: {  	s19 =	simm.s32 $0x200;
	v1 =	vld [tilespmem:s13+$0x1B180]  }
.LBB2_14:
0xf6: {  	p1 =	sne.s32 s19, $0x9E00  }
.Ltmp8:
0xf7: {  	_ = 	snop;
	(pc) =	sbr.rel @p1 .LBB2_14-.Ltmp8, $3  }
0xf8: {  	_ =	sdelay $0x1  }
0xf9: {  	[tilespmem:s13+$0x16180] =	vst v1;
	s13 =	sshra.s32 s19, $0x2;
	s19 =	sadd.s32 $0x200, s19  }
0xfa: {  	v1 =	vld [tilespmem:s13+$0x1B180]  }
0xfb: {  	_ =	sdelay $0x2  }
0xfc: {  	p1 =	seq.s32 s10, $0x3D  }
.Ltmp9:
0xfd: {  	[tilespmem:s13+$0x16180] =	vst v1;
	(pc) =	sbr.rel @p1 .LBB2_17-.Ltmp9, $4  }
0xfe: {  	[spmem:s1] =	stream.indirect.scatter.add.f32 [tilespmem:s20], [sflag:$0x4], $0x80, s18, s16, $0xb8;
	[tilespmem:$0x1D980] =	vst v63  }
0xff: {  	_ =	swait.ge [sflag:s17], $0x2800  }
0x100: {  	[sflag:s17] =	ssyncset.done $0x0  }
0x101: {  	[sflag:s17] =	ssyncadd.s32 $0xFFFFD800  }
0x102: {  	s11 =	sadd.s32 s11, s15  }
.Ltmp10:
0x103: {  	s13 =	sshrl.u32 s11, $0x3;
	(pc) =	sbr.rel .LBB2_11-.Ltmp10, $4  }
0x104: {  	s11 =	sshll.u32 s11, $0x4;
	s13 =	sadd.s32 s5, s13  }
0x105: {  	[tilespmem:s0], [sflag:$0x1] =	stream.linear.gather [hbm4b:s13+s2], $0x50, $0x38;
	[tilespmem:$0x1D980] =	vst v63  }
0x106: {  	s10 =	sadd.s32 $0x1, s10;
	s11 =	sadd.s32 s4, s11  }
0x107: {  	[tilespmem:s24], [sflag:$0x1] =	stream.linear.gather [hbm4b:s11+s2], $0x2800, $0x38;
	[tilespmem:$0x1D980] =	vst v63  }
.LBB2_18:
0x108: {  	_ =	sfence.sel $0x180000  }
0x109: {  	[bflag:$0x0] =	sbarrier.arrive $0xFFFF  }
0x10a: {  	_ =	strace $0x9000004A  }
0x10b: {  	s0 =	stileid.u32;
	[bflag:$0x2] =	sbarrier.arrive $0xFFFF  }
0x10c: {  	p0 =	sne.s32 s0, $0x0;
	s0 =	rddreg [dreg:$0x3]  }
0x10d: {  	s0 =	sadd.s32 @!p0 $0x100000, s0  }
0x10e: {  	[sflag:s0] =	ssyncadd.tile.s32 @!p0 $0x1;
	_ =	shalt  }
.Lfunc_end2:
_tile_overlayer_lowered:
.L_overlay_start_2:
0x10f: {  	(tag) =	ssettag $0x2  }
0x110: {  	s0 =	rddreg [dreg:$0x0];
	s2 =	stileid.u32  }
0x111: {  	s1 =	rddreg [dreg:$0x1];
	p0 =	sne.s32 s2, $0x0  }
0x112: {  	s3 =	rddreg [dreg:$0x2];
	[bflag:$0x3] =	sbarrier.arrive $0xFFFF;
	s2 =	simm.s32 @!p0 $0x1C05  }
0x113: {  	[timem:s3], [sflag:s2] =	dma.local @!p0 [hbm:s0], s1  }
0x114: {  	s0 =	simm.s32 @!p0 $0x5  }
0x115: {  	_ =	swait.ge @!p0 [sflag:s0], s1  }
0x116: {  	s1 =	ssub.s32 @!p0 $0x0, s1;
	[sflag:s0] =	ssyncset.done @!p0 $0x0  }
0x117: {  	[sflag:s0] =	ssyncadd.s32 @!p0 s1  }
0x118: {  	[bflag:$0x3] =	sbarrier.arrive $0xFFFF  }
0x119: {  	_ =	shalt  }

// kernel: kernel.7.cloned.1.call-start
scs
__scs_entry_jumppad:
0x0: {  	(pc) =	sbr.rel $0x88, $3  }
0x1: {  	(tag) =	ssettag $0x0;
	lr =	simm.s32 $0x1  }
0x2: {  	[smem:$0x3F92] =	sst lr;
	_ =	strace $0xD0000000  }
0x3: {  	_ = 	snop  }
0x4: {  	_ = 	snop  }
0x5: {  	_ = 	snop  }
0x6: {  	_ = 	snop  }
0x7: {  	_ = 	snop  }
__scs_overlays_trampoline_lowered:
0x8: {  	[smem:$0x3FA1] =	sst s0  }
0x9: {  	[smem:$0x3FA2] =	sst s1  }
0xa: {  	[smem:$0x3FA3] =	sst s2  }
0xb: {  	[smem:$0x3FA4] =	sst s3  }
0xc: {  	[smem:$0x3FA5] =	sst s4  }
0xd: {  	[smem:$0x3FA6] =	sst s5  }
0xe: {  	[smem:$0x3FA7] =	sst s6  }
0xf: {  	[smem:$0x3FA8] =	sst s7  }
0x10: {  	[smem:$0x3FA9] =	sst s8  }
0x11: {  	[smem:$0x3FAA] =	sst s9;
	s0 =	simm.s32 @!p0 $0x0  }
0x12: {  	s1 =	sld [smem:$0x3F90];
	s0 =	simm.s32 @p0 $0x1  }
0x13: {  	[smem:$0x3FAB] =	sst s0;
	s0 =	simm.s32 @!p1 $0x0  }
0x14: {  	s2 =	sld [smem:$0x3F8F];
	s0 =	simm.s32 @p1 $0x1  }
0x15: {  	[smem:$0x3FAC] =	sst s0;
	s0 =	simm.s32 @!p2 $0x0  }
0x16: {  	s3 =	sld [smem:$0x3FDB];
	s0 =	simm.s32 @p2 $0x1  }
0x17: {  	s4 =	simm.s32 $0x1BF5;
	[smem:$0x3FAE] =	sst s0  }
0x18: {  	s0 =	sld [smem:$0x3F91];
	_ =	swait.ge [sflag:s4], $0x0  }
0x19: {  	s7 =	sld [smem:$0x3F92]  }
0x1a: {  	s8 =	sadd.s32 $0xFFFFE003, lr  }
0x1b: {  	s9 =	sadd.s32 $0xFFFFFEF7, lr;
	s5 =	simm.s32 $0xFFFFFFFF;
	p2 =	slt.u32 s8, $0xFFFFF086  }
0x1c: {  	p1 =	slt.u32 s9, $0xF7A;
	s5 =	simm.s32 @!p2 $0x0  }
0x1d: {  	s5 =	simm.s32 @p1 $0x1;
	p0 =	seq.s32 s7, s2  }
0x1e: {  	s7 =	smul.u32 @!p0 $0xF7A, s2;
	p2 =	seq.s32 @!p0 s5, $0x0  }
0x1f: {  	s9 =	smul.u32 $0xF7A, s1;
	s8 =	simm.s32 @!p0 $0x1BF5;
	p2 =	por !p2, p0  }
0x20: {  	[sflag:s8] =	ssyncset.s32 @!p0 $0xFFFFF086;
	s6 =	sadd.s32 @!p0 s3, s7;
	s7 =	simm.s32 @!p0 $0x108  }
0x21: {  	s3 =	sadd.s32 s3, s9;
	s6 =	sadd.s32 @!p0 $0x88, s6;
	s7 =	simm.s32 @p2 $0x1082  }
0x22: {  	[simem:s7], [sflag:s8] =	dma.local @!p0 [hbm:s6], $0xF7A  }
0x23: {  	s9 =	sor.u32 $0xD0000000, s2;
	s6 =	simm.s32 $0x108;
	_ =	swait.ge @!p0 [sflag:s8], $0x0  }
0x24: {  	s3 =	sadd.s32 $0x88, s3;
	s6 =	simm.s32 @!p1 $0x1082;
	[sflag:s4] =	ssyncset.s32 $0xFFFFF086  }
0x25: {  	[simem:s6], [sflag:s4] =	dma.local [hbm:s3], $0xF7A  }
0x26: {  	[smem:$0x3F92] =	sst s1;
	(tag) =	ssettag s2;
	_ =	strace s9  }
0x27: {  	s1 =	sld [smem:$0x3FA2]  }
0x28: {  	s2 =	sld [smem:$0x3FA3]  }
0x29: {  	s4 =	sld [smem:$0x3FA5]  }
0x2a: {  	p0 =	seq.s32 s5, $0x0;
	s5 =	sld [smem:$0x3FA6]  }
0x2b: {  	s6 =	sld [smem:$0x3FA7]  }
0x2c: {  	s7 =	sld [smem:$0x3FA8]  }
0x2d: {  	s3 =	simm.s32 $0x108;
	s8 =	sld [smem:$0x3FA9]  }
0x2e: {  	s3 =	simm.s32 @!p0 $0x1082;
	s9 =	sld [smem:$0x3FAA]  }
0x2f: {  	lr =	sadd.s32 s0, s3;
	s0 =	sld [smem:$0x3FA1]  }
0x30: {  	s3 =	sld [smem:$0x3FA4]  }
0x31: {  	[smem:$0x3FAD] =	sst s10  }
0x32: {  	s10 =	sld [smem:$0x3FAB];
	_ =	sdelay $0x3  }
0x33: {  	p0 =	seq.s32 s10, $0x1;
	s10 =	sld [smem:$0x3FAD];
	_ =	sdelay $0x3  }
0x34: {  	[smem:$0x3FAD] =	sst s10  }
0x35: {  	s10 =	sld [smem:$0x3FAC];
	_ =	sdelay $0x3  }
0x36: {  	p1 =	seq.s32 s10, $0x1;
	s10 =	sld [smem:$0x3FAD];
	_ =	sdelay $0x3  }
0x37: {  	[smem:$0x3FAD] =	sst s10  }
0x38: {  	s10 =	sld [smem:$0x3FAE]  }
0x39: {  	_ = 	snop;
	(pc) =	sbr.ind lr, $3  }
0x3a: {  	_ = 	snop  }
0x3b: {  	_ = 	snop  }
0x3c: {  	p2 =	seq.s32 s10, $0x1;
	s10 =	sld [smem:$0x3FAD]  }
0x3d: {  	_ =	shalt  }
0x3e: {  	_ =	shalt  }
0x3f: {  	_ =	shalt  }
0x40: {  	_ =	shalt  }
0x41: {  	_ =	shalt  }
0x42: {  	_ =	shalt  }
0x43: {  	_ =	shalt  }
0x44: {  	_ =	shalt  }
0x45: {  	_ =	shalt  }
0x46: {  	_ =	shalt  }
0x47: {  	_ =	shalt  }
0x48: {  	_ =	shalt  }
0x49: {  	_ =	shalt  }
0x4a: {  	_ =	shalt  }
0x4b: {  	_ =	shalt  }
0x4c: {  	_ =	shalt  }
0x4d: {  	_ =	shalt  }
0x4e: {  	_ =	shalt  }
0x4f: {  	_ =	shalt  }
0x50: {  	_ =	shalt  }
0x51: {  	_ =	shalt  }
0x52: {  	_ =	shalt  }
0x53: {  	_ =	shalt  }
0x54: {  	_ =	shalt  }
0x55: {  	_ =	shalt  }
0x56: {  	_ =	shalt  }
0x57: {  	_ =	shalt  }
0x58: {  	_ =	shalt  }
0x59: {  	_ =	shalt  }
0x5a: {  	_ =	shalt  }
0x5b: {  	_ =	shalt  }
0x5c: {  	_ =	shalt  }
0x5d: {  	_ =	shalt  }
0x5e: {  	_ =	shalt  }
0x5f: {  	_ =	shalt  }
0x60: {  	_ =	shalt  }
0x61: {  	_ =	shalt  }
0x62: {  	_ =	shalt  }
0x63: {  	_ =	shalt  }
0x64: {  	_ =	shalt  }
0x65: {  	_ =	shalt  }
0x66: {  	_ =	shalt  }
0x67: {  	_ =	shalt  }
0x68: {  	_ =	shalt  }
0x69: {  	_ =	shalt  }
0x6a: {  	_ =	shalt  }
0x6b: {  	_ =	shalt  }
0x6c: {  	_ =	shalt  }
0x6d: {  	_ =	shalt  }
0x6e: {  	_ =	shalt  }
0x6f: {  	_ =	shalt  }
0x70: {  	_ =	shalt  }
0x71: {  	_ =	shalt  }
0x72: {  	_ =	shalt  }
0x73: {  	_ =	shalt  }
0x74: {  	_ =	shalt  }
0x75: {  	_ =	shalt  }
0x76: {  	_ =	shalt  }
0x77: {  	_ =	shalt  }
0x78: {  	_ =	shalt  }
0x79: {  	_ =	shalt  }
0x7a: {  	_ =	shalt  }
0x7b: {  	_ =	shalt  }
0x7c: {  	_ =	shalt  }
0x7d: {  	_ =	shalt  }
0x7e: {  	_ =	shalt  }
0x7f: {  	_ =	shalt  }
0x80: {  	_ =	shalt  }
0x81: {  	_ =	shalt  }
0x82: {  	_ =	shalt  }
0x83: {  	_ =	shalt  }
0x84: {  	_ =	shalt  }
0x85: {  	_ =	shalt  }
0x86: {  	_ =	shalt  }
0x87: {  	_ =	shalt  }
.Lfunc_end0:
.L_simem_size_0:
called_computation_lowered:
.L_overlay_start_0:
0x88: {  	s2 =	sld [smem:$0x3FD9]  }
0x89: {  	s3 =	sld [smem:$0x3FFE];
	_ =	sdelay $0x1  }
0x8a: {  	s1 =	srdreg.scid  }
0x8b: {  	s0 =	sand.u32 $0x1, s1  }
0x8c: {  	s14 =	sshll.u32 s0, $0xA;
	s2 =	sadd.s32 s3, s2  }
0x8d: {  	s2 =	sadd.s32 s2, s14  }
0x8e: {  	[smem:$0x3FB9] =	sst s2  }
0x8f: {  	_ = 	snop  }
0x90: {  	s2 =	sld [smem:$0x3FD0];
	_ =	sdelay $0x2  }
0x91: {  	s15 =	simm.s32 $0xA;
	s4 =	simm.s32 $0x10  }
0x92: {  	[smem:s4], [sflag:s15] =	dma.local [hbm:s2], $0x1  }
0x93: {  	_ =	swait.eq [sflag:s15], $0x1  }
0x94: {  	[sflag:s15] =	ssyncset.done $0x0  }
0x95: {  	s16 =	sld [smem:$0x10];
	[sflag:s15] =	ssyncadd.s32 $0xFFFFFFFF  }
0x96: {  	s17 =	sld [smem:$0x11];
	(tm) =	ssettm $0x1  }
0x97: {  	s18 =	sld [smem:$0x3FFB];
	_ =	sdelay $0x3  }
0x98: {  	_ =	strace s18  }
0x99: {  	s4 =	sld [smem:$0x3FFC];
	_ =	sdelay $0x3  }
0x9a: {  	_ =	strace s4  }
0x9b: {  	s4 =	sld [smem:$0x3FFD];
	_ =	sdelay $0x3  }
0x9c: {  	_ =	strace s4  }
0x9d: {  	_ =	strace $0x8FFFFFFF  }
0x9e: {  	s19 =	sld [smem:$0x3FDB];
	_ =	sdelay $0x1  }
0x9f: {  	s5 =	simm.s32 $_scs_section_size  }
0xa0: {  	s6 =	simm.s32 $_size__tile_overlayer_lowered;
	s7 =	simm.s32 $_tile_overlayer_lowered  }
0xa1: {  	s22 =	simm.s32 $0x1BFF;
	s21 =	sshll.u32 s7, $0x1;
	s4 =	sadd.s32 s5, s19  }
0xa2: {  	s8 =	simm.s32 $0x0;
	s20 =	sshll.u32 s6, $0x1;
	s6 =	sadd.s32 s21, s4  }
0xa3: {  	[timem:s8], [sflag:s22] =	dma.local [hbm:s6], s20  }
0xa4: {  	_ =	swait.ge [sflag:s22], s20  }
0xa5: {  	s5 =	ssub.s32 $0x0, s20;
	[sflag:s22] =	ssyncset.done $0x0  }
0xa6: {  	[sflag:s22] =	ssyncadd.s32 s5;
	_ =	sdelay $0x1  }
0xa7: {  	s23 =	simm.s32 $0x1B8B  }
0xa8: {  	_ =	swait.ge [sflag:s23], $0x1  }
0xa9: {  	[sflag:s23] =	ssyncset.done $0x0  }
0xaa: {  	s25 =	simm.s32 $0x1B8E;
	s24 =	sld [smem:$0x3FFE];
	[sflag:s23] =	ssyncadd.s32 $0xFFFFFFFF  }
0xab: {  	s26 =	simm.s32 $execute0_lowered;
	[smem:$0x3FD2] =	sst s25  }
0xac: {  	s6 =	sshll.u32 s26, $0x1;
	_ =	strace $0x80000046;
	[dreg:$0x1] =	wrdreg $0xFFFFFFFF  }
0xad: {  	s28 =	simm.s32 $_size_execute0_lowered;
	s4 =	sadd.s32 s4, s6;
	[dreg:$0x0] =	wrdreg $0x0  }
0xae: {  	s6 =	sshll.u32 s28, $0x1;
	[dreg:$0x2] =	wrdreg s4  }
0xaf: {  	[dreg:$0x3] =	wrdreg s6  }
0xb0: {  	[dreg:$0x4] =	wrdreg $0xC0  }
0xb1: {  	_ =	task [dreg:s8], $0x5FFFF  }
0xb2: {  	[dreg:$0x1] =	wrdreg $0xFFFFFFFF  }
0xb3: {  	[dreg:$0x0] =	wrdreg $0x60  }
0xb4: {  	[dreg:$0x2] =	wrdreg s16  }
0xb5: {  	[dreg:$0x3] =	wrdreg s24  }
0xb6: {  	[dreg:$0x4] =	wrdreg s17  }
0xb7: {  	[dreg:$0x5] =	wrdreg $0x9  }
0xb8: {  	_ =	task.clear_ibuf [dreg:s8], $0x6FFFF;
	_ =	strace $0x90000046  }
0xb9: {  	s29 =	simm.s32 $0x9;
	_ =	strace $0x80000048  }
0xba: {  	_ =	swait.ge [sflag:s29], $0x1  }
0xbb: {  	[sflag:s29] =	ssyncadd.s32 $0xFFFFFFFF  }
0xbc: {  	_ =	strace $0x90000048  }
0xbd: {  	_ =	sfence  }
0xbe: {  	s30 =	sld [smem:$0x0];
	_ =	sdelay $0x2  }
0xbf: {  	s31 =	sshll.u32 s1, $0xD;
	s1 =	sshrl.u32 s1, $0x2  }
0xc0: {  	s3 =	sand.u32 $0x4000, s31;
	s1 =	sadd.s32 s1, s30  }
0xc1: {  	s0 =	sor.u32 s3, s0;
	s1 =	sshll.u32 s1, $0x11  }
0xc2: {  	s0 =	sor.u32 s1, s0  }
0xc3: {  	s0 =	sadd.s32 $0x8F2B, s0  }
0xc4: {  	[sflag:s0] =	ssyncadd.remote.s32 $0x1  }
0xc5: {  	_ =	sfence.sel $0xFFFF  }
0xc6: {  	[dreg:$0x0] =	wrdreg $0xFFFFFFFF;
	(pc) =	sbr.abs _section_cstart, $3  }
0xc7: {  	[dreg:$0x1] =	wrdreg $0xFFFFFFFF  }
0xc8: {  	_ =	task.clear_ibuf [dreg:s8], $0x2FFFF;
	_ =	strace $0x9FFFFFFF  }
0xc9: {  	(tm) =	ssettm $0x7FFFFFFF  }
tec
execute0_lowered:
.L_overlay_start_1:
0x0: {  	(tag) =	ssettag $0x1  }
0x1: {  	s31 =	rddreg [dreg:$0x0]  }
0x2: {  	s0 =	rddreg [dreg:$0x1]  }
0x3: {  	s4 =	simm.s32 $0x0;
	s2 =	srdreg.scid;
	s14 =	stileid.u32  }
0x4: {  	s30 =	simm.s32 $0x11B00;
	[smem:$0x7FF] =	sst s4;
	s2 =	sand.u32 $0x1, s2  }
0x5: {  	s5 =	sadd.s32 $0x17200, s0;
	s6 =	sadd.s32 $0x16C00, s0;
	s21 =	sadd.s32 $0x16600, s0  }
0x6: {  	s15 =	sadd.s32 $0x2A00, s0;
	s16 =	sadd.s32 $0xC800, s0;
	s8 =	sadd.s32 $0x520400, s0  }
0x7: {  	s22 =	sadd.s32 $0x3E400, s0;
	s0 =	sadd.s32 $0xA02400, s0;
	s24 =	smul.u32 $0x4E20, s14  }
0x8: {  	s3 =	sshll.u32 s14, $0x1;
	s14 =	smul.u32 $0x4E200, s14;
	_ =	strace $0x80000047  }
0x9: {  	[dreg:$0x4] =	wrdreg s6;
	s3 =	sor.u32 s2, s3;
	s13 =	smul.u32 $0x2710, s2  }
0xa: {  	[dreg:$0x5] =	wrdreg s21;
	s7 =	ssub.s32 $0x2, s2;
	s2 =	smul.u32 $0x27100, s2  }
0xb: {  	[dreg:$0x6] =	wrdreg s15;
	s3 =	smul.u32 $0x2710, s3;
	s9 =	sshrl.u32 s7, $0x1  }
0xc: {  	[dreg:$0x7] =	wrdreg s16;
	s6 =	sadd.s32 s14, s22;
	s7 =	ssub.s32 s7, s9  }
0xd: {  	s10 =	sadd.s32 $0x2670, s3;
	s25 =	sadd.s32 $0x26C0, s3;
	s3 =	sshrl.u32 s3, $0x3  }
0xe: {  	s23 =	sshll.u32 s10, $0x4;
	s10 =	sshrl.u32 s10, $0x3;
	s18 =	sadd.s32 s15, s3  }
0xf: {  	s26 =	sshll.u32 s25, $0x4;
	s19 =	sadd.s32 s16, s3;
	[dreg:$0x15] =	wrdreg s18  }
0x10: {  	s20 =	sadd.s32 $0xA, s3;
	s11 =	sadd.s32 s22, s23;
	[dreg:$0x16] =	wrdreg s19  }
0x11: {  	s21 =	sadd.s32 $0x14, s3;
	s12 =	sadd.s32 s8, s23;
	[dreg:$0x8] =	wrdreg s11  }
0x12: {  	s3 =	simm.s32 $0x5;
	s9 =	sadd.s32 s0, s23;
	[dreg:$0x9] =	wrdreg s12  }
0x13: {  	s17 =	sadd.s32 s22, s26;
	s28 =	sadd.s32 s8, s26;
	[dreg:$0xa] =	wrdreg s9  }
0x14: {  	s8 =	sadd.s32 s14, s8;
	s29 =	sadd.s32 s15, s10;
	[dreg:$0xb] =	wrdreg s17  }
0x15: {  	s1 =	sadd.s32 s16, s10;
	s10 =	sshrl.u32 s25, $0x3;
	[dreg:$0xc] =	wrdreg s28  }
0x16: {  	s22 =	sadd.s32 s15, s20;
	s23 =	sadd.s32 s15, s21;
	[dreg:$0xe] =	wrdreg s29  }
0x17: {  	s18 =	simm.s32 $0x8;
	s19 =	simm.s32 $0x9;
	[dreg:$0xf] =	wrdreg s1  }
0x18: {  	s11 =	sadd.s32 s13, s24;
	s9 =	sadd.s32 s0, s26;
	[dreg:$0x17] =	wrdreg s22  }
0x19: {  	s0 =	sadd.s32 s14, s0;
	s12 =	sadd.s32 s2, s6;
	[dreg:$0x19] =	wrdreg s23  }
0x1a: {  	s13 =	sadd.s32 s2, s8;
	s14 =	sadd.s32 s15, s10;
	[dreg:$0xd] =	wrdreg s9  }
0x1b: {  	s17 =	sadd.s32 s16, s10;
	s24 =	sadd.s32 s16, s21;
	[dreg:$0x11] =	wrdreg s12  }
0x1c: {  	s28 =	smax.u32 s7, $0x1;
	s7 =	simm.s32 $0x19280;
	[dreg:$0x12] =	wrdreg s13  }
0x1d: {  	v0 =	vlaneseq.u32;
	s10 =	simm.s32 $0x1BA00;
	s21 =	simm.s32 $0x7;
	[dreg:$0x13] =	wrdreg s14  }
0x1e: {  	v0 =	vmul.u32 $0x80, v0;
	s22 =	simm.s32 $0x100;
	s6 =	simm.s32 $0x3;
	[dreg:$0x14] =	wrdreg s17  }
0x1f: {  	s23 =	simm.s32 $0x14300;
	s0 =	sadd.s32 s2, s0;
	[dreg:$0x1a] =	wrdreg s24  }
0x20: {  	v1 =	vimm.f32 $0.0e+00;
	v2 =	vor.u32 $0x1, v0;
	s25 =	sadd.s32 $0x190, s11;
	s26 =	sadd.s32 $0x140, s11;
	[dreg:$0x1b] =	wrdreg s28  }
0x21: {  	v3 =	vor.u32 $0x2, v0;
	v4 =	vor.u32 $0x3, v0;
	v5 =	vor.u32 $0x800, v0;
	s29 =	sadd.s32 $0xF0, s11;
	s2 =	simm.s32 $0x16B00;
	s12 =	simm.s32 $0x1  }
.Ltmp0:
0x22: {  	v6 =	vor.u32 $0x801, v0;
	v7 =	vor.u32 $0x802, v0;
	v8 =	vor.u32 $0x803, v0;
	s13 =	simm.s32 $0x50;
	s17 =	simm.s32 $0x4;
	(pc) =	sbr.rel .LBB2_1-.Ltmp0, $4  }
0x23: {  	v9 =	vor.u32 $0x1000, v0;
	v10 =	vor.u32 $0x1001, v0;
	v11 =	vor.u32 $0x1002, v0;
	s24 =	simm.s32 $0x280;
	s11 =	simm.s32 $0x6;
	[dreg:$0x10] =	wrdreg s0  }
0x24: {  	v12 =	vor.u32 $0x1003, v0;
	v13 =	vor.u32 $0x1800, v0;
	v14 =	vor.u32 $0x1801, v0;
	s9 =	simm.s32 $0x0;
	s0 =	sadd.s32 s16, s20;
	[dreg:$0x1c] =	wrdreg s29  }
0x25: {  	v15 =	vor.u32 $0x1802, v0;
	v16 =	vor.u32 $0x1803, v0;
	v17 =	vor.u32 $0x2000, v0;
	s16 =	simm.s32 $0xF300;
	[dreg:$0x18] =	wrdreg s0;
	s0 =	sshrl.u32 s25, $0x3  }
0x26: {  	v18 =	vor.u32 $0x2001, v0;
	v19 =	vor.u32 $0x2002, v0;
	v20 =	vor.u32 $0x2003, v0;
	[dreg:$0x1d] =	wrdreg s0;
	s0 =	sshrl.u32 s26, $0x3;
	s26 =	simm.s32 $0x2  }
.LBB2_10:
0x27: {  	s21 =	simm.s32 $0x7  }
0x28: {  	_ =	swait.ge [sflag:s21], $0x2800  }
0x29: {  	[sflag:s21] =	ssyncset.done $0x0  }
0x2a: {  	[sflag:s21] =	ssyncadd.s32 $0xFFFFD800  }
0x2b: {  	_ =	swait.ge [sflag:s21], $0x2800  }
0x2c: {  	[sflag:s21] =	ssyncset.done $0x0  }
0x2d: {  	[sflag:s21] =	ssyncadd.s32 $0xFFFFD800  }
0x2e: {  	_ =	swait.ge [sflag:s21], $0x2800  }
0x2f: {  	[sflag:s21] =	ssyncset.done $0x0  }
0x30: {  	[sflag:s21] =	ssyncadd.s32 $0xFFFFD800  }
0x31: {  	_ =	swait.ge [sflag:s18], $0x2800  }
0x32: {  	[sflag:s18] =	ssyncset.done $0x0  }
0x33: {  	[sflag:s18] =	ssyncadd.s32 $0xFFFFD800  }
0x34: {  	_ =	swait.ge [sflag:s18], $0x2800  }
0x35: {  	[sflag:s18] =	ssyncset.done $0x0  }
0x36: {  	[sflag:s18] =	ssyncadd.s32 $0xFFFFD800  }
0x37: {  	_ =	swait.ge [sflag:s18], $0x2800  }
0x38: {  	[sflag:s18] =	ssyncset.done $0x0  }
0x39: {  	[sflag:s18] =	ssyncadd.s32 $0xFFFFD800  }
0x3a: {  	_ =	swait.ge [sflag:s19], $0x2800  }
0x3b: {  	[sflag:s19] =	ssyncset.done $0x0  }
0x3c: {  	[sflag:s19] =	ssyncadd.s32 $0xFFFFD800  }
0x3d: {  	_ =	swait.ge [sflag:s19], $0x2800  }
0x3e: {  	[sflag:s19] =	ssyncset.done $0x0  }
0x3f: {  	[sflag:s19] =	ssyncadd.s32 $0xFFFFD800  }
0x40: {  	_ =	swait.ge [sflag:s19], $0x2800  }
0x41: {  	s9 =	rddreg [dreg:$0x1e]  }
0x42: {  	s8 =	rddreg [dreg:$0x1b];
	s9 =	sadd.s32 $0x1, s9  }
0x43: {  	p0 =	sne.s32 s9, s8  }
.Ltmp1:
0x44: {  	_ = 	snop;
	(pc) =	sbr.rel @!p0 .LBB2_11-.Ltmp1, $3  }
0x45: {  	_ =	sdelay $0x1  }
0x46: {  	[sflag:s19] =	ssyncset.done $0x0  }
0x47: {  	s24 =	simm.s32 $0x280;
	s31 =	smov.u32 s1;
	[sflag:s19] =	ssyncadd.s32 $0xFFFFD800  }
.LBB2_1:
0x48: {  	[dreg:$0x1e] =	wrdreg s9  }
0x49: {  	s8 =	rddreg [dreg:$0x4];
	s25 =	simm.s32 $0xA  }
0x4a: {  	[tilespmem:s2], [sflag:$0xA] =	stream.linear.gather [hbm4b:s8+s4], $0x2780, $0x38;
	[tilespmem:$0x1E180] =	vst v63  }
0x4b: {  	_ =	swait.ge [sflag:s25], $0x2780  }
0x4c: {  	[sflag:s25] =	ssyncset.done $0x0  }
0x4d: {  	s28 =	rddreg [dreg:$0x5];
	[sflag:s25] =	ssyncadd.s32 $0xFFFFD880  }
0x4e: {  	[tilespmem:s7], [sflag:$0xA] =	stream.linear.gather [hbm4b:s28+s4], $0x2780, $0x38;
	[tilespmem:$0x1E180] =	vst v63  }
0x4f: {  	_ =	swait.ge [sflag:s25], $0x2780  }
0x50: {  	[sflag:s25] =	ssyncset.done $0x0  }
0x51: {  	[sflag:s25] =	ssyncadd.s32 $0xFFFFD880  }
0x52: {  	s29 =	rddreg [dreg:$0x2]  }
0x53: {  	[tilespmem:s10], [sflag:$0xA] =	stream.linear.gather [hbm4b:s29+s4], $0x2780, $0x38;
	[tilespmem:$0x1E180] =	vst v63  }
0x54: {  	_ =	swait.ge [sflag:s25], $0x2780  }
0x55: {  	[sflag:s25] =	ssyncset.done $0x0  }
0x56: {  	s9 =	simm.s32 $0x0;
	s8 =	simm.s32 $0x200;
	[sflag:s25] =	ssyncadd.s32 $0xFFFFD880  }
.LBB2_2:
0x57: {  	p0 =	sne.s32 s8, $0x9E00;
	[tilespmem:s9+$0xF300] =	vst v1;
	s9 =	smov.u32 s8;
	s8 =	sadd.s32 $0x200, s8  }
.Ltmp2:
0x58: {  	(pc) =	sbr.rel @p0 .LBB2_2-.Ltmp2, $2  }
0x59: {  	_ =	sdelay $0x2  }
0x5a: {  	s9 =	sshra.s32 s9, $0x2  }
0x5b: {  	[tilespmem:s9+$0xF300] =	vst v1;
	s8 =	simm.s32 $0x200;
	s9 =	simm.s32 $0x0  }
.LBB2_4:
0x5c: {  	p0 =	sne.s32 s8, $0x9E00;
	[tilespmem:s9+$0x11B00] =	vst v1;
	s9 =	smov.u32 s8;
	s8 =	sadd.s32 $0x200, s8  }
.Ltmp3:
0x5d: {  	(pc) =	sbr.rel @p0 .LBB2_4-.Ltmp3, $2  }
0x5e: {  	_ =	sdelay $0x2  }
0x5f: {  	s9 =	sshra.s32 s9, $0x2  }
0x60: {  	[tilespmem:s9+$0x11B00] =	vst v1;
	s8 =	simm.s32 $0x200;
	s9 =	simm.s32 $0x0  }
.LBB2_6:
0x61: {  	p0 =	sne.s32 s8, $0x9E00;
	[tilespmem:s9+$0x14300] =	vst v1;
	s9 =	smov.u32 s8;
	s8 =	sadd.s32 $0x200, s8  }
.Ltmp4:
0x62: {  	(pc) =	sbr.rel @p0 .LBB2_6-.Ltmp4, $2  }
0x63: {  	_ =	sdelay $0x2  }
0x64: {  	s9 =	sshra.s32 s9, $0x2  }
0x65: {  	[tilespmem:s9+$0x14300] =	vst v1;
	s20 =	simm.s32 $0x0;
	s8 =	rddreg [dreg:$0xe]  }
0x66: {  	[tilespmem:s20], [sflag:$0x1] =	stream.linear.gather [hbm4b:s8+s20], $0x50, $0x38;
	[tilespmem:$0x1E180] =	vst v63  }
0x67: {  	s28 =	rddreg [dreg:$0xf];
	s9 =	simm.s32 $0x180  }
0x68: {  	[tilespmem:s9], [sflag:$0x1] =	stream.linear.gather [hbm4b:s28+s20], $0x50, $0x38;
	[tilespmem:$0x1E180] =	vst v63  }
0x69: {  	_ =	swait.ge [sflag:s12], $0x50  }
0x6a: {  	[sflag:s12] =	ssyncset.done $0x0  }
0x6b: {  	[sflag:s12] =	ssyncadd.s32 $0xFFFFFFB0  }
0x6c: {  	_ =	swait.ge [sflag:s12], $0x50  }
0x6d: {  	[sflag:s12] =	ssyncset.done $0x0  }
0x6e: {  	s14 =	simm.s32 $0x300;
	[sflag:s12] =	ssyncadd.s32 $0xFFFFFFB0  }
0x6f: {  	[tilespmem:s14], [sflag:$0x4] =	stream.indirect.gather [hbm4b:s31+s13], $0x80, s20, s13, $0xb8;
	[tilespmem:$0x1E180] =	vst v63  }
0x70: {  	s15 =	simm.s32 $0x7B00  }
0x71: {  	[tilespmem:s15], [sflag:$0x4] =	stream.indirect.gather [hbm4b:s5+s13], $0x80, s9, s13, $0xb8;
	[tilespmem:$0x1E180] =	vst v63  }
0x72: {  	v21 =	vld [tilespmem:$0x0]  }
0x73: {  	v22 =	vld [tilespmem:$0x180];
	_ =	sdelay $0x6  }
0x74: {  	v23 =	vld.idx.msk [tilespmem:v21+s2+$0x0], $0xffff  }
0x75: {  	v24 =	vld.idx.msk [tilespmem:v22+s2+$0x0], $0xffff  }
0x76: {  	v25 =	vld.idx.msk [tilespmem:v21+s7+$0x0], $0xffff  }
0x77: {  	v26 =	vld.idx.msk [tilespmem:v22+s7+$0x0], $0xffff  }
0x78: {  	v21 =	vld.idx.msk [tilespmem:v21+s10+$0x0], $0xffff  }
0x79: {  	v22 =	vld.idx.msk [tilespmem:v22+s10+$0x0], $0xffff;
	_ =	sdelay $0x2  }
0x7a: {  	v23 =	vsub.f32 v23, v24;
	v61 =	vsub.f32 v25, v26;
	_ =	sdelay $0x1  }
0x7b: {  	v21 =	vsub.f32 v21, v22;
	v22 =	vmul.f32 v23, v23;
	v25 =	vmul.f32 v61, v61;
	_ =	sdelay $0x1  }
0x7c: {  	v62 =	vmul.f32 v21, v21;
	v22 =	vadd.f32 v25, v22  }
0x7d: {  	[tilespmem:v0+s16+$0x0] =	vst.idx.msk $0xffff, v23  }
0x7e: {  	[tilespmem:v2+s16+$0x0] =	vst.idx.msk $0xffff, v61;
	v22 =	vadd.f32 v62, v22  }
0x7f: {  	[tilespmem:v3+s16+$0x0] =	vst.idx.msk $0xffff, v21  }
0x80: {  	[tilespmem:v4+s16+$0x0] =	vst.idx.msk $0xffff, v22  }
0x81: {  	v21 =	vld [tilespmem:$0x10]  }
0x82: {  	v22 =	vld [tilespmem:$0x190];
	_ =	sdelay $0x6  }
0x83: {  	v23 =	vld.idx.msk [tilespmem:v21+s2+$0x0], $0xffff  }
0x84: {  	v24 =	vld.idx.msk [tilespmem:v22+s2+$0x0], $0xffff  }
0x85: {  	v63 =	vld.idx.msk [tilespmem:v21+s7+$0x0], $0xffff  }
0x86: {  	v28 =	vld.idx.msk [tilespmem:v22+s7+$0x0], $0xffff  }
0x87: {  	v21 =	vld.idx.msk [tilespmem:v21+s10+$0x0], $0xffff  }
0x88: {  	v22 =	vld.idx.msk [tilespmem:v22+s10+$0x0], $0xffff;
	_ =	sdelay $0x2  }
0x89: {  	v23 =	vsub.f32 v23, v24;
	v29 =	vsub.f32 v63, v28;
	_ =	sdelay $0x1  }
0x8a: {  	v21 =	vsub.f32 v21, v22;
	v22 =	vmul.f32 v23, v23;
	v25 =	vmul.f32 v29, v29;
	_ =	sdelay $0x1  }
0x8b: {  	v30 =	vmul.f32 v21, v21;
	v22 =	vadd.f32 v25, v22  }
0x8c: {  	[tilespmem:v5+s16+$0x0] =	vst.idx.msk $0xffff, v23  }
0x8d: {  	[tilespmem:v6+s16+$0x0] =	vst.idx.msk $0xffff, v29;
	v22 =	vadd.f32 v30, v22  }
0x8e: {  	[tilespmem:v7+s16+$0x0] =	vst.idx.msk $0xffff, v21  }
0x8f: {  	[tilespmem:v8+s16+$0x0] =	vst.idx.msk $0xffff, v22  }
0x90: {  	v21 =	vld [tilespmem:$0x20]  }
0x91: {  	v22 =	vld [tilespmem:$0x1A0];
	_ =	sdelay $0x6  }
0x92: {  	v23 =	vld.idx.msk [tilespmem:v21+s2+$0x0], $0xffff  }
0x93: {  	v24 =	vld.idx.msk [tilespmem:v22+s2+$0x0], $0xffff  }
0x94: {  	v31 =	vld.idx.msk [tilespmem:v21+s7+$0x0], $0xffff  }
0x95: {  	v32 =	vld.idx.msk [tilespmem:v22+s7+$0x0], $0xffff  }
0x96: {  	v21 =	vld.idx.msk [tilespmem:v21+s10+$0x0], $0xffff  }
0x97: {  	v22 =	vld.idx.msk [tilespmem:v22+s10+$0x0], $0xffff;
	_ =	sdelay $0x2  }
0x98: {  	v23 =	vsub.f32 v23, v24;
	v33 =	vsub.f32 v31, v32;
	_ =	sdelay $0x1  }
0x99: {  	v21 =	vsub.f32 v21, v22;
	v22 =	vmul.f32 v23, v23;
	v25 =	vmul.f32 v33, v33;
	_ =	sdelay $0x1  }
0x9a: {  	v34 =	vmul.f32 v21, v21;
	v22 =	vadd.f32 v25, v22  }
0x9b: {  	[tilespmem:v9+s16+$0x0] =	vst.idx.msk $0xffff, v23  }
0x9c: {  	[tilespmem:v10+s16+$0x0] =	vst.idx.msk $0xffff, v33;
	v22 =	vadd.f32 v34, v22  }
0x9d: {  	[tilespmem:v11+s16+$0x0] =	vst.idx.msk $0xffff, v21  }
0x9e: {  	[tilespmem:v12+s16+$0x0] =	vst.idx.msk $0xffff, v22  }
0x9f: {  	v21 =	vld [tilespmem:$0x30]  }
0xa0: {  	v22 =	vld [tilespmem:$0x1B0];
	_ =	sdelay $0x6  }
0xa1: {  	v23 =	vld.idx.msk [tilespmem:v21+s2+$0x0], $0xffff  }
0xa2: {  	v24 =	vld.idx.msk [tilespmem:v22+s2+$0x0], $0xffff  }
0xa3: {  	v35 =	vld.idx.msk [tilespmem:v21+s7+$0x0], $0xffff  }
0xa4: {  	v36 =	vld.idx.msk [tilespmem:v22+s7+$0x0], $0xffff  }
0xa5: {  	v21 =	vld.idx.msk [tilespmem:v21+s10+$0x0], $0xffff  }
0xa6: {  	v22 =	vld.idx.msk [tilespmem:v22+s10+$0x0], $0xffff;
	_ =	sdelay $0x2  }
0xa7: {  	v23 =	vsub.f32 v23, v24;
	v37 =	vsub.f32 v35, v36;
	_ =	sdelay $0x1  }
0xa8: {  	v21 =	vsub.f32 v21, v22;
	v22 =	vmul.f32 v23, v23;
	v25 =	vmul.f32 v37, v37;
	_ =	sdelay $0x1  }
0xa9: {  	v38 =	vmul.f32 v21, v21;
	v22 =	vadd.f32 v25, v22  }
0xaa: {  	[tilespmem:v13+s16+$0x0] =	vst.idx.msk $0xffff, v23  }
0xab: {  	[tilespmem:v14+s16+$0x0] =	vst.idx.msk $0xffff, v37;
	v22 =	vadd.f32 v38, v22  }
0xac: {  	[tilespmem:v15+s16+$0x0] =	vst.idx.msk $0xffff, v21  }
0xad: {  	[tilespmem:v16+s16+$0x0] =	vst.idx.msk $0xffff, v22  }
0xae: {  	v21 =	vld [tilespmem:$0x40]  }
0xaf: {  	v22 =	vld [tilespmem:$0x1C0];
	_ =	sdelay $0x6  }
0xb0: {  	v23 =	vld.idx.msk [tilespmem:v21+s2+$0x0], $0xffff  }
0xb1: {  	v24 =	vld.idx.msk [tilespmem:v22+s2+$0x0], $0xffff  }
0xb2: {  	v39 =	vld.idx.msk [tilespmem:v21+s7+$0x0], $0xffff  }
0xb3: {  	v40 =	vld.idx.msk [tilespmem:v22+s7+$0x0], $0xffff  }
0xb4: {  	v21 =	vld.idx.msk [tilespmem:v21+s10+$0x0], $0xffff  }
0xb5: {  	v22 =	vld.idx.msk [tilespmem:v22+s10+$0x0], $0xffff;
	_ =	sdelay $0x2  }
0xb6: {  	v23 =	vsub.f32 v23, v24;
	v41 =	vsub.f32 v39, v40;
	_ =	sdelay $0x1  }
0xb7: {  	v21 =	vsub.f32 v21, v22;
	v22 =	vmul.f32 v23, v23;
	v25 =	vmul.f32 v41, v41;
	_ =	sdelay $0x1  }
0xb8: {  	v42 =	vmul.f32 v21, v21;
	v22 =	vadd.f32 v25, v22  }
0xb9: {  	[tilespmem:v17+s16+$0x0] =	vst.idx.msk $0xffff, v23  }
0xba: {  	[tilespmem:v18+s16+$0x0] =	vst.idx.msk $0xffff, v41;
	v22 =	vadd.f32 v42, v22  }
0xbb: {  	[tilespmem:v19+s16+$0x0] =	vst.idx.msk $0xffff, v21  }
0xbc: {  	[tilespmem:v20+s16+$0x0] =	vst.idx.msk $0xffff, v22  }
0xbd: {  	_ =	swait.ge [sflag:s17], $0x2800  }
0xbe: {  	[sflag:s17] =	ssyncset.done $0x0  }
0xbf: {  	[sflag:s17] =	ssyncadd.s32 $0xFFFFD800  }
0xc0: {  	_ =	swait.ge [sflag:s17], $0x2800  }
0xc1: {  	[sflag:s17] =	ssyncset.done $0x0  }
0xc2: {  	s29 =	rddreg [dreg:$0x8];
	[sflag:s17] =	ssyncadd.s32 $0xFFFFD800  }
0xc3: {  	[hbm4b:s29+s20] =	stream.linear.scatter [tilespmem:s14], [sflag:$0x7], $0x2800, $0x38;
	[tilespmem:$0x1E180] =	vst v63  }
0xc4: {  	s1 =	rddreg [dreg:$0x9]  }
0xc5: {  	[hbm4b:s1+s20] =	stream.linear.scatter [tilespmem:s15], [sflag:$0x7], $0x2800, $0x38;
	[tilespmem:$0x1E180] =	vst v63  }
0xc6: {  	s25 =	rddreg [dreg:$0xa]  }
0xc7: {  	[hbm4b:s25+s20] =	stream.linear.scatter [tilespmem:s16], [sflag:$0x7], $0x2800, $0x38;
	[tilespmem:$0x1E180] =	vst v63  }
0xc8: {  	_ =	swait.ge [sflag:s21], $0x2800  }
0xc9: {  	[sflag:s21] =	ssyncset.done $0x0  }
0xca: {  	[sflag:s21] =	ssyncadd.s32 $0xFFFFD800  }
0xcb: {  	_ =	swait.ge [sflag:s21], $0x2800  }
0xcc: {  	[sflag:s21] =	ssyncset.done $0x0  }
0xcd: {  	[sflag:s21] =	ssyncadd.s32 $0xFFFFD800  }
0xce: {  	_ =	swait.ge [sflag:s21], $0x2800  }
0xcf: {  	[sflag:s21] =	ssyncset.done $0x0  }
0xd0: {  	s28 =	rddreg [dreg:$0x13];
	[sflag:s21] =	ssyncadd.s32 $0xFFFFD800  }
0xd1: {  	[tilespmem:s20], [sflag:$0x1] =	stream.linear.gather [hbm4b:s28+s20], $0x50, $0x38;
	[tilespmem:$0x1E180] =	vst v63  }
0xd2: {  	s29 =	rddreg [dreg:$0x14]  }
0xd3: {  	[tilespmem:s9], [sflag:$0x1] =	stream.linear.gather [hbm4b:s29+s20], $0x50, $0x38;
	[tilespmem:$0x1E180] =	vst v63  }
0xd4: {  	_ =	swait.ge [sflag:s12], $0x50  }
0xd5: {  	[sflag:s12] =	ssyncset.done $0x0  }
0xd6: {  	[sflag:s12] =	ssyncadd.s32 $0xFFFFFFB0  }
0xd7: {  	_ =	swait.ge [sflag:s12], $0x50  }
0xd8: {  	[sflag:s12] =	ssyncset.done $0x0  }
0xd9: {  	[sflag:s12] =	ssyncadd.s32 $0xFFFFFFB0  }
0xda: {  	[tilespmem:s14], [sflag:$0x4] =	stream.indirect.gather [hbm4b:s31+s13], $0x80, s20, s13, $0xb8;
	[tilespmem:$0x1E180] =	vst v63  }
0xdb: {  	_ = 	snop  }
0xdc: {  	[tilespmem:s15], [sflag:$0x4] =	stream.indirect.gather [hbm4b:s5+s13], $0x80, s9, s13, $0xb8;
	[tilespmem:$0x1E180] =	vst v63  }
0xdd: {  	v21 =	vld [tilespmem:$0x0]  }
0xde: {  	v22 =	vld [tilespmem:$0x180];
	_ =	sdelay $0x6  }
0xdf: {  	v23 =	vld.idx.msk [tilespmem:v21+s2+$0x0], $0xffff  }
0xe0: {  	v43 =	vld.idx.msk [tilespmem:v22+s2+$0x0], $0xffff  }
0xe1: {  	v44 =	vld.idx.msk [tilespmem:v21+s7+$0x0], $0xffff  }
0xe2: {  	v45 =	vld.idx.msk [tilespmem:v22+s7+$0x0], $0xffff  }
0xe3: {  	v21 =	vld.idx.msk [tilespmem:v21+s10+$0x0], $0xffff  }
0xe4: {  	v22 =	vld.idx.msk [tilespmem:v22+s10+$0x0], $0xffff;
	_ =	sdelay $0x2  }
0xe5: {  	v23 =	vsub.f32 v23, v43;
	v46 =	vsub.f32 v44, v45;
	_ =	sdelay $0x1  }
0xe6: {  	v21 =	vsub.f32 v21, v22;
	v22 =	vmul.f32 v23, v23;
	v25 =	vmul.f32 v46, v46;
	_ =	sdelay $0x1  }
0xe7: {  	v47 =	vmul.f32 v21, v21;
	v22 =	vadd.f32 v25, v22  }
0xe8: {  	[tilespmem:v0+s16+$0x0] =	vst.idx.msk $0xffff, v23  }
0xe9: {  	[tilespmem:v2+s16+$0x0] =	vst.idx.msk $0xffff, v46;
	v22 =	vadd.f32 v47, v22  }
0xea: {  	[tilespmem:v3+s16+$0x0] =	vst.idx.msk $0xffff, v21  }
0xeb: {  	[tilespmem:v4+s16+$0x0] =	vst.idx.msk $0xffff, v22  }
0xec: {  	v21 =	vld [tilespmem:$0x10]  }
0xed: {  	v22 =	vld [tilespmem:$0x190];
	_ =	sdelay $0x6  }
0xee: {  	v23 =	vld.idx.msk [tilespmem:v21+s2+$0x0], $0xffff  }
0xef: {  	v24 =	vld.idx.msk [tilespmem:v22+s2+$0x0], $0xffff  }
0xf0: {  	v48 =	vld.idx.msk [tilespmem:v21+s7+$0x0], $0xffff  }
0xf1: {  	v49 =	vld.idx.msk [tilespmem:v22+s7+$0x0], $0xffff  }
0xf2: {  	v21 =	vld.idx.msk [tilespmem:v21+s10+$0x0], $0xffff  }
0xf3: {  	v22 =	vld.idx.msk [tilespmem:v22+s10+$0x0], $0xffff;
	_ =	sdelay $0x2  }
0xf4: {  	v23 =	vsub.f32 v23, v24;
	v50 =	vsub.f32 v48, v49;
	_ =	sdelay $0x1  }
0xf5: {  	v21 =	vsub.f32 v21, v22;
	v22 =	vmul.f32 v23, v23;
	v25 =	vmul.f32 v50, v50;
	_ =	sdelay $0x1  }
0xf6: {  	v51 =	vmul.f32 v21, v21;
	v22 =	vadd.f32 v25, v22  }
0xf7: {  	[tilespmem:v5+s16+$0x0] =	vst.idx.msk $0xffff, v23  }
0xf8: {  	[tilespmem:v6+s16+$0x0] =	vst.idx.msk $0xffff, v50;
	v22 =	vadd.f32 v51, v22  }
0xf9: {  	[tilespmem:v7+s16+$0x0] =	vst.idx.msk $0xffff, v21  }
0xfa: {  	[tilespmem:v8+s16+$0x0] =	vst.idx.msk $0xffff, v22  }
0xfb: {  	v21 =	vld [tilespmem:$0x20]  }
0xfc: {  	v22 =	vld [tilespmem:$0x1A0];
	_ =	sdelay $0x6  }
0xfd: {  	v23 =	vld.idx.msk [tilespmem:v21+s2+$0x0], $0xffff  }
0xfe: {  	v24 =	vld.idx.msk [tilespmem:v22+s2+$0x0], $0xffff  }
0xff: {  	v52 =	vld.idx.msk [tilespmem:v21+s7+$0x0], $0xffff  }
0x100: {  	v53 =	vld.idx.msk [tilespmem:v22+s7+$0x0], $0xffff  }
0x101: {  	v21 =	vld.idx.msk [tilespmem:v21+s10+$0x0], $0xffff  }
0x102: {  	v22 =	vld.idx.msk [tilespmem:v22+s10+$0x0], $0xffff;
	_ =	sdelay $0x2  }
0x103: {  	v23 =	vsub.f32 v23, v24;
	v54 =	vsub.f32 v52, v53;
	_ =	sdelay $0x1  }
0x104: {  	v21 =	vsub.f32 v21, v22;
	v22 =	vmul.f32 v23, v23;
	v25 =	vmul.f32 v54, v54;
	_ =	sdelay $0x1  }
0x105: {  	v55 =	vmul.f32 v21, v21;
	v22 =	vadd.f32 v25, v22  }
0x106: {  	[tilespmem:v9+s16+$0x0] =	vst.idx.msk $0xffff, v23  }
0x107: {  	[tilespmem:v10+s16+$0x0] =	vst.idx.msk $0xffff, v54;
	v22 =	vadd.f32 v55, v22  }
0x108: {  	[tilespmem:v11+s16+$0x0] =	vst.idx.msk $0xffff, v21  }
0x109: {  	[tilespmem:v12+s16+$0x0] =	vst.idx.msk $0xffff, v22  }
0x10a: {  	v21 =	vld [tilespmem:$0x30]  }
0x10b: {  	v22 =	vld [tilespmem:$0x1B0];
	_ =	sdelay $0x6  }
0x10c: {  	v23 =	vld.idx.msk [tilespmem:v21+s2+$0x0], $0xffff  }
0x10d: {  	v24 =	vld.idx.msk [tilespmem:v22+s2+$0x0], $0xffff  }
0x10e: {  	v56 =	vld.idx.msk [tilespmem:v21+s7+$0x0], $0xffff  }
0x10f: {  	v57 =	vld.idx.msk [tilespmem:v22+s7+$0x0], $0xffff  }
0x110: {  	v21 =	vld.idx.msk [tilespmem:v21+s10+$0x0], $0xffff  }
0x111: {  	v22 =	vld.idx.msk [tilespmem:v22+s10+$0x0], $0xffff;
	_ =	sdelay $0x2  }
0x112: {  	v23 =	vsub.f32 v23, v24;
	v58 =	vsub.f32 v56, v57;
	_ =	sdelay $0x1  }
0x113: {  	v21 =	vsub.f32 v21, v22;
	v22 =	vmul.f32 v23, v23;
	v25 =	vmul.f32 v58, v58;
	_ =	sdelay $0x1  }
0x114: {  	v59 =	vmul.f32 v21, v21;
	v22 =	vadd.f32 v25, v22  }
0x115: {  	[tilespmem:v13+s16+$0x0] =	vst.idx.msk $0xffff, v23  }
0x116: {  	[tilespmem:v14+s16+$0x0] =	vst.idx.msk $0xffff, v58;
	v22 =	vadd.f32 v59, v22  }
0x117: {  	[tilespmem:v15+s16+$0x0] =	vst.idx.msk $0xffff, v21  }
0x118: {  	[tilespmem:v16+s16+$0x0] =	vst.idx.msk $0xffff, v22  }
0x119: {  	v21 =	vld [tilespmem:$0x40]  }
0x11a: {  	v22 =	vld [tilespmem:$0x1C0];
	_ =	sdelay $0x6  }
0x11b: {  	v23 =	vld.idx.msk [tilespmem:v21+s2+$0x0], $0xffff  }
0x11c: {  	v24 =	vld.idx.msk [tilespmem:v22+s2+$0x0], $0xffff  }
0x11d: {  	v60 =	vld.idx.msk [tilespmem:v21+s7+$0x0], $0xffff  }
0x11e: {  	v61 =	vld.idx.msk [tilespmem:v22+s7+$0x0], $0xffff  }
0x11f: {  	v21 =	vld.idx.msk [tilespmem:v21+s10+$0x0], $0xffff  }
0x120: {  	v22 =	vld.idx.msk [tilespmem:v22+s10+$0x0], $0xffff;
	_ =	sdelay $0x2  }
0x121: {  	v23 =	vsub.f32 v23, v24;
	v62 =	vsub.f32 v60, v61;
	_ =	sdelay $0x1  }
0x122: {  	v21 =	vsub.f32 v21, v22;
	v22 =	vmul.f32 v23, v23;
	v25 =	vmul.f32 v62, v62;
	_ =	sdelay $0x1  }
0x123: {  	v63 =	vmul.f32 v21, v21;
	v22 =	vadd.f32 v25, v22  }
0x124: {  	[tilespmem:v17+s16+$0x0] =	vst.idx.msk $0xffff, v23  }
0x125: {  	[tilespmem:v18+s16+$0x0] =	vst.idx.msk $0xffff, v62;
	v22 =	vadd.f32 v63, v22  }
0x126: {  	[tilespmem:v19+s16+$0x0] =	vst.idx.msk $0xffff, v21  }
0x127: {  	[tilespmem:v20+s16+$0x0] =	vst.idx.msk $0xffff, v22  }
0x128: {  	_ =	swait.ge [sflag:s17], $0x2800  }
0x129: {  	[sflag:s17] =	ssyncset.done $0x0  }
0x12a: {  	[sflag:s17] =	ssyncadd.s32 $0xFFFFD800  }
0x12b: {  	_ =	swait.ge [sflag:s17], $0x2800  }
0x12c: {  	[sflag:s17] =	ssyncset.done $0x0  }
0x12d: {  	s1 =	rddreg [dreg:$0xb];
	[sflag:s17] =	ssyncadd.s32 $0xFFFFD800  }
0x12e: {  	[hbm4b:s1+s20] =	stream.linear.scatter [tilespmem:s14], [sflag:$0x7], $0x2800, $0x38;
	[tilespmem:$0x1E180] =	vst v63  }
0x12f: {  	s25 =	rddreg [dreg:$0xc]  }
0x130: {  	[hbm4b:s25+s20] =	stream.linear.scatter [tilespmem:s15], [sflag:$0x7], $0x2800, $0x38;
	[tilespmem:$0x1E180] =	vst v63  }
0x131: {  	s28 =	rddreg [dreg:$0xd]  }
0x132: {  	[hbm4b:s28+s20] =	stream.linear.scatter [tilespmem:s16], [sflag:$0x7], $0x2800, $0x38;
	[tilespmem:$0x1E180] =	vst v63  }
0x133: {  	_ =	swait.ge [sflag:s21], $0x2800  }
0x134: {  	[sflag:s21] =	ssyncset.done $0x0  }
0x135: {  	[sflag:s21] =	ssyncadd.s32 $0xFFFFD800  }
0x136: {  	_ =	swait.ge [sflag:s21], $0x2800  }
0x137: {  	[sflag:s21] =	ssyncset.done $0x0  }
0x138: {  	[sflag:s21] =	ssyncadd.s32 $0xFFFFD800  }
0x139: {  	_ =	swait.ge [sflag:s21], $0x2800  }
0x13a: {  	s29 =	rddreg [dreg:$0x15]  }
0x13b: {  	[sflag:s21] =	ssyncset.done $0x0;
	s1 =	rddreg [dreg:$0x16]  }
0x13c: {  	s14 =	rddreg [dreg:$0x17];
	[sflag:s21] =	ssyncadd.s32 $0xFFFFD800  }
0x13d: {  	[tilespmem:s20], [sflag:$0x1] =	stream.linear.gather [hbm4b:s29+s20], $0x50, $0x38;
	[tilespmem:$0x1E180] =	vst v63  }
0x13e: {  	s28 =	rddreg [dreg:$0x19]  }
0x13f: {  	[tilespmem:s9], [sflag:$0x1] =	stream.linear.gather [hbm4b:s1+s20], $0x50, $0x38;
	[tilespmem:$0x1E180] =	vst v63  }
0x140: {  	s15 =	simm.s32 $0x80;
	s8 =	rddreg [dreg:$0x1c]  }
0x141: {  	[tilespmem:s15], [sflag:$0x2] =	stream.linear.gather [hbm4b:s14+s20], $0x50, $0x38;
	[tilespmem:$0x1E180] =	vst v63  }
0x142: {  	s25 =	simm.s32 $0x200;
	s21 =	rddreg [dreg:$0x18]  }
0x143: {  	[tilespmem:s25], [sflag:$0x2] =	stream.linear.gather [hbm4b:s21+s20], $0x50, $0x38;
	[tilespmem:$0x1E180] =	vst v63  }
0x144: {  	s29 =	rddreg [dreg:$0x1a]  }
0x145: {  	[tilespmem:s22], [sflag:$0x3] =	stream.linear.gather [hbm4b:s28+s20], $0x50, $0x38;
	[tilespmem:$0x1E180] =	vst v63  }
0x146: {  	s9 =	rddreg [dreg:$0x6]  }
0x147: {  	[tilespmem:s24], [sflag:$0x3] =	stream.linear.gather [hbm4b:s29+s20], $0x50, $0x38;
	[tilespmem:$0x1E180] =	vst v63  }
0x148: {  	s24 =	rddreg [dreg:$0x7]  }
.LBB2_8:
0x149: {  	p0 =	seq.s32 s20, $0x0  }
0x14a: {  	s21 =	simm.s32 @!p0 $0x7  }
0x14b: {  	_ =	swait.ge @!p0 [sflag:s21], $0x2800  }
0x14c: {  	[sflag:s21] =	ssyncset.done @!p0 $0x0  }
0x14d: {  	[sflag:s21] =	ssyncadd.s32 @!p0 $0xFFFFD800  }
0x14e: {  	_ =	swait.ge @!p0 [sflag:s21], $0x2800  }
0x14f: {  	[sflag:s21] =	ssyncset.done @!p0 $0x0  }
0x150: {  	[sflag:s21] =	ssyncadd.s32 @!p0 $0xFFFFD800  }
0x151: {  	_ =	swait.ge @!p0 [sflag:s21], $0x2800  }
0x152: {  	[sflag:s21] =	ssyncset.done @!p0 $0x0  }
0x153: {  	[sflag:s21] =	ssyncadd.s32 @!p0 $0xFFFFD800  }
0x154: {  	_ =	swait.ge [sflag:s12], $0x50  }
0x155: {  	[sflag:s12] =	ssyncset.done $0x0  }
0x156: {  	[sflag:s12] =	ssyncadd.s32 $0xFFFFFFB0  }
0x157: {  	_ =	swait.ge [sflag:s12], $0x50  }
0x158: {  	[sflag:s12] =	ssyncset.done $0x0  }
0x159: {  	s22 =	simm.s32 $0x300;
	[sflag:s12] =	ssyncadd.s32 $0xFFFFFFB0  }
0x15a: {  	[tilespmem:s22], [sflag:$0x4] =	stream.indirect.gather [hbm4b:s31+s13], $0x80, s4, s13, $0xb8;
	[tilespmem:$0x1E180] =	vst v63  }
0x15b: {  	s14 =	simm.s32 $0x180;
	s15 =	simm.s32 $0x7B00  }
0x15c: {  	[tilespmem:s15], [sflag:$0x4] =	stream.indirect.gather [hbm4b:s5+s13], $0x80, s14, s13, $0xb8;
	[tilespmem:$0x1E180] =	vst v63  }
0x15d: {  	v21 =	vld [tilespmem:$0x0]  }
0x15e: {  	v22 =	vld [tilespmem:$0x180];
	_ =	sdelay $0x6  }
0x15f: {  	v23 =	vld.idx.msk [tilespmem:v21+s2+$0x0], $0xffff  }
0x160: {  	v24 =	vld.idx.msk [tilespmem:v22+s2+$0x0], $0xffff  }
0x161: {  	v25 =	vld.idx.msk [tilespmem:v21+s7+$0x0], $0xffff  }
0x162: {  	v26 =	vld.idx.msk [tilespmem:v22+s7+$0x0], $0xffff  }
0x163: {  	v21 =	vld.idx.msk [tilespmem:v21+s10+$0x0], $0xffff  }
0x164: {  	v22 =	vld.idx.msk [tilespmem:v22+s10+$0x0], $0xffff;
	_ =	sdelay $0x2  }
0x165: {  	v23 =	vsub.f32 v23, v24;
	v40 =	vsub.f32 v25, v26;
	_ =	sdelay $0x1  }
0x166: {  	v21 =	vsub.f32 v21, v22;
	v22 =	vmul.f32 v23, v23;
	v25 =	vmul.f32 v40, v40;
	_ =	sdelay $0x1  }
0x167: {  	v41 =	vmul.f32 v21, v21;
	v22 =	vadd.f32 v25, v22  }
0x168: {  	[tilespmem:v0+s16+$0x0] =	vst.idx.msk $0xffff, v23  }
0x169: {  	[tilespmem:v2+s16+$0x0] =	vst.idx.msk $0xffff, v40;
	v22 =	vadd.f32 v41, v22  }
0x16a: {  	[tilespmem:v3+s16+$0x0] =	vst.idx.msk $0xffff, v21  }
0x16b: {  	[tilespmem:v4+s16+$0x0] =	vst.idx.msk $0xffff, v22  }
0x16c: {  	v21 =	vld [tilespmem:$0x10]  }
0x16d: {  	v22 =	vld [tilespmem:$0x190];
	_ =	sdelay $0x6  }
0x16e: {  	v23 =	vld.idx.msk [tilespmem:v21+s2+$0x0], $0xffff  }
0x16f: {  	v24 =	vld.idx.msk [tilespmem:v22+s2+$0x0], $0xffff  }
0x170: {  	v42 =	vld.idx.msk [tilespmem:v21+s7+$0x0], $0xffff  }
0x171: {  	v43 =	vld.idx.msk [tilespmem:v22+s7+$0x0], $0xffff  }
0x172: {  	v21 =	vld.idx.msk [tilespmem:v21+s10+$0x0], $0xffff  }
0x173: {  	v22 =	vld.idx.msk [tilespmem:v22+s10+$0x0], $0xffff;
	_ =	sdelay $0x2  }
0x174: {  	v23 =	vsub.f32 v23, v24;
	v44 =	vsub.f32 v42, v43;
	_ =	sdelay $0x1  }
0x175: {  	v21 =	vsub.f32 v21, v22;
	v22 =	vmul.f32 v23, v23;
	v25 =	vmul.f32 v44, v44;
	_ =	sdelay $0x1  }
0x176: {  	v45 =	vmul.f32 v21, v21;
	v22 =	vadd.f32 v25, v22  }
0x177: {  	[tilespmem:v5+s16+$0x0] =	vst.idx.msk $0xffff, v23  }
0x178: {  	[tilespmem:v6+s16+$0x0] =	vst.idx.msk $0xffff, v44;
	v22 =	vadd.f32 v45, v22  }
0x179: {  	[tilespmem:v7+s16+$0x0] =	vst.idx.msk $0xffff, v21  }
0x17a: {  	[tilespmem:v8+s16+$0x0] =	vst.idx.msk $0xffff, v22  }
0x17b: {  	v21 =	vld [tilespmem:$0x20]  }
0x17c: {  	v22 =	vld [tilespmem:$0x1A0];
	_ =	sdelay $0x6  }
0x17d: {  	v23 =	vld.idx.msk [tilespmem:v21+s2+$0x0], $0xffff  }
0x17e: {  	v24 =	vld.idx.msk [tilespmem:v22+s2+$0x0], $0xffff  }
0x17f: {  	v46 =	vld.idx.msk [tilespmem:v21+s7+$0x0], $0xffff  }
0x180: {  	v47 =	vld.idx.msk [tilespmem:v22+s7+$0x0], $0xffff  }
0x181: {  	v21 =	vld.idx.msk [tilespmem:v21+s10+$0x0], $0xffff  }
0x182: {  	v22 =	vld.idx.msk [tilespmem:v22+s10+$0x0], $0xffff;
	_ =	sdelay $0x2  }
0x183: {  	v23 =	vsub.f32 v23, v24;
	v48 =	vsub.f32 v46, v47;
	_ =	sdelay $0x1  }
0x184: {  	v21 =	vsub.f32 v21, v22;
	v22 =	vmul.f32 v23, v23;
	v25 =	vmul.f32 v48, v48;
	_ =	sdelay $0x1  }
0x185: {  	v49 =	vmul.f32 v21, v21;
	v22 =	vadd.f32 v25, v22  }
0x186: {  	[tilespmem:v9+s16+$0x0] =	vst.idx.msk $0xffff, v23  }
0x187: {  	[tilespmem:v10+s16+$0x0] =	vst.idx.msk $0xffff, v48;
	v22 =	vadd.f32 v49, v22  }
0x188: {  	[tilespmem:v11+s16+$0x0] =	vst.idx.msk $0xffff, v21  }
0x189: {  	[tilespmem:v12+s16+$0x0] =	vst.idx.msk $0xffff, v22  }
0x18a: {  	v21 =	vld [tilespmem:$0x30]  }
0x18b: {  	v22 =	vld [tilespmem:$0x1B0];
	_ =	sdelay $0x6  }
0x18c: {  	v23 =	vld.idx.msk [tilespmem:v21+s2+$0x0], $0xffff  }
0x18d: {  	v24 =	vld.idx.msk [tilespmem:v22+s2+$0x0], $0xffff  }
0x18e: {  	v50 =	vld.idx.msk [tilespmem:v21+s7+$0x0], $0xffff  }
0x18f: {  	v51 =	vld.idx.msk [tilespmem:v22+s7+$0x0], $0xffff  }
0x190: {  	v21 =	vld.idx.msk [tilespmem:v21+s10+$0x0], $0xffff  }
0x191: {  	v22 =	vld.idx.msk [tilespmem:v22+s10+$0x0], $0xffff;
	_ =	sdelay $0x2  }
0x192: {  	v23 =	vsub.f32 v23, v24;
	v52 =	vsub.f32 v50, v51;
	_ =	sdelay $0x1  }
0x193: {  	v21 =	vsub.f32 v21, v22;
	v22 =	vmul.f32 v23, v23;
	v25 =	vmul.f32 v52, v52;
	_ =	sdelay $0x1  }
0x194: {  	v53 =	vmul.f32 v21, v21;
	v22 =	vadd.f32 v25, v22  }
0x195: {  	[tilespmem:v13+s16+$0x0] =	vst.idx.msk $0xffff, v23  }
0x196: {  	[tilespmem:v14+s16+$0x0] =	vst.idx.msk $0xffff, v52;
	v22 =	vadd.f32 v53, v22  }
0x197: {  	[tilespmem:v15+s16+$0x0] =	vst.idx.msk $0xffff, v21  }
0x198: {  	[tilespmem:v16+s16+$0x0] =	vst.idx.msk $0xffff, v22  }
0x199: {  	v21 =	vld [tilespmem:$0x40]  }
0x19a: {  	v22 =	vld [tilespmem:$0x1C0];
	_ =	sdelay $0x6  }
0x19b: {  	v23 =	vld.idx.msk [tilespmem:v21+s2+$0x0], $0xffff  }
0x19c: {  	v24 =	vld.idx.msk [tilespmem:v22+s2+$0x0], $0xffff  }
0x19d: {  	v54 =	vld.idx.msk [tilespmem:v21+s7+$0x0], $0xffff  }
0x19e: {  	v55 =	vld.idx.msk [tilespmem:v22+s7+$0x0], $0xffff  }
0x19f: {  	v21 =	vld.idx.msk [tilespmem:v21+s10+$0x0], $0xffff  }
0x1a0: {  	v22 =	vld.idx.msk [tilespmem:v22+s10+$0x0], $0xffff;
	_ =	sdelay $0x2  }
0x1a1: {  	v23 =	vsub.f32 v23, v24;
	v56 =	vsub.f32 v54, v55;
	_ =	sdelay $0x1  }
0x1a2: {  	v21 =	vsub.f32 v21, v22;
	v22 =	vmul.f32 v23, v23;
	v25 =	vmul.f32 v56, v56;
	_ =	sdelay $0x1  }
0x1a3: {  	v57 =	vmul.f32 v21, v21;
	v22 =	vadd.f32 v25, v22  }
0x1a4: {  	[tilespmem:v17+s16+$0x0] =	vst.idx.msk $0xffff, v23  }
0x1a5: {  	[tilespmem:v18+s16+$0x0] =	vst.idx.msk $0xffff, v56;
	v22 =	vadd.f32 v57, v22  }
0x1a6: {  	s28 =	rddreg [dreg:$0x10];
	[tilespmem:v19+s16+$0x0] =	vst.idx.msk $0xffff, v21  }
0x1a7: {  	s25 =	sadd.s32 s20, s28;
	[tilespmem:v20+s16+$0x0] =	vst.idx.msk $0xffff, v22  }
0x1a8: {  	[hbm4b:s25+s4] =	stream.linear.scatter [tilespmem:s16], [sflag:$0x7], $0x2800, $0x38;
	[tilespmem:$0x1E180] =	vst v63  }
0x1a9: {  	_ =	swait.ge [sflag:s17], $0x2800  }
0x1aa: {  	[sflag:s17] =	ssyncset.done $0x0  }
0x1ab: {  	[sflag:s17] =	ssyncadd.s32 $0xFFFFD800  }
0x1ac: {  	_ =	swait.ge [sflag:s17], $0x2800  }
0x1ad: {  	p0 =	seq.s32 s20, $0x25800;
	[sflag:s17] =	ssyncset.done $0x0;
	s29 =	rddreg [dreg:$0x11]  }
0x1ae: {  	s1 =	rddreg [dreg:$0x12];
	[sflag:s17] =	ssyncadd.s32 $0xFFFFD800;
	s28 =	sadd.s32 s20, s29  }
0x1af: {  	[hbm4b:s28+s4] =	stream.linear.scatter [tilespmem:s22], [sflag:$0x7], $0x2800, $0x38;
	[tilespmem:$0x1E180] =	vst v63  }
0x1b0: {  	s14 =	rddreg [dreg:$0x6];
	s29 =	sadd.s32 s20, s1;
	s22 =	sshrl.u32 @!p0 s8, $0x3  }
0x1b1: {  	[hbm4b:s29+s4] =	stream.linear.scatter [tilespmem:s15], [sflag:$0x7], $0x2800, $0x38;
	[tilespmem:$0x1E180] =	vst v63  }
0x1b2: {  	s21 =	simm.s32 @!p0 $0x0;
	s14 =	sadd.s32 @!p0 s14, s22  }
0x1b3: {  	[tilespmem:s21], [sflag:$0x1] =	stream.linear.gather @!p0 [hbm4b:s14+s21], $0x50, $0x38;
	[tilespmem:$0x1E180] =	vst v63  }
0x1b4: {  	p1 =	seq.s32 @!p0 s20, $0x0;
	s14 =	rddreg [dreg:$0x7]  }
0x1b5: {  	p1 =	por p0, !p1;
	s14 =	sadd.s32 @!p0 s14, s22;
	s22 =	simm.s32 @!p0 $0x180  }
0x1b6: {  	[tilespmem:s22], [sflag:$0x1] =	stream.linear.gather @!p0 [hbm4b:s14+s21], $0x50, $0x38;
	[tilespmem:$0x1E180] =	vst v63  }
0x1b7: {  	_ =	swait.ge @p1 [sflag:s18], $0x2800  }
0x1b8: {  	[sflag:s18] =	ssyncset.done @p1 $0x0  }
0x1b9: {  	[sflag:s18] =	ssyncadd.s32 @p1 $0xFFFFD800  }
0x1ba: {  	_ =	swait.ge @p1 [sflag:s18], $0x2800  }
0x1bb: {  	[sflag:s18] =	ssyncset.done @p1 $0x0  }
0x1bc: {  	[sflag:s18] =	ssyncadd.s32 @p1 $0xFFFFD800  }
0x1bd: {  	_ =	swait.ge @p1 [sflag:s18], $0x2800  }
0x1be: {  	[sflag:s18] =	ssyncset.done @p1 $0x0  }
0x1bf: {  	[sflag:s18] =	ssyncadd.s32 @p1 $0xFFFFD800  }
0x1c0: {  	_ =	swait.ge [sflag:s26], $0x50  }
0x1c1: {  	[sflag:s26] =	ssyncset.done $0x0  }
0x1c2: {  	[sflag:s26] =	ssyncadd.s32 $0xFFFFFFB0  }
0x1c3: {  	_ =	swait.ge [sflag:s26], $0x50  }
0x1c4: {  	[sflag:s26] =	ssyncset.done $0x0  }
0x1c5: {  	s15 =	simm.s32 $0x80;
	s22 =	simm.s32 $0x2B00;
	[sflag:s26] =	ssyncadd.s32 $0xFFFFFFB0  }
0x1c6: {  	[tilespmem:s22], [sflag:$0x5] =	stream.indirect.gather [hbm4b:s31+s13], $0x80, s15, s13, $0xb8;
	[tilespmem:$0x1E180] =	vst v63  }
0x1c7: {  	s1 =	simm.s32 $0x200;
	s15 =	simm.s32 $0xA300  }
0x1c8: {  	[tilespmem:s15], [sflag:$0x5] =	stream.indirect.gather [hbm4b:s5+s13], $0x80, s1, s13, $0xb8;
	[tilespmem:$0x1E180] =	vst v63  }
0x1c9: {  	v21 =	vld [tilespmem:$0x80]  }
0x1ca: {  	v22 =	vld [tilespmem:$0x200];
	_ =	sdelay $0x6  }
0x1cb: {  	v23 =	vld.idx.msk [tilespmem:v21+s2+$0x0], $0xffff  }
0x1cc: {  	v58 =	vld.idx.msk [tilespmem:v22+s2+$0x0], $0xffff  }
0x1cd: {  	v59 =	vld.idx.msk [tilespmem:v21+s7+$0x0], $0xffff  }
0x1ce: {  	v60 =	vld.idx.msk [tilespmem:v22+s7+$0x0], $0xffff  }
0x1cf: {  	v21 =	vld.idx.msk [tilespmem:v21+s10+$0x0], $0xffff  }
0x1d0: {  	v22 =	vld.idx.msk [tilespmem:v22+s10+$0x0], $0xffff;
	_ =	sdelay $0x2  }
0x1d1: {  	v23 =	vsub.f32 v23, v58;
	v61 =	vsub.f32 v59, v60;
	_ =	sdelay $0x1  }
0x1d2: {  	v21 =	vsub.f32 v21, v22;
	v22 =	vmul.f32 v23, v23;
	v25 =	vmul.f32 v61, v61;
	_ =	sdelay $0x1  }
0x1d3: {  	v62 =	vmul.f32 v21, v21;
	v22 =	vadd.f32 v25, v22  }
0x1d4: {  	[tilespmem:v0+s30+$0x0] =	vst.idx.msk $0xffff, v23  }
0x1d5: {  	[tilespmem:v2+s30+$0x0] =	vst.idx.msk $0xffff, v61;
	v22 =	vadd.f32 v62, v22  }
0x1d6: {  	[tilespmem:v3+s30+$0x0] =	vst.idx.msk $0xffff, v21  }
0x1d7: {  	[tilespmem:v4+s30+$0x0] =	vst.idx.msk $0xffff, v22  }
0x1d8: {  	v21 =	vld [tilespmem:$0x90]  }
0x1d9: {  	v22 =	vld [tilespmem:$0x210];
	_ =	sdelay $0x6  }
0x1da: {  	v23 =	vld.idx.msk [tilespmem:v21+s2+$0x0], $0xffff  }
0x1db: {  	v24 =	vld.idx.msk [tilespmem:v22+s2+$0x0], $0xffff  }
0x1dc: {  	v63 =	vld.idx.msk [tilespmem:v21+s7+$0x0], $0xffff  }
0x1dd: {  	v28 =	vld.idx.msk [tilespmem:v22+s7+$0x0], $0xffff  }
0x1de: {  	v21 =	vld.idx.msk [tilespmem:v21+s10+$0x0], $0xffff  }
0x1df: {  	v22 =	vld.idx.msk [tilespmem:v22+s10+$0x0], $0xffff;
	_ =	sdelay $0x2  }
0x1e0: {  	v23 =	vsub.f32 v23, v24;
	v29 =	vsub.f32 v63, v28;
	_ =	sdelay $0x1  }
0x1e1: {  	v21 =	vsub.f32 v21, v22;
	v22 =	vmul.f32 v23, v23;
	v25 =	vmul.f32 v29, v29;
	_ =	sdelay $0x1  }
0x1e2: {  	v30 =	vmul.f32 v21, v21;
	v22 =	vadd.f32 v25, v22  }
0x1e3: {  	[tilespmem:v5+s30+$0x0] =	vst.idx.msk $0xffff, v23  }
0x1e4: {  	[tilespmem:v6+s30+$0x0] =	vst.idx.msk $0xffff, v29;
	v22 =	vadd.f32 v30, v22  }
0x1e5: {  	[tilespmem:v7+s30+$0x0] =	vst.idx.msk $0xffff, v21  }
0x1e6: {  	[tilespmem:v8+s30+$0x0] =	vst.idx.msk $0xffff, v22  }
0x1e7: {  	v21 =	vld [tilespmem:$0xA0]  }
0x1e8: {  	v22 =	vld [tilespmem:$0x220];
	_ =	sdelay $0x6  }
0x1e9: {  	v23 =	vld.idx.msk [tilespmem:v21+s2+$0x0], $0xffff  }
0x1ea: {  	v24 =	vld.idx.msk [tilespmem:v22+s2+$0x0], $0xffff  }
0x1eb: {  	v31 =	vld.idx.msk [tilespmem:v21+s7+$0x0], $0xffff  }
0x1ec: {  	v32 =	vld.idx.msk [tilespmem:v22+s7+$0x0], $0xffff  }
0x1ed: {  	v21 =	vld.idx.msk [tilespmem:v21+s10+$0x0], $0xffff  }
0x1ee: {  	v22 =	vld.idx.msk [tilespmem:v22+s10+$0x0], $0xffff;
	_ =	sdelay $0x2  }
0x1ef: {  	v23 =	vsub.f32 v23, v24;
	v33 =	vsub.f32 v31, v32;
	_ =	sdelay $0x1  }
0x1f0: {  	v21 =	vsub.f32 v21, v22;
	v22 =	vmul.f32 v23, v23;
	v25 =	vmul.f32 v33, v33;
	_ =	sdelay $0x1  }
0x1f1: {  	v34 =	vmul.f32 v21, v21;
	v22 =	vadd.f32 v25, v22  }
0x1f2: {  	[tilespmem:v9+s30+$0x0] =	vst.idx.msk $0xffff, v23  }
0x1f3: {  	[tilespmem:v10+s30+$0x0] =	vst.idx.msk $0xffff, v33;
	v22 =	vadd.f32 v34, v22  }
0x1f4: {  	[tilespmem:v11+s30+$0x0] =	vst.idx.msk $0xffff, v21  }
0x1f5: {  	[tilespmem:v12+s30+$0x0] =	vst.idx.msk $0xffff, v22  }
0x1f6: {  	v21 =	vld [tilespmem:$0xB0]  }
0x1f7: {  	v22 =	vld [tilespmem:$0x230];
	_ =	sdelay $0x6  }
0x1f8: {  	v23 =	vld.idx.msk [tilespmem:v21+s2+$0x0], $0xffff  }
0x1f9: {  	v24 =	vld.idx.msk [tilespmem:v22+s2+$0x0], $0xffff  }
0x1fa: {  	v35 =	vld.idx.msk [tilespmem:v21+s7+$0x0], $0xffff  }
0x1fb: {  	v36 =	vld.idx.msk [tilespmem:v22+s7+$0x0], $0xffff  }
0x1fc: {  	v21 =	vld.idx.msk [tilespmem:v21+s10+$0x0], $0xffff  }
0x1fd: {  	v22 =	vld.idx.msk [tilespmem:v22+s10+$0x0], $0xffff;
	_ =	sdelay $0x2  }
0x1fe: {  	v23 =	vsub.f32 v23, v24;
	v37 =	vsub.f32 v35, v36;
	_ =	sdelay $0x1  }
0x1ff: {  	v21 =	vsub.f32 v21, v22;
	v22 =	vmul.f32 v23, v23;
	v25 =	vmul.f32 v37, v37;
	_ =	sdelay $0x1  }
0x200: {  	v38 =	vmul.f32 v21, v21;
	v22 =	vadd.f32 v25, v22  }
0x201: {  	[tilespmem:v13+s30+$0x0] =	vst.idx.msk $0xffff, v23  }
0x202: {  	[tilespmem:v14+s30+$0x0] =	vst.idx.msk $0xffff, v37;
	v22 =	vadd.f32 v38, v22  }
0x203: {  	[tilespmem:v15+s30+$0x0] =	vst.idx.msk $0xffff, v21  }
0x204: {  	[tilespmem:v16+s30+$0x0] =	vst.idx.msk $0xffff, v22  }
0x205: {  	v21 =	vld [tilespmem:$0xC0]  }
0x206: {  	v22 =	vld [tilespmem:$0x240];
	_ =	sdelay $0x6  }
0x207: {  	v23 =	vld.idx.msk [tilespmem:v21+s2+$0x0], $0xffff  }
0x208: {  	v24 =	vld.idx.msk [tilespmem:v22+s2+$0x0], $0xffff  }
0x209: {  	v39 =	vld.idx.msk [tilespmem:v21+s7+$0x0], $0xffff  }
0x20a: {  	v40 =	vld.idx.msk [tilespmem:v22+s7+$0x0], $0xffff  }
0x20b: {  	v21 =	vld.idx.msk [tilespmem:v21+s10+$0x0], $0xffff  }
0x20c: {  	v22 =	vld.idx.msk [tilespmem:v22+s10+$0x0], $0xffff;
	_ =	sdelay $0x2  }
0x20d: {  	v23 =	vsub.f32 v23, v24;
	v41 =	vsub.f32 v39, v40;
	_ =	sdelay $0x1  }
0x20e: {  	v21 =	vsub.f32 v21, v22;
	v22 =	vmul.f32 v23, v23;
	v25 =	vmul.f32 v41, v41;
	_ =	sdelay $0x1  }
0x20f: {  	v42 =	vmul.f32 v21, v21;
	v22 =	vadd.f32 v25, v22  }
0x210: {  	[tilespmem:v17+s30+$0x0] =	vst.idx.msk $0xffff, v23  }
0x211: {  	[tilespmem:v18+s30+$0x0] =	vst.idx.msk $0xffff, v41;
	v22 =	vadd.f32 v42, v22  }
0x212: {  	[tilespmem:v19+s30+$0x0] =	vst.idx.msk $0xffff, v21  }
0x213: {  	s1 =	sadd.s32 $0x500, s25;
	[tilespmem:v20+s30+$0x0] =	vst.idx.msk $0xffff, v22  }
0x214: {  	[hbm4b:s1+s4] =	stream.linear.scatter [tilespmem:s30], [sflag:$0x8], $0x2800, $0x38;
	[tilespmem:$0x1E180] =	vst v63  }
0x215: {  	_ =	swait.ge [sflag:s3], $0x2800  }
0x216: {  	[sflag:s3] =	ssyncset.done $0x0  }
0x217: {  	[sflag:s3] =	ssyncadd.s32 $0xFFFFD800  }
0x218: {  	_ =	swait.ge [sflag:s3], $0x2800  }
0x219: {  	[sflag:s3] =	ssyncset.done $0x0  }
0x21a: {  	s1 =	sadd.s32 $0x500, s28;
	[sflag:s3] =	ssyncadd.s32 $0xFFFFD800  }
0x21b: {  	[hbm4b:s1+s4] =	stream.linear.scatter [tilespmem:s22], [sflag:$0x8], $0x2800, $0x38;
	[tilespmem:$0x1E180] =	vst v63  }
0x21c: {  	s22 =	sadd.s32 $0x500, s29  }
0x21d: {  	[hbm4b:s22+s4] =	stream.linear.scatter [tilespmem:s15], [sflag:$0x8], $0x2800, $0x38;
	[tilespmem:$0x1E180] =	vst v63  }
0x21e: {  	s14 =	sadd.s32 @!p0 s9, s0;
	s22 =	simm.s32 @!p0 $0x80  }
0x21f: {  	[tilespmem:s22], [sflag:$0x2] =	stream.linear.gather @!p0 [hbm4b:s14+s21], $0x50, $0x38;
	[tilespmem:$0x1E180] =	vst v63  }
0x220: {  	s14 =	sadd.s32 @!p0 s24, s0;
	s22 =	simm.s32 @!p0 $0x200  }
0x221: {  	[tilespmem:s22], [sflag:$0x2] =	stream.linear.gather @!p0 [hbm4b:s14+s21], $0x50, $0x38;
	[tilespmem:$0x1E180] =	vst v63  }
0x222: {  	_ =	swait.ge @p1 [sflag:s19], $0x2800  }
0x223: {  	[sflag:s19] =	ssyncset.done @p1 $0x0  }
0x224: {  	[sflag:s19] =	ssyncadd.s32 @p1 $0xFFFFD800  }
0x225: {  	_ =	swait.ge @p1 [sflag:s19], $0x2800  }
0x226: {  	[sflag:s19] =	ssyncset.done @p1 $0x0  }
0x227: {  	[sflag:s19] =	ssyncadd.s32 @p1 $0xFFFFD800  }
0x228: {  	_ =	swait.ge @p1 [sflag:s19], $0x2800  }
0x229: {  	[sflag:s19] =	ssyncset.done @p1 $0x0  }
0x22a: {  	[sflag:s19] =	ssyncadd.s32 @p1 $0xFFFFD800  }
0x22b: {  	_ =	swait.ge [sflag:s6], $0x50  }
0x22c: {  	[sflag:s6] =	ssyncset.done $0x0  }
0x22d: {  	[sflag:s6] =	ssyncadd.s32 $0xFFFFFFB0  }
0x22e: {  	_ =	swait.ge [sflag:s6], $0x50  }
0x22f: {  	[sflag:s6] =	ssyncset.done $0x0  }
0x230: {  	s15 =	simm.s32 $0x5300;
	s22 =	simm.s32 $0x100;
	[sflag:s6] =	ssyncadd.s32 $0xFFFFFFB0  }
0x231: {  	[tilespmem:s15], [sflag:$0x6] =	stream.indirect.gather [hbm4b:s31+s13], $0x80, s22, s13, $0xb8;
	[tilespmem:$0x1E180] =	vst v63  }
0x232: {  	s1 =	smov.u32 s31;
	s21 =	simm.s32 $0x280;
	s31 =	simm.s32 $0xCB00  }
0x233: {  	[tilespmem:s31], [sflag:$0x6] =	stream.indirect.gather [hbm4b:s5+s13], $0x80, s21, s13, $0xb8;
	[tilespmem:$0x1E180] =	vst v63  }
0x234: {  	v21 =	vld [tilespmem:$0x100]  }
0x235: {  	v22 =	vld [tilespmem:$0x280];
	_ =	sdelay $0x6  }
0x236: {  	v23 =	vld.idx.msk [tilespmem:v21+s2+$0x0], $0xffff  }
0x237: {  	v43 =	vld.idx.msk [tilespmem:v22+s2+$0x0], $0xffff  }
0x238: {  	v44 =	vld.idx.msk [tilespmem:v21+s7+$0x0], $0xffff  }
0x239: {  	v45 =	vld.idx.msk [tilespmem:v22+s7+$0x0], $0xffff  }
0x23a: {  	v21 =	vld.idx.msk [tilespmem:v21+s10+$0x0], $0xffff  }
0x23b: {  	v22 =	vld.idx.msk [tilespmem:v22+s10+$0x0], $0xffff;
	_ =	sdelay $0x2  }
0x23c: {  	v23 =	vsub.f32 v23, v43;
	v46 =	vsub.f32 v44, v45;
	_ =	sdelay $0x1  }
0x23d: {  	v21 =	vsub.f32 v21, v22;
	v22 =	vmul.f32 v23, v23;
	v25 =	vmul.f32 v46, v46;
	_ =	sdelay $0x1  }
0x23e: {  	v47 =	vmul.f32 v21, v21;
	v22 =	vadd.f32 v25, v22  }
0x23f: {  	[tilespmem:v0+s23+$0x0] =	vst.idx.msk $0xffff, v23  }
0x240: {  	[tilespmem:v2+s23+$0x0] =	vst.idx.msk $0xffff, v46;
	v22 =	vadd.f32 v47, v22  }
0x241: {  	[tilespmem:v3+s23+$0x0] =	vst.idx.msk $0xffff, v21  }
0x242: {  	[tilespmem:v4+s23+$0x0] =	vst.idx.msk $0xffff, v22  }
0x243: {  	v21 =	vld [tilespmem:$0x110]  }
0x244: {  	v22 =	vld [tilespmem:$0x290];
	_ =	sdelay $0x6  }
0x245: {  	v23 =	vld.idx.msk [tilespmem:v21+s2+$0x0], $0xffff  }
0x246: {  	v24 =	vld.idx.msk [tilespmem:v22+s2+$0x0], $0xffff  }
0x247: {  	v48 =	vld.idx.msk [tilespmem:v21+s7+$0x0], $0xffff  }
0x248: {  	v49 =	vld.idx.msk [tilespmem:v22+s7+$0x0], $0xffff  }
0x249: {  	v21 =	vld.idx.msk [tilespmem:v21+s10+$0x0], $0xffff  }
0x24a: {  	v22 =	vld.idx.msk [tilespmem:v22+s10+$0x0], $0xffff;
	_ =	sdelay $0x2  }
0x24b: {  	v23 =	vsub.f32 v23, v24;
	v50 =	vsub.f32 v48, v49;
	_ =	sdelay $0x1  }
0x24c: {  	v21 =	vsub.f32 v21, v22;
	v22 =	vmul.f32 v23, v23;
	v25 =	vmul.f32 v50, v50;
	_ =	sdelay $0x1  }
0x24d: {  	v51 =	vmul.f32 v21, v21;
	v22 =	vadd.f32 v25, v22  }
0x24e: {  	[tilespmem:v5+s23+$0x0] =	vst.idx.msk $0xffff, v23  }
0x24f: {  	[tilespmem:v6+s23+$0x0] =	vst.idx.msk $0xffff, v50;
	v22 =	vadd.f32 v51, v22  }
0x250: {  	[tilespmem:v7+s23+$0x0] =	vst.idx.msk $0xffff, v21  }
0x251: {  	[tilespmem:v8+s23+$0x0] =	vst.idx.msk $0xffff, v22  }
0x252: {  	v21 =	vld [tilespmem:$0x120]  }
0x253: {  	v22 =	vld [tilespmem:$0x2A0];
	_ =	sdelay $0x6  }
0x254: {  	v23 =	vld.idx.msk [tilespmem:v21+s2+$0x0], $0xffff  }
0x255: {  	v24 =	vld.idx.msk [tilespmem:v22+s2+$0x0], $0xffff  }
0x256: {  	v52 =	vld.idx.msk [tilespmem:v21+s7+$0x0], $0xffff  }
0x257: {  	v53 =	vld.idx.msk [tilespmem:v22+s7+$0x0], $0xffff  }
0x258: {  	v21 =	vld.idx.msk [tilespmem:v21+s10+$0x0], $0xffff  }
0x259: {  	v22 =	vld.idx.msk [tilespmem:v22+s10+$0x0], $0xffff;
	_ =	sdelay $0x2  }
0x25a: {  	v23 =	vsub.f32 v23, v24;
	v54 =	vsub.f32 v52, v53;
	_ =	sdelay $0x1  }
0x25b: {  	v21 =	vsub.f32 v21, v22;
	v22 =	vmul.f32 v23, v23;
	v25 =	vmul.f32 v54, v54;
	_ =	sdelay $0x1  }
0x25c: {  	v55 =	vmul.f32 v21, v21;
	v22 =	vadd.f32 v25, v22  }
0x25d: {  	[tilespmem:v9+s23+$0x0] =	vst.idx.msk $0xffff, v23  }
0x25e: {  	[tilespmem:v10+s23+$0x0] =	vst.idx.msk $0xffff, v54;
	v22 =	vadd.f32 v55, v22  }
0x25f: {  	[tilespmem:v11+s23+$0x0] =	vst.idx.msk $0xffff, v21  }
0x260: {  	[tilespmem:v12+s23+$0x0] =	vst.idx.msk $0xffff, v22  }
0x261: {  	v21 =	vld [tilespmem:$0x130]  }
0x262: {  	v22 =	vld [tilespmem:$0x2B0];
	_ =	sdelay $0x6  }
0x263: {  	v23 =	vld.idx.msk [tilespmem:v21+s2+$0x0], $0xffff  }
0x264: {  	v24 =	vld.idx.msk [tilespmem:v22+s2+$0x0], $0xffff  }
0x265: {  	v56 =	vld.idx.msk [tilespmem:v21+s7+$0x0], $0xffff  }
0x266: {  	v57 =	vld.idx.msk [tilespmem:v22+s7+$0x0], $0xffff  }
0x267: {  	v21 =	vld.idx.msk [tilespmem:v21+s10+$0x0], $0xffff  }
0x268: {  	v22 =	vld.idx.msk [tilespmem:v22+s10+$0x0], $0xffff;
	_ =	sdelay $0x2  }
0x269: {  	v23 =	vsub.f32 v23, v24;
	v58 =	vsub.f32 v56, v57;
	_ =	sdelay $0x1  }
0x26a: {  	v21 =	vsub.f32 v21, v22;
	v22 =	vmul.f32 v23, v23;
	v25 =	vmul.f32 v58, v58;
	_ =	sdelay $0x1  }
0x26b: {  	v59 =	vmul.f32 v21, v21;
	v22 =	vadd.f32 v25, v22  }
0x26c: {  	[tilespmem:v13+s23+$0x0] =	vst.idx.msk $0xffff, v23  }
0x26d: {  	[tilespmem:v14+s23+$0x0] =	vst.idx.msk $0xffff, v58;
	v22 =	vadd.f32 v59, v22  }
0x26e: {  	[tilespmem:v15+s23+$0x0] =	vst.idx.msk $0xffff, v21  }
0x26f: {  	[tilespmem:v16+s23+$0x0] =	vst.idx.msk $0xffff, v22  }
0x270: {  	v21 =	vld [tilespmem:$0x140]  }
0x271: {  	v22 =	vld [tilespmem:$0x2C0];
	_ =	sdelay $0x6  }
0x272: {  	v23 =	vld.idx.msk [tilespmem:v21+s2+$0x0], $0xffff  }
0x273: {  	v24 =	vld.idx.msk [tilespmem:v22+s2+$0x0], $0xffff  }
0x274: {  	v60 =	vld.idx.msk [tilespmem:v21+s7+$0x0], $0xffff  }
0x275: {  	v61 =	vld.idx.msk [tilespmem:v22+s7+$0x0], $0xffff  }
0x276: {  	v21 =	vld.idx.msk [tilespmem:v21+s10+$0x0], $0xffff  }
0x277: {  	v22 =	vld.idx.msk [tilespmem:v22+s10+$0x0], $0xffff;
	_ =	sdelay $0x2  }
0x278: {  	v23 =	vsub.f32 v23, v24;
	v62 =	vsub.f32 v60, v61;
	_ =	sdelay $0x1  }
0x279: {  	v21 =	vsub.f32 v21, v22;
	v22 =	vmul.f32 v23, v23;
	v25 =	vmul.f32 v62, v62;
	_ =	sdelay $0x1  }
0x27a: {  	v63 =	vmul.f32 v21, v21;
	v22 =	vadd.f32 v25, v22  }
0x27b: {  	[tilespmem:v17+s23+$0x0] =	vst.idx.msk $0xffff, v23  }
0x27c: {  	[tilespmem:v18+s23+$0x0] =	vst.idx.msk $0xffff, v62;
	v22 =	vadd.f32 v63, v22  }
0x27d: {  	[tilespmem:v19+s23+$0x0] =	vst.idx.msk $0xffff, v21  }
0x27e: {  	s25 =	sadd.s32 $0xA00, s25;
	[tilespmem:v20+s23+$0x0] =	vst.idx.msk $0xffff, v22  }
0x27f: {  	[hbm4b:s25+s4] =	stream.linear.scatter [tilespmem:s23], [sflag:$0x9], $0x2800, $0x38;
	[tilespmem:$0x1E180] =	vst v63  }
0x280: {  	_ =	swait.ge [sflag:s11], $0x2800  }
0x281: {  	[sflag:s11] =	ssyncset.done $0x0  }
0x282: {  	[sflag:s11] =	ssyncadd.s32 $0xFFFFD800  }
0x283: {  	_ =	swait.ge [sflag:s11], $0x2800  }
.Ltmp5:
0x284: {  	[sflag:s11] =	ssyncset.done $0x0;
	(pc) =	sbr.rel @p0 .LBB2_10-.Ltmp5, $4  }
0x285: {  	s28 =	sadd.s32 $0xA00, s28;
	[sflag:s11] =	ssyncadd.s32 $0xFFFFD800  }
0x286: {  	[hbm4b:s28+s4] =	stream.linear.scatter [tilespmem:s15], [sflag:$0x9], $0x2800, $0x38;
	[tilespmem:$0x1E180] =	vst v63  }
0x287: {  	s29 =	sadd.s32 $0xA00, s29  }
0x288: {  	[hbm4b:s29+s4] =	stream.linear.scatter [tilespmem:s31], [sflag:$0x9], $0x2800, $0x38;
	[tilespmem:$0x1E180] =	vst v63  }
.Ltmp6:
0x289: {  	s15 =	rddreg [dreg:$0x1d];
	s20 =	sadd.s32 $0xF00, s20;
	(pc) =	sbr.rel .LBB2_8-.Ltmp6, $4  }
0x28a: {  	s8 =	sadd.s32 $0xF0, s8;
	s31 =	smov.u32 s1;
	s14 =	sadd.s32 s9, s15  }
0x28b: {  	[tilespmem:s22], [sflag:$0x3] =	stream.linear.gather [hbm4b:s14+s4], $0x50, $0x38;
	[tilespmem:$0x1E180] =	vst v63  }
0x28c: {  	s29 =	sadd.s32 s24, s15;
	s24 =	sadd.s32 $0x1E, s24;
	s9 =	sadd.s32 $0x1E, s9  }
0x28d: {  	[tilespmem:s21], [sflag:$0x3] =	stream.linear.gather [hbm4b:s29+s4], $0x50, $0x38;
	[tilespmem:$0x1E180] =	vst v63  }
.LBB2_11:
0x28e: {  	_ =	sfence.sel $0x180000  }
0x28f: {  	[bflag:$0x0] =	sbarrier.arrive $0xFFFF  }
0x290: {  	_ =	strace $0x90000047  }
0x291: {  	s0 =	stileid.u32;
	[bflag:$0x2] =	sbarrier.arrive $0xFFFF  }
0x292: {  	p0 =	sne.s32 s0, $0x0;
	s0 =	rddreg [dreg:$0x3]  }
0x293: {  	s0 =	sadd.s32 @!p0 $0x100000, s0  }
0x294: {  	[sflag:s0] =	ssyncadd.tile.s32 @!p0 $0x1;
	_ =	shalt  }
.Lfunc_end2:
_tile_overlayer_lowered:
.L_overlay_start_2:
0x295: {  	(tag) =	ssettag $0x2  }
0x296: {  	s0 =	rddreg [dreg:$0x0];
	s2 =	stileid.u32  }
0x297: {  	s1 =	rddreg [dreg:$0x1];
	p0 =	sne.s32 s2, $0x0  }
0x298: {  	s3 =	rddreg [dreg:$0x2];
	[bflag:$0x3] =	sbarrier.arrive $0xFFFF;
	s2 =	simm.s32 @!p0 $0x1C0A  }
0x299: {  	[timem:s3], [sflag:s2] =	dma.local @!p0 [hbm:s0], s1  }
0x29a: {  	s0 =	simm.s32 @!p0 $0xA  }
0x29b: {  	_ =	swait.ge @!p0 [sflag:s0], s1  }
0x29c: {  	s1 =	ssub.s32 @!p0 $0x0, s1;
	[sflag:s0] =	ssyncset.done @!p0 $0x0  }
0x29d: {  	[sflag:s0] =	ssyncadd.s32 @!p0 s1  }
0x29e: {  	[bflag:$0x3] =	sbarrier.arrive $0xFFFF  }
0x29f: {  	_ =	shalt  }

</sc_bundles>
